<compile_context>
chip_gen: v7x
topology: tpu7x:2x2x1
jax: 0.10.2.dev20260603
libtpu: 0.0.44.dev20260713+nightly
codegen_flags: <defaults>
</compile_context>

<pallas_src>
import functools

import jax
import jax.numpy as jnp
from jax import lax
from jax.experimental import pallas as pl
from jax.experimental.pallas import tpu as pltpu
from jax.experimental.pallas import tpu_sc as plsc

_NT_DIM = 64
_EMBED_DIM = 128
_OUT_DIM = 2 * _EMBED_DIM + _NT_DIM

_NC = 2
_NS = 16
_NW = _NC * _NS
_CH = 64
_LANES = 16
_RGRP = 8


def _feature_kernel(N):
    rows_per_w = N // _NW
    nch = rows_per_w // _CH
    mesh = plsc.VectorSubcoreMesh(core_axis_name="c", subcore_axis_name="s")

    def buf_set():
        return [
            pltpu.VMEM((4, _CH), jnp.int32),
            pltpu.VMEM((_CH, _OUT_DIM), jnp.float32),
            pltpu.VMEM((_CH, _EMBED_DIM), jnp.float32),
            pltpu.VMEM((_CH, _EMBED_DIM), jnp.float32),
            pltpu.SemaphoreType.DMA,
            pltpu.SemaphoreType.DMA,
            pltpu.SemaphoreType.DMA,
        ]

    @functools.partial(
        pl.kernel,
        out_type=(jax.ShapeDtypeStruct((N, _OUT_DIM), jnp.float32),
                  jax.ShapeDtypeStruct((1024, _EMBED_DIM), jnp.float32)),
        mesh=mesh,
        compiler_params=pltpu.CompilerParams(needs_layout_passes=False),
        scratch_types=buf_set() + buf_set() + [
            pltpu.VMEM((32, _NT_DIM), jnp.float32),
            pltpu.SemaphoreType.DMA,
        ],
    )
    def body(idx_hbm, rule_hbm, token_hbm, ntab_hbm, out_hbm, ntab2_hbm,
             *scratch):
        bufs = (scratch[:7], scratch[7:14])
        stage_v, sp = scratch[14], scratch[15]
        wid = lax.axis_index("s") * _NC + lax.axis_index("c")
        ch0 = wid * nch

        def idx_copy(c, S):
            return pltpu.make_async_copy(idx_hbm.at[ch0 + c], S[0], S[4])

        def g_copies(S):
            idx, out, tok, par, sg = S[0], S[1], S[2], S[3], S[5]
            return (
                pltpu.make_async_copy(
                    rule_hbm.at[idx.at[0]],
                    out.at[:, pl.ds(0, _EMBED_DIM)], sg),
                pltpu.make_async_copy(token_hbm.at[idx.at[1]], tok, sg),
                pltpu.make_async_copy(
                    ntab2_hbm.at[idx.at[2]],
                    out.at[:, pl.ds(_EMBED_DIM, _EMBED_DIM)], sg),
                pltpu.make_async_copy(rule_hbm.at[idx.at[3]], par, sg),
            )

        def out_copy(c, S):
            return pltpu.make_async_copy(
                S[1], out_hbm.at[pl.ds((ch0 + c) * _CH, _CH)], S[6])

        def repack(S):
            out, tok, par = S[1], S[2], S[3]

            def rows(g, rc):
                for rr in range(_RGRP):
                    r = g * _RGRP + rr
                    for j in range(_EMBED_DIM // _LANES):
                        sl = pl.ds(j * _LANES, _LANES)
                        out[r, sl] = out[r, sl] + tok[r, sl]
                    for j in range(_EMBED_DIM // _LANES):
                        dst = pl.ds(_EMBED_DIM + _NT_DIM + j * _LANES, _LANES)
                        out[r, dst] = par[r, pl.ds(j * _LANES, _LANES)]
                return rc

            lax.fori_loop(0, _CH // _RGRP, rows, 0)

        idx_copy(0, bufs[0]).start()
        idx_copy(1, bufs[1]).start()

        tid = lax.axis_index("s")
        r0 = 8 * jnp.minimum(8 * tid, 117)
        stage_out = bufs[0][1]

        def widen_rows(r, rc):
            for j in range(_NT_DIM // _LANES):
                sl = pl.ds(j * _LANES, _LANES)
                stage_out[r, sl] = stage_v[r, sl]
            return rc

        for k in range(2):
            pltpu.make_async_copy(
                ntab_hbm.at[pl.ds(r0 + 32 * k, 32)], stage_v, sp).start()
            pltpu.make_async_copy(
                ntab_hbm.at[pl.ds(0, 32)], stage_v, sp).wait()
            lax.fori_loop(0, 32, widen_rows, 0)
            pltpu.make_async_copy(
                stage_out.at[pl.ds(0, 32), pl.ds(0, _EMBED_DIM)],
                ntab2_hbm.at[pl.ds(r0 + 32 * k, 32)], sp).start()
            pltpu.make_async_copy(
                stage_out.at[pl.ds(0, 32), pl.ds(0, _EMBED_DIM)],
                ntab2_hbm.at[pl.ds(0, 32)], sp).wait()
        plsc.subcore_barrier()

        idx_copy(0, bufs[0]).wait()
        for d in g_copies(bufs[0]):
            d.start()

        def step(i, carry):
            for b in (0, 1):
                S, T = bufs[b], bufs[1 - b]
                c = i * 2 + b
                if b == 0:
                    @pl.when(i >= 1)
                    def _():
                        out_copy(c - 1, T).wait()
                else:
                    out_copy(c - 1, T).wait()
                if b == 0:
                    idx_copy(c + 1, T).wait()
                    for d in g_copies(T):
                        d.start()
                else:
                    @pl.when(i < nch // 2 - 1)
                    def _():
                        idx_copy(c + 1, T).wait()
                        for d in g_copies(T):
                            d.start()
                for d in g_copies(S):
                    d.wait()

                @pl.when(i < nch // 2 - 1)
                def _():
                    idx_copy(c + 2, S).start()

                repack(S)
                out_copy(c, S).start()
            return carry

        lax.fori_loop(0, nch // 2, step, 0)
        out_copy(nch - 1, bufs[1]).wait()

    return body


def kernel(actions, previous_actions, rule_embed, token_embed, node_type_embed):
    L, B, _ = actions.shape
    N = L * B
    a = actions.reshape(N, 3)
    p = previous_actions.reshape(N, 3)

    idx_all = jnp.stack([p[:, 0], p[:, 1], a[:, 0], a[:, 1]], axis=0)
    idx_all = idx_all.reshape(4, N // _CH, _CH).transpose(1, 0, 2)

    feature, _ = _feature_kernel(N)(
        idx_all, rule_embed, token_embed, node_type_embed)
    return feature.reshape(L, B, _OUT_DIM), actions[:, :, 2]

# --- scband reference (transcript-rebuilt; emitter-appended) ---
"""Pipeline reference for scband-action-sequence-reader-82635170775595 (READ-ONLY COPY).

The authoritative reference and input builder live on the scoring server;
editing this copy changes nothing except your own understanding.
"""

import jax, jax.numpy as jnp
import numpy as np

NUM_RULES = 100000
NUM_TOKENS = 100000
NUM_NODE_TYPES = 1000
NODE_TYPE_EMBED_DIM = 64
EMBED_DIM = 128
L, B = 200, 1024


def _embed_with_mask(table, idx, mask_id):
    # EmbeddingWithMask: lookup, but rows equal to mask_id produce zeros
    emb = jnp.take(table, idx, axis=0)
    keep = (idx != mask_id).astype(table.dtype)[..., None]
    return emb * keep


def setup_inputs(seed: int = 0) -> dict:
    key = jax.random.key(seed)
    k1, k2, k3, k4, k5 = jax.random.split(key, 5)
    actions = jax.random.randint(k1, (L, B, 3), 0, 1000, dtype=jnp.int32)
    previous_actions = jax.random.randint(k2, (L, B, 3), 0, 100000, dtype=jnp.int32)
    # learned parameters (tables have num+1 rows; last row is the mask row)
    rule_embed = 0.01 * jax.random.normal(k3, (NUM_RULES + 1, EMBED_DIM), dtype=jnp.float32)
    token_embed = 0.01 * jax.random.normal(k4, (NUM_TOKENS + 1, EMBED_DIM), dtype=jnp.float32)
    node_type_embed = 0.01 * jax.random.normal(k5, (NUM_NODE_TYPES + 1, NODE_TYPE_EMBED_DIM), dtype=jnp.float32)
    return {
        'actions': actions,
        'previous_actions': previous_actions,
        'rule_embed': rule_embed,
        'token_embed': token_embed,
        'node_type_embed': node_type_embed,
    }


def reference(actions, previous_actions, rule_embed, token_embed, node_type_embed):
    # split action tuples
    node_types = actions[:, :, 0]
    parent_rule = actions[:, :, 1]
    parent_index = actions[:, :, 2]
    prev_rules = previous_actions[:, :, 0]
    prev_tokens = previous_actions[:, :, 1]

    # remap padding value -1 to the mask row (id == vocab size)
    node_types = jnp.where(node_types == -1, NUM_NODE_TYPES, node_types)
    parent_rule = jnp.where(parent_rule == -1, NUM_RULES, parent_rule)
    prev_rules = jnp.where(prev_rules == -1, NUM_RULES, prev_rules)
    prev_tokens = jnp.where(prev_tokens == -1, NUM_TOKENS, prev_tokens)

    prev_action_embed = _embed_with_mask(rule_embed, prev_rules, NUM_RULES) \
        + _embed_with_mask(token_embed, prev_tokens, NUM_TOKENS)
    node_type_feat = _embed_with_mask(node_type_embed, node_types, NUM_NODE_TYPES)
    parent_rule_embed = _embed_with_mask(rule_embed, parent_rule, NUM_RULES)

    feature = jnp.concatenate([prev_action_embed, node_type_feat, parent_rule_embed], axis=2)
    return feature, parent_index

if __name__ == "__main__":
    import jax
    _d = setup_inputs()
    print(jax.jit(kernel)(*tuple(_d.values())))

</pallas_src>

<mosaic_0001>
#map = affine_map<(d0, d1) -> (0, 0, 0)>
#map1 = affine_map<(d0, d1) -> (0, 0)>
module attributes {stable_mosaic.version = 14 : i64} {
  func.func @body(%arg0: i32, %arg1: i32, %arg2: memref<3200x4x64xi32, #tpu.memory_space<hbm>>, %arg3: memref<100001x128xf32, #tpu.memory_space<hbm>>, %arg4: memref<100001x128xf32, #tpu.memory_space<hbm>>, %arg5: memref<1001x64xf32, #tpu.memory_space<hbm>>, %arg6: memref<204800x320xf32, #tpu.memory_space<hbm>>, %arg7: memref<1024x128xf32, #tpu.memory_space<hbm>>, %arg8: memref<4x64xi32, #tpu.memory_space<vmem>>, %arg9: memref<64x320xf32, #tpu.memory_space<vmem>>, %arg10: memref<64x128xf32, #tpu.memory_space<vmem>>, %arg11: memref<64x128xf32, #tpu.memory_space<vmem>>, %arg12: memref<!tpu.dma_semaphore, #tpu.memory_space<semaphore_mem>>, %arg13: memref<!tpu.dma_semaphore, #tpu.memory_space<semaphore_mem>>, %arg14: memref<!tpu.dma_semaphore, #tpu.memory_space<semaphore_mem>>, %arg15: memref<4x64xi32, #tpu.memory_space<vmem>>, %arg16: memref<64x320xf32, #tpu.memory_space<vmem>>, %arg17: memref<64x128xf32, #tpu.memory_space<vmem>>, %arg18: memref<64x128xf32, #tpu.memory_space<vmem>>, %arg19: memref<!tpu.dma_semaphore, #tpu.memory_space<semaphore_mem>>, %arg20: memref<!tpu.dma_semaphore, #tpu.memory_space<semaphore_mem>>, %arg21: memref<!tpu.dma_semaphore, #tpu.memory_space<semaphore_mem>>, %arg22: memref<32x64xf32, #tpu.memory_space<vmem>>, %arg23: memref<!tpu.dma_semaphore, #tpu.memory_space<semaphore_mem>>) attributes {dimension_semantics = [#tpu.dimension_semantics<core_parallel>, #tpu.dimension_semantics<subcore_parallel>], iteration_bounds = array<i64: 2, 16>, scalar_prefetch = 0 : i64, scratch_operands = 16 : i64, tpu.core_type = #tpu.core_type<sc_vector_subcore>, window_params = [{transform_indices = #map}, {transform_indices = #map1}, {transform_indices = #map1}, {transform_indices = #map1}, {transform_indices = #map1}, {transform_indices = #map1}]} {
    %mul3A = arith.constant 2 : i32
    %mul3A_0 = arith.muli %arg1, %mul3A : i32
    %add3A = arith.addi %mul3A_0, %arg0 : i32
    %mul3A_1 = arith.constant 100 : i32
    %mul3A_2 = arith.muli %add3A, %mul3A_1 : i32
    %add3A_3 = arith.constant 0 : i32
    %add3A_4 = arith.addi %mul3A_2, %add3A_3 : i32
    %dma_start3A = arith.constant 0 : i32
    %dma_start3A_5 = arith.constant 0 : i32
    %dma_start3A_6 = tpu.memref_slice %arg2[%add3A_4, %dma_start3A, %dma_start3A_5] : memref<3200x4x64xi32, #tpu.memory_space<hbm>> -> memref<1x4x64xi32, #tpu.memory_space<hbm>>
    %dma_start3A_7 = tpu.memref_squeeze %dma_start3A_6 : memref<1x4x64xi32, #tpu.memory_space<hbm>> -> memref<4x64xi32, #tpu.memory_space<hbm>>
    %dma_start3A_8 = arith.constant 0 : i32
    %dma_start3A_9 = arith.constant 0 : i32
    %dma_start3A_10 = tpu.memref_slice %arg2[%add3A_4, %dma_start3A_8, %dma_start3A_9] : memref<3200x4x64xi32, #tpu.memory_space<hbm>> -> memref<1x4x64xi32, #tpu.memory_space<hbm>>
    %dma_start3A_11 = tpu.memref_squeeze %dma_start3A_10 : memref<1x4x64xi32, #tpu.memory_space<hbm>> -> memref<4x64xi32, #tpu.memory_space<hbm>>
    tpu.enqueue_dma source(%dma_start3A_11 : memref<4x64xi32, #tpu.memory_space<hbm>>) target(%arg8 : memref<4x64xi32, #tpu.memory_space<vmem>>) target_semaphore(%arg12 : memref<!tpu.dma_semaphore, #tpu.memory_space<semaphore_mem>>)
    %add3A_12 = arith.constant 1 : i32
    %add3A_13 = arith.addi %mul3A_2, %add3A_12 : i32
    %dma_start3A_14 = arith.constant 0 : i32
    %dma_start3A_15 = arith.constant 0 : i32
    %dma_start3A_16 = tpu.memref_slice %arg2[%add3A_13, %dma_start3A_14, %dma_start3A_15] : memref<3200x4x64xi32, #tpu.memory_space<hbm>> -> memref<1x4x64xi32, #tpu.memory_space<hbm>>
    %dma_start3A_17 = tpu.memref_squeeze %dma_start3A_16 : memref<1x4x64xi32, #tpu.memory_space<hbm>> -> memref<4x64xi32, #tpu.memory_space<hbm>>
    %dma_start3A_18 = arith.constant 0 : i32
    %dma_start3A_19 = arith.constant 0 : i32
    %dma_start3A_20 = tpu.memref_slice %arg2[%add3A_13, %dma_start3A_18, %dma_start3A_19] : memref<3200x4x64xi32, #tpu.memory_space<hbm>> -> memref<1x4x64xi32, #tpu.memory_space<hbm>>
    %dma_start3A_21 = tpu.memref_squeeze %dma_start3A_20 : memref<1x4x64xi32, #tpu.memory_space<hbm>> -> memref<4x64xi32, #tpu.memory_space<hbm>>
    tpu.enqueue_dma source(%dma_start3A_21 : memref<4x64xi32, #tpu.memory_space<hbm>>) target(%arg15 : memref<4x64xi32, #tpu.memory_space<vmem>>) target_semaphore(%arg19 : memref<!tpu.dma_semaphore, #tpu.memory_space<semaphore_mem>>)
    %mul3A_22 = arith.constant 8 : i32
    %mul3A_23 = arith.muli %mul3A_22, %arg1 : i32
    %min3A = arith.constant 117 : i32
    %min3A_24 = arith.minsi %mul3A_23, %min3A : i32
    %mul3A_25 = arith.constant 8 : i32
    %mul3A_26 = arith.muli %mul3A_25, %min3A_24 : i32
    %add3A_27 = arith.constant 0 : i32
    %add3A_28 = arith.addi %mul3A_26, %add3A_27 : i32
    %dma_start3A_29 = arith.constant 0 : i32
    %dma_start3A_30 = tpu.memref_slice %arg5[%add3A_28, %dma_start3A_29] : memref<1001x64xf32, #tpu.memory_space<hbm>> -> memref<32x64xf32, #tpu.memory_space<hbm>>
    %dma_start3A_31 = arith.constant 0 : i32
    %dma_start3A_32 = tpu.memref_slice %arg5[%add3A_28, %dma_start3A_31] : memref<1001x64xf32, #tpu.memory_space<hbm>> -> memref<32x64xf32, #tpu.memory_space<hbm>>
    tpu.enqueue_dma source(%dma_start3A_32 : memref<32x64xf32, #tpu.memory_space<hbm>>) target(%arg22 : memref<32x64xf32, #tpu.memory_space<vmem>>) target_semaphore(%arg23 : memref<!tpu.dma_semaphore, #tpu.memory_space<semaphore_mem>>)
    %dma_wait3A = arith.constant 0 : i32
    %dma_wait3A_33 = arith.constant 0 : i32
    %dma_wait3A_34 = tpu.memref_slice %arg5[%dma_wait3A, %dma_wait3A_33] : memref<1001x64xf32, #tpu.memory_space<hbm>> -> memref<32x64xf32, #tpu.memory_space<hbm>>
    %dma_wait3A_35 = arith.constant 0 : i32
    %dma_wait3A_36 = arith.constant 0 : i32
    %dma_wait3A_37 = tpu.memref_slice %arg5[%dma_wait3A_35, %dma_wait3A_36] : memref<1001x64xf32, #tpu.memory_space<hbm>> -> memref<32x64xf32, #tpu.memory_space<hbm>>
    tpu.wait_dma2 semaphore(%arg23 : memref<!tpu.dma_semaphore, #tpu.memory_space<semaphore_mem>>) src(%dma_wait3A_37 : memref<32x64xf32, #tpu.memory_space<hbm>>) dst(%arg22 : memref<32x64xf32, #tpu.memory_space<vmem>>)
    %scan3A = arith.constant 0 : i32
    %scan3A_38 = arith.constant 0 : i32
    %scan3A_39 = arith.constant 32 : i32
    %scan3A_40 = arith.addi %scan3A_38, %scan3A_39 : i32
    %scan3A_41 = arith.constant 1 : i32
    scf.for %scan3A_167 = %scan3A_38 to %scan3A_40 step %scan3A_41  : i32 {
      %get3A = arith.index_cast %scan3A_167 : i32 to index
      %get3A_168 = arith.constant 0 : index
      %get3A_169 = tpu.vector_load %arg22[%get3A, %get3A_168] {strides = array<i32>} : memref<32x64xf32, #tpu.memory_space<vmem>>, vector<16xf32>,
      %swap3A = arith.index_cast %scan3A_167 : i32 to index
      %swap3A_170 = arith.constant 0 : index
      %swap3A_171 = tpu.vector_load %arg9[%swap3A, %swap3A_170] {strides = array<i32>} : memref<64x320xf32, #tpu.memory_space<vmem>>, vector<16xf32>,
      tpu.vector_store %arg9[%swap3A, %swap3A_170], %get3A_169 {strides = array<i32>} : memref<64x320xf32, #tpu.memory_space<vmem>>, vector<16xf32>,
      %get3A_172 = arith.index_cast %scan3A_167 : i32 to index
      %get3A_173 = arith.constant 16 : index
      %get3A_174 = tpu.vector_load %arg22[%get3A_172, %get3A_173] {strides = array<i32>} : memref<32x64xf32, #tpu.memory_space<vmem>>, vector<16xf32>,
      %swap3A_175 = arith.index_cast %scan3A_167 : i32 to index
      %swap3A_176 = arith.constant 16 : index
      %swap3A_177 = tpu.vector_load %arg9[%swap3A_175, %swap3A_176] {strides = array<i32>} : memref<64x320xf32, #tpu.memory_space<vmem>>, vector<16xf32>,
      tpu.vector_store %arg9[%swap3A_175, %swap3A_176], %get3A_174 {strides = array<i32>} : memref<64x320xf32, #tpu.memory_space<vmem>>, vector<16xf32>,
      %get3A_178 = arith.index_cast %scan3A_167 : i32 to index
      %get3A_179 = arith.constant 32 : index
      %get3A_180 = tpu.vector_load %arg22[%get3A_178, %get3A_179] {strides = array<i32>} : memref<32x64xf32, #tpu.memory_space<vmem>>, vector<16xf32>,
      %swap3A_181 = arith.index_cast %scan3A_167 : i32 to index
      %swap3A_182 = arith.constant 32 : index
      %swap3A_183 = tpu.vector_load %arg9[%swap3A_181, %swap3A_182] {strides = array<i32>} : memref<64x320xf32, #tpu.memory_space<vmem>>, vector<16xf32>,
      tpu.vector_store %arg9[%swap3A_181, %swap3A_182], %get3A_180 {strides = array<i32>} : memref<64x320xf32, #tpu.memory_space<vmem>>, vector<16xf32>,
      %get3A_184 = arith.index_cast %scan3A_167 : i32 to index
      %get3A_185 = arith.constant 48 : index
      %get3A_186 = tpu.vector_load %arg22[%get3A_184, %get3A_185] {strides = array<i32>} : memref<32x64xf32, #tpu.memory_space<vmem>>, vector<16xf32>,
      %swap3A_187 = arith.index_cast %scan3A_167 : i32 to index
      %swap3A_188 = arith.constant 48 : index
      %swap3A_189 = tpu.vector_load %arg9[%swap3A_187, %swap3A_188] {strides = array<i32>} : memref<64x320xf32, #tpu.memory_space<vmem>>, vector<16xf32>,
      tpu.vector_store %arg9[%swap3A_187, %swap3A_188], %get3A_186 {strides = array<i32>} : memref<64x320xf32, #tpu.memory_space<vmem>>, vector<16xf32>,
    }
    %scan3A_42 = arith.constant 32 : i32
    %add3A_43 = arith.constant 0 : i32
    %add3A_44 = arith.addi %mul3A_26, %add3A_43 : i32
    %dma_start3A_45 = arith.constant 0 : i32
    %dma_start3A_46 = arith.constant 0 : i32
    %dma_start3A_47 = tpu.memref_slice %arg9[%dma_start3A_45, %dma_start3A_46] : memref<64x320xf32, #tpu.memory_space<vmem>> -> memref<32x128xf32, #tpu.memory_space<vmem>>
    %dma_start3A_48 = arith.constant 0 : i32
    %dma_start3A_49 = tpu.memref_slice %arg7[%add3A_44, %dma_start3A_48] : memref<1024x128xf32, #tpu.memory_space<hbm>> -> memref<32x128xf32, #tpu.memory_space<hbm>>
    %dma_start3A_50 = arith.constant 0 : i32
    %dma_start3A_51 = tpu.memref_slice %arg7[%add3A_44, %dma_start3A_50] : memref<1024x128xf32, #tpu.memory_space<hbm>> -> memref<32x128xf32, #tpu.memory_space<hbm>>
    %dma_start3A_52 = arith.constant 0 : i32
    %dma_start3A_53 = arith.constant 0 : i32
    %dma_start3A_54 = tpu.memref_slice %arg9[%dma_start3A_52, %dma_start3A_53] : memref<64x320xf32, #tpu.memory_space<vmem>> -> memref<32x128xf32, #tpu.memory_space<vmem>>
    tpu.enqueue_dma source(%dma_start3A_54 : memref<32x128xf32, #tpu.memory_space<vmem>>) target(%dma_start3A_51 : memref<32x128xf32, #tpu.memory_space<hbm>>) target_semaphore(%arg23 : memref<!tpu.dma_semaphore, #tpu.memory_space<semaphore_mem>>)
    %dma_wait3A_55 = arith.constant 0 : i32
    %dma_wait3A_56 = arith.constant 0 : i32
    %dma_wait3A_57 = tpu.memref_slice %arg9[%dma_wait3A_55, %dma_wait3A_56] : memref<64x320xf32, #tpu.memory_space<vmem>> -> memref<32x128xf32, #tpu.memory_space<vmem>>
    %dma_wait3A_58 = arith.constant 0 : i32
    %dma_wait3A_59 = arith.constant 0 : i32
    %dma_wait3A_60 = tpu.memref_slice %arg7[%dma_wait3A_58, %dma_wait3A_59] : memref<1024x128xf32, #tpu.memory_space<hbm>> -> memref<32x128xf32, #tpu.memory_space<hbm>>
    %dma_wait3A_61 = arith.constant 0 : i32
    %dma_wait3A_62 = arith.constant 0 : i32
    %dma_wait3A_63 = tpu.memref_slice %arg7[%dma_wait3A_61, %dma_wait3A_62] : memref<1024x128xf32, #tpu.memory_space<hbm>> -> memref<32x128xf32, #tpu.memory_space<hbm>>
    %dma_wait3A_64 = arith.constant 0 : i32
    %dma_wait3A_65 = arith.constant 0 : i32
    %dma_wait3A_66 = tpu.memref_slice %arg9[%dma_wait3A_64, %dma_wait3A_65] : memref<64x320xf32, #tpu.memory_space<vmem>> -> memref<32x128xf32, #tpu.memory_space<vmem>>
    tpu.wait_dma2 semaphore(%arg23 : memref<!tpu.dma_semaphore, #tpu.memory_space<semaphore_mem>>) src(%dma_wait3A_66 : memref<32x128xf32, #tpu.memory_space<vmem>>) dst(%dma_wait3A_63 : memref<32x128xf32, #tpu.memory_space<hbm>>)
    %add3A_67 = arith.constant 32 : i32
    %add3A_68 = arith.addi %mul3A_26, %add3A_67 : i32
    %dma_start3A_69 = arith.constant 0 : i32
    %dma_start3A_70 = tpu.memref_slice %arg5[%add3A_68, %dma_start3A_69] : memref<1001x64xf32, #tpu.memory_space<hbm>> -> memref<32x64xf32, #tpu.memory_space<hbm>>
    %dma_start3A_71 = arith.constant 0 : i32
    %dma_start3A_72 = tpu.memref_slice %arg5[%add3A_68, %dma_start3A_71] : memref<1001x64xf32, #tpu.memory_space<hbm>> -> memref<32x64xf32, #tpu.memory_space<hbm>>
    tpu.enqueue_dma source(%dma_start3A_72 : memref<32x64xf32, #tpu.memory_space<hbm>>) target(%arg22 : memref<32x64xf32, #tpu.memory_space<vmem>>) target_semaphore(%arg23 : memref<!tpu.dma_semaphore, #tpu.memory_space<semaphore_mem>>)
    %dma_wait3A_73 = arith.constant 0 : i32
    %dma_wait3A_74 = arith.constant 0 : i32
    %dma_wait3A_75 = tpu.memref_slice %arg5[%dma_wait3A_73, %dma_wait3A_74] : memref<1001x64xf32, #tpu.memory_space<hbm>> -> memref<32x64xf32, #tpu.memory_space<hbm>>
    %dma_wait3A_76 = arith.constant 0 : i32
    %dma_wait3A_77 = arith.constant 0 : i32
    %dma_wait3A_78 = tpu.memref_slice %arg5[%dma_wait3A_76, %dma_wait3A_77] : memref<1001x64xf32, #tpu.memory_space<hbm>> -> memref<32x64xf32, #tpu.memory_space<hbm>>
    tpu.wait_dma2 semaphore(%arg23 : memref<!tpu.dma_semaphore, #tpu.memory_space<semaphore_mem>>) src(%dma_wait3A_78 : memref<32x64xf32, #tpu.memory_space<hbm>>) dst(%arg22 : memref<32x64xf32, #tpu.memory_space<vmem>>)
    %scan3A_79 = arith.constant 0 : i32
    %scan3A_80 = arith.constant 0 : i32
    %scan3A_81 = arith.constant 32 : i32
    %scan3A_82 = arith.addi %scan3A_80, %scan3A_81 : i32
    %scan3A_83 = arith.constant 1 : i32
    scf.for %scan3A_167 = %scan3A_80 to %scan3A_82 step %scan3A_83  : i32 {
      %get3A = arith.index_cast %scan3A_167 : i32 to index
      %get3A_168 = arith.constant 0 : index
      %get3A_169 = tpu.vector_load %arg22[%get3A, %get3A_168] {strides = array<i32>} : memref<32x64xf32, #tpu.memory_space<vmem>>, vector<16xf32>,
      %swap3A = arith.index_cast %scan3A_167 : i32 to index
      %swap3A_170 = arith.constant 0 : index
      %swap3A_171 = tpu.vector_load %arg9[%swap3A, %swap3A_170] {strides = array<i32>} : memref<64x320xf32, #tpu.memory_space<vmem>>, vector<16xf32>,
      tpu.vector_store %arg9[%swap3A, %swap3A_170], %get3A_169 {strides = array<i32>} : memref<64x320xf32, #tpu.memory_space<vmem>>, vector<16xf32>,
      %get3A_172 = arith.index_cast %scan3A_167 : i32 to index
      %get3A_173 = arith.constant 16 : index
      %get3A_174 = tpu.vector_load %arg22[%get3A_172, %get3A_173] {strides = array<i32>} : memref<32x64xf32, #tpu.memory_space<vmem>>, vector<16xf32>,
      %swap3A_175 = arith.index_cast %scan3A_167 : i32 to index
      %swap3A_176 = arith.constant 16 : index
      %swap3A_177 = tpu.vector_load %arg9[%swap3A_175, %swap3A_176] {strides = array<i32>} : memref<64x320xf32, #tpu.memory_space<vmem>>, vector<16xf32>,
      tpu.vector_store %arg9[%swap3A_175, %swap3A_176], %get3A_174 {strides = array<i32>} : memref<64x320xf32, #tpu.memory_space<vmem>>, vector<16xf32>,
      %get3A_178 = arith.index_cast %scan3A_167 : i32 to index
      %get3A_179 = arith.constant 32 : index
      %get3A_180 = tpu.vector_load %arg22[%get3A_178, %get3A_179] {strides = array<i32>} : memref<32x64xf32, #tpu.memory_space<vmem>>, vector<16xf32>,
      %swap3A_181 = arith.index_cast %scan3A_167 : i32 to index
      %swap3A_182 = arith.constant 32 : index
      %swap3A_183 = tpu.vector_load %arg9[%swap3A_181, %swap3A_182] {strides = array<i32>} : memref<64x320xf32, #tpu.memory_space<vmem>>, vector<16xf32>,
      tpu.vector_store %arg9[%swap3A_181, %swap3A_182], %get3A_180 {strides = array<i32>} : memref<64x320xf32, #tpu.memory_space<vmem>>, vector<16xf32>,
      %get3A_184 = arith.index_cast %scan3A_167 : i32 to index
      %get3A_185 = arith.constant 48 : index
      %get3A_186 = tpu.vector_load %arg22[%get3A_184, %get3A_185] {strides = array<i32>} : memref<32x64xf32, #tpu.memory_space<vmem>>, vector<16xf32>,
      %swap3A_187 = arith.index_cast %scan3A_167 : i32 to index
      %swap3A_188 = arith.constant 48 : index
      %swap3A_189 = tpu.vector_load %arg9[%swap3A_187, %swap3A_188] {strides = array<i32>} : memref<64x320xf32, #tpu.memory_space<vmem>>, vector<16xf32>,
      tpu.vector_store %arg9[%swap3A_187, %swap3A_188], %get3A_186 {strides = array<i32>} : memref<64x320xf32, #tpu.memory_space<vmem>>, vector<16xf32>,
    }
    %scan3A_84 = arith.constant 32 : i32
    %add3A_85 = arith.constant 32 : i32
    %add3A_86 = arith.addi %mul3A_26, %add3A_85 : i32
    %dma_start3A_87 = arith.constant 0 : i32
    %dma_start3A_88 = arith.constant 0 : i32
    %dma_start3A_89 = tpu.memref_slice %arg9[%dma_start3A_87, %dma_start3A_88] : memref<64x320xf32, #tpu.memory_space<vmem>> -> memref<32x128xf32, #tpu.memory_space<vmem>>
    %dma_start3A_90 = arith.constant 0 : i32
    %dma_start3A_91 = tpu.memref_slice %arg7[%add3A_86, %dma_start3A_90] : memref<1024x128xf32, #tpu.memory_space<hbm>> -> memref<32x128xf32, #tpu.memory_space<hbm>>
    %dma_start3A_92 = arith.constant 0 : i32
    %dma_start3A_93 = tpu.memref_slice %arg7[%add3A_86, %dma_start3A_92] : memref<1024x128xf32, #tpu.memory_space<hbm>> -> memref<32x128xf32, #tpu.memory_space<hbm>>
    %dma_start3A_94 = arith.constant 0 : i32
    %dma_start3A_95 = arith.constant 0 : i32
    %dma_start3A_96 = tpu.memref_slice %arg9[%dma_start3A_94, %dma_start3A_95] : memref<64x320xf32, #tpu.memory_space<vmem>> -> memref<32x128xf32, #tpu.memory_space<vmem>>
    tpu.enqueue_dma source(%dma_start3A_96 : memref<32x128xf32, #tpu.memory_space<vmem>>) target(%dma_start3A_93 : memref<32x128xf32, #tpu.memory_space<hbm>>) target_semaphore(%arg23 : memref<!tpu.dma_semaphore, #tpu.memory_space<semaphore_mem>>)
    %dma_wait3A_97 = arith.constant 0 : i32
    %dma_wait3A_98 = arith.constant 0 : i32
    %dma_wait3A_99 = tpu.memref_slice %arg9[%dma_wait3A_97, %dma_wait3A_98] : memref<64x320xf32, #tpu.memory_space<vmem>> -> memref<32x128xf32, #tpu.memory_space<vmem>>
    %dma_wait3A_100 = arith.constant 0 : i32
    %dma_wait3A_101 = arith.constant 0 : i32
    %dma_wait3A_102 = tpu.memref_slice %arg7[%dma_wait3A_100, %dma_wait3A_101] : memref<1024x128xf32, #tpu.memory_space<hbm>> -> memref<32x128xf32, #tpu.memory_space<hbm>>
    %dma_wait3A_103 = arith.constant 0 : i32
    %dma_wait3A_104 = arith.constant 0 : i32
    %dma_wait3A_105 = tpu.memref_slice %arg7[%dma_wait3A_103, %dma_wait3A_104] : memref<1024x128xf32, #tpu.memory_space<hbm>> -> memref<32x128xf32, #tpu.memory_space<hbm>>
    %dma_wait3A_106 = arith.constant 0 : i32
    %dma_wait3A_107 = arith.constant 0 : i32
    %dma_wait3A_108 = tpu.memref_slice %arg9[%dma_wait3A_106, %dma_wait3A_107] : memref<64x320xf32, #tpu.memory_space<vmem>> -> memref<32x128xf32, #tpu.memory_space<vmem>>
    tpu.wait_dma2 semaphore(%arg23 : memref<!tpu.dma_semaphore, #tpu.memory_space<semaphore_mem>>) src(%dma_wait3A_108 : memref<32x128xf32, #tpu.memory_space<vmem>>) dst(%dma_wait3A_105 : memref<32x128xf32, #tpu.memory_space<hbm>>)
    %barrier3A = arith.constant 0 : index
    tpu.barrier barrier_id(%barrier3A)
    %add3A_109 = arith.constant 0 : i32
    %add3A_110 = arith.addi %mul3A_2, %add3A_109 : i32
    %dma_wait3A_111 = arith.constant 0 : i32
    %dma_wait3A_112 = arith.constant 0 : i32
    %dma_wait3A_113 = tpu.memref_slice %arg2[%add3A_110, %dma_wait3A_111, %dma_wait3A_112] : memref<3200x4x64xi32, #tpu.memory_space<hbm>> -> memref<1x4x64xi32, #tpu.memory_space<hbm>>
    %dma_wait3A_114 = tpu.memref_squeeze %dma_wait3A_113 : memref<1x4x64xi32, #tpu.memory_space<hbm>> -> memref<4x64xi32, #tpu.memory_space<hbm>>
    %dma_wait3A_115 = arith.constant 0 : i32
    %dma_wait3A_116 = arith.constant 0 : i32
    %dma_wait3A_117 = tpu.memref_slice %arg2[%add3A_110, %dma_wait3A_115, %dma_wait3A_116] : memref<3200x4x64xi32, #tpu.memory_space<hbm>> -> memref<1x4x64xi32, #tpu.memory_space<hbm>>
    %dma_wait3A_118 = tpu.memref_squeeze %dma_wait3A_117 : memref<1x4x64xi32, #tpu.memory_space<hbm>> -> memref<4x64xi32, #tpu.memory_space<hbm>>
    tpu.wait_dma2 semaphore(%arg12 : memref<!tpu.dma_semaphore, #tpu.memory_space<semaphore_mem>>) src(%dma_wait3A_118 : memref<4x64xi32, #tpu.memory_space<hbm>>) dst(%arg8 : memref<4x64xi32, #tpu.memory_space<vmem>>)
    %dma_start3A_119 = arith.constant 0 : i32
    %dma_start3A_120 = arith.constant 0 : i32
    %dma_start3A_121 = arith.constant 0 : i32
    %dma_start3A_122 = tpu.memref_slice %arg9[%dma_start3A_120, %dma_start3A_121] : memref<64x320xf32, #tpu.memory_space<vmem>> -> memref<64x128xf32, #tpu.memory_space<vmem>>
    %dma_start3A_123 = arith.constant 0 : i32
    %dma_start3A_124 = tpu.memref_slice %arg8[%dma_start3A_119, %dma_start3A_123] : memref<4x64xi32, #tpu.memory_space<vmem>> -> memref<1x64xi32, #tpu.memory_space<vmem>>
    %dma_start3A_125 = tpu.memref_squeeze %dma_start3A_124 : memref<1x64xi32, #tpu.memory_space<vmem>> -> memref<64xi32, #tpu.memory_space<vmem>>
    %dma_start3A_126 = arith.constant 0 : i32
    %dma_start3A_127 = arith.constant 0 : i32
    %dma_start3A_128 = tpu.memref_slice %arg3[%dma_start3A_126, %dma_start3A_127] : memref<100001x128xf32, #tpu.memory_space<hbm>> -> memref<100001x128xf32, #tpu.memory_space<hbm>>
    tpu.enqueue_indirect_dma source(%dma_start3A_128 : memref<100001x128xf32, #tpu.memory_space<hbm>>) target(%dma_start3A_122 : memref<64x128xf32, #tpu.memory_space<vmem>>) offsets(%dma_start3A_125 : memref<64xi32, #tpu.memory_space<vmem>>) semaphore(%arg13 : memref<!tpu.dma_semaphore, #tpu.memory_space<semaphore_mem>>)
    %dma_start3A_129 = arith.constant 1 : i32
    %dma_start3A_130 = arith.constant 0 : i32
    %dma_start3A_131 = tpu.memref_slice %arg8[%dma_start3A_129, %dma_start3A_130] : memref<4x64xi32, #tpu.memory_space<vmem>> -> memref<1x64xi32, #tpu.memory_space<vmem>>
    %dma_start3A_132 = tpu.memref_squeeze %dma_start3A_131 : memref<1x64xi32, #tpu.memory_space<vmem>> -> memref<64xi32, #tpu.memory_space<vmem>>
    %dma_start3A_133 = arith.constant 0 : i32
    %dma_start3A_134 = arith.constant 0 : i32
    %dma_start3A_135 = tpu.memref_slice %arg4[%dma_start3A_133, %dma_start3A_134] : memref<100001x128xf32, #tpu.memory_space<hbm>> -> memref<100001x128xf32, #tpu.memory_space<hbm>>
    tpu.enqueue_indirect_dma source(%dma_start3A_135 : memref<100001x128xf32, #tpu.memory_space<hbm>>) target(%arg10 : memref<64x128xf32, #tpu.memory_space<vmem>>) offsets(%dma_start3A_132 : memref<64xi32, #tpu.memory_space<vmem>>) semaphore(%arg13 : memref<!tpu.dma_semaphore, #tpu.memory_space<semaphore_mem>>)
    %dma_start3A_136 = arith.constant 2 : i32
    %dma_start3A_137 = arith.constant 0 : i32
    %dma_start3A_138 = arith.constant 128 : i32
    %dma_start3A_139 = tpu.memref_slice %arg9[%dma_start3A_137, %dma_start3A_138] : memref<64x320xf32, #tpu.memory_space<vmem>> -> memref<64x128xf32, #tpu.memory_space<vmem>>
    %dma_start3A_140 = arith.constant 0 : i32
    %dma_start3A_141 = tpu.memref_slice %arg8[%dma_start3A_136, %dma_start3A_140] : memref<4x64xi32, #tpu.memory_space<vmem>> -> memref<1x64xi32, #tpu.memory_space<vmem>>
    %dma_start3A_142 = tpu.memref_squeeze %dma_start3A_141 : memref<1x64xi32, #tpu.memory_space<vmem>> -> memref<64xi32, #tpu.memory_space<vmem>>
    %dma_start3A_143 = arith.constant 0 : i32
    %dma_start3A_144 = arith.constant 0 : i32
    %dma_start3A_145 = tpu.memref_slice %arg7[%dma_start3A_143, %dma_start3A_144] : memref<1024x128xf32, #tpu.memory_space<hbm>> -> memref<1024x128xf32, #tpu.memory_space<hbm>>
    tpu.enqueue_indirect_dma source(%dma_start3A_145 : memref<1024x128xf32, #tpu.memory_space<hbm>>) target(%dma_start3A_139 : memref<64x128xf32, #tpu.memory_space<vmem>>) offsets(%dma_start3A_142 : memref<64xi32, #tpu.memory_space<vmem>>) semaphore(%arg13 : memref<!tpu.dma_semaphore, #tpu.memory_space<semaphore_mem>>)
    %dma_start3A_146 = arith.constant 3 : i32
    %dma_start3A_147 = arith.constant 0 : i32
    %dma_start3A_148 = tpu.memref_slice %arg8[%dma_start3A_146, %dma_start3A_147] : memref<4x64xi32, #tpu.memory_space<vmem>> -> memref<1x64xi32, #tpu.memory_space<vmem>>
    %dma_start3A_149 = tpu.memref_squeeze %dma_start3A_148 : memref<1x64xi32, #tpu.memory_space<vmem>> -> memref<64xi32, #tpu.memory_space<vmem>>
    %dma_start3A_150 = arith.constant 0 : i32
    %dma_start3A_151 = arith.constant 0 : i32
    %dma_start3A_152 = tpu.memref_slice %arg3[%dma_start3A_150, %dma_start3A_151] : memref<100001x128xf32, #tpu.memory_space<hbm>> -> memref<100001x128xf32, #tpu.memory_space<hbm>>
    tpu.enqueue_indirect_dma source(%dma_start3A_152 : memref<100001x128xf32, #tpu.memory_space<hbm>>) target(%arg11 : memref<64x128xf32, #tpu.memory_space<vmem>>) offsets(%dma_start3A_149 : memref<64xi32, #tpu.memory_space<vmem>>) semaphore(%arg13 : memref<!tpu.dma_semaphore, #tpu.memory_space<semaphore_mem>>)
    %scan3A_153 = arith.constant 0 : i32
    %scan3A_154 = arith.constant 0 : i32
    %scan3A_155 = arith.constant 50 : i32
    %scan3A_156 = arith.addi %scan3A_154, %scan3A_155 : i32
    %scan3A_157 = arith.constant 1 : i32
    scf.for %scan3A_167 = %scan3A_154 to %scan3A_156 step %scan3A_157  : i32 {
      %mul3A_168 = arith.constant 2 : i32
      %mul3A_169 = arith.muli %scan3A_167, %mul3A_168 : i32
      %add3A_170 = arith.constant 0 : i32
      %add3A_171 = arith.addi %mul3A_169, %add3A_170 : i32
      %ge3A = arith.constant 1 : i32
      %ge3A_172 = arith.cmpi sge, %scan3A_167, %ge3A : i32
      %convert_element_type3A = arith.extui %ge3A_172 : i1 to i32
      %cond3A = arith.constant 0 : i32
      %cond3A_173 = arith.cmpi ne, %convert_element_type3A, %cond3A : i32
      scf.if %cond3A_173 {
        %sub3A_339 = arith.constant 1 : i32
        %sub3A_340 = arith.subi %add3A_171, %sub3A_339 : i32
        %add3A_341 = arith.addi %mul3A_2, %sub3A_340 : i32
        %mul3A_342 = arith.constant 64 : i32
        %mul3A_343 = arith.muli %add3A_341, %mul3A_342 : i32
        %dma_wait3A_344 = arith.constant 0 : i32
        %dma_wait3A_345 = tpu.memref_slice %arg6[%mul3A_343, %dma_wait3A_344] : memref<204800x320xf32, #tpu.memory_space<hbm>> -> memref<64x320xf32, #tpu.memory_space<hbm>>
        %dma_wait3A_346 = arith.constant 0 : i32
        %dma_wait3A_347 = tpu.memref_slice %arg6[%mul3A_343, %dma_wait3A_346] : memref<204800x320xf32, #tpu.memory_space<hbm>> -> memref<64x320xf32, #tpu.memory_space<hbm>>
        tpu.wait_dma2 semaphore(%arg21 : memref<!tpu.dma_semaphore, #tpu.memory_space<semaphore_mem>>) src(%arg16 : memref<64x320xf32, #tpu.memory_space<vmem>>) dst(%dma_wait3A_347 : memref<64x320xf32, #tpu.memory_space<hbm>>)
      } else {
      }
      %add3A_174 = arith.constant 1 : i32
      %add3A_175 = arith.addi %add3A_171, %add3A_174 : i32
      %add3A_176 = arith.addi %mul3A_2, %add3A_175 : i32
      %dma_wait3A_177 = arith.constant 0 : i32
      %dma_wait3A_178 = arith.constant 0 : i32
      %dma_wait3A_179 = tpu.memref_slice %arg2[%add3A_176, %dma_wait3A_177, %dma_wait3A_178] : memref<3200x4x64xi32, #tpu.memory_space<hbm>> -> memref<1x4x64xi32, #tpu.memory_space<hbm>>
      %dma_wait3A_180 = tpu.memref_squeeze %dma_wait3A_179 : memref<1x4x64xi32, #tpu.memory_space<hbm>> -> memref<4x64xi32, #tpu.memory_space<hbm>>
      %dma_wait3A_181 = arith.constant 0 : i32
      %dma_wait3A_182 = arith.constant 0 : i32
      %dma_wait3A_183 = tpu.memref_slice %arg2[%add3A_176, %dma_wait3A_181, %dma_wait3A_182] : memref<3200x4x64xi32, #tpu.memory_space<hbm>> -> memref<1x4x64xi32, #tpu.memory_space<hbm>>
      %dma_wait3A_184 = tpu.memref_squeeze %dma_wait3A_183 : memref<1x4x64xi32, #tpu.memory_space<hbm>> -> memref<4x64xi32, #tpu.memory_space<hbm>>
      tpu.wait_dma2 semaphore(%arg19 : memref<!tpu.dma_semaphore, #tpu.memory_space<semaphore_mem>>) src(%dma_wait3A_184 : memref<4x64xi32, #tpu.memory_space<hbm>>) dst(%arg15 : memref<4x64xi32, #tpu.memory_space<vmem>>)
      %dma_start3A_185 = arith.constant 0 : i32
      %dma_start3A_186 = arith.constant 0 : i32
      %dma_start3A_187 = arith.constant 0 : i32
      %dma_start3A_188 = tpu.memref_slice %arg16[%dma_start3A_186, %dma_start3A_187] : memref<64x320xf32, #tpu.memory_space<vmem>> -> memref<64x128xf32, #tpu.memory_space<vmem>>
      %dma_start3A_189 = arith.constant 0 : i32
      %dma_start3A_190 = tpu.memref_slice %arg15[%dma_start3A_185, %dma_start3A_189] : memref<4x64xi32, #tpu.memory_space<vmem>> -> memref<1x64xi32, #tpu.memory_space<vmem>>
      %dma_start3A_191 = tpu.memref_squeeze %dma_start3A_190 : memref<1x64xi32, #tpu.memory_space<vmem>> -> memref<64xi32, #tpu.memory_space<vmem>>
      %dma_start3A_192 = arith.constant 0 : i32
      %dma_start3A_193 = arith.constant 0 : i32
      %dma_start3A_194 = tpu.memref_slice %arg3[%dma_start3A_192, %dma_start3A_193] : memref<100001x128xf32, #tpu.memory_space<hbm>> -> memref<100001x128xf32, #tpu.memory_space<hbm>>
      tpu.enqueue_indirect_dma source(%dma_start3A_194 : memref<100001x128xf32, #tpu.memory_space<hbm>>) target(%dma_start3A_188 : memref<64x128xf32, #tpu.memory_space<vmem>>) offsets(%dma_start3A_191 : memref<64xi32, #tpu.memory_space<vmem>>) semaphore(%arg20 : memref<!tpu.dma_semaphore, #tpu.memory_space<semaphore_mem>>)
      %dma_start3A_195 = arith.constant 1 : i32
      %dma_start3A_196 = arith.constant 0 : i32
      %dma_start3A_197 = tpu.memref_slice %arg15[%dma_start3A_195, %dma_start3A_196] : memref<4x64xi32, #tpu.memory_space<vmem>> -> memref<1x64xi32, #tpu.memory_space<vmem>>
      %dma_start3A_198 = tpu.memref_squeeze %dma_start3A_197 : memref<1x64xi32, #tpu.memory_space<vmem>> -> memref<64xi32, #tpu.memory_space<vmem>>
      %dma_start3A_199 = arith.constant 0 : i32
      %dma_start3A_200 = arith.constant 0 : i32
      %dma_start3A_201 = tpu.memref_slice %arg4[%dma_start3A_199, %dma_start3A_200] : memref<100001x128xf32, #tpu.memory_space<hbm>> -> memref<100001x128xf32, #tpu.memory_space<hbm>>
      tpu.enqueue_indirect_dma source(%dma_start3A_201 : memref<100001x128xf32, #tpu.memory_space<hbm>>) target(%arg17 : memref<64x128xf32, #tpu.memory_space<vmem>>) offsets(%dma_start3A_198 : memref<64xi32, #tpu.memory_space<vmem>>) semaphore(%arg20 : memref<!tpu.dma_semaphore, #tpu.memory_space<semaphore_mem>>)
      %dma_start3A_202 = arith.constant 2 : i32
      %dma_start3A_203 = arith.constant 0 : i32
      %dma_start3A_204 = arith.constant 128 : i32
      %dma_start3A_205 = tpu.memref_slice %arg16[%dma_start3A_203, %dma_start3A_204] : memref<64x320xf32, #tpu.memory_space<vmem>> -> memref<64x128xf32, #tpu.memory_space<vmem>>
      %dma_start3A_206 = arith.constant 0 : i32
      %dma_start3A_207 = tpu.memref_slice %arg15[%dma_start3A_202, %dma_start3A_206] : memref<4x64xi32, #tpu.memory_space<vmem>> -> memref<1x64xi32, #tpu.memory_space<vmem>>
      %dma_start3A_208 = tpu.memref_squeeze %dma_start3A_207 : memref<1x64xi32, #tpu.memory_space<vmem>> -> memref<64xi32, #tpu.memory_space<vmem>>
      %dma_start3A_209 = arith.constant 0 : i32
      %dma_start3A_210 = arith.constant 0 : i32
      %dma_start3A_211 = tpu.memref_slice %arg7[%dma_start3A_209, %dma_start3A_210] : memref<1024x128xf32, #tpu.memory_space<hbm>> -> memref<1024x128xf32, #tpu.memory_space<hbm>>
      tpu.enqueue_indirect_dma source(%dma_start3A_211 : memref<1024x128xf32, #tpu.memory_space<hbm>>) target(%dma_start3A_205 : memref<64x128xf32, #tpu.memory_space<vmem>>) offsets(%dma_start3A_208 : memref<64xi32, #tpu.memory_space<vmem>>) semaphore(%arg20 : memref<!tpu.dma_semaphore, #tpu.memory_space<semaphore_mem>>)
      %dma_start3A_212 = arith.constant 3 : i32
      %dma_start3A_213 = arith.constant 0 : i32
      %dma_start3A_214 = tpu.memref_slice %arg15[%dma_start3A_212, %dma_start3A_213] : memref<4x64xi32, #tpu.memory_space<vmem>> -> memref<1x64xi32, #tpu.memory_space<vmem>>
      %dma_start3A_215 = tpu.memref_squeeze %dma_start3A_214 : memref<1x64xi32, #tpu.memory_space<vmem>> -> memref<64xi32, #tpu.memory_space<vmem>>
      %dma_start3A_216 = arith.constant 0 : i32
      %dma_start3A_217 = arith.constant 0 : i32
      %dma_start3A_218 = tpu.memref_slice %arg3[%dma_start3A_216, %dma_start3A_217] : memref<100001x128xf32, #tpu.memory_space<hbm>> -> memref<100001x128xf32, #tpu.memory_space<hbm>>
      tpu.enqueue_indirect_dma source(%dma_start3A_218 : memref<100001x128xf32, #tpu.memory_space<hbm>>) target(%arg18 : memref<64x128xf32, #tpu.memory_space<vmem>>) offsets(%dma_start3A_215 : memref<64xi32, #tpu.memory_space<vmem>>) semaphore(%arg20 : memref<!tpu.dma_semaphore, #tpu.memory_space<semaphore_mem>>)
      %dma_wait3A_219 = arith.constant 0 : i32
      %dma_wait3A_220 = arith.constant 0 : i32
      %dma_wait3A_221 = arith.constant 0 : i32
      %dma_wait3A_222 = tpu.memref_slice %arg9[%dma_wait3A_220, %dma_wait3A_221] : memref<64x320xf32, #tpu.memory_space<vmem>> -> memref<64x128xf32, #tpu.memory_space<vmem>>
      %dma_wait3A_223 = arith.constant 0 : i32
      %dma_wait3A_224 = tpu.memref_slice %arg8[%dma_wait3A_219, %dma_wait3A_223] : memref<4x64xi32, #tpu.memory_space<vmem>> -> memref<1x64xi32, #tpu.memory_space<vmem>>
      %dma_wait3A_225 = tpu.memref_squeeze %dma_wait3A_224 : memref<1x64xi32, #tpu.memory_space<vmem>> -> memref<64xi32, #tpu.memory_space<vmem>>
      %dma_wait3A_226 = arith.constant 0 : i32
      %dma_wait3A_227 = arith.constant 0 : i32
      %dma_wait3A_228 = tpu.memref_slice %arg3[%dma_wait3A_226, %dma_wait3A_227] : memref<100001x128xf32, #tpu.memory_space<hbm>> -> memref<100001x128xf32, #tpu.memory_space<hbm>>
      tpu.wait_indirect_dma semaphore(%arg13 : memref<!tpu.dma_semaphore, #tpu.memory_space<semaphore_mem>>) src(%dma_wait3A_228 : memref<100001x128xf32, #tpu.memory_space<hbm>>) dst(%dma_wait3A_222 : memref<64x128xf32, #tpu.memory_space<vmem>>)
      %dma_wait3A_229 = arith.constant 1 : i32
      %dma_wait3A_230 = arith.constant 0 : i32
      %dma_wait3A_231 = tpu.memref_slice %arg8[%dma_wait3A_229, %dma_wait3A_230] : memref<4x64xi32, #tpu.memory_space<vmem>> -> memref<1x64xi32, #tpu.memory_space<vmem>>
      %dma_wait3A_232 = tpu.memref_squeeze %dma_wait3A_231 : memref<1x64xi32, #tpu.memory_space<vmem>> -> memref<64xi32, #tpu.memory_space<vmem>>
      %dma_wait3A_233 = arith.constant 0 : i32
      %dma_wait3A_234 = arith.constant 0 : i32
      %dma_wait3A_235 = tpu.memref_slice %arg4[%dma_wait3A_233, %dma_wait3A_234] : memref<100001x128xf32, #tpu.memory_space<hbm>> -> memref<100001x128xf32, #tpu.memory_space<hbm>>
      tpu.wait_indirect_dma semaphore(%arg13 : memref<!tpu.dma_semaphore, #tpu.memory_space<semaphore_mem>>) src(%dma_wait3A_235 : memref<100001x128xf32, #tpu.memory_space<hbm>>) dst(%arg10 : memref<64x128xf32, #tpu.memory_space<vmem>>)
      %dma_wait3A_236 = arith.constant 2 : i32
      %dma_wait3A_237 = arith.constant 0 : i32
      %dma_wait3A_238 = arith.constant 128 : i32
      %dma_wait3A_239 = tpu.memref_slice %arg9[%dma_wait3A_237, %dma_wait3A_238] : memref<64x320xf32, #tpu.memory_space<vmem>> -> memref<64x128xf32, #tpu.memory_space<vmem>>
      %dma_wait3A_240 = arith.constant 0 : i32
      %dma_wait3A_241 = tpu.memref_slice %arg8[%dma_wait3A_236, %dma_wait3A_240] : memref<4x64xi32, #tpu.memory_space<vmem>> -> memref<1x64xi32, #tpu.memory_space<vmem>>
      %dma_wait3A_242 = tpu.memref_squeeze %dma_wait3A_241 : memref<1x64xi32, #tpu.memory_space<vmem>> -> memref<64xi32, #tpu.memory_space<vmem>>
      %dma_wait3A_243 = arith.constant 0 : i32
      %dma_wait3A_244 = arith.constant 0 : i32
      %dma_wait3A_245 = tpu.memref_slice %arg7[%dma_wait3A_243, %dma_wait3A_244] : memref<1024x128xf32, #tpu.memory_space<hbm>> -> memref<1024x128xf32, #tpu.memory_space<hbm>>
      tpu.wait_indirect_dma semaphore(%arg13 : memref<!tpu.dma_semaphore, #tpu.memory_space<semaphore_mem>>) src(%dma_wait3A_245 : memref<1024x128xf32, #tpu.memory_space<hbm>>) dst(%dma_wait3A_239 : memref<64x128xf32, #tpu.memory_space<vmem>>)
      %dma_wait3A_246 = arith.constant 3 : i32
      %dma_wait3A_247 = arith.constant 0 : i32
      %dma_wait3A_248 = tpu.memref_slice %arg8[%dma_wait3A_246, %dma_wait3A_247] : memref<4x64xi32, #tpu.memory_space<vmem>> -> memref<1x64xi32, #tpu.memory_space<vmem>>
      %dma_wait3A_249 = tpu.memref_squeeze %dma_wait3A_248 : memref<1x64xi32, #tpu.memory_space<vmem>> -> memref<64xi32, #tpu.memory_space<vmem>>
      %dma_wait3A_250 = arith.constant 0 : i32
      %dma_wait3A_251 = arith.constant 0 : i32
      %dma_wait3A_252 = tpu.memref_slice %arg3[%dma_wait3A_250, %dma_wait3A_251] : memref<100001x128xf32, #tpu.memory_space<hbm>> -> memref<100001x128xf32, #tpu.memory_space<hbm>>
      tpu.wait_indirect_dma semaphore(%arg13 : memref<!tpu.dma_semaphore, #tpu.memory_space<semaphore_mem>>) src(%dma_wait3A_252 : memref<100001x128xf32, #tpu.memory_space<hbm>>) dst(%arg11 : memref<64x128xf32, #tpu.memory_space<vmem>>)
      %lt3A = arith.constant 49 : i32
      %lt3A_253 = arith.cmpi slt, %scan3A_167, %lt3A : i32
      %convert_element_type3A_254 = arith.extui %lt3A_253 : i1 to i32
      %cond3A_255 = arith.constant 0 : i32
      %cond3A_256 = arith.cmpi ne, %convert_element_type3A_254, %cond3A_255 : i32
      scf.if %cond3A_256 {
        %add3A_339 = arith.constant 2 : i32
        %add3A_340 = arith.addi %add3A_171, %add3A_339 : i32
        %add3A_341 = arith.addi %mul3A_2, %add3A_340 : i32
        %dma_start3A_342 = arith.constant 0 : i32
        %dma_start3A_343 = arith.constant 0 : i32
        %dma_start3A_344 = tpu.memref_slice %arg2[%add3A_341, %dma_start3A_342, %dma_start3A_343] : memref<3200x4x64xi32, #tpu.memory_space<hbm>> -> memref<1x4x64xi32, #tpu.memory_space<hbm>>
        %dma_start3A_345 = tpu.memref_squeeze %dma_start3A_344 : memref<1x4x64xi32, #tpu.memory_space<hbm>> -> memref<4x64xi32, #tpu.memory_space<hbm>>
        %dma_start3A_346 = arith.constant 0 : i32
        %dma_start3A_347 = arith.constant 0 : i32
        %dma_start3A_348 = tpu.memref_slice %arg2[%add3A_341, %dma_start3A_346, %dma_start3A_347] : memref<3200x4x64xi32, #tpu.memory_space<hbm>> -> memref<1x4x64xi32, #tpu.memory_space<hbm>>
        %dma_start3A_349 = tpu.memref_squeeze %dma_start3A_348 : memref<1x4x64xi32, #tpu.memory_space<hbm>> -> memref<4x64xi32, #tpu.memory_space<hbm>>
        tpu.enqueue_dma source(%dma_start3A_349 : memref<4x64xi32, #tpu.memory_space<hbm>>) target(%arg8 : memref<4x64xi32, #tpu.memory_space<vmem>>) target_semaphore(%arg12 : memref<!tpu.dma_semaphore, #tpu.memory_space<semaphore_mem>>)
      } else {
      }
      %scan3A_257 = arith.constant 0 : i32
      %scan3A_258 = arith.constant 0 : i32
      %scan3A_259 = arith.constant 8 : i32
      %scan3A_260 = arith.addi %scan3A_258, %scan3A_259 : i32
      %scan3A_261 = arith.constant 1 : i32
      scf.for %scan3A_339 = %scan3A_258 to %scan3A_260 step %scan3A_261  : i32 {
        %mul3A_340 = arith.constant 8 : i32
        %mul3A_341 = arith.muli %scan3A_339, %mul3A_340 : i32
        %add3A_342 = arith.constant 0 : i32
        %add3A_343 = arith.addi %mul3A_341, %add3A_342 : i32
        %get3A = arith.index_cast %add3A_343 : i32 to index
        %get3A_344 = arith.constant 0 : index
        %get3A_345 = tpu.vector_load %arg9[%get3A, %get3A_344] {strides = array<i32>} : memref<64x320xf32, #tpu.memory_space<vmem>>, vector<16xf32>,
        %get3A_346 = arith.index_cast %add3A_343 : i32 to index
        %get3A_347 = arith.constant 0 : index
        %get3A_348 = tpu.vector_load %arg10[%get3A_346, %get3A_347] {strides = array<i32>} : memref<64x128xf32, #tpu.memory_space<vmem>>, vector<16xf32>,
        %add3A_349 = arith.addf %get3A_345, %get3A_348 : vector<16xf32>
        %swap3A = arith.index_cast %add3A_343 : i32 to index
        %swap3A_350 = arith.constant 0 : index
        %swap3A_351 = tpu.vector_load %arg9[%swap3A, %swap3A_350] {strides = array<i32>} : memref<64x320xf32, #tpu.memory_space<vmem>>, vector<16xf32>,
        tpu.vector_store %arg9[%swap3A, %swap3A_350], %add3A_349 {strides = array<i32>} : memref<64x320xf32, #tpu.memory_space<vmem>>, vector<16xf32>,
        %get3A_352 = arith.index_cast %add3A_343 : i32 to index
        %get3A_353 = arith.constant 16 : index
        %get3A_354 = tpu.vector_load %arg9[%get3A_352, %get3A_353] {strides = array<i32>} : memref<64x320xf32, #tpu.memory_space<vmem>>, vector<16xf32>,
        %get3A_355 = arith.index_cast %add3A_343 : i32 to index
        %get3A_356 = arith.constant 16 : index
        %get3A_357 = tpu.vector_load %arg10[%get3A_355, %get3A_356] {strides = array<i32>} : memref<64x128xf32, #tpu.memory_space<vmem>>, vector<16xf32>,
        %add3A_358 = arith.addf %get3A_354, %get3A_357 : vector<16xf32>
        %swap3A_359 = arith.index_cast %add3A_343 : i32 to index
        %swap3A_360 = arith.constant 16 : index
        %swap3A_361 = tpu.vector_load %arg9[%swap3A_359, %swap3A_360] {strides = array<i32>} : memref<64x320xf32, #tpu.memory_space<vmem>>, vector<16xf32>,
        tpu.vector_store %arg9[%swap3A_359, %swap3A_360], %add3A_358 {strides = array<i32>} : memref<64x320xf32, #tpu.memory_space<vmem>>, vector<16xf32>,
        %get3A_362 = arith.index_cast %add3A_343 : i32 to index
        %get3A_363 = arith.constant 32 : index
        %get3A_364 = tpu.vector_load %arg9[%get3A_362, %get3A_363] {strides = array<i32>} : memref<64x320xf32, #tpu.memory_space<vmem>>, vector<16xf32>,
        %get3A_365 = arith.index_cast %add3A_343 : i32 to index
        %get3A_366 = arith.constant 32 : index
        %get3A_367 = tpu.vector_load %arg10[%get3A_365, %get3A_366] {strides = array<i32>} : memref<64x128xf32, #tpu.memory_space<vmem>>, vector<16xf32>,
        %add3A_368 = arith.addf %get3A_364, %get3A_367 : vector<16xf32>
        %swap3A_369 = arith.index_cast %add3A_343 : i32 to index
        %swap3A_370 = arith.constant 32 : index
        %swap3A_371 = tpu.vector_load %arg9[%swap3A_369, %swap3A_370] {strides = array<i32>} : memref<64x320xf32, #tpu.memory_space<vmem>>, vector<16xf32>,
        tpu.vector_store %arg9[%swap3A_369, %swap3A_370], %add3A_368 {strides = array<i32>} : memref<64x320xf32, #tpu.memory_space<vmem>>, vector<16xf32>,
        %get3A_372 = arith.index_cast %add3A_343 : i32 to index
        %get3A_373 = arith.constant 48 : index
        %get3A_374 = tpu.vector_load %arg9[%get3A_372, %get3A_373] {strides = array<i32>} : memref<64x320xf32, #tpu.memory_space<vmem>>, vector<16xf32>,
        %get3A_375 = arith.index_cast %add3A_343 : i32 to index
        %get3A_376 = arith.constant 48 : index
        %get3A_377 = tpu.vector_load %arg10[%get3A_375, %get3A_376] {strides = array<i32>} : memref<64x128xf32, #tpu.memory_space<vmem>>, vector<16xf32>,
        %add3A_378 = arith.addf %get3A_374, %get3A_377 : vector<16xf32>
        %swap3A_379 = arith.index_cast %add3A_343 : i32 to index
        %swap3A_380 = arith.constant 48 : index
        %swap3A_381 = tpu.vector_load %arg9[%swap3A_379, %swap3A_380] {strides = array<i32>} : memref<64x320xf32, #tpu.memory_space<vmem>>, vector<16xf32>,
        tpu.vector_store %arg9[%swap3A_379, %swap3A_380], %add3A_378 {strides = array<i32>} : memref<64x320xf32, #tpu.memory_space<vmem>>, vector<16xf32>,
        %get3A_382 = arith.index_cast %add3A_343 : i32 to index
        %get3A_383 = arith.constant 64 : index
        %get3A_384 = tpu.vector_load %arg9[%get3A_382, %get3A_383] {strides = array<i32>} : memref<64x320xf32, #tpu.memory_space<vmem>>, vector<16xf32>,
        %get3A_385 = arith.index_cast %add3A_343 : i32 to index
        %get3A_386 = arith.constant 64 : index
        %get3A_387 = tpu.vector_load %arg10[%get3A_385, %get3A_386] {strides = array<i32>} : memref<64x128xf32, #tpu.memory_space<vmem>>, vector<16xf32>,
        %add3A_388 = arith.addf %get3A_384, %get3A_387 : vector<16xf32>
        %swap3A_389 = arith.index_cast %add3A_343 : i32 to index
        %swap3A_390 = arith.constant 64 : index
        %swap3A_391 = tpu.vector_load %arg9[%swap3A_389, %swap3A_390] {strides = array<i32>} : memref<64x320xf32, #tpu.memory_space<vmem>>, vector<16xf32>,
        tpu.vector_store %arg9[%swap3A_389, %swap3A_390], %add3A_388 {strides = array<i32>} : memref<64x320xf32, #tpu.memory_space<vmem>>, vector<16xf32>,
        %get3A_392 = arith.index_cast %add3A_343 : i32 to index
        %get3A_393 = arith.constant 80 : index
        %get3A_394 = tpu.vector_load %arg9[%get3A_392, %get3A_393] {strides = array<i32>} : memref<64x320xf32, #tpu.memory_space<vmem>>, vector<16xf32>,
        %get3A_395 = arith.index_cast %add3A_343 : i32 to index
        %get3A_396 = arith.constant 80 : index
        %get3A_397 = tpu.vector_load %arg10[%get3A_395, %get3A_396] {strides = array<i32>} : memref<64x128xf32, #tpu.memory_space<vmem>>, vector<16xf32>,
        %add3A_398 = arith.addf %get3A_394, %get3A_397 : vector<16xf32>
        %swap3A_399 = arith.index_cast %add3A_343 : i32 to index
        %swap3A_400 = arith.constant 80 : index
        %swap3A_401 = tpu.vector_load %arg9[%swap3A_399, %swap3A_400] {strides = array<i32>} : memref<64x320xf32, #tpu.memory_space<vmem>>, vector<16xf32>,
        tpu.vector_store %arg9[%swap3A_399, %swap3A_400], %add3A_398 {strides = array<i32>} : memref<64x320xf32, #tpu.memory_space<vmem>>, vector<16xf32>,
        %get3A_402 = arith.index_cast %add3A_343 : i32 to index
        %get3A_403 = arith.constant 96 : index
        %get3A_404 = tpu.vector_load %arg9[%get3A_402, %get3A_403] {strides = array<i32>} : memref<64x320xf32, #tpu.memory_space<vmem>>, vector<16xf32>,
        %get3A_405 = arith.index_cast %add3A_343 : i32 to index
        %get3A_406 = arith.constant 96 : index
        %get3A_407 = tpu.vector_load %arg10[%get3A_405, %get3A_406] {strides = array<i32>} : memref<64x128xf32, #tpu.memory_space<vmem>>, vector<16xf32>,
        %add3A_408 = arith.addf %get3A_404, %get3A_407 : vector<16xf32>
        %swap3A_409 = arith.index_cast %add3A_343 : i32 to index
        %swap3A_410 = arith.constant 96 : index
        %swap3A_411 = tpu.vector_load %arg9[%swap3A_409, %swap3A_410] {strides = array<i32>} : memref<64x320xf32, #tpu.memory_space<vmem>>, vector<16xf32>,
        tpu.vector_store %arg9[%swap3A_409, %swap3A_410], %add3A_408 {strides = array<i32>} : memref<64x320xf32, #tpu.memory_space<vmem>>, vector<16xf32>,
        %get3A_412 = arith.index_cast %add3A_343 : i32 to index
        %get3A_413 = arith.constant 112 : index
        %get3A_414 = tpu.vector_load %arg9[%get3A_412, %get3A_413] {strides = array<i32>} : memref<64x320xf32, #tpu.memory_space<vmem>>, vector<16xf32>,
        %get3A_415 = arith.index_cast %add3A_343 : i32 to index
        %get3A_416 = arith.constant 112 : index
        %get3A_417 = tpu.vector_load %arg10[%get3A_415, %get3A_416] {strides = array<i32>} : memref<64x128xf32, #tpu.memory_space<vmem>>, vector<16xf32>,
        %add3A_418 = arith.addf %get3A_414, %get3A_417 : vector<16xf32>
        %swap3A_419 = arith.index_cast %add3A_343 : i32 to index
        %swap3A_420 = arith.constant 112 : index
        %swap3A_421 = tpu.vector_load %arg9[%swap3A_419, %swap3A_420] {strides = array<i32>} : memref<64x320xf32, #tpu.memory_space<vmem>>, vector<16xf32>,
        tpu.vector_store %arg9[%swap3A_419, %swap3A_420], %add3A_418 {strides = array<i32>} : memref<64x320xf32, #tpu.memory_space<vmem>>, vector<16xf32>,
        %get3A_422 = arith.index_cast %add3A_343 : i32 to index
        %get3A_423 = arith.constant 0 : index
        %get3A_424 = tpu.vector_load %arg11[%get3A_422, %get3A_423] {strides = array<i32>} : memref<64x128xf32, #tpu.memory_space<vmem>>, vector<16xf32>,
        %swap3A_425 = arith.index_cast %add3A_343 : i32 to index
        %swap3A_426 = arith.constant 192 : index
        %swap3A_427 = tpu.vector_load %arg9[%swap3A_425, %swap3A_426] {strides = array<i32>} : memref<64x320xf32, #tpu.memory_space<vmem>>, vector<16xf32>,
        tpu.vector_store %arg9[%swap3A_425, %swap3A_426], %get3A_424 {strides = array<i32>} : memref<64x320xf32, #tpu.memory_space<vmem>>, vector<16xf32>,
        %get3A_428 = arith.index_cast %add3A_343 : i32 to index
        %get3A_429 = arith.constant 16 : index
        %get3A_430 = tpu.vector_load %arg11[%get3A_428, %get3A_429] {strides = array<i32>} : memref<64x128xf32, #tpu.memory_space<vmem>>, vector<16xf32>,
        %swap3A_431 = arith.index_cast %add3A_343 : i32 to index
        %swap3A_432 = arith.constant 208 : index
        %swap3A_433 = tpu.vector_load %arg9[%swap3A_431, %swap3A_432] {strides = array<i32>} : memref<64x320xf32, #tpu.memory_space<vmem>>, vector<16xf32>,
        tpu.vector_store %arg9[%swap3A_431, %swap3A_432], %get3A_430 {strides = array<i32>} : memref<64x320xf32, #tpu.memory_space<vmem>>, vector<16xf32>,
        %get3A_434 = arith.index_cast %add3A_343 : i32 to index
        %get3A_435 = arith.constant 32 : index
        %get3A_436 = tpu.vector_load %arg11[%get3A_434, %get3A_435] {strides = array<i32>} : memref<64x128xf32, #tpu.memory_space<vmem>>, vector<16xf32>,
        %swap3A_437 = arith.index_cast %add3A_343 : i32 to index
        %swap3A_438 = arith.constant 224 : index
        %swap3A_439 = tpu.vector_load %arg9[%swap3A_437, %swap3A_438] {strides = array<i32>} : memref<64x320xf32, #tpu.memory_space<vmem>>, vector<16xf32>,
        tpu.vector_store %arg9[%swap3A_437, %swap3A_438], %get3A_436 {strides = array<i32>} : memref<64x320xf32, #tpu.memory_space<vmem>>, vector<16xf32>,
        %get3A_440 = arith.index_cast %add3A_343 : i32 to index
        %get3A_441 = arith.constant 48 : index
        %get3A_442 = tpu.vector_load %arg11[%get3A_440, %get3A_441] {strides = array<i32>} : memref<64x128xf32, #tpu.memory_space<vmem>>, vector<16xf32>,
        %swap3A_443 = arith.index_cast %add3A_343 : i32 to index
        %swap3A_444 = arith.constant 240 : index
        %swap3A_445 = tpu.vector_load %arg9[%swap3A_443, %swap3A_444] {strides = array<i32>} : memref<64x320xf32, #tpu.memory_space<vmem>>, vector<16xf32>,
        tpu.vector_store %arg9[%swap3A_443, %swap3A_444], %get3A_442 {strides = array<i32>} : memref<64x320xf32, #tpu.memory_space<vmem>>, vector<16xf32>,
        %get3A_446 = arith.index_cast %add3A_343 : i32 to index
        %get3A_447 = arith.constant 64 : index
        %get3A_448 = tpu.vector_load %arg11[%get3A_446, %get3A_447] {strides = array<i32>} : memref<64x128xf32, #tpu.memory_space<vmem>>, vector<16xf32>,
        %swap3A_449 = arith.index_cast %add3A_343 : i32 to index
        %swap3A_450 = arith.constant 256 : index
        %swap3A_451 = tpu.vector_load %arg9[%swap3A_449, %swap3A_450] {strides = array<i32>} : memref<64x320xf32, #tpu.memory_space<vmem>>, vector<16xf32>,
        tpu.vector_store %arg9[%swap3A_449, %swap3A_450], %get3A_448 {strides = array<i32>} : memref<64x320xf32, #tpu.memory_space<vmem>>, vector<16xf32>,
        %get3A_452 = arith.index_cast %add3A_343 : i32 to index
        %get3A_453 = arith.constant 80 : index
        %get3A_454 = tpu.vector_load %arg11[%get3A_452, %get3A_453] {strides = array<i32>} : memref<64x128xf32, #tpu.memory_space<vmem>>, vector<16xf32>,
        %swap3A_455 = arith.index_cast %add3A_343 : i32 to index
        %swap3A_456 = arith.constant 272 : index
        %swap3A_457 = tpu.vector_load %arg9[%swap3A_455, %swap3A_456] {strides = array<i32>} : memref<64x320xf32, #tpu.memory_space<vmem>>, vector<16xf32>,
        tpu.vector_store %arg9[%swap3A_455, %swap3A_456], %get3A_454 {strides = array<i32>} : memref<64x320xf32, #tpu.memory_space<vmem>>, vector<16xf32>,
        %get3A_458 = arith.index_cast %add3A_343 : i32 to index
        %get3A_459 = arith.constant 96 : index
        %get3A_460 = tpu.vector_load %arg11[%get3A_458, %get3A_459] {strides = array<i32>} : memref<64x128xf32, #tpu.memory_space<vmem>>, vector<16xf32>,
        %swap3A_461 = arith.index_cast %add3A_343 : i32 to index
        %swap3A_462 = arith.constant 288 : index
        %swap3A_463 = tpu.vector_load %arg9[%swap3A_461, %swap3A_462] {strides = array<i32>} : memref<64x320xf32, #tpu.memory_space<vmem>>, vector<16xf32>,
        tpu.vector_store %arg9[%swap3A_461, %swap3A_462], %get3A_460 {strides = array<i32>} : memref<64x320xf32, #tpu.memory_space<vmem>>, vector<16xf32>,
        %get3A_464 = arith.index_cast %add3A_343 : i32 to index
        %get3A_465 = arith.constant 112 : index
        %get3A_466 = tpu.vector_load %arg11[%get3A_464, %get3A_465] {strides = array<i32>} : memref<64x128xf32, #tpu.memory_space<vmem>>, vector<16xf32>,
        %swap3A_467 = arith.index_cast %add3A_343 : i32 to index
        %swap3A_468 = arith.constant 304 : index
        %swap3A_469 = tpu.vector_load %arg9[%swap3A_467, %swap3A_468] {strides = array<i32>} : memref<64x320xf32, #tpu.memory_space<vmem>>, vector<16xf32>,
        tpu.vector_store %arg9[%swap3A_467, %swap3A_468], %get3A_466 {strides = array<i32>} : memref<64x320xf32, #tpu.memory_space<vmem>>, vector<16xf32>,
        %mul3A_470 = arith.constant 8 : i32
        %mul3A_471 = arith.muli %scan3A_339, %mul3A_470 : i32
        %add3A_472 = arith.constant 1 : i32
        %add3A_473 = arith.addi %mul3A_471, %add3A_472 : i32
        %get3A_474 = arith.index_cast %add3A_473 : i32 to index
        %get3A_475 = arith.constant 0 : index
        %get3A_476 = tpu.vector_load %arg9[%get3A_474, %get3A_475] {strides = array<i32>} : memref<64x320xf32, #tpu.memory_space<vmem>>, vector<16xf32>,
        %get3A_477 = arith.index_cast %add3A_473 : i32 to index
        %get3A_478 = arith.constant 0 : index
        %get3A_479 = tpu.vector_load %arg10[%get3A_477, %get3A_478] {strides = array<i32>} : memref<64x128xf32, #tpu.memory_space<vmem>>, vector<16xf32>,
        %add3A_480 = arith.addf %get3A_476, %get3A_479 : vector<16xf32>
        %swap3A_481 = arith.index_cast %add3A_473 : i32 to index
        %swap3A_482 = arith.constant 0 : index
        %swap3A_483 = tpu.vector_load %arg9[%swap3A_481, %swap3A_482] {strides = array<i32>} : memref<64x320xf32, #tpu.memory_space<vmem>>, vector<16xf32>,
        tpu.vector_store %arg9[%swap3A_481, %swap3A_482], %add3A_480 {strides = array<i32>} : memref<64x320xf32, #tpu.memory_space<vmem>>, vector<16xf32>,
        %get3A_484 = arith.index_cast %add3A_473 : i32 to index
        %get3A_485 = arith.constant 16 : index
        %get3A_486 = tpu.vector_load %arg9[%get3A_484, %get3A_485] {strides = array<i32>} : memref<64x320xf32, #tpu.memory_space<vmem>>, vector<16xf32>,
        %get3A_487 = arith.index_cast %add3A_473 : i32 to index
        %get3A_488 = arith.constant 16 : index
        %get3A_489 = tpu.vector_load %arg10[%get3A_487, %get3A_488] {strides = array<i32>} : memref<64x128xf32, #tpu.memory_space<vmem>>, vector<16xf32>,
        %add3A_490 = arith.addf %get3A_486, %get3A_489 : vector<16xf32>
        %swap3A_491 = arith.index_cast %add3A_473 : i32 to index
        %swap3A_492 = arith.constant 16 : index
        %swap3A_493 = tpu.vector_load %arg9[%swap3A_491, %swap3A_492] {strides = array<i32>} : memref<64x320xf32, #tpu.memory_space<vmem>>, vector<16xf32>,
        tpu.vector_store %arg9[%swap3A_491, %swap3A_492], %add3A_490 {strides = array<i32>} : memref<64x320xf32, #tpu.memory_space<vmem>>, vector<16xf32>,
        %get3A_494 = arith.index_cast %add3A_473 : i32 to index
        %get3A_495 = arith.constant 32 : index
        %get3A_496 = tpu.vector_load %arg9[%get3A_494, %get3A_495] {strides = array<i32>} : memref<64x320xf32, #tpu.memory_space<vmem>>, vector<16xf32>,
        %get3A_497 = arith.index_cast %add3A_473 : i32 to index
        %get3A_498 = arith.constant 32 : index
        %get3A_499 = tpu.vector_load %arg10[%get3A_497, %get3A_498] {strides = array<i32>} : memref<64x128xf32, #tpu.memory_space<vmem>>, vector<16xf32>,
        %add3A_500 = arith.addf %get3A_496, %get3A_499 : vector<16xf32>
        %swap3A_501 = arith.index_cast %add3A_473 : i32 to index
        %swap3A_502 = arith.constant 32 : index
        %swap3A_503 = tpu.vector_load %arg9[%swap3A_501, %swap3A_502] {strides = array<i32>} : memref<64x320xf32, #tpu.memory_space<vmem>>, vector<16xf32>,
        tpu.vector_store %arg9[%swap3A_501, %swap3A_502], %add3A_500 {strides = array<i32>} : memref<64x320xf32, #tpu.memory_space<vmem>>, vector<16xf32>,
        %get3A_504 = arith.index_cast %add3A_473 : i32 to index
        %get3A_505 = arith.constant 48 : index
        %get3A_506 = tpu.vector_load %arg9[%get3A_504, %get3A_505] {strides = array<i32>} : memref<64x320xf32, #tpu.memory_space<vmem>>, vector<16xf32>,
        %get3A_507 = arith.index_cast %add3A_473 : i32 to index
        %get3A_508 = arith.constant 48 : index
        %get3A_509 = tpu.vector_load %arg10[%get3A_507, %get3A_508] {strides = array<i32>} : memref<64x128xf32, #tpu.memory_space<vmem>>, vector<16xf32>,
        %add3A_510 = arith.addf %get3A_506, %get3A_509 : vector<16xf32>
        %swap3A_511 = arith.index_cast %add3A_473 : i32 to index
        %swap3A_512 = arith.constant 48 : index
        %swap3A_513 = tpu.vector_load %arg9[%swap3A_511, %swap3A_512] {strides = array<i32>} : memref<64x320xf32, #tpu.memory_space<vmem>>, vector<16xf32>,
        tpu.vector_store %arg9[%swap3A_511, %swap3A_512], %add3A_510 {strides = array<i32>} : memref<64x320xf32, #tpu.memory_space<vmem>>, vector<16xf32>,
        %get3A_514 = arith.index_cast %add3A_473 : i32 to index
        %get3A_515 = arith.constant 64 : index
        %get3A_516 = tpu.vector_load %arg9[%get3A_514, %get3A_515] {strides = array<i32>} : memref<64x320xf32, #tpu.memory_space<vmem>>, vector<16xf32>,
        %get3A_517 = arith.index_cast %add3A_473 : i32 to index
        %get3A_518 = arith.constant 64 : index
        %get3A_519 = tpu.vector_load %arg10[%get3A_517, %get3A_518] {strides = array<i32>} : memref<64x128xf32, #tpu.memory_space<vmem>>, vector<16xf32>,
        %add3A_520 = arith.addf %get3A_516, %get3A_519 : vector<16xf32>
        %swap3A_521 = arith.index_cast %add3A_473 : i32 to index
        %swap3A_522 = arith.constant 64 : index
        %swap3A_523 = tpu.vector_load %arg9[%swap3A_521, %swap3A_522] {strides = array<i32>} : memref<64x320xf32, #tpu.memory_space<vmem>>, vector<16xf32>,
        tpu.vector_store %arg9[%swap3A_521, %swap3A_522], %add3A_520 {strides = array<i32>} : memref<64x320xf32, #tpu.memory_space<vmem>>, vector<16xf32>,
        %get3A_524 = arith.index_cast %add3A_473 : i32 to index
        %get3A_525 = arith.constant 80 : index
        %get3A_526 = tpu.vector_load %arg9[%get3A_524, %get3A_525] {strides = array<i32>} : memref<64x320xf32, #tpu.memory_space<vmem>>, vector<16xf32>,
        %get3A_527 = arith.index_cast %add3A_473 : i32 to index
        %get3A_528 = arith.constant 80 : index
        %get3A_529 = tpu.vector_load %arg10[%get3A_527, %get3A_528] {strides = array<i32>} : memref<64x128xf32, #tpu.memory_space<vmem>>, vector<16xf32>,
        %add3A_530 = arith.addf %get3A_526, %get3A_529 : vector<16xf32>
        %swap3A_531 = arith.index_cast %add3A_473 : i32 to index
        %swap3A_532 = arith.constant 80 : index
        %swap3A_533 = tpu.vector_load %arg9[%swap3A_531, %swap3A_532] {strides = array<i32>} : memref<64x320xf32, #tpu.memory_space<vmem>>, vector<16xf32>,
        tpu.vector_store %arg9[%swap3A_531, %swap3A_532], %add3A_530 {strides = array<i32>} : memref<64x320xf32, #tpu.memory_space<vmem>>, vector<16xf32>,
        %get3A_534 = arith.index_cast %add3A_473 : i32 to index
        %get3A_535 = arith.constant 96 : index
        %get3A_536 = tpu.vector_load %arg9[%get3A_534, %get3A_535] {strides = array<i32>} : memref<64x320xf32, #tpu.memory_space<vmem>>, vector<16xf32>,
        %get3A_537 = arith.index_cast %add3A_473 : i32 to index
        %get3A_538 = arith.constant 96 : index
        %get3A_539 = tpu.vector_load %arg10[%get3A_537, %get3A_538] {strides = array<i32>} : memref<64x128xf32, #tpu.memory_space<vmem>>, vector<16xf32>,
        %add3A_540 = arith.addf %get3A_536, %get3A_539 : vector<16xf32>
        %swap3A_541 = arith.index_cast %add3A_473 : i32 to index
        %swap3A_542 = arith.constant 96 : index
        %swap3A_543 = tpu.vector_load %arg9[%swap3A_541, %swap3A_542] {strides = array<i32>} : memref<64x320xf32, #tpu.memory_space<vmem>>, vector<16xf32>,
        tpu.vector_store %arg9[%swap3A_541, %swap3A_542], %add3A_540 {strides = array<i32>} : memref<64x320xf32, #tpu.memory_space<vmem>>, vector<16xf32>,
        %get3A_544 = arith.index_cast %add3A_473 : i32 to index
        %get3A_545 = arith.constant 112 : index
        %get3A_546 = tpu.vector_load %arg9[%get3A_544, %get3A_545] {strides = array<i32>} : memref<64x320xf32, #tpu.memory_space<vmem>>, vector<16xf32>,
        %get3A_547 = arith.index_cast %add3A_473 : i32 to index
        %get3A_548 = arith.constant 112 : index
        %get3A_549 = tpu.vector_load %arg10[%get3A_547, %get3A_548] {strides = array<i32>} : memref<64x128xf32, #tpu.memory_space<vmem>>, vector<16xf32>,
        %add3A_550 = arith.addf %get3A_546, %get3A_549 : vector<16xf32>
        %swap3A_551 = arith.index_cast %add3A_473 : i32 to index
        %swap3A_552 = arith.constant 112 : index
        %swap3A_553 = tpu.vector_load %arg9[%swap3A_551, %swap3A_552] {strides = array<i32>} : memref<64x320xf32, #tpu.memory_space<vmem>>, vector<16xf32>,
        tpu.vector_store %arg9[%swap3A_551, %swap3A_552], %add3A_550 {strides = array<i32>} : memref<64x320xf32, #tpu.memory_space<vmem>>, vector<16xf32>,
        %get3A_554 = arith.index_cast %add3A_473 : i32 to index
        %get3A_555 = arith.constant 0 : index
        %get3A_556 = tpu.vector_load %arg11[%get3A_554, %get3A_555] {strides = array<i32>} : memref<64x128xf32, #tpu.memory_space<vmem>>, vector<16xf32>,
        %swap3A_557 = arith.index_cast %add3A_473 : i32 to index
        %swap3A_558 = arith.constant 192 : index
        %swap3A_559 = tpu.vector_load %arg9[%swap3A_557, %swap3A_558] {strides = array<i32>} : memref<64x320xf32, #tpu.memory_space<vmem>>, vector<16xf32>,
        tpu.vector_store %arg9[%swap3A_557, %swap3A_558], %get3A_556 {strides = array<i32>} : memref<64x320xf32, #tpu.memory_space<vmem>>, vector<16xf32>,
        %get3A_560 = arith.index_cast %add3A_473 : i32 to index
        %get3A_561 = arith.constant 16 : index
        %get3A_562 = tpu.vector_load %arg11[%get3A_560, %get3A_561] {strides = array<i32>} : memref<64x128xf32, #tpu.memory_space<vmem>>, vector<16xf32>,
        %swap3A_563 = arith.index_cast %add3A_473 : i32 to index
        %swap3A_564 = arith.constant 208 : index
        %swap3A_565 = tpu.vector_load %arg9[%swap3A_563, %swap3A_564] {strides = array<i32>} : memref<64x320xf32, #tpu.memory_space<vmem>>, vector<16xf32>,
        tpu.vector_store %arg9[%swap3A_563, %swap3A_564], %get3A_562 {strides = array<i32>} : memref<64x320xf32, #tpu.memory_space<vmem>>, vector<16xf32>,
        %get3A_566 = arith.index_cast %add3A_473 : i32 to index
        %get3A_567 = arith.constant 32 : index
        %get3A_568 = tpu.vector_load %arg11[%get3A_566, %get3A_567] {strides = array<i32>} : memref<64x128xf32, #tpu.memory_space<vmem>>, vector<16xf32>,
        %swap3A_569 = arith.index_cast %add3A_473 : i32 to index
        %swap3A_570 = arith.constant 224 : index
        %swap3A_571 = tpu.vector_load %arg9[%swap3A_569, %swap3A_570] {strides = array<i32>} : memref<64x320xf32, #tpu.memory_space<vmem>>, vector<16xf32>,
        tpu.vector_store %arg9[%swap3A_569, %swap3A_570], %get3A_568 {strides = array<i32>} : memref<64x320xf32, #tpu.memory_space<vmem>>, vector<16xf32>,
        %get3A_572 = arith.index_cast %add3A_473 : i32 to index
        %get3A_573 = arith.constant 48 : index
        %get3A_574 = tpu.vector_load %arg11[%get3A_572, %get3A_573] {strides = array<i32>} : memref<64x128xf32, #tpu.memory_space<vmem>>, vector<16xf32>,
        %swap3A_575 = arith.index_cast %add3A_473 : i32 to index
        %swap3A_576 = arith.constant 240 : index
        %swap3A_577 = tpu.vector_load %arg9[%swap3A_575, %swap3A_576] {strides = array<i32>} : memref<64x320xf32, #tpu.memory_space<vmem>>, vector<16xf32>,
        tpu.vector_store %arg9[%swap3A_575, %swap3A_576], %get3A_574 {strides = array<i32>} : memref<64x320xf32, #tpu.memory_space<vmem>>, vector<16xf32>,
        %get3A_578 = arith.index_cast %add3A_473 : i32 to index
        %get3A_579 = arith.constant 64 : index
        %get3A_580 = tpu.vector_load %arg11[%get3A_578, %get3A_579] {strides = array<i32>} : memref<64x128xf32, #tpu.memory_space<vmem>>, vector<16xf32>,
        %swap3A_581 = arith.index_cast %add3A_473 : i32 to index
        %swap3A_582 = arith.constant 256 : index
        %swap3A_583 = tpu.vector_load %arg9[%swap3A_581, %swap3A_582] {strides = array<i32>} : memref<64x320xf32, #tpu.memory_space<vmem>>, vector<16xf32>,
        tpu.vector_store %arg9[%swap3A_581, %swap3A_582], %get3A_580 {strides = array<i32>} : memref<64x320xf32, #tpu.memory_space<vmem>>, vector<16xf32>,
        %get3A_584 = arith.index_cast %add3A_473 : i32 to index
        %get3A_585 = arith.constant 80 : index
        %get3A_586 = tpu.vector_load %arg11[%get3A_584, %get3A_585] {strides = array<i32>} : memref<64x128xf32, #tpu.memory_space<vmem>>, vector<16xf32>,
        %swap3A_587 = arith.index_cast %add3A_473 : i32 to index
        %swap3A_588 = arith.constant 272 : index
        %swap3A_589 = tpu.vector_load %arg9[%swap3A_587, %swap3A_588] {strides = array<i32>} : memref<64x320xf32, #tpu.memory_space<vmem>>, vector<16xf32>,
        tpu.vector_store %arg9[%swap3A_587, %swap3A_588], %get3A_586 {strides = array<i32>} : memref<64x320xf32, #tpu.memory_space<vmem>>, vector<16xf32>,
        %get3A_590 = arith.index_cast %add3A_473 : i32 to index
        %get3A_591 = arith.constant 96 : index
        %get3A_592 = tpu.vector_load %arg11[%get3A_590, %get3A_591] {strides = array<i32>} : memref<64x128xf32, #tpu.memory_space<vmem>>, vector<16xf32>,
        %swap3A_593 = arith.index_cast %add3A_473 : i32 to index
        %swap3A_594 = arith.constant 288 : index
        %swap3A_595 = tpu.vector_load %arg9[%swap3A_593, %swap3A_594] {strides = array<i32>} : memref<64x320xf32, #tpu.memory_space<vmem>>, vector<16xf32>,
        tpu.vector_store %arg9[%swap3A_593, %swap3A_594], %get3A_592 {strides = array<i32>} : memref<64x320xf32, #tpu.memory_space<vmem>>, vector<16xf32>,
        %get3A_596 = arith.index_cast %add3A_473 : i32 to index
        %get3A_597 = arith.constant 112 : index
        %get3A_598 = tpu.vector_load %arg11[%get3A_596, %get3A_597] {strides = array<i32>} : memref<64x128xf32, #tpu.memory_space<vmem>>, vector<16xf32>,
        %swap3A_599 = arith.index_cast %add3A_473 : i32 to index
        %swap3A_600 = arith.constant 304 : index
        %swap3A_601 = tpu.vector_load %arg9[%swap3A_599, %swap3A_600] {strides = array<i32>} : memref<64x320xf32, #tpu.memory_space<vmem>>, vector<16xf32>,
        tpu.vector_store %arg9[%swap3A_599, %swap3A_600], %get3A_598 {strides = array<i32>} : memref<64x320xf32, #tpu.memory_space<vmem>>, vector<16xf32>,
        %mul3A_602 = arith.constant 8 : i32
        %mul3A_603 = arith.muli %scan3A_339, %mul3A_602 : i32
        %add3A_604 = arith.constant 2 : i32
        %add3A_605 = arith.addi %mul3A_603, %add3A_604 : i32
        %get3A_606 = arith.index_cast %add3A_605 : i32 to index
        %get3A_607 = arith.constant 0 : index
        %get3A_608 = tpu.vector_load %arg9[%get3A_606, %get3A_607] {strides = array<i32>} : memref<64x320xf32, #tpu.memory_space<vmem>>, vector<16xf32>,
        %get3A_609 = arith.index_cast %add3A_605 : i32 to index
        %get3A_610 = arith.constant 0 : index
        %get3A_611 = tpu.vector_load %arg10[%get3A_609, %get3A_610] {strides = array<i32>} : memref<64x128xf32, #tpu.memory_space<vmem>>, vector<16xf32>,
        %add3A_612 = arith.addf %get3A_608, %get3A_611 : vector<16xf32>
        %swap3A_613 = arith.index_cast %add3A_605 : i32 to index
        %swap3A_614 = arith.constant 0 : index
        %swap3A_615 = tpu.vector_load %arg9[%swap3A_613, %swap3A_614] {strides = array<i32>} : memref<64x320xf32, #tpu.memory_space<vmem>>, vector<16xf32>,
        tpu.vector_store %arg9[%swap3A_613, %swap3A_614], %add3A_612 {strides = array<i32>} : memref<64x320xf32, #tpu.memory_space<vmem>>, vector<16xf32>,
        %get3A_616 = arith.index_cast %add3A_605 : i32 to index
        %get3A_617 = arith.constant 16 : index
        %get3A_618 = tpu.vector_load %arg9[%get3A_616, %get3A_617] {strides = array<i32>} : memref<64x320xf32, #tpu.memory_space<vmem>>, vector<16xf32>,
        %get3A_619 = arith.index_cast %add3A_605 : i32 to index
        %get3A_620 = arith.constant 16 : index
        %get3A_621 = tpu.vector_load %arg10[%get3A_619, %get3A_620] {strides = array<i32>} : memref<64x128xf32, #tpu.memory_space<vmem>>, vector<16xf32>,
        %add3A_622 = arith.addf %get3A_618, %get3A_621 : vector<16xf32>
        %swap3A_623 = arith.index_cast %add3A_605 : i32 to index
        %swap3A_624 = arith.constant 16 : index
        %swap3A_625 = tpu.vector_load %arg9[%swap3A_623, %swap3A_624] {strides = array<i32>} : memref<64x320xf32, #tpu.memory_space<vmem>>, vector<16xf32>,
        tpu.vector_store %arg9[%swap3A_623, %swap3A_624], %add3A_622 {strides = array<i32>} : memref<64x320xf32, #tpu.memory_space<vmem>>, vector<16xf32>,
        %get3A_626 = arith.index_cast %add3A_605 : i32 to index
        %get3A_627 = arith.constant 32 : index
        %get3A_628 = tpu.vector_load %arg9[%get3A_626, %get3A_627] {strides = array<i32>} : memref<64x320xf32, #tpu.memory_space<vmem>>, vector<16xf32>,
        %get3A_629 = arith.index_cast %add3A_605 : i32 to index
        %get3A_630 = arith.constant 32 : index
        %get3A_631 = tpu.vector_load %arg10[%get3A_629, %get3A_630] {strides = array<i32>} : memref<64x128xf32, #tpu.memory_space<vmem>>, vector<16xf32>,
        %add3A_632 = arith.addf %get3A_628, %get3A_631 : vector<16xf32>
        %swap3A_633 = arith.index_cast %add3A_605 : i32 to index
        %swap3A_634 = arith.constant 32 : index
        %swap3A_635 = tpu.vector_load %arg9[%swap3A_633, %swap3A_634] {strides = array<i32>} : memref<64x320xf32, #tpu.memory_space<vmem>>, vector<16xf32>,
        tpu.vector_store %arg9[%swap3A_633, %swap3A_634], %add3A_632 {strides = array<i32>} : memref<64x320xf32, #tpu.memory_space<vmem>>, vector<16xf32>,
        %get3A_636 = arith.index_cast %add3A_605 : i32 to index
        %get3A_637 = arith.constant 48 : index
        %get3A_638 = tpu.vector_load %arg9[%get3A_636, %get3A_637] {strides = array<i32>} : memref<64x320xf32, #tpu.memory_space<vmem>>, vector<16xf32>,
        %get3A_639 = arith.index_cast %add3A_605 : i32 to index
        %get3A_640 = arith.constant 48 : index
        %get3A_641 = tpu.vector_load %arg10[%get3A_639, %get3A_640] {strides = array<i32>} : memref<64x128xf32, #tpu.memory_space<vmem>>, vector<16xf32>,
        %add3A_642 = arith.addf %get3A_638, %get3A_641 : vector<16xf32>
        %swap3A_643 = arith.index_cast %add3A_605 : i32 to index
        %swap3A_644 = arith.constant 48 : index
        %swap3A_645 = tpu.vector_load %arg9[%swap3A_643, %swap3A_644] {strides = array<i32>} : memref<64x320xf32, #tpu.memory_space<vmem>>, vector<16xf32>,
        tpu.vector_store %arg9[%swap3A_643, %swap3A_644], %add3A_642 {strides = array<i32>} : memref<64x320xf32, #tpu.memory_space<vmem>>, vector<16xf32>,
        %get3A_646 = arith.index_cast %add3A_605 : i32 to index
        %get3A_647 = arith.constant 64 : index
        %get3A_648 = tpu.vector_load %arg9[%get3A_646, %get3A_647] {strides = array<i32>} : memref<64x320xf32, #tpu.memory_space<vmem>>, vector<16xf32>,
        %get3A_649 = arith.index_cast %add3A_605 : i32 to index
        %get3A_650 = arith.constant 64 : index
        %get3A_651 = tpu.vector_load %arg10[%get3A_649, %get3A_650] {strides = array<i32>} : memref<64x128xf32, #tpu.memory_space<vmem>>, vector<16xf32>,
        %add3A_652 = arith.addf %get3A_648, %get3A_651 : vector<16xf32>
        %swap3A_653 = arith.index_cast %add3A_605 : i32 to index
        %swap3A_654 = arith.constant 64 : index
        %swap3A_655 = tpu.vector_load %arg9[%swap3A_653, %swap3A_654] {strides = array<i32>} : memref<64x320xf32, #tpu.memory_space<vmem>>, vector<16xf32>,
        tpu.vector_store %arg9[%swap3A_653, %swap3A_654], %add3A_652 {strides = array<i32>} : memref<64x320xf32, #tpu.memory_space<vmem>>, vector<16xf32>,
        %get3A_656 = arith.index_cast %add3A_605 : i32 to index
        %get3A_657 = arith.constant 80 : index
        %get3A_658 = tpu.vector_load %arg9[%get3A_656, %get3A_657] {strides = array<i32>} : memref<64x320xf32, #tpu.memory_space<vmem>>, vector<16xf32>,
        %get3A_659 = arith.index_cast %add3A_605 : i32 to index
        %get3A_660 = arith.constant 80 : index
        %get3A_661 = tpu.vector_load %arg10[%get3A_659, %get3A_660] {strides = array<i32>} : memref<64x128xf32, #tpu.memory_space<vmem>>, vector<16xf32>,
        %add3A_662 = arith.addf %get3A_658, %get3A_661 : vector<16xf32>
        %swap3A_663 = arith.index_cast %add3A_605 : i32 to index
        %swap3A_664 = arith.constant 80 : index
        %swap3A_665 = tpu.vector_load %arg9[%swap3A_663, %swap3A_664] {strides = array<i32>} : memref<64x320xf32, #tpu.memory_space<vmem>>, vector<16xf32>,
        tpu.vector_store %arg9[%swap3A_663, %swap3A_664], %add3A_662 {strides = array<i32>} : memref<64x320xf32, #tpu.memory_space<vmem>>, vector<16xf32>,
        %get3A_666 = arith.index_cast %add3A_605 : i32 to index
        %get3A_667 = arith.constant 96 : index
        %get3A_668 = tpu.vector_load %arg9[%get3A_666, %get3A_667] {strides = array<i32>} : memref<64x320xf32, #tpu.memory_space<vmem>>, vector<16xf32>,
        %get3A_669 = arith.index_cast %add3A_605 : i32 to index
        %get3A_670 = arith.constant 96 : index
        %get3A_671 = tpu.vector_load %arg10[%get3A_669, %get3A_670] {strides = array<i32>} : memref<64x128xf32, #tpu.memory_space<vmem>>, vector<16xf32>,
        %add3A_672 = arith.addf %get3A_668, %get3A_671 : vector<16xf32>
        %swap3A_673 = arith.index_cast %add3A_605 : i32 to index
        %swap3A_674 = arith.constant 96 : index
        %swap3A_675 = tpu.vector_load %arg9[%swap3A_673, %swap3A_674] {strides = array<i32>} : memref<64x320xf32, #tpu.memory_space<vmem>>, vector<16xf32>,
        tpu.vector_store %arg9[%swap3A_673, %swap3A_674], %add3A_672 {strides = array<i32>} : memref<64x320xf32, #tpu.memory_space<vmem>>, vector<16xf32>,
        %get3A_676 = arith.index_cast %add3A_605 : i32 to index
        %get3A_677 = arith.constant 112 : index
        %get3A_678 = tpu.vector_load %arg9[%get3A_676, %get3A_677] {strides = array<i32>} : memref<64x320xf32, #tpu.memory_space<vmem>>, vector<16xf32>,
        %get3A_679 = arith.index_cast %add3A_605 : i32 to index
        %get3A_680 = arith.constant 112 : index
        %get3A_681 = tpu.vector_load %arg10[%get3A_679, %get3A_680] {strides = array<i32>} : memref<64x128xf32, #tpu.memory_space<vmem>>, vector<16xf32>,
        %add3A_682 = arith.addf %get3A_678, %get3A_681 : vector<16xf32>
        %swap3A_683 = arith.index_cast %add3A_605 : i32 to index
        %swap3A_684 = arith.constant 112 : index
        %swap3A_685 = tpu.vector_load %arg9[%swap3A_683, %swap3A_684] {strides = array<i32>} : memref<64x320xf32, #tpu.memory_space<vmem>>, vector<16xf32>,
        tpu.vector_store %arg9[%swap3A_683, %swap3A_684], %add3A_682 {strides = array<i32>} : memref<64x320xf32, #tpu.memory_space<vmem>>, vector<16xf32>,
        %get3A_686 = arith.index_cast %add3A_605 : i32 to index
        %get3A_687 = arith.constant 0 : index
        %get3A_688 = tpu.vector_load %arg11[%get3A_686, %get3A_687] {strides = array<i32>} : memref<64x128xf32, #tpu.memory_space<vmem>>, vector<16xf32>,
        %swap3A_689 = arith.index_cast %add3A_605 : i32 to index
        %swap3A_690 = arith.constant 192 : index
        %swap3A_691 = tpu.vector_load %arg9[%swap3A_689, %swap3A_690] {strides = array<i32>} : memref<64x320xf32, #tpu.memory_space<vmem>>, vector<16xf32>,
        tpu.vector_store %arg9[%swap3A_689, %swap3A_690], %get3A_688 {strides = array<i32>} : memref<64x320xf32, #tpu.memory_space<vmem>>, vector<16xf32>,
        %get3A_692 = arith.index_cast %add3A_605 : i32 to index
        %get3A_693 = arith.constant 16 : index
        %get3A_694 = tpu.vector_load %arg11[%get3A_692, %get3A_693] {strides = array<i32>} : memref<64x128xf32, #tpu.memory_space<vmem>>, vector<16xf32>,
        %swap3A_695 = arith.index_cast %add3A_605 : i32 to index
        %swap3A_696 = arith.constant 208 : index
        %swap3A_697 = tpu.vector_load %arg9[%swap3A_695, %swap3A_696] {strides = array<i32>} : memref<64x320xf32, #tpu.memory_space<vmem>>, vector<16xf32>,
        tpu.vector_store %arg9[%swap3A_695, %swap3A_696], %get3A_694 {strides = array<i32>} : memref<64x320xf32, #tpu.memory_space<vmem>>, vector<16xf32>,
        %get3A_698 = arith.index_cast %add3A_605 : i32 to index
        %get3A_699 = arith.constant 32 : index
        %get3A_700 = tpu.vector_load %arg11[%get3A_698, %get3A_699] {strides = array<i32>} : memref<64x128xf32, #tpu.memory_space<vmem>>, vector<16xf32>,
        %swap3A_701 = arith.index_cast %add3A_605 : i32 to index
        %swap3A_702 = arith.constant 224 : index
        %swap3A_703 = tpu.vector_load %arg9[%swap3A_701, %swap3A_702] {strides = array<i32>} : memref<64x320xf32, #tpu.memory_space<vmem>>, vector<16xf32>,
        tpu.vector_store %arg9[%swap3A_701, %swap3A_702], %get3A_700 {strides = array<i32>} : memref<64x320xf32, #tpu.memory_space<vmem>>, vector<16xf32>,
        %get3A_704 = arith.index_cast %add3A_605 : i32 to index
        %get3A_705 = arith.constant 48 : index
        %get3A_706 = tpu.vector_load %arg11[%get3A_704, %get3A_705] {strides = array<i32>} : memref<64x128xf32, #tpu.memory_space<vmem>>, vector<16xf32>,
        %swap3A_707 = arith.index_cast %add3A_605 : i32 to index
        %swap3A_708 = arith.constant 240 : index
        %swap3A_709 = tpu.vector_load %arg9[%swap3A_707, %swap3A_708] {strides = array<i32>} : memref<64x320xf32, #tpu.memory_space<vmem>>, vector<16xf32>,
        tpu.vector_store %arg9[%swap3A_707, %swap3A_708], %get3A_706 {strides = array<i32>} : memref<64x320xf32, #tpu.memory_space<vmem>>, vector<16xf32>,
        %get3A_710 = arith.index_cast %add3A_605 : i32 to index
        %get3A_711 = arith.constant 64 : index
        %get3A_712 = tpu.vector_load %arg11[%get3A_710, %get3A_711] {strides = array<i32>} : memref<64x128xf32, #tpu.memory_space<vmem>>, vector<16xf32>,
        %swap3A_713 = arith.index_cast %add3A_605 : i32 to index
        %swap3A_714 = arith.constant 256 : index
        %swap3A_715 = tpu.vector_load %arg9[%swap3A_713, %swap3A_714] {strides = array<i32>} : memref<64x320xf32, #tpu.memory_space<vmem>>, vector<16xf32>,
        tpu.vector_store %arg9[%swap3A_713, %swap3A_714], %get3A_712 {strides = array<i32>} : memref<64x320xf32, #tpu.memory_space<vmem>>, vector<16xf32>,
        %get3A_716 = arith.index_cast %add3A_605 : i32 to index
        %get3A_717 = arith.constant 80 : index
        %get3A_718 = tpu.vector_load %arg11[%get3A_716, %get3A_717] {strides = array<i32>} : memref<64x128xf32, #tpu.memory_space<vmem>>, vector<16xf32>,
        %swap3A_719 = arith.index_cast %add3A_605 : i32 to index
        %swap3A_720 = arith.constant 272 : index
        %swap3A_721 = tpu.vector_load %arg9[%swap3A_719, %swap3A_720] {strides = array<i32>} : memref<64x320xf32, #tpu.memory_space<vmem>>, vector<16xf32>,
        tpu.vector_store %arg9[%swap3A_719, %swap3A_720], %get3A_718 {strides = array<i32>} : memref<64x320xf32, #tpu.memory_space<vmem>>, vector<16xf32>,
        %get3A_722 = arith.index_cast %add3A_605 : i32 to index
        %get3A_723 = arith.constant 96 : index
        %get3A_724 = tpu.vector_load %arg11[%get3A_722, %get3A_723] {strides = array<i32>} : memref<64x128xf32, #tpu.memory_space<vmem>>, vector<16xf32>,
        %swap3A_725 = arith.index_cast %add3A_605 : i32 to index
        %swap3A_726 = arith.constant 288 : index
        %swap3A_727 = tpu.vector_load %arg9[%swap3A_725, %swap3A_726] {strides = array<i32>} : memref<64x320xf32, #tpu.memory_space<vmem>>, vector<16xf32>,
        tpu.vector_store %arg9[%swap3A_725, %swap3A_726], %get3A_724 {strides = array<i32>} : memref<64x320xf32, #tpu.memory_space<vmem>>, vector<16xf32>,
        %get3A_728 = arith.index_cast %add3A_605 : i32 to index
        %get3A_729 = arith.constant 112 : index
        %get3A_730 = tpu.vector_load %arg11[%get3A_728, %get3A_729] {strides = array<i32>} : memref<64x128xf32, #tpu.memory_space<vmem>>, vector<16xf32>,
        %swap3A_731 = arith.index_cast %add3A_605 : i32 to index
        %swap3A_732 = arith.constant 304 : index
        %swap3A_733 = tpu.vector_load %arg9[%swap3A_731, %swap3A_732] {strides = array<i32>} : memref<64x320xf32, #tpu.memory_space<vmem>>, vector<16xf32>,
        tpu.vector_store %arg9[%swap3A_731, %swap3A_732], %get3A_730 {strides = array<i32>} : memref<64x320xf32, #tpu.memory_space<vmem>>, vector<16xf32>,
        %mul3A_734 = arith.constant 8 : i32
        %mul3A_735 = arith.muli %scan3A_339, %mul3A_734 : i32
        %add3A_736 = arith.constant 3 : i32
        %add3A_737 = arith.addi %mul3A_735, %add3A_736 : i32
        %get3A_738 = arith.index_cast %add3A_737 : i32 to index
        %get3A_739 = arith.constant 0 : index
        %get3A_740 = tpu.vector_load %arg9[%get3A_738, %get3A_739] {strides = array<i32>} : memref<64x320xf32, #tpu.memory_space<vmem>>, vector<16xf32>,
        %get3A_741 = arith.index_cast %add3A_737 : i32 to index
        %get3A_742 = arith.constant 0 : index
        %get3A_743 = tpu.vector_load %arg10[%get3A_741, %get3A_742] {strides = array<i32>} : memref<64x128xf32, #tpu.memory_space<vmem>>, vector<16xf32>,
        %add3A_744 = arith.addf %get3A_740, %get3A_743 : vector<16xf32>
        %swap3A_745 = arith.index_cast %add3A_737 : i32 to index
        %swap3A_746 = arith.constant 0 : index
        %swap3A_747 = tpu.vector_load %arg9[%swap3A_745, %swap3A_746] {strides = array<i32>} : memref<64x320xf32, #tpu.memory_space<vmem>>, vector<16xf32>,
        tpu.vector_store %arg9[%swap3A_745, %swap3A_746], %add3A_744 {strides = array<i32>} : memref<64x320xf32, #tpu.memory_space<vmem>>, vector<16xf32>,
        %get3A_748 = arith.index_cast %add3A_737 : i32 to index
        %get3A_749 = arith.constant 16 : index
        %get3A_750 = tpu.vector_load %arg9[%get3A_748, %get3A_749] {strides = array<i32>} : memref<64x320xf32, #tpu.memory_space<vmem>>, vector<16xf32>,
        %get3A_751 = arith.index_cast %add3A_737 : i32 to index
        %get3A_752 = arith.constant 16 : index
        %get3A_753 = tpu.vector_load %arg10[%get3A_751, %get3A_752] {strides = array<i32>} : memref<64x128xf32, #tpu.memory_space<vmem>>, vector<16xf32>,
        %add3A_754 = arith.addf %get3A_750, %get3A_753 : vector<16xf32>
        %swap3A_755 = arith.index_cast %add3A_737 : i32 to index
        %swap3A_756 = arith.constant 16 : index
        %swap3A_757 = tpu.vector_load %arg9[%swap3A_755, %swap3A_756] {strides = array<i32>} : memref<64x320xf32, #tpu.memory_space<vmem>>, vector<16xf32>,
        tpu.vector_store %arg9[%swap3A_755, %swap3A_756], %add3A_754 {strides = array<i32>} : memref<64x320xf32, #tpu.memory_space<vmem>>, vector<16xf32>,
        %get3A_758 = arith.index_cast %add3A_737 : i32 to index
        %get3A_759 = arith.constant 32 : index
        %get3A_760 = tpu.vector_load %arg9[%get3A_758, %get3A_759] {strides = array<i32>} : memref<64x320xf32, #tpu.memory_space<vmem>>, vector<16xf32>,
        %get3A_761 = arith.index_cast %add3A_737 : i32 to index
        %get3A_762 = arith.constant 32 : index
        %get3A_763 = tpu.vector_load %arg10[%get3A_761, %get3A_762] {strides = array<i32>} : memref<64x128xf32, #tpu.memory_space<vmem>>, vector<16xf32>,
        %add3A_764 = arith.addf %get3A_760, %get3A_763 : vector<16xf32>
        %swap3A_765 = arith.index_cast %add3A_737 : i32 to index
        %swap3A_766 = arith.constant 32 : index
        %swap3A_767 = tpu.vector_load %arg9[%swap3A_765, %swap3A_766] {strides = array<i32>} : memref<64x320xf32, #tpu.memory_space<vmem>>, vector<16xf32>,
        tpu.vector_store %arg9[%swap3A_765, %swap3A_766], %add3A_764 {strides = array<i32>} : memref<64x320xf32, #tpu.memory_space<vmem>>, vector<16xf32>,
        %get3A_768 = arith.index_cast %add3A_737 : i32 to index
        %get3A_769 = arith.constant 48 : index
        %get3A_770 = tpu.vector_load %arg9[%get3A_768, %get3A_769] {strides = array<i32>} : memref<64x320xf32, #tpu.memory_space<vmem>>, vector<16xf32>,
        %get3A_771 = arith.index_cast %add3A_737 : i32 to index
        %get3A_772 = arith.constant 48 : index
        %get3A_773 = tpu.vector_load %arg10[%get3A_771, %get3A_772] {strides = array<i32>} : memref<64x128xf32, #tpu.memory_space<vmem>>, vector<16xf32>,
        %add3A_774 = arith.addf %get3A_770, %get3A_773 : vector<16xf32>
        %swap3A_775 = arith.index_cast %add3A_737 : i32 to index
        %swap3A_776 = arith.constant 48 : index
        %swap3A_777 = tpu.vector_load %arg9[%swap3A_775, %swap3A_776] {strides = array<i32>} : memref<64x320xf32, #tpu.memory_space<vmem>>, vector<16xf32>,
        tpu.vector_store %arg9[%swap3A_775, %swap3A_776], %add3A_774 {strides = array<i32>} : memref<64x320xf32, #tpu.memory_space<vmem>>, vector<16xf32>,
        %get3A_778 = arith.index_cast %add3A_737 : i32 to index
        %get3A_779 = arith.constant 64 : index
        %get3A_780 = tpu.vector_load %arg9[%get3A_778, %get3A_779] {strides = array<i32>} : memref<64x320xf32, #tpu.memory_space<vmem>>, vector<16xf32>,
        %get3A_781 = arith.index_cast %add3A_737 : i32 to index
        %get3A_782 = arith.constant 64 : index
        %get3A_783 = tpu.vector_load %arg10[%get3A_781, %get3A_782] {strides = array<i32>} : memref<64x128xf32, #tpu.memory_space<vmem>>, vector<16xf32>,
        %add3A_784 = arith.addf %get3A_780, %get3A_783 : vector<16xf32>
        %swap3A_785 = arith.index_cast %add3A_737 : i32 to index
        %swap3A_786 = arith.constant 64 : index
        %swap3A_787 = tpu.vector_load %arg9[%swap3A_785, %swap3A_786] {strides = array<i32>} : memref<64x320xf32, #tpu.memory_space<vmem>>, vector<16xf32>,
        tpu.vector_store %arg9[%swap3A_785, %swap3A_786], %add3A_784 {strides = array<i32>} : memref<64x320xf32, #tpu.memory_space<vmem>>, vector<16xf32>,
        %get3A_788 = arith.index_cast %add3A_737 : i32 to index
        %get3A_789 = arith.constant 80 : index
        %get3A_790 = tpu.vector_load %arg9[%get3A_788, %get3A_789] {strides = array<i32>} : memref<64x320xf32, #tpu.memory_space<vmem>>, vector<16xf32>,
        %get3A_791 = arith.index_cast %add3A_737 : i32 to index
        %get3A_792 = arith.constant 80 : index
        %get3A_793 = tpu.vector_load %arg10[%get3A_791, %get3A_792] {strides = array<i32>} : memref<64x128xf32, #tpu.memory_space<vmem>>, vector<16xf32>,
        %add3A_794 = arith.addf %get3A_790, %get3A_793 : vector<16xf32>
        %swap3A_795 = arith.index_cast %add3A_737 : i32 to index
        %swap3A_796 = arith.constant 80 : index
        %swap3A_797 = tpu.vector_load %arg9[%swap3A_795, %swap3A_796] {strides = array<i32>} : memref<64x320xf32, #tpu.memory_space<vmem>>, vector<16xf32>,
        tpu.vector_store %arg9[%swap3A_795, %swap3A_796], %add3A_794 {strides = array<i32>} : memref<64x320xf32, #tpu.memory_space<vmem>>, vector<16xf32>,
        %get3A_798 = arith.index_cast %add3A_737 : i32 to index
        %get3A_799 = arith.constant 96 : index
        %get3A_800 = tpu.vector_load %arg9[%get3A_798, %get3A_799] {strides = array<i32>} : memref<64x320xf32, #tpu.memory_space<vmem>>, vector<16xf32>,
        %get3A_801 = arith.index_cast %add3A_737 : i32 to index
        %get3A_802 = arith.constant 96 : index
        %get3A_803 = tpu.vector_load %arg10[%get3A_801, %get3A_802] {strides = array<i32>} : memref<64x128xf32, #tpu.memory_space<vmem>>, vector<16xf32>,
        %add3A_804 = arith.addf %get3A_800, %get3A_803 : vector<16xf32>
        %swap3A_805 = arith.index_cast %add3A_737 : i32 to index
        %swap3A_806 = arith.constant 96 : index
        %swap3A_807 = tpu.vector_load %arg9[%swap3A_805, %swap3A_806] {strides = array<i32>} : memref<64x320xf32, #tpu.memory_space<vmem>>, vector<16xf32>,
        tpu.vector_store %arg9[%swap3A_805, %swap3A_806], %add3A_804 {strides = array<i32>} : memref<64x320xf32, #tpu.memory_space<vmem>>, vector<16xf32>,
        %get3A_808 = arith.index_cast %add3A_737 : i32 to index
        %get3A_809 = arith.constant 112 : index
        %get3A_810 = tpu.vector_load %arg9[%get3A_808, %get3A_809] {strides = array<i32>} : memref<64x320xf32, #tpu.memory_space<vmem>>, vector<16xf32>,
        %get3A_811 = arith.index_cast %add3A_737 : i32 to index
        %get3A_812 = arith.constant 112 : index
        %get3A_813 = tpu.vector_load %arg10[%get3A_811, %get3A_812] {strides = array<i32>} : memref<64x128xf32, #tpu.memory_space<vmem>>, vector<16xf32>,
        %add3A_814 = arith.addf %get3A_810, %get3A_813 : vector<16xf32>
        %swap3A_815 = arith.index_cast %add3A_737 : i32 to index
        %swap3A_816 = arith.constant 112 : index
        %swap3A_817 = tpu.vector_load %arg9[%swap3A_815, %swap3A_816] {strides = array<i32>} : memref<64x320xf32, #tpu.memory_space<vmem>>, vector<16xf32>,
        tpu.vector_store %arg9[%swap3A_815, %swap3A_816], %add3A_814 {strides = array<i32>} : memref<64x320xf32, #tpu.memory_space<vmem>>, vector<16xf32>,
        %get3A_818 = arith.index_cast %add3A_737 : i32 to index
        %get3A_819 = arith.constant 0 : index
        %get3A_820 = tpu.vector_load %arg11[%get3A_818, %get3A_819] {strides = array<i32>} : memref<64x128xf32, #tpu.memory_space<vmem>>, vector<16xf32>,
        %swap3A_821 = arith.index_cast %add3A_737 : i32 to index
        %swap3A_822 = arith.constant 192 : index
        %swap3A_823 = tpu.vector_load %arg9[%swap3A_821, %swap3A_822] {strides = array<i32>} : memref<64x320xf32, #tpu.memory_space<vmem>>, vector<16xf32>,
        tpu.vector_store %arg9[%swap3A_821, %swap3A_822], %get3A_820 {strides = array<i32>} : memref<64x320xf32, #tpu.memory_space<vmem>>, vector<16xf32>,
        %get3A_824 = arith.index_cast %add3A_737 : i32 to index
        %get3A_825 = arith.constant 16 : index
        %get3A_826 = tpu.vector_load %arg11[%get3A_824, %get3A_825] {strides = array<i32>} : memref<64x128xf32, #tpu.memory_space<vmem>>, vector<16xf32>,
        %swap3A_827 = arith.index_cast %add3A_737 : i32 to index
        %swap3A_828 = arith.constant 208 : index
        %swap3A_829 = tpu.vector_load %arg9[%swap3A_827, %swap3A_828] {strides = array<i32>} : memref<64x320xf32, #tpu.memory_space<vmem>>, vector<16xf32>,
        tpu.vector_store %arg9[%swap3A_827, %swap3A_828], %get3A_826 {strides = array<i32>} : memref<64x320xf32, #tpu.memory_space<vmem>>, vector<16xf32>,
        %get3A_830 = arith.index_cast %add3A_737 : i32 to index
        %get3A_831 = arith.constant 32 : index
        %get3A_832 = tpu.vector_load %arg11[%get3A_830, %get3A_831] {strides = array<i32>} : memref<64x128xf32, #tpu.memory_space<vmem>>, vector<16xf32>,
        %swap3A_833 = arith.index_cast %add3A_737 : i32 to index
        %swap3A_834 = arith.constant 224 : index
        %swap3A_835 = tpu.vector_load %arg9[%swap3A_833, %swap3A_834] {strides = array<i32>} : memref<64x320xf32, #tpu.memory_space<vmem>>, vector<16xf32>,
        tpu.vector_store %arg9[%swap3A_833, %swap3A_834], %get3A_832 {strides = array<i32>} : memref<64x320xf32, #tpu.memory_space<vmem>>, vector<16xf32>,
        %get3A_836 = arith.index_cast %add3A_737 : i32 to index
        %get3A_837 = arith.constant 48 : index
        %get3A_838 = tpu.vector_load %arg11[%get3A_836, %get3A_837] {strides = array<i32>} : memref<64x128xf32, #tpu.memory_space<vmem>>, vector<16xf32>,
        %swap3A_839 = arith.index_cast %add3A_737 : i32 to index
        %swap3A_840 = arith.constant 240 : index
        %swap3A_841 = tpu.vector_load %arg9[%swap3A_839, %swap3A_840] {strides = array<i32>} : memref<64x320xf32, #tpu.memory_space<vmem>>, vector<16xf32>,
        tpu.vector_store %arg9[%swap3A_839, %swap3A_840], %get3A_838 {strides = array<i32>} : memref<64x320xf32, #tpu.memory_space<vmem>>, vector<16xf32>,
        %get3A_842 = arith.index_cast %add3A_737 : i32 to index
        %get3A_843 = arith.constant 64 : index
        %get3A_844 = tpu.vector_load %arg11[%get3A_842, %get3A_843] {strides = array<i32>} : memref<64x128xf32, #tpu.memory_space<vmem>>, vector<16xf32>,
        %swap3A_845 = arith.index_cast %add3A_737 : i32 to index
        %swap3A_846 = arith.constant 256 : index
        %swap3A_847 = tpu.vector_load %arg9[%swap3A_845, %swap3A_846] {strides = array<i32>} : memref<64x320xf32, #tpu.memory_space<vmem>>, vector<16xf32>,
        tpu.vector_store %arg9[%swap3A_845, %swap3A_846], %get3A_844 {strides = array<i32>} : memref<64x320xf32, #tpu.memory_space<vmem>>, vector<16xf32>,
        %get3A_848 = arith.index_cast %add3A_737 : i32 to index
        %get3A_849 = arith.constant 80 : index
        %get3A_850 = tpu.vector_load %arg11[%get3A_848, %get3A_849] {strides = array<i32>} : memref<64x128xf32, #tpu.memory_space<vmem>>, vector<16xf32>,
        %swap3A_851 = arith.index_cast %add3A_737 : i32 to index
        %swap3A_852 = arith.constant 272 : index
        %swap3A_853 = tpu.vector_load %arg9[%swap3A_851, %swap3A_852] {strides = array<i32>} : memref<64x320xf32, #tpu.memory_space<vmem>>, vector<16xf32>,
        tpu.vector_store %arg9[%swap3A_851, %swap3A_852], %get3A_850 {strides = array<i32>} : memref<64x320xf32, #tpu.memory_space<vmem>>, vector<16xf32>,
        %get3A_854 = arith.index_cast %add3A_737 : i32 to index
        %get3A_855 = arith.constant 96 : index
        %get3A_856 = tpu.vector_load %arg11[%get3A_854, %get3A_855] {strides = array<i32>} : memref<64x128xf32, #tpu.memory_space<vmem>>, vector<16xf32>,
        %swap3A_857 = arith.index_cast %add3A_737 : i32 to index
        %swap3A_858 = arith.constant 288 : index
        %swap3A_859 = tpu.vector_load %arg9[%swap3A_857, %swap3A_858] {strides = array<i32>} : memref<64x320xf32, #tpu.memory_space<vmem>>, vector<16xf32>,
        tpu.vector_store %arg9[%swap3A_857, %swap3A_858], %get3A_856 {strides = array<i32>} : memref<64x320xf32, #tpu.memory_space<vmem>>, vector<16xf32>,
        %get3A_860 = arith.index_cast %add3A_737 : i32 to index
        %get3A_861 = arith.constant 112 : index
        %get3A_862 = tpu.vector_load %arg11[%get3A_860, %get3A_861] {strides = array<i32>} : memref<64x128xf32, #tpu.memory_space<vmem>>, vector<16xf32>,
        %swap3A_863 = arith.index_cast %add3A_737 : i32 to index
        %swap3A_864 = arith.constant 304 : index
        %swap3A_865 = tpu.vector_load %arg9[%swap3A_863, %swap3A_864] {strides = array<i32>} : memref<64x320xf32, #tpu.memory_space<vmem>>, vector<16xf32>,
        tpu.vector_store %arg9[%swap3A_863, %swap3A_864], %get3A_862 {strides = array<i32>} : memref<64x320xf32, #tpu.memory_space<vmem>>, vector<16xf32>,
        %mul3A_866 = arith.constant 8 : i32
        %mul3A_867 = arith.muli %scan3A_339, %mul3A_866 : i32
        %add3A_868 = arith.constant 4 : i32
        %add3A_869 = arith.addi %mul3A_867, %add3A_868 : i32
        %get3A_870 = arith.index_cast %add3A_869 : i32 to index
        %get3A_871 = arith.constant 0 : index
        %get3A_872 = tpu.vector_load %arg9[%get3A_870, %get3A_871] {strides = array<i32>} : memref<64x320xf32, #tpu.memory_space<vmem>>, vector<16xf32>,
        %get3A_873 = arith.index_cast %add3A_869 : i32 to index
        %get3A_874 = arith.constant 0 : index
        %get3A_875 = tpu.vector_load %arg10[%get3A_873, %get3A_874] {strides = array<i32>} : memref<64x128xf32, #tpu.memory_space<vmem>>, vector<16xf32>,
        %add3A_876 = arith.addf %get3A_872, %get3A_875 : vector<16xf32>
        %swap3A_877 = arith.index_cast %add3A_869 : i32 to index
        %swap3A_878 = arith.constant 0 : index
        %swap3A_879 = tpu.vector_load %arg9[%swap3A_877, %swap3A_878] {strides = array<i32>} : memref<64x320xf32, #tpu.memory_space<vmem>>, vector<16xf32>,
        tpu.vector_store %arg9[%swap3A_877, %swap3A_878], %add3A_876 {strides = array<i32>} : memref<64x320xf32, #tpu.memory_space<vmem>>, vector<16xf32>,
        %get3A_880 = arith.index_cast %add3A_869 : i32 to index
        %get3A_881 = arith.constant 16 : index
        %get3A_882 = tpu.vector_load %arg9[%get3A_880, %get3A_881] {strides = array<i32>} : memref<64x320xf32, #tpu.memory_space<vmem>>, vector<16xf32>,
        %get3A_883 = arith.index_cast %add3A_869 : i32 to index
        %get3A_884 = arith.constant 16 : index
        %get3A_885 = tpu.vector_load %arg10[%get3A_883, %get3A_884] {strides = array<i32>} : memref<64x128xf32, #tpu.memory_space<vmem>>, vector<16xf32>,
        %add3A_886 = arith.addf %get3A_882, %get3A_885 : vector<16xf32>
        %swap3A_887 = arith.index_cast %add3A_869 : i32 to index
        %swap3A_888 = arith.constant 16 : index
        %swap3A_889 = tpu.vector_load %arg9[%swap3A_887, %swap3A_888] {strides = array<i32>} : memref<64x320xf32, #tpu.memory_space<vmem>>, vector<16xf32>,
        tpu.vector_store %arg9[%swap3A_887, %swap3A_888], %add3A_886 {strides = array<i32>} : memref<64x320xf32, #tpu.memory_space<vmem>>, vector<16xf32>,
        %get3A_890 = arith.index_cast %add3A_869 : i32 to index
        %get3A_891 = arith.constant 32 : index
        %get3A_892 = tpu.vector_load %arg9[%get3A_890, %get3A_891] {strides = array<i32>} : memref<64x320xf32, #tpu.memory_space<vmem>>, vector<16xf32>,
        %get3A_893 = arith.index_cast %add3A_869 : i32 to index
        %get3A_894 = arith.constant 32 : index
        %get3A_895 = tpu.vector_load %arg10[%get3A_893, %get3A_894] {strides = array<i32>} : memref<64x128xf32, #tpu.memory_space<vmem>>, vector<16xf32>,
        %add3A_896 = arith.addf %get3A_892, %get3A_895 : vector<16xf32>
        %swap3A_897 = arith.index_cast %add3A_869 : i32 to index
        %swap3A_898 = arith.constant 32 : index
        %swap3A_899 = tpu.vector_load %arg9[%swap3A_897, %swap3A_898] {strides = array<i32>} : memref<64x320xf32, #tpu.memory_space<vmem>>, vector<16xf32>,
        tpu.vector_store %arg9[%swap3A_897, %swap3A_898], %add3A_896 {strides = array<i32>} : memref<64x320xf32, #tpu.memory_space<vmem>>, vector<16xf32>,
        %get3A_900 = arith.index_cast %add3A_869 : i32 to index
        %get3A_901 = arith.constant 48 : index
        %get3A_902 = tpu.vector_load %arg9[%get3A_900, %get3A_901] {strides = array<i32>} : memref<64x320xf32, #tpu.memory_space<vmem>>, vector<16xf32>,
        %get3A_903 = arith.index_cast %add3A_869 : i32 to index
        %get3A_904 = arith.constant 48 : index
        %get3A_905 = tpu.vector_load %arg10[%get3A_903, %get3A_904] {strides = array<i32>} : memref<64x128xf32, #tpu.memory_space<vmem>>, vector<16xf32>,
        %add3A_906 = arith.addf %get3A_902, %get3A_905 : vector<16xf32>
        %swap3A_907 = arith.index_cast %add3A_869 : i32 to index
        %swap3A_908 = arith.constant 48 : index
        %swap3A_909 = tpu.vector_load %arg9[%swap3A_907, %swap3A_908] {strides = array<i32>} : memref<64x320xf32, #tpu.memory_space<vmem>>, vector<16xf32>,
        tpu.vector_store %arg9[%swap3A_907, %swap3A_908], %add3A_906 {strides = array<i32>} : memref<64x320xf32, #tpu.memory_space<vmem>>, vector<16xf32>,
        %get3A_910 = arith.index_cast %add3A_869 : i32 to index
        %get3A_911 = arith.constant 64 : index
        %get3A_912 = tpu.vector_load %arg9[%get3A_910, %get3A_911] {strides = array<i32>} : memref<64x320xf32, #tpu.memory_space<vmem>>, vector<16xf32>,
        %get3A_913 = arith.index_cast %add3A_869 : i32 to index
        %get3A_914 = arith.constant 64 : index
        %get3A_915 = tpu.vector_load %arg10[%get3A_913, %get3A_914] {strides = array<i32>} : memref<64x128xf32, #tpu.memory_space<vmem>>, vector<16xf32>,
        %add3A_916 = arith.addf %get3A_912, %get3A_915 : vector<16xf32>
        %swap3A_917 = arith.index_cast %add3A_869 : i32 to index
        %swap3A_918 = arith.constant 64 : index
        %swap3A_919 = tpu.vector_load %arg9[%swap3A_917, %swap3A_918] {strides = array<i32>} : memref<64x320xf32, #tpu.memory_space<vmem>>, vector<16xf32>,
        tpu.vector_store %arg9[%swap3A_917, %swap3A_918], %add3A_916 {strides = array<i32>} : memref<64x320xf32, #tpu.memory_space<vmem>>, vector<16xf32>,
        %get3A_920 = arith.index_cast %add3A_869 : i32 to index
        %get3A_921 = arith.constant 80 : index
        %get3A_922 = tpu.vector_load %arg9[%get3A_920, %get3A_921] {strides = array<i32>} : memref<64x320xf32, #tpu.memory_space<vmem>>, vector<16xf32>,
        %get3A_923 = arith.index_cast %add3A_869 : i32 to index
        %get3A_924 = arith.constant 80 : index
        %get3A_925 = tpu.vector_load %arg10[%get3A_923, %get3A_924] {strides = array<i32>} : memref<64x128xf32, #tpu.memory_space<vmem>>, vector<16xf32>,
        %add3A_926 = arith.addf %get3A_922, %get3A_925 : vector<16xf32>
        %swap3A_927 = arith.index_cast %add3A_869 : i32 to index
        %swap3A_928 = arith.constant 80 : index
        %swap3A_929 = tpu.vector_load %arg9[%swap3A_927, %swap3A_928] {strides = array<i32>} : memref<64x320xf32, #tpu.memory_space<vmem>>, vector<16xf32>,
        tpu.vector_store %arg9[%swap3A_927, %swap3A_928], %add3A_926 {strides = array<i32>} : memref<64x320xf32, #tpu.memory_space<vmem>>, vector<16xf32>,
        %get3A_930 = arith.index_cast %add3A_869 : i32 to index
        %get3A_931 = arith.constant 96 : index
        %get3A_932 = tpu.vector_load %arg9[%get3A_930, %get3A_931] {strides = array<i32>} : memref<64x320xf32, #tpu.memory_space<vmem>>, vector<16xf32>,
        %get3A_933 = arith.index_cast %add3A_869 : i32 to index
        %get3A_934 = arith.constant 96 : index
        %get3A_935 = tpu.vector_load %arg10[%get3A_933, %get3A_934] {strides = array<i32>} : memref<64x128xf32, #tpu.memory_space<vmem>>, vector<16xf32>,
        %add3A_936 = arith.addf %get3A_932, %get3A_935 : vector<16xf32>
        %swap3A_937 = arith.index_cast %add3A_869 : i32 to index
        %swap3A_938 = arith.constant 96 : index
        %swap3A_939 = tpu.vector_load %arg9[%swap3A_937, %swap3A_938] {strides = array<i32>} : memref<64x320xf32, #tpu.memory_space<vmem>>, vector<16xf32>,
        tpu.vector_store %arg9[%swap3A_937, %swap3A_938], %add3A_936 {strides = array<i32>} : memref<64x320xf32, #tpu.memory_space<vmem>>, vector<16xf32>,
        %get3A_940 = arith.index_cast %add3A_869 : i32 to index
        %get3A_941 = arith.constant 112 : index
        %get3A_942 = tpu.vector_load %arg9[%get3A_940, %get3A_941] {strides = array<i32>} : memref<64x320xf32, #tpu.memory_space<vmem>>, vector<16xf32>,
        %get3A_943 = arith.index_cast %add3A_869 : i32 to index
        %get3A_944 = arith.constant 112 : index
        %get3A_945 = tpu.vector_load %arg10[%get3A_943, %get3A_944] {strides = array<i32>} : memref<64x128xf32, #tpu.memory_space<vmem>>, vector<16xf32>,
        %add3A_946 = arith.addf %get3A_942, %get3A_945 : vector<16xf32>
        %swap3A_947 = arith.index_cast %add3A_869 : i32 to index
        %swap3A_948 = arith.constant 112 : index
        %swap3A_949 = tpu.vector_load %arg9[%swap3A_947, %swap3A_948] {strides = array<i32>} : memref<64x320xf32, #tpu.memory_space<vmem>>, vector<16xf32>,
        tpu.vector_store %arg9[%swap3A_947, %swap3A_948], %add3A_946 {strides = array<i32>} : memref<64x320xf32, #tpu.memory_space<vmem>>, vector<16xf32>,
        %get3A_950 = arith.index_cast %add3A_869 : i32 to index
        %get3A_951 = arith.constant 0 : index
        %get3A_952 = tpu.vector_load %arg11[%get3A_950, %get3A_951] {strides = array<i32>} : memref<64x128xf32, #tpu.memory_space<vmem>>, vector<16xf32>,
        %swap3A_953 = arith.index_cast %add3A_869 : i32 to index
        %swap3A_954 = arith.constant 192 : index
        %swap3A_955 = tpu.vector_load %arg9[%swap3A_953, %swap3A_954] {strides = array<i32>} : memref<64x320xf32, #tpu.memory_space<vmem>>, vector<16xf32>,
        tpu.vector_store %arg9[%swap3A_953, %swap3A_954], %get3A_952 {strides = array<i32>} : memref<64x320xf32, #tpu.memory_space<vmem>>, vector<16xf32>,
        %get3A_956 = arith.index_cast %add3A_869 : i32 to index
        %get3A_957 = arith.constant 16 : index
        %get3A_958 = tpu.vector_load %arg11[%get3A_956, %get3A_957] {strides = array<i32>} : memref<64x128xf32, #tpu.memory_space<vmem>>, vector<16xf32>,
        %swap3A_959 = arith.index_cast %add3A_869 : i32 to index
        %swap3A_960 = arith.constant 208 : index
        %swap3A_961 = tpu.vector_load %arg9[%swap3A_959, %swap3A_960] {strides = array<i32>} : memref<64x320xf32, #tpu.memory_space<vmem>>, vector<16xf32>,
        tpu.vector_store %arg9[%swap3A_959, %swap3A_960], %get3A_958 {strides = array<i32>} : memref<64x320xf32, #tpu.memory_space<vmem>>, vector<16xf32>,
        %get3A_962 = arith.index_cast %add3A_869 : i32 to index
        %get3A_963 = arith.constant 32 : index
        %get3A_964 = tpu.vector_load %arg11[%get3A_962, %get3A_963] {strides = array<i32>} : memref<64x128xf32, #tpu.memory_space<vmem>>, vector<16xf32>,
        %swap3A_965 = arith.index_cast %add3A_869 : i32 to index
        %swap3A_966 = arith.constant 224 : index
        %swap3A_967 = tpu.vector_load %arg9[%swap3A_965, %swap3A_966] {strides = array<i32>} : memref<64x320xf32, #tpu.memory_space<vmem>>, vector<16xf32>,
        tpu.vector_store %arg9[%swap3A_965, %swap3A_966], %get3A_964 {strides = array<i32>} : memref<64x320xf32, #tpu.memory_space<vmem>>, vector<16xf32>,
        %get3A_968 = arith.index_cast %add3A_869 : i32 to index
        %get3A_969 = arith.constant 48 : index
        %get3A_970 = tpu.vector_load %arg11[%get3A_968, %get3A_969] {strides = array<i32>} : memref<64x128xf32, #tpu.memory_space<vmem>>, vector<16xf32>,
        %swap3A_971 = arith.index_cast %add3A_869 : i32 to index
        %swap3A_972 = arith.constant 240 : index
        %swap3A_973 = tpu.vector_load %arg9[%swap3A_971, %swap3A_972] {strides = array<i32>} : memref<64x320xf32, #tpu.memory_space<vmem>>, vector<16xf32>,
        tpu.vector_store %arg9[%swap3A_971, %swap3A_972], %get3A_970 {strides = array<i32>} : memref<64x320xf32, #tpu.memory_space<vmem>>, vector<16xf32>,
        %get3A_974 = arith.index_cast %add3A_869 : i32 to index
        %get3A_975 = arith.constant 64 : index
        %get3A_976 = tpu.vector_load %arg11[%get3A_974, %get3A_975] {strides = array<i32>} : memref<64x128xf32, #tpu.memory_space<vmem>>, vector<16xf32>,
        %swap3A_977 = arith.index_cast %add3A_869 : i32 to index
        %swap3A_978 = arith.constant 256 : index
        %swap3A_979 = tpu.vector_load %arg9[%swap3A_977, %swap3A_978] {strides = array<i32>} : memref<64x320xf32, #tpu.memory_space<vmem>>, vector<16xf32>,
        tpu.vector_store %arg9[%swap3A_977, %swap3A_978], %get3A_976 {strides = array<i32>} : memref<64x320xf32, #tpu.memory_space<vmem>>, vector<16xf32>,
        %get3A_980 = arith.index_cast %add3A_869 : i32 to index
        %get3A_981 = arith.constant 80 : index
        %get3A_982 = tpu.vector_load %arg11[%get3A_980, %get3A_981] {strides = array<i32>} : memref<64x128xf32, #tpu.memory_space<vmem>>, vector<16xf32>,
        %swap3A_983 = arith.index_cast %add3A_869 : i32 to index
        %swap3A_984 = arith.constant 272 : index
        %swap3A_985 = tpu.vector_load %arg9[%swap3A_983, %swap3A_984] {strides = array<i32>} : memref<64x320xf32, #tpu.memory_space<vmem>>, vector<16xf32>,
        tpu.vector_store %arg9[%swap3A_983, %swap3A_984], %get3A_982 {strides = array<i32>} : memref<64x320xf32, #tpu.memory_space<vmem>>, vector<16xf32>,
        %get3A_986 = arith.index_cast %add3A_869 : i32 to index
        %get3A_987 = arith.constant 96 : index
        %get3A_988 = tpu.vector_load %arg11[%get3A_986, %get3A_987] {strides = array<i32>} : memref<64x128xf32, #tpu.memory_space<vmem>>, vector<16xf32>,
        %swap3A_989 = arith.index_cast %add3A_869 : i32 to index
        %swap3A_990 = arith.constant 288 : index
        %swap3A_991 = tpu.vector_load %arg9[%swap3A_989, %swap3A_990] {strides = array<i32>} : memref<64x320xf32, #tpu.memory_space<vmem>>, vector<16xf32>,
        tpu.vector_store %arg9[%swap3A_989, %swap3A_990], %get3A_988 {strides = array<i32>} : memref<64x320xf32, #tpu.memory_space<vmem>>, vector<16xf32>,
        %get3A_992 = arith.index_cast %add3A_869 : i32 to index
        %get3A_993 = arith.constant 112 : index
        %get3A_994 = tpu.vector_load %arg11[%get3A_992, %get3A_993] {strides = array<i32>} : memref<64x128xf32, #tpu.memory_space<vmem>>, vector<16xf32>,
        %swap3A_995 = arith.index_cast %add3A_869 : i32 to index
        %swap3A_996 = arith.constant 304 : index
        %swap3A_997 = tpu.vector_load %arg9[%swap3A_995, %swap3A_996] {strides = array<i32>} : memref<64x320xf32, #tpu.memory_space<vmem>>, vector<16xf32>,
        tpu.vector_store %arg9[%swap3A_995, %swap3A_996], %get3A_994 {strides = array<i32>} : memref<64x320xf32, #tpu.memory_space<vmem>>, vector<16xf32>,
        %mul3A_998 = arith.constant 8 : i32
        %mul3A_999 = arith.muli %scan3A_339, %mul3A_998 : i32
        %add3A_1000 = arith.constant 5 : i32
        %add3A_1001 = arith.addi %mul3A_999, %add3A_1000 : i32
        %get3A_1002 = arith.index_cast %add3A_1001 : i32 to index
        %get3A_1003 = arith.constant 0 : index
        %get3A_1004 = tpu.vector_load %arg9[%get3A_1002, %get3A_1003] {strides = array<i32>} : memref<64x320xf32, #tpu.memory_space<vmem>>, vector<16xf32>,
        %get3A_1005 = arith.index_cast %add3A_1001 : i32 to index
        %get3A_1006 = arith.constant 0 : index
        %get3A_1007 = tpu.vector_load %arg10[%get3A_1005, %get3A_1006] {strides = array<i32>} : memref<64x128xf32, #tpu.memory_space<vmem>>, vector<16xf32>,
        %add3A_1008 = arith.addf %get3A_1004, %get3A_1007 : vector<16xf32>
        %swap3A_1009 = arith.index_cast %add3A_1001 : i32 to index
        %swap3A_1010 = arith.constant 0 : index
        %swap3A_1011 = tpu.vector_load %arg9[%swap3A_1009, %swap3A_1010] {strides = array<i32>} : memref<64x320xf32, #tpu.memory_space<vmem>>, vector<16xf32>,
        tpu.vector_store %arg9[%swap3A_1009, %swap3A_1010], %add3A_1008 {strides = array<i32>} : memref<64x320xf32, #tpu.memory_space<vmem>>, vector<16xf32>,
        %get3A_1012 = arith.index_cast %add3A_1001 : i32 to index
        %get3A_1013 = arith.constant 16 : index
        %get3A_1014 = tpu.vector_load %arg9[%get3A_1012, %get3A_1013] {strides = array<i32>} : memref<64x320xf32, #tpu.memory_space<vmem>>, vector<16xf32>,
        %get3A_1015 = arith.index_cast %add3A_1001 : i32 to index
        %get3A_1016 = arith.constant 16 : index
        %get3A_1017 = tpu.vector_load %arg10[%get3A_1015, %get3A_1016] {strides = array<i32>} : memref<64x128xf32, #tpu.memory_space<vmem>>, vector<16xf32>,
        %add3A_1018 = arith.addf %get3A_1014, %get3A_1017 : vector<16xf32>
        %swap3A_1019 = arith.index_cast %add3A_1001 : i32 to index
        %swap3A_1020 = arith.constant 16 : index
        %swap3A_1021 = tpu.vector_load %arg9[%swap3A_1019, %swap3A_1020] {strides = array<i32>} : memref<64x320xf32, #tpu.memory_space<vmem>>, vector<16xf32>,
        tpu.vector_store %arg9[%swap3A_1019, %swap3A_1020], %add3A_1018 {strides = array<i32>} : memref<64x320xf32, #tpu.memory_space<vmem>>, vector<16xf32>,
        %get3A_1022 = arith.index_cast %add3A_1001 : i32 to index
        %get3A_1023 = arith.constant 32 : index
        %get3A_1024 = tpu.vector_load %arg9[%get3A_1022, %get3A_1023] {strides = array<i32>} : memref<64x320xf32, #tpu.memory_space<vmem>>, vector<16xf32>,
        %get3A_1025 = arith.index_cast %add3A_1001 : i32 to index
        %get3A_1026 = arith.constant 32 : index
        %get3A_1027 = tpu.vector_load %arg10[%get3A_1025, %get3A_1026] {strides = array<i32>} : memref<64x128xf32, #tpu.memory_space<vmem>>, vector<16xf32>,
        %add3A_1028 = arith.addf %get3A_1024, %get3A_1027 : vector<16xf32>
        %swap3A_1029 = arith.index_cast %add3A_1001 : i32 to index
        %swap3A_1030 = arith.constant 32 : index
        %swap3A_1031 = tpu.vector_load %arg9[%swap3A_1029, %swap3A_1030] {strides = array<i32>} : memref<64x320xf32, #tpu.memory_space<vmem>>, vector<16xf32>,
        tpu.vector_store %arg9[%swap3A_1029, %swap3A_1030], %add3A_1028 {strides = array<i32>} : memref<64x320xf32, #tpu.memory_space<vmem>>, vector<16xf32>,
        %get3A_1032 = arith.index_cast %add3A_1001 : i32 to index
        %get3A_1033 = arith.constant 48 : index
        %get3A_1034 = tpu.vector_load %arg9[%get3A_1032, %get3A_1033] {strides = array<i32>} : memref<64x320xf32, #tpu.memory_space<vmem>>, vector<16xf32>,
        %get3A_1035 = arith.index_cast %add3A_1001 : i32 to index
        %get3A_1036 = arith.constant 48 : index
        %get3A_1037 = tpu.vector_load %arg10[%get3A_1035, %get3A_1036] {strides = array<i32>} : memref<64x128xf32, #tpu.memory_space<vmem>>, vector<16xf32>,
        %add3A_1038 = arith.addf %get3A_1034, %get3A_1037 : vector<16xf32>
        %swap3A_1039 = arith.index_cast %add3A_1001 : i32 to index
        %swap3A_1040 = arith.constant 48 : index
        %swap3A_1041 = tpu.vector_load %arg9[%swap3A_1039, %swap3A_1040] {strides = array<i32>} : memref<64x320xf32, #tpu.memory_space<vmem>>, vector<16xf32>,
        tpu.vector_store %arg9[%swap3A_1039, %swap3A_1040], %add3A_1038 {strides = array<i32>} : memref<64x320xf32, #tpu.memory_space<vmem>>, vector<16xf32>,
        %get3A_1042 = arith.index_cast %add3A_1001 : i32 to index
        %get3A_1043 = arith.constant 64 : index
        %get3A_1044 = tpu.vector_load %arg9[%get3A_1042, %get3A_1043] {strides = array<i32>} : memref<64x320xf32, #tpu.memory_space<vmem>>, vector<16xf32>,
        %get3A_1045 = arith.index_cast %add3A_1001 : i32 to index
        %get3A_1046 = arith.constant 64 : index
        %get3A_1047 = tpu.vector_load %arg10[%get3A_1045, %get3A_1046] {strides = array<i32>} : memref<64x128xf32, #tpu.memory_space<vmem>>, vector<16xf32>,
        %add3A_1048 = arith.addf %get3A_1044, %get3A_1047 : vector<16xf32>
        %swap3A_1049 = arith.index_cast %add3A_1001 : i32 to index
        %swap3A_1050 = arith.constant 64 : index
        %swap3A_1051 = tpu.vector_load %arg9[%swap3A_1049, %swap3A_1050] {strides = array<i32>} : memref<64x320xf32, #tpu.memory_space<vmem>>, vector<16xf32>,
        tpu.vector_store %arg9[%swap3A_1049, %swap3A_1050], %add3A_1048 {strides = array<i32>} : memref<64x320xf32, #tpu.memory_space<vmem>>, vector<16xf32>,
        %get3A_1052 = arith.index_cast %add3A_1001 : i32 to index
        %get3A_1053 = arith.constant 80 : index
        %get3A_1054 = tpu.vector_load %arg9[%get3A_1052, %get3A_1053] {strides = array<i32>} : memref<64x320xf32, #tpu.memory_space<vmem>>, vector<16xf32>,
        %get3A_1055 = arith.index_cast %add3A_1001 : i32 to index
        %get3A_1056 = arith.constant 80 : index
        %get3A_1057 = tpu.vector_load %arg10[%get3A_1055, %get3A_1056] {strides = array<i32>} : memref<64x128xf32, #tpu.memory_space<vmem>>, vector<16xf32>,
        %add3A_1058 = arith.addf %get3A_1054, %get3A_1057 : vector<16xf32>
        %swap3A_1059 = arith.index_cast %add3A_1001 : i32 to index
        %swap3A_1060 = arith.constant 80 : index
        %swap3A_1061 = tpu.vector_load %arg9[%swap3A_1059, %swap3A_1060] {strides = array<i32>} : memref<64x320xf32, #tpu.memory_space<vmem>>, vector<16xf32>,
        tpu.vector_store %arg9[%swap3A_1059, %swap3A_1060], %add3A_1058 {strides = array<i32>} : memref<64x320xf32, #tpu.memory_space<vmem>>, vector<16xf32>,
        %get3A_1062 = arith.index_cast %add3A_1001 : i32 to index
        %get3A_1063 = arith.constant 96 : index
        %get3A_1064 = tpu.vector_load %arg9[%get3A_1062, %get3A_1063] {strides = array<i32>} : memref<64x320xf32, #tpu.memory_space<vmem>>, vector<16xf32>,
        %get3A_1065 = arith.index_cast %add3A_1001 : i32 to index
        %get3A_1066 = arith.constant 96 : index
        %get3A_1067 = tpu.vector_load %arg10[%get3A_1065, %get3A_1066] {strides = array<i32>} : memref<64x128xf32, #tpu.memory_space<vmem>>, vector<16xf32>,
        %add3A_1068 = arith.addf %get3A_1064, %get3A_1067 : vector<16xf32>
        %swap3A_1069 = arith.index_cast %add3A_1001 : i32 to index
        %swap3A_1070 = arith.constant 96 : index
        %swap3A_1071 = tpu.vector_load %arg9[%swap3A_1069, %swap3A_1070] {strides = array<i32>} : memref<64x320xf32, #tpu.memory_space<vmem>>, vector<16xf32>,
        tpu.vector_store %arg9[%swap3A_1069, %swap3A_1070], %add3A_1068 {strides = array<i32>} : memref<64x320xf32, #tpu.memory_space<vmem>>, vector<16xf32>,
        %get3A_1072 = arith.index_cast %add3A_1001 : i32 to index
        %get3A_1073 = arith.constant 112 : index
        %get3A_1074 = tpu.vector_load %arg9[%get3A_1072, %get3A_1073] {strides = array<i32>} : memref<64x320xf32, #tpu.memory_space<vmem>>, vector<16xf32>,
        %get3A_1075 = arith.index_cast %add3A_1001 : i32 to index
        %get3A_1076 = arith.constant 112 : index
        %get3A_1077 = tpu.vector_load %arg10[%get3A_1075, %get3A_1076] {strides = array<i32>} : memref<64x128xf32, #tpu.memory_space<vmem>>, vector<16xf32>,
        %add3A_1078 = arith.addf %get3A_1074, %get3A_1077 : vector<16xf32>
        %swap3A_1079 = arith.index_cast %add3A_1001 : i32 to index
        %swap3A_1080 = arith.constant 112 : index
        %swap3A_1081 = tpu.vector_load %arg9[%swap3A_1079, %swap3A_1080] {strides = array<i32>} : memref<64x320xf32, #tpu.memory_space<vmem>>, vector<16xf32>,
        tpu.vector_store %arg9[%swap3A_1079, %swap3A_1080], %add3A_1078 {strides = array<i32>} : memref<64x320xf32, #tpu.memory_space<vmem>>, vector<16xf32>,
        %get3A_1082 = arith.index_cast %add3A_1001 : i32 to index
        %get3A_1083 = arith.constant 0 : index
        %get3A_1084 = tpu.vector_load %arg11[%get3A_1082, %get3A_1083] {strides = array<i32>} : memref<64x128xf32, #tpu.memory_space<vmem>>, vector<16xf32>,
        %swap3A_1085 = arith.index_cast %add3A_1001 : i32 to index
        %swap3A_1086 = arith.constant 192 : index
        %swap3A_1087 = tpu.vector_load %arg9[%swap3A_1085, %swap3A_1086] {strides = array<i32>} : memref<64x320xf32, #tpu.memory_space<vmem>>, vector<16xf32>,
        tpu.vector_store %arg9[%swap3A_1085, %swap3A_1086], %get3A_1084 {strides = array<i32>} : memref<64x320xf32, #tpu.memory_space<vmem>>, vector<16xf32>,
        %get3A_1088 = arith.index_cast %add3A_1001 : i32 to index
        %get3A_1089 = arith.constant 16 : index
        %get3A_1090 = tpu.vector_load %arg11[%get3A_1088, %get3A_1089] {strides = array<i32>} : memref<64x128xf32, #tpu.memory_space<vmem>>, vector<16xf32>,
        %swap3A_1091 = arith.index_cast %add3A_1001 : i32 to index
        %swap3A_1092 = arith.constant 208 : index
        %swap3A_1093 = tpu.vector_load %arg9[%swap3A_1091, %swap3A_1092] {strides = array<i32>} : memref<64x320xf32, #tpu.memory_space<vmem>>, vector<16xf32>,
        tpu.vector_store %arg9[%swap3A_1091, %swap3A_1092], %get3A_1090 {strides = array<i32>} : memref<64x320xf32, #tpu.memory_space<vmem>>, vector<16xf32>,
        %get3A_1094 = arith.index_cast %add3A_1001 : i32 to index
        %get3A_1095 = arith.constant 32 : index
        %get3A_1096 = tpu.vector_load %arg11[%get3A_1094, %get3A_1095] {strides = array<i32>} : memref<64x128xf32, #tpu.memory_space<vmem>>, vector<16xf32>,
        %swap3A_1097 = arith.index_cast %add3A_1001 : i32 to index
        %swap3A_1098 = arith.constant 224 : index
        %swap3A_1099 = tpu.vector_load %arg9[%swap3A_1097, %swap3A_1098] {strides = array<i32>} : memref<64x320xf32, #tpu.memory_space<vmem>>, vector<16xf32>,
        tpu.vector_store %arg9[%swap3A_1097, %swap3A_1098], %get3A_1096 {strides = array<i32>} : memref<64x320xf32, #tpu.memory_space<vmem>>, vector<16xf32>,
        %get3A_1100 = arith.index_cast %add3A_1001 : i32 to index
        %get3A_1101 = arith.constant 48 : index
        %get3A_1102 = tpu.vector_load %arg11[%get3A_1100, %get3A_1101] {strides = array<i32>} : memref<64x128xf32, #tpu.memory_space<vmem>>, vector<16xf32>,
        %swap3A_1103 = arith.index_cast %add3A_1001 : i32 to index
        %swap3A_1104 = arith.constant 240 : index
        %swap3A_1105 = tpu.vector_load %arg9[%swap3A_1103, %swap3A_1104] {strides = array<i32>} : memref<64x320xf32, #tpu.memory_space<vmem>>, vector<16xf32>,
        tpu.vector_store %arg9[%swap3A_1103, %swap3A_1104], %get3A_1102 {strides = array<i32>} : memref<64x320xf32, #tpu.memory_space<vmem>>, vector<16xf32>,
        %get3A_1106 = arith.index_cast %add3A_1001 : i32 to index
        %get3A_1107 = arith.constant 64 : index
        %get3A_1108 = tpu.vector_load %arg11[%get3A_1106, %get3A_1107] {strides = array<i32>} : memref<64x128xf32, #tpu.memory_space<vmem>>, vector<16xf32>,
        %swap3A_1109 = arith.index_cast %add3A_1001 : i32 to index
        %swap3A_1110 = arith.constant 256 : index
        %swap3A_1111 = tpu.vector_load %arg9[%swap3A_1109, %swap3A_1110] {strides = array<i32>} : memref<64x320xf32, #tpu.memory_space<vmem>>, vector<16xf32>,
        tpu.vector_store %arg9[%swap3A_1109, %swap3A_1110], %get3A_1108 {strides = array<i32>} : memref<64x320xf32, #tpu.memory_space<vmem>>, vector<16xf32>,
        %get3A_1112 = arith.index_cast %add3A_1001 : i32 to index
        %get3A_1113 = arith.constant 80 : index
        %get3A_1114 = tpu.vector_load %arg11[%get3A_1112, %get3A_1113] {strides = array<i32>} : memref<64x128xf32, #tpu.memory_space<vmem>>, vector<16xf32>,
        %swap3A_1115 = arith.index_cast %add3A_1001 : i32 to index
        %swap3A_1116 = arith.constant 272 : index
        %swap3A_1117 = tpu.vector_load %arg9[%swap3A_1115, %swap3A_1116] {strides = array<i32>} : memref<64x320xf32, #tpu.memory_space<vmem>>, vector<16xf32>,
        tpu.vector_store %arg9[%swap3A_1115, %swap3A_1116], %get3A_1114 {strides = array<i32>} : memref<64x320xf32, #tpu.memory_space<vmem>>, vector<16xf32>,
        %get3A_1118 = arith.index_cast %add3A_1001 : i32 to index
        %get3A_1119 = arith.constant 96 : index
        %get3A_1120 = tpu.vector_load %arg11[%get3A_1118, %get3A_1119] {strides = array<i32>} : memref<64x128xf32, #tpu.memory_space<vmem>>, vector<16xf32>,
        %swap3A_1121 = arith.index_cast %add3A_1001 : i32 to index
        %swap3A_1122 = arith.constant 288 : index
        %swap3A_1123 = tpu.vector_load %arg9[%swap3A_1121, %swap3A_1122] {strides = array<i32>} : memref<64x320xf32, #tpu.memory_space<vmem>>, vector<16xf32>,
        tpu.vector_store %arg9[%swap3A_1121, %swap3A_1122], %get3A_1120 {strides = array<i32>} : memref<64x320xf32, #tpu.memory_space<vmem>>, vector<16xf32>,
        %get3A_1124 = arith.index_cast %add3A_1001 : i32 to index
        %get3A_1125 = arith.constant 112 : index
        %get3A_1126 = tpu.vector_load %arg11[%get3A_1124, %get3A_1125] {strides = array<i32>} : memref<64x128xf32, #tpu.memory_space<vmem>>, vector<16xf32>,
        %swap3A_1127 = arith.index_cast %add3A_1001 : i32 to index
        %swap3A_1128 = arith.constant 304 : index
        %swap3A_1129 = tpu.vector_load %arg9[%swap3A_1127, %swap3A_1128] {strides = array<i32>} : memref<64x320xf32, #tpu.memory_space<vmem>>, vector<16xf32>,
        tpu.vector_store %arg9[%swap3A_1127, %swap3A_1128], %get3A_1126 {strides = array<i32>} : memref<64x320xf32, #tpu.memory_space<vmem>>, vector<16xf32>,
        %mul3A_1130 = arith.constant 8 : i32
        %mul3A_1131 = arith.muli %scan3A_339, %mul3A_1130 : i32
        %add3A_1132 = arith.constant 6 : i32
        %add3A_1133 = arith.addi %mul3A_1131, %add3A_1132 : i32
        %get3A_1134 = arith.index_cast %add3A_1133 : i32 to index
        %get3A_1135 = arith.constant 0 : index
        %get3A_1136 = tpu.vector_load %arg9[%get3A_1134, %get3A_1135] {strides = array<i32>} : memref<64x320xf32, #tpu.memory_space<vmem>>, vector<16xf32>,
        %get3A_1137 = arith.index_cast %add3A_1133 : i32 to index
        %get3A_1138 = arith.constant 0 : index
        %get3A_1139 = tpu.vector_load %arg10[%get3A_1137, %get3A_1138] {strides = array<i32>} : memref<64x128xf32, #tpu.memory_space<vmem>>, vector<16xf32>,
        %add3A_1140 = arith.addf %get3A_1136, %get3A_1139 : vector<16xf32>
        %swap3A_1141 = arith.index_cast %add3A_1133 : i32 to index
        %swap3A_1142 = arith.constant 0 : index
        %swap3A_1143 = tpu.vector_load %arg9[%swap3A_1141, %swap3A_1142] {strides = array<i32>} : memref<64x320xf32, #tpu.memory_space<vmem>>, vector<16xf32>,
        tpu.vector_store %arg9[%swap3A_1141, %swap3A_1142], %add3A_1140 {strides = array<i32>} : memref<64x320xf32, #tpu.memory_space<vmem>>, vector<16xf32>,
        %get3A_1144 = arith.index_cast %add3A_1133 : i32 to index
        %get3A_1145 = arith.constant 16 : index
        %get3A_1146 = tpu.vector_load %arg9[%get3A_1144, %get3A_1145] {strides = array<i32>} : memref<64x320xf32, #tpu.memory_space<vmem>>, vector<16xf32>,
        %get3A_1147 = arith.index_cast %add3A_1133 : i32 to index
        %get3A_1148 = arith.constant 16 : index
        %get3A_1149 = tpu.vector_load %arg10[%get3A_1147, %get3A_1148] {strides = array<i32>} : memref<64x128xf32, #tpu.memory_space<vmem>>, vector<16xf32>,
        %add3A_1150 = arith.addf %get3A_1146, %get3A_1149 : vector<16xf32>
        %swap3A_1151 = arith.index_cast %add3A_1133 : i32 to index
        %swap3A_1152 = arith.constant 16 : index
        %swap3A_1153 = tpu.vector_load %arg9[%swap3A_1151, %swap3A_1152] {strides = array<i32>} : memref<64x320xf32, #tpu.memory_space<vmem>>, vector<16xf32>,
        tpu.vector_store %arg9[%swap3A_1151, %swap3A_1152], %add3A_1150 {strides = array<i32>} : memref<64x320xf32, #tpu.memory_space<vmem>>, vector<16xf32>,
        %get3A_1154 = arith.index_cast %add3A_1133 : i32 to index
        %get3A_1155 = arith.constant 32 : index
        %get3A_1156 = tpu.vector_load %arg9[%get3A_1154, %get3A_1155] {strides = array<i32>} : memref<64x320xf32, #tpu.memory_space<vmem>>, vector<16xf32>,
        %get3A_1157 = arith.index_cast %add3A_1133 : i32 to index
        %get3A_1158 = arith.constant 32 : index
        %get3A_1159 = tpu.vector_load %arg10[%get3A_1157, %get3A_1158] {strides = array<i32>} : memref<64x128xf32, #tpu.memory_space<vmem>>, vector<16xf32>,
        %add3A_1160 = arith.addf %get3A_1156, %get3A_1159 : vector<16xf32>
        %swap3A_1161 = arith.index_cast %add3A_1133 : i32 to index
        %swap3A_1162 = arith.constant 32 : index
        %swap3A_1163 = tpu.vector_load %arg9[%swap3A_1161, %swap3A_1162] {strides = array<i32>} : memref<64x320xf32, #tpu.memory_space<vmem>>, vector<16xf32>,
        tpu.vector_store %arg9[%swap3A_1161, %swap3A_1162], %add3A_1160 {strides = array<i32>} : memref<64x320xf32, #tpu.memory_space<vmem>>, vector<16xf32>,
        %get3A_1164 = arith.index_cast %add3A_1133 : i32 to index
        %get3A_1165 = arith.constant 48 : index
        %get3A_1166 = tpu.vector_load %arg9[%get3A_1164, %get3A_1165] {strides = array<i32>} : memref<64x320xf32, #tpu.memory_space<vmem>>, vector<16xf32>,
        %get3A_1167 = arith.index_cast %add3A_1133 : i32 to index
        %get3A_1168 = arith.constant 48 : index
        %get3A_1169 = tpu.vector_load %arg10[%get3A_1167, %get3A_1168] {strides = array<i32>} : memref<64x128xf32, #tpu.memory_space<vmem>>, vector<16xf32>,
        %add3A_1170 = arith.addf %get3A_1166, %get3A_1169 : vector<16xf32>
        %swap3A_1171 = arith.index_cast %add3A_1133 : i32 to index
        %swap3A_1172 = arith.constant 48 : index
        %swap3A_1173 = tpu.vector_load %arg9[%swap3A_1171, %swap3A_1172] {strides = array<i32>} : memref<64x320xf32, #tpu.memory_space<vmem>>, vector<16xf32>,
        tpu.vector_store %arg9[%swap3A_1171, %swap3A_1172], %add3A_1170 {strides = array<i32>} : memref<64x320xf32, #tpu.memory_space<vmem>>, vector<16xf32>,
        %get3A_1174 = arith.index_cast %add3A_1133 : i32 to index
        %get3A_1175 = arith.constant 64 : index
        %get3A_1176 = tpu.vector_load %arg9[%get3A_1174, %get3A_1175] {strides = array<i32>} : memref<64x320xf32, #tpu.memory_space<vmem>>, vector<16xf32>,
        %get3A_1177 = arith.index_cast %add3A_1133 : i32 to index
        %get3A_1178 = arith.constant 64 : index
        %get3A_1179 = tpu.vector_load %arg10[%get3A_1177, %get3A_1178] {strides = array<i32>} : memref<64x128xf32, #tpu.memory_space<vmem>>, vector<16xf32>,
        %add3A_1180 = arith.addf %get3A_1176, %get3A_1179 : vector<16xf32>
        %swap3A_1181 = arith.index_cast %add3A_1133 : i32 to index
        %swap3A_1182 = arith.constant 64 : index
        %swap3A_1183 = tpu.vector_load %arg9[%swap3A_1181, %swap3A_1182] {strides = array<i32>} : memref<64x320xf32, #tpu.memory_space<vmem>>, vector<16xf32>,
        tpu.vector_store %arg9[%swap3A_1181, %swap3A_1182], %add3A_1180 {strides = array<i32>} : memref<64x320xf32, #tpu.memory_space<vmem>>, vector<16xf32>,
        %get3A_1184 = arith.index_cast %add3A_1133 : i32 to index
        %get3A_1185 = arith.constant 80 : index
        %get3A_1186 = tpu.vector_load %arg9[%get3A_1184, %get3A_1185] {strides = array<i32>} : memref<64x320xf32, #tpu.memory_space<vmem>>, vector<16xf32>,
        %get3A_1187 = arith.index_cast %add3A_1133 : i32 to index
        %get3A_1188 = arith.constant 80 : index
        %get3A_1189 = tpu.vector_load %arg10[%get3A_1187, %get3A_1188] {strides = array<i32>} : memref<64x128xf32, #tpu.memory_space<vmem>>, vector<16xf32>,
        %add3A_1190 = arith.addf %get3A_1186, %get3A_1189 : vector<16xf32>
        %swap3A_1191 = arith.index_cast %add3A_1133 : i32 to index
        %swap3A_1192 = arith.constant 80 : index
        %swap3A_1193 = tpu.vector_load %arg9[%swap3A_1191, %swap3A_1192] {strides = array<i32>} : memref<64x320xf32, #tpu.memory_space<vmem>>, vector<16xf32>,
        tpu.vector_store %arg9[%swap3A_1191, %swap3A_1192], %add3A_1190 {strides = array<i32>} : memref<64x320xf32, #tpu.memory_space<vmem>>, vector<16xf32>,
        %get3A_1194 = arith.index_cast %add3A_1133 : i32 to index
        %get3A_1195 = arith.constant 96 : index
        %get3A_1196 = tpu.vector_load %arg9[%get3A_1194, %get3A_1195] {strides = array<i32>} : memref<64x320xf32, #tpu.memory_space<vmem>>, vector<16xf32>,
        %get3A_1197 = arith.index_cast %add3A_1133 : i32 to index
        %get3A_1198 = arith.constant 96 : index
        %get3A_1199 = tpu.vector_load %arg10[%get3A_1197, %get3A_1198] {strides = array<i32>} : memref<64x128xf32, #tpu.memory_space<vmem>>, vector<16xf32>,
        %add3A_1200 = arith.addf %get3A_1196, %get3A_1199 : vector<16xf32>
        %swap3A_1201 = arith.index_cast %add3A_1133 : i32 to index
        %swap3A_1202 = arith.constant 96 : index
        %swap3A_1203 = tpu.vector_load %arg9[%swap3A_1201, %swap3A_1202] {strides = array<i32>} : memref<64x320xf32, #tpu.memory_space<vmem>>, vector<16xf32>,
        tpu.vector_store %arg9[%swap3A_1201, %swap3A_1202], %add3A_1200 {strides = array<i32>} : memref<64x320xf32, #tpu.memory_space<vmem>>, vector<16xf32>,
        %get3A_1204 = arith.index_cast %add3A_1133 : i32 to index
        %get3A_1205 = arith.constant 112 : index
        %get3A_1206 = tpu.vector_load %arg9[%get3A_1204, %get3A_1205] {strides = array<i32>} : memref<64x320xf32, #tpu.memory_space<vmem>>, vector<16xf32>,
        %get3A_1207 = arith.index_cast %add3A_1133 : i32 to index
        %get3A_1208 = arith.constant 112 : index
        %get3A_1209 = tpu.vector_load %arg10[%get3A_1207, %get3A_1208] {strides = array<i32>} : memref<64x128xf32, #tpu.memory_space<vmem>>, vector<16xf32>,
        %add3A_1210 = arith.addf %get3A_1206, %get3A_1209 : vector<16xf32>
        %swap3A_1211 = arith.index_cast %add3A_1133 : i32 to index
        %swap3A_1212 = arith.constant 112 : index
        %swap3A_1213 = tpu.vector_load %arg9[%swap3A_1211, %swap3A_1212] {strides = array<i32>} : memref<64x320xf32, #tpu.memory_space<vmem>>, vector<16xf32>,
        tpu.vector_store %arg9[%swap3A_1211, %swap3A_1212], %add3A_1210 {strides = array<i32>} : memref<64x320xf32, #tpu.memory_space<vmem>>, vector<16xf32>,
        %get3A_1214 = arith.index_cast %add3A_1133 : i32 to index
        %get3A_1215 = arith.constant 0 : index
        %get3A_1216 = tpu.vector_load %arg11[%get3A_1214, %get3A_1215] {strides = array<i32>} : memref<64x128xf32, #tpu.memory_space<vmem>>, vector<16xf32>,
        %swap3A_1217 = arith.index_cast %add3A_1133 : i32 to index
        %swap3A_1218 = arith.constant 192 : index
        %swap3A_1219 = tpu.vector_load %arg9[%swap3A_1217, %swap3A_1218] {strides = array<i32>} : memref<64x320xf32, #tpu.memory_space<vmem>>, vector<16xf32>,
        tpu.vector_store %arg9[%swap3A_1217, %swap3A_1218], %get3A_1216 {strides = array<i32>} : memref<64x320xf32, #tpu.memory_space<vmem>>, vector<16xf32>,
        %get3A_1220 = arith.index_cast %add3A_1133 : i32 to index
        %get3A_1221 = arith.constant 16 : index
        %get3A_1222 = tpu.vector_load %arg11[%get3A_1220, %get3A_1221] {strides = array<i32>} : memref<64x128xf32, #tpu.memory_space<vmem>>, vector<16xf32>,
        %swap3A_1223 = arith.index_cast %add3A_1133 : i32 to index
        %swap3A_1224 = arith.constant 208 : index
        %swap3A_1225 = tpu.vector_load %arg9[%swap3A_1223, %swap3A_1224] {strides = array<i32>} : memref<64x320xf32, #tpu.memory_space<vmem>>, vector<16xf32>,
        tpu.vector_store %arg9[%swap3A_1223, %swap3A_1224], %get3A_1222 {strides = array<i32>} : memref<64x320xf32, #tpu.memory_space<vmem>>, vector<16xf32>,
        %get3A_1226 = arith.index_cast %add3A_1133 : i32 to index
        %get3A_1227 = arith.constant 32 : index
        %get3A_1228 = tpu.vector_load %arg11[%get3A_1226, %get3A_1227] {strides = array<i32>} : memref<64x128xf32, #tpu.memory_space<vmem>>, vector<16xf32>,
        %swap3A_1229 = arith.index_cast %add3A_1133 : i32 to index
        %swap3A_1230 = arith.constant 224 : index
        %swap3A_1231 = tpu.vector_load %arg9[%swap3A_1229, %swap3A_1230] {strides = array<i32>} : memref<64x320xf32, #tpu.memory_space<vmem>>, vector<16xf32>,
        tpu.vector_store %arg9[%swap3A_1229, %swap3A_1230], %get3A_1228 {strides = array<i32>} : memref<64x320xf32, #tpu.memory_space<vmem>>, vector<16xf32>,
        %get3A_1232 = arith.index_cast %add3A_1133 : i32 to index
        %get3A_1233 = arith.constant 48 : index
        %get3A_1234 = tpu.vector_load %arg11[%get3A_1232, %get3A_1233] {strides = array<i32>} : memref<64x128xf32, #tpu.memory_space<vmem>>, vector<16xf32>,
        %swap3A_1235 = arith.index_cast %add3A_1133 : i32 to index
        %swap3A_1236 = arith.constant 240 : index
        %swap3A_1237 = tpu.vector_load %arg9[%swap3A_1235, %swap3A_1236] {strides = array<i32>} : memref<64x320xf32, #tpu.memory_space<vmem>>, vector<16xf32>,
        tpu.vector_store %arg9[%swap3A_1235, %swap3A_1236], %get3A_1234 {strides = array<i32>} : memref<64x320xf32, #tpu.memory_space<vmem>>, vector<16xf32>,
        %get3A_1238 = arith.index_cast %add3A_1133 : i32 to index
        %get3A_1239 = arith.constant 64 : index
        %get3A_1240 = tpu.vector_load %arg11[%get3A_1238, %get3A_1239] {strides = array<i32>} : memref<64x128xf32, #tpu.memory_space<vmem>>, vector<16xf32>,
        %swap3A_1241 = arith.index_cast %add3A_1133 : i32 to index
        %swap3A_1242 = arith.constant 256 : index
        %swap3A_1243 = tpu.vector_load %arg9[%swap3A_1241, %swap3A_1242] {strides = array<i32>} : memref<64x320xf32, #tpu.memory_space<vmem>>, vector<16xf32>,
        tpu.vector_store %arg9[%swap3A_1241, %swap3A_1242], %get3A_1240 {strides = array<i32>} : memref<64x320xf32, #tpu.memory_space<vmem>>, vector<16xf32>,
        %get3A_1244 = arith.index_cast %add3A_1133 : i32 to index
        %get3A_1245 = arith.constant 80 : index
        %get3A_1246 = tpu.vector_load %arg11[%get3A_1244, %get3A_1245] {strides = array<i32>} : memref<64x128xf32, #tpu.memory_space<vmem>>, vector<16xf32>,
        %swap3A_1247 = arith.index_cast %add3A_1133 : i32 to index
        %swap3A_1248 = arith.constant 272 : index
        %swap3A_1249 = tpu.vector_load %arg9[%swap3A_1247, %swap3A_1248] {strides = array<i32>} : memref<64x320xf32, #tpu.memory_space<vmem>>, vector<16xf32>,
        tpu.vector_store %arg9[%swap3A_1247, %swap3A_1248], %get3A_1246 {strides = array<i32>} : memref<64x320xf32, #tpu.memory_space<vmem>>, vector<16xf32>,
        %get3A_1250 = arith.index_cast %add3A_1133 : i32 to index
        %get3A_1251 = arith.constant 96 : index
        %get3A_1252 = tpu.vector_load %arg11[%get3A_1250, %get3A_1251] {strides = array<i32>} : memref<64x128xf32, #tpu.memory_space<vmem>>, vector<16xf32>,
        %swap3A_1253 = arith.index_cast %add3A_1133 : i32 to index
        %swap3A_1254 = arith.constant 288 : index
        %swap3A_1255 = tpu.vector_load %arg9[%swap3A_1253, %swap3A_1254] {strides = array<i32>} : memref<64x320xf32, #tpu.memory_space<vmem>>, vector<16xf32>,
        tpu.vector_store %arg9[%swap3A_1253, %swap3A_1254], %get3A_1252 {strides = array<i32>} : memref<64x320xf32, #tpu.memory_space<vmem>>, vector<16xf32>,
        %get3A_1256 = arith.index_cast %add3A_1133 : i32 to index
        %get3A_1257 = arith.constant 112 : index
        %get3A_1258 = tpu.vector_load %arg11[%get3A_1256, %get3A_1257] {strides = array<i32>} : memref<64x128xf32, #tpu.memory_space<vmem>>, vector<16xf32>,
        %swap3A_1259 = arith.index_cast %add3A_1133 : i32 to index
        %swap3A_1260 = arith.constant 304 : index
        %swap3A_1261 = tpu.vector_load %arg9[%swap3A_1259, %swap3A_1260] {strides = array<i32>} : memref<64x320xf32, #tpu.memory_space<vmem>>, vector<16xf32>,
        tpu.vector_store %arg9[%swap3A_1259, %swap3A_1260], %get3A_1258 {strides = array<i32>} : memref<64x320xf32, #tpu.memory_space<vmem>>, vector<16xf32>,
        %mul3A_1262 = arith.constant 8 : i32
        %mul3A_1263 = arith.muli %scan3A_339, %mul3A_1262 : i32
        %add3A_1264 = arith.constant 7 : i32
        %add3A_1265 = arith.addi %mul3A_1263, %add3A_1264 : i32
        %get3A_1266 = arith.index_cast %add3A_1265 : i32 to index
        %get3A_1267 = arith.constant 0 : index
        %get3A_1268 = tpu.vector_load %arg9[%get3A_1266, %get3A_1267] {strides = array<i32>} : memref<64x320xf32, #tpu.memory_space<vmem>>, vector<16xf32>,
        %get3A_1269 = arith.index_cast %add3A_1265 : i32 to index
        %get3A_1270 = arith.constant 0 : index
        %get3A_1271 = tpu.vector_load %arg10[%get3A_1269, %get3A_1270] {strides = array<i32>} : memref<64x128xf32, #tpu.memory_space<vmem>>, vector<16xf32>,
        %add3A_1272 = arith.addf %get3A_1268, %get3A_1271 : vector<16xf32>
        %swap3A_1273 = arith.index_cast %add3A_1265 : i32 to index
        %swap3A_1274 = arith.constant 0 : index
        %swap3A_1275 = tpu.vector_load %arg9[%swap3A_1273, %swap3A_1274] {strides = array<i32>} : memref<64x320xf32, #tpu.memory_space<vmem>>, vector<16xf32>,
        tpu.vector_store %arg9[%swap3A_1273, %swap3A_1274], %add3A_1272 {strides = array<i32>} : memref<64x320xf32, #tpu.memory_space<vmem>>, vector<16xf32>,
        %get3A_1276 = arith.index_cast %add3A_1265 : i32 to index
        %get3A_1277 = arith.constant 16 : index
        %get3A_1278 = tpu.vector_load %arg9[%get3A_1276, %get3A_1277] {strides = array<i32>} : memref<64x320xf32, #tpu.memory_space<vmem>>, vector<16xf32>,
        %get3A_1279 = arith.index_cast %add3A_1265 : i32 to index
        %get3A_1280 = arith.constant 16 : index
        %get3A_1281 = tpu.vector_load %arg10[%get3A_1279, %get3A_1280] {strides = array<i32>} : memref<64x128xf32, #tpu.memory_space<vmem>>, vector<16xf32>,
        %add3A_1282 = arith.addf %get3A_1278, %get3A_1281 : vector<16xf32>
        %swap3A_1283 = arith.index_cast %add3A_1265 : i32 to index
        %swap3A_1284 = arith.constant 16 : index
        %swap3A_1285 = tpu.vector_load %arg9[%swap3A_1283, %swap3A_1284] {strides = array<i32>} : memref<64x320xf32, #tpu.memory_space<vmem>>, vector<16xf32>,
        tpu.vector_store %arg9[%swap3A_1283, %swap3A_1284], %add3A_1282 {strides = array<i32>} : memref<64x320xf32, #tpu.memory_space<vmem>>, vector<16xf32>,
        %get3A_1286 = arith.index_cast %add3A_1265 : i32 to index
        %get3A_1287 = arith.constant 32 : index
        %get3A_1288 = tpu.vector_load %arg9[%get3A_1286, %get3A_1287] {strides = array<i32>} : memref<64x320xf32, #tpu.memory_space<vmem>>, vector<16xf32>,
        %get3A_1289 = arith.index_cast %add3A_1265 : i32 to index
        %get3A_1290 = arith.constant 32 : index
        %get3A_1291 = tpu.vector_load %arg10[%get3A_1289, %get3A_1290] {strides = array<i32>} : memref<64x128xf32, #tpu.memory_space<vmem>>, vector<16xf32>,
        %add3A_1292 = arith.addf %get3A_1288, %get3A_1291 : vector<16xf32>
        %swap3A_1293 = arith.index_cast %add3A_1265 : i32 to index
        %swap3A_1294 = arith.constant 32 : index
        %swap3A_1295 = tpu.vector_load %arg9[%swap3A_1293, %swap3A_1294] {strides = array<i32>} : memref<64x320xf32, #tpu.memory_space<vmem>>, vector<16xf32>,
        tpu.vector_store %arg9[%swap3A_1293, %swap3A_1294], %add3A_1292 {strides = array<i32>} : memref<64x320xf32, #tpu.memory_space<vmem>>, vector<16xf32>,
        %get3A_1296 = arith.index_cast %add3A_1265 : i32 to index
        %get3A_1297 = arith.constant 48 : index
        %get3A_1298 = tpu.vector_load %arg9[%get3A_1296, %get3A_1297] {strides = array<i32>} : memref<64x320xf32, #tpu.memory_space<vmem>>, vector<16xf32>,
        %get3A_1299 = arith.index_cast %add3A_1265 : i32 to index
        %get3A_1300 = arith.constant 48 : index
        %get3A_1301 = tpu.vector_load %arg10[%get3A_1299, %get3A_1300] {strides = array<i32>} : memref<64x128xf32, #tpu.memory_space<vmem>>, vector<16xf32>,
        %add3A_1302 = arith.addf %get3A_1298, %get3A_1301 : vector<16xf32>
        %swap3A_1303 = arith.index_cast %add3A_1265 : i32 to index
        %swap3A_1304 = arith.constant 48 : index
        %swap3A_1305 = tpu.vector_load %arg9[%swap3A_1303, %swap3A_1304] {strides = array<i32>} : memref<64x320xf32, #tpu.memory_space<vmem>>, vector<16xf32>,
        tpu.vector_store %arg9[%swap3A_1303, %swap3A_1304], %add3A_1302 {strides = array<i32>} : memref<64x320xf32, #tpu.memory_space<vmem>>, vector<16xf32>,
        %get3A_1306 = arith.index_cast %add3A_1265 : i32 to index
        %get3A_1307 = arith.constant 64 : index
        %get3A_1308 = tpu.vector_load %arg9[%get3A_1306, %get3A_1307] {strides = array<i32>} : memref<64x320xf32, #tpu.memory_space<vmem>>, vector<16xf32>,
        %get3A_1309 = arith.index_cast %add3A_1265 : i32 to index
        %get3A_1310 = arith.constant 64 : index
        %get3A_1311 = tpu.vector_load %arg10[%get3A_1309, %get3A_1310] {strides = array<i32>} : memref<64x128xf32, #tpu.memory_space<vmem>>, vector<16xf32>,
        %add3A_1312 = arith.addf %get3A_1308, %get3A_1311 : vector<16xf32>
        %swap3A_1313 = arith.index_cast %add3A_1265 : i32 to index
        %swap3A_1314 = arith.constant 64 : index
        %swap3A_1315 = tpu.vector_load %arg9[%swap3A_1313, %swap3A_1314] {strides = array<i32>} : memref<64x320xf32, #tpu.memory_space<vmem>>, vector<16xf32>,
        tpu.vector_store %arg9[%swap3A_1313, %swap3A_1314], %add3A_1312 {strides = array<i32>} : memref<64x320xf32, #tpu.memory_space<vmem>>, vector<16xf32>,
        %get3A_1316 = arith.index_cast %add3A_1265 : i32 to index
        %get3A_1317 = arith.constant 80 : index
        %get3A_1318 = tpu.vector_load %arg9[%get3A_1316, %get3A_1317] {strides = array<i32>} : memref<64x320xf32, #tpu.memory_space<vmem>>, vector<16xf32>,
        %get3A_1319 = arith.index_cast %add3A_1265 : i32 to index
        %get3A_1320 = arith.constant 80 : index
        %get3A_1321 = tpu.vector_load %arg10[%get3A_1319, %get3A_1320] {strides = array<i32>} : memref<64x128xf32, #tpu.memory_space<vmem>>, vector<16xf32>,
        %add3A_1322 = arith.addf %get3A_1318, %get3A_1321 : vector<16xf32>
        %swap3A_1323 = arith.index_cast %add3A_1265 : i32 to index
        %swap3A_1324 = arith.constant 80 : index
        %swap3A_1325 = tpu.vector_load %arg9[%swap3A_1323, %swap3A_1324] {strides = array<i32>} : memref<64x320xf32, #tpu.memory_space<vmem>>, vector<16xf32>,
        tpu.vector_store %arg9[%swap3A_1323, %swap3A_1324], %add3A_1322 {strides = array<i32>} : memref<64x320xf32, #tpu.memory_space<vmem>>, vector<16xf32>,
        %get3A_1326 = arith.index_cast %add3A_1265 : i32 to index
        %get3A_1327 = arith.constant 96 : index
        %get3A_1328 = tpu.vector_load %arg9[%get3A_1326, %get3A_1327] {strides = array<i32>} : memref<64x320xf32, #tpu.memory_space<vmem>>, vector<16xf32>,
        %get3A_1329 = arith.index_cast %add3A_1265 : i32 to index
        %get3A_1330 = arith.constant 96 : index
        %get3A_1331 = tpu.vector_load %arg10[%get3A_1329, %get3A_1330] {strides = array<i32>} : memref<64x128xf32, #tpu.memory_space<vmem>>, vector<16xf32>,
        %add3A_1332 = arith.addf %get3A_1328, %get3A_1331 : vector<16xf32>
        %swap3A_1333 = arith.index_cast %add3A_1265 : i32 to index
        %swap3A_1334 = arith.constant 96 : index
        %swap3A_1335 = tpu.vector_load %arg9[%swap3A_1333, %swap3A_1334] {strides = array<i32>} : memref<64x320xf32, #tpu.memory_space<vmem>>, vector<16xf32>,
        tpu.vector_store %arg9[%swap3A_1333, %swap3A_1334], %add3A_1332 {strides = array<i32>} : memref<64x320xf32, #tpu.memory_space<vmem>>, vector<16xf32>,
        %get3A_1336 = arith.index_cast %add3A_1265 : i32 to index
        %get3A_1337 = arith.constant 112 : index
        %get3A_1338 = tpu.vector_load %arg9[%get3A_1336, %get3A_1337] {strides = array<i32>} : memref<64x320xf32, #tpu.memory_space<vmem>>, vector<16xf32>,
        %get3A_1339 = arith.index_cast %add3A_1265 : i32 to index
        %get3A_1340 = arith.constant 112 : index
        %get3A_1341 = tpu.vector_load %arg10[%get3A_1339, %get3A_1340] {strides = array<i32>} : memref<64x128xf32, #tpu.memory_space<vmem>>, vector<16xf32>,
        %add3A_1342 = arith.addf %get3A_1338, %get3A_1341 : vector<16xf32>
        %swap3A_1343 = arith.index_cast %add3A_1265 : i32 to index
        %swap3A_1344 = arith.constant 112 : index
        %swap3A_1345 = tpu.vector_load %arg9[%swap3A_1343, %swap3A_1344] {strides = array<i32>} : memref<64x320xf32, #tpu.memory_space<vmem>>, vector<16xf32>,
        tpu.vector_store %arg9[%swap3A_1343, %swap3A_1344], %add3A_1342 {strides = array<i32>} : memref<64x320xf32, #tpu.memory_space<vmem>>, vector<16xf32>,
        %get3A_1346 = arith.index_cast %add3A_1265 : i32 to index
        %get3A_1347 = arith.constant 0 : index
        %get3A_1348 = tpu.vector_load %arg11[%get3A_1346, %get3A_1347] {strides = array<i32>} : memref<64x128xf32, #tpu.memory_space<vmem>>, vector<16xf32>,
        %swap3A_1349 = arith.index_cast %add3A_1265 : i32 to index
        %swap3A_1350 = arith.constant 192 : index
        %swap3A_1351 = tpu.vector_load %arg9[%swap3A_1349, %swap3A_1350] {strides = array<i32>} : memref<64x320xf32, #tpu.memory_space<vmem>>, vector<16xf32>,
        tpu.vector_store %arg9[%swap3A_1349, %swap3A_1350], %get3A_1348 {strides = array<i32>} : memref<64x320xf32, #tpu.memory_space<vmem>>, vector<16xf32>,
        %get3A_1352 = arith.index_cast %add3A_1265 : i32 to index
        %get3A_1353 = arith.constant 16 : index
        %get3A_1354 = tpu.vector_load %arg11[%get3A_1352, %get3A_1353] {strides = array<i32>} : memref<64x128xf32, #tpu.memory_space<vmem>>, vector<16xf32>,
        %swap3A_1355 = arith.index_cast %add3A_1265 : i32 to index
        %swap3A_1356 = arith.constant 208 : index
        %swap3A_1357 = tpu.vector_load %arg9[%swap3A_1355, %swap3A_1356] {strides = array<i32>} : memref<64x320xf32, #tpu.memory_space<vmem>>, vector<16xf32>,
        tpu.vector_store %arg9[%swap3A_1355, %swap3A_1356], %get3A_1354 {strides = array<i32>} : memref<64x320xf32, #tpu.memory_space<vmem>>, vector<16xf32>,
        %get3A_1358 = arith.index_cast %add3A_1265 : i32 to index
        %get3A_1359 = arith.constant 32 : index
        %get3A_1360 = tpu.vector_load %arg11[%get3A_1358, %get3A_1359] {strides = array<i32>} : memref<64x128xf32, #tpu.memory_space<vmem>>, vector<16xf32>,
        %swap3A_1361 = arith.index_cast %add3A_1265 : i32 to index
        %swap3A_1362 = arith.constant 224 : index
        %swap3A_1363 = tpu.vector_load %arg9[%swap3A_1361, %swap3A_1362] {strides = array<i32>} : memref<64x320xf32, #tpu.memory_space<vmem>>, vector<16xf32>,
        tpu.vector_store %arg9[%swap3A_1361, %swap3A_1362], %get3A_1360 {strides = array<i32>} : memref<64x320xf32, #tpu.memory_space<vmem>>, vector<16xf32>,
        %get3A_1364 = arith.index_cast %add3A_1265 : i32 to index
        %get3A_1365 = arith.constant 48 : index
        %get3A_1366 = tpu.vector_load %arg11[%get3A_1364, %get3A_1365] {strides = array<i32>} : memref<64x128xf32, #tpu.memory_space<vmem>>, vector<16xf32>,
        %swap3A_1367 = arith.index_cast %add3A_1265 : i32 to index
        %swap3A_1368 = arith.constant 240 : index
        %swap3A_1369 = tpu.vector_load %arg9[%swap3A_1367, %swap3A_1368] {strides = array<i32>} : memref<64x320xf32, #tpu.memory_space<vmem>>, vector<16xf32>,
        tpu.vector_store %arg9[%swap3A_1367, %swap3A_1368], %get3A_1366 {strides = array<i32>} : memref<64x320xf32, #tpu.memory_space<vmem>>, vector<16xf32>,
        %get3A_1370 = arith.index_cast %add3A_1265 : i32 to index
        %get3A_1371 = arith.constant 64 : index
        %get3A_1372 = tpu.vector_load %arg11[%get3A_1370, %get3A_1371] {strides = array<i32>} : memref<64x128xf32, #tpu.memory_space<vmem>>, vector<16xf32>,
        %swap3A_1373 = arith.index_cast %add3A_1265 : i32 to index
        %swap3A_1374 = arith.constant 256 : index
        %swap3A_1375 = tpu.vector_load %arg9[%swap3A_1373, %swap3A_1374] {strides = array<i32>} : memref<64x320xf32, #tpu.memory_space<vmem>>, vector<16xf32>,
        tpu.vector_store %arg9[%swap3A_1373, %swap3A_1374], %get3A_1372 {strides = array<i32>} : memref<64x320xf32, #tpu.memory_space<vmem>>, vector<16xf32>,
        %get3A_1376 = arith.index_cast %add3A_1265 : i32 to index
        %get3A_1377 = arith.constant 80 : index
        %get3A_1378 = tpu.vector_load %arg11[%get3A_1376, %get3A_1377] {strides = array<i32>} : memref<64x128xf32, #tpu.memory_space<vmem>>, vector<16xf32>,
        %swap3A_1379 = arith.index_cast %add3A_1265 : i32 to index
        %swap3A_1380 = arith.constant 272 : index
        %swap3A_1381 = tpu.vector_load %arg9[%swap3A_1379, %swap3A_1380] {strides = array<i32>} : memref<64x320xf32, #tpu.memory_space<vmem>>, vector<16xf32>,
        tpu.vector_store %arg9[%swap3A_1379, %swap3A_1380], %get3A_1378 {strides = array<i32>} : memref<64x320xf32, #tpu.memory_space<vmem>>, vector<16xf32>,
        %get3A_1382 = arith.index_cast %add3A_1265 : i32 to index
        %get3A_1383 = arith.constant 96 : index
        %get3A_1384 = tpu.vector_load %arg11[%get3A_1382, %get3A_1383] {strides = array<i32>} : memref<64x128xf32, #tpu.memory_space<vmem>>, vector<16xf32>,
        %swap3A_1385 = arith.index_cast %add3A_1265 : i32 to index
        %swap3A_1386 = arith.constant 288 : index
        %swap3A_1387 = tpu.vector_load %arg9[%swap3A_1385, %swap3A_1386] {strides = array<i32>} : memref<64x320xf32, #tpu.memory_space<vmem>>, vector<16xf32>,
        tpu.vector_store %arg9[%swap3A_1385, %swap3A_1386], %get3A_1384 {strides = array<i32>} : memref<64x320xf32, #tpu.memory_space<vmem>>, vector<16xf32>,
        %get3A_1388 = arith.index_cast %add3A_1265 : i32 to index
        %get3A_1389 = arith.constant 112 : index
        %get3A_1390 = tpu.vector_load %arg11[%get3A_1388, %get3A_1389] {strides = array<i32>} : memref<64x128xf32, #tpu.memory_space<vmem>>, vector<16xf32>,
        %swap3A_1391 = arith.index_cast %add3A_1265 : i32 to index
        %swap3A_1392 = arith.constant 304 : index
        %swap3A_1393 = tpu.vector_load %arg9[%swap3A_1391, %swap3A_1392] {strides = array<i32>} : memref<64x320xf32, #tpu.memory_space<vmem>>, vector<16xf32>,
        tpu.vector_store %arg9[%swap3A_1391, %swap3A_1392], %get3A_1390 {strides = array<i32>} : memref<64x320xf32, #tpu.memory_space<vmem>>, vector<16xf32>,
      }
      %scan3A_262 = arith.constant 8 : i32
      %add3A_263 = arith.addi %mul3A_2, %add3A_171 : i32
      %mul3A_264 = arith.constant 64 : i32
      %mul3A_265 = arith.muli %add3A_263, %mul3A_264 : i32
      %dma_start3A_266 = arith.constant 0 : i32
      %dma_start3A_267 = tpu.memref_slice %arg6[%mul3A_265, %dma_start3A_266] : memref<204800x320xf32, #tpu.memory_space<hbm>> -> memref<64x320xf32, #tpu.memory_space<hbm>>
      %dma_start3A_268 = arith.constant 0 : i32
      %dma_start3A_269 = tpu.memref_slice %arg6[%mul3A_265, %dma_start3A_268] : memref<204800x320xf32, #tpu.memory_space<hbm>> -> memref<64x320xf32, #tpu.memory_space<hbm>>
      tpu.enqueue_dma source(%arg9 : memref<64x320xf32, #tpu.memory_space<vmem>>) target(%dma_start3A_269 : memref<64x320xf32, #tpu.memory_space<hbm>>) target_semaphore(%arg14 : memref<!tpu.dma_semaphore, #tpu.memory_space<semaphore_mem>>)
      %mul3A_270 = arith.constant 2 : i32
      %mul3A_271 = arith.muli %scan3A_167, %mul3A_270 : i32
      %add3A_272 = arith.constant 1 : i32
      %add3A_273 = arith.addi %mul3A_271, %add3A_272 : i32
      %sub3A = arith.constant 1 : i32
      %sub3A_274 = arith.subi %add3A_273, %sub3A : i32
      %add3A_275 = arith.addi %mul3A_2, %sub3A_274 : i32
      %mul3A_276 = arith.constant 64 : i32
      %mul3A_277 = arith.muli %add3A_275, %mul3A_276 : i32
      %dma_wait3A_278 = arith.constant 0 : i32
      %dma_wait3A_279 = tpu.memref_slice %arg6[%mul3A_277, %dma_wait3A_278] : memref<204800x320xf32, #tpu.memory_space<hbm>> -> memref<64x320xf32, #tpu.memory_space<hbm>>
      %dma_wait3A_280 = arith.constant 0 : i32
      %dma_wait3A_281 = tpu.memref_slice %arg6[%mul3A_277, %dma_wait3A_280] : memref<204800x320xf32, #tpu.memory_space<hbm>> -> memref<64x320xf32, #tpu.memory_space<hbm>>
      tpu.wait_dma2 semaphore(%arg14 : memref<!tpu.dma_semaphore, #tpu.memory_space<semaphore_mem>>) src(%arg9 : memref<64x320xf32, #tpu.memory_space<vmem>>) dst(%dma_wait3A_281 : memref<64x320xf32, #tpu.memory_space<hbm>>)
      %lt3A_282 = arith.constant 49 : i32
      %lt3A_283 = arith.cmpi slt, %scan3A_167, %lt3A_282 : i32
      %convert_element_type3A_284 = arith.extui %lt3A_283 : i1 to i32
      %cond3A_285 = arith.constant 0 : i32
      %cond3A_286 = arith.cmpi ne, %convert_element_type3A_284, %cond3A_285 : i32
      scf.if %cond3A_286 {
        %add3A_339 = arith.constant 1 : i32
        %add3A_340 = arith.addi %add3A_273, %add3A_339 : i32
        %add3A_341 = arith.addi %mul3A_2, %add3A_340 : i32
        %dma_wait3A_342 = arith.constant 0 : i32
        %dma_wait3A_343 = arith.constant 0 : i32
        %dma_wait3A_344 = tpu.memref_slice %arg2[%add3A_341, %dma_wait3A_342, %dma_wait3A_343] : memref<3200x4x64xi32, #tpu.memory_space<hbm>> -> memref<1x4x64xi32, #tpu.memory_space<hbm>>
        %dma_wait3A_345 = tpu.memref_squeeze %dma_wait3A_344 : memref<1x4x64xi32, #tpu.memory_space<hbm>> -> memref<4x64xi32, #tpu.memory_space<hbm>>
        %dma_wait3A_346 = arith.constant 0 : i32
        %dma_wait3A_347 = arith.constant 0 : i32
        %dma_wait3A_348 = tpu.memref_slice %arg2[%add3A_341, %dma_wait3A_346, %dma_wait3A_347] : memref<3200x4x64xi32, #tpu.memory_space<hbm>> -> memref<1x4x64xi32, #tpu.memory_space<hbm>>
        %dma_wait3A_349 = tpu.memref_squeeze %dma_wait3A_348 : memref<1x4x64xi32, #tpu.memory_space<hbm>> -> memref<4x64xi32, #tpu.memory_space<hbm>>
        tpu.wait_dma2 semaphore(%arg12 : memref<!tpu.dma_semaphore, #tpu.memory_space<semaphore_mem>>) src(%dma_wait3A_349 : memref<4x64xi32, #tpu.memory_space<hbm>>) dst(%arg8 : memref<4x64xi32, #tpu.memory_space<vmem>>)
        %dma_start3A_350 = arith.constant 0 : i32
        %dma_start3A_351 = arith.constant 0 : i32
        %dma_start3A_352 = arith.constant 0 : i32
        %dma_start3A_353 = tpu.memref_slice %arg9[%dma_start3A_351, %dma_start3A_352] : memref<64x320xf32, #tpu.memory_space<vmem>> -> memref<64x128xf32, #tpu.memory_space<vmem>>
        %dma_start3A_354 = arith.constant 0 : i32
        %dma_start3A_355 = tpu.memref_slice %arg8[%dma_start3A_350, %dma_start3A_354] : memref<4x64xi32, #tpu.memory_space<vmem>> -> memref<1x64xi32, #tpu.memory_space<vmem>>
        %dma_start3A_356 = tpu.memref_squeeze %dma_start3A_355 : memref<1x64xi32, #tpu.memory_space<vmem>> -> memref<64xi32, #tpu.memory_space<vmem>>
        %dma_start3A_357 = arith.constant 0 : i32
        %dma_start3A_358 = arith.constant 0 : i32
        %dma_start3A_359 = tpu.memref_slice %arg3[%dma_start3A_357, %dma_start3A_358] : memref<100001x128xf32, #tpu.memory_space<hbm>> -> memref<100001x128xf32, #tpu.memory_space<hbm>>
        tpu.enqueue_indirect_dma source(%dma_start3A_359 : memref<100001x128xf32, #tpu.memory_space<hbm>>) target(%dma_start3A_353 : memref<64x128xf32, #tpu.memory_space<vmem>>) offsets(%dma_start3A_356 : memref<64xi32, #tpu.memory_space<vmem>>) semaphore(%arg13 : memref<!tpu.dma_semaphore, #tpu.memory_space<semaphore_mem>>)
        %dma_start3A_360 = arith.constant 1 : i32
        %dma_start3A_361 = arith.constant 0 : i32
        %dma_start3A_362 = tpu.memref_slice %arg8[%dma_start3A_360, %dma_start3A_361] : memref<4x64xi32, #tpu.memory_space<vmem>> -> memref<1x64xi32, #tpu.memory_space<vmem>>
        %dma_start3A_363 = tpu.memref_squeeze %dma_start3A_362 : memref<1x64xi32, #tpu.memory_space<vmem>> -> memref<64xi32, #tpu.memory_space<vmem>>
        %dma_start3A_364 = arith.constant 0 : i32
        %dma_start3A_365 = arith.constant 0 : i32
        %dma_start3A_366 = tpu.memref_slice %arg4[%dma_start3A_364, %dma_start3A_365] : memref<100001x128xf32, #tpu.memory_space<hbm>> -> memref<100001x128xf32, #tpu.memory_space<hbm>>
        tpu.enqueue_indirect_dma source(%dma_start3A_366 : memref<100001x128xf32, #tpu.memory_space<hbm>>) target(%arg10 : memref<64x128xf32, #tpu.memory_space<vmem>>) offsets(%dma_start3A_363 : memref<64xi32, #tpu.memory_space<vmem>>) semaphore(%arg13 : memref<!tpu.dma_semaphore, #tpu.memory_space<semaphore_mem>>)
        %dma_start3A_367 = arith.constant 2 : i32
        %dma_start3A_368 = arith.constant 0 : i32
        %dma_start3A_369 = arith.constant 128 : i32
        %dma_start3A_370 = tpu.memref_slice %arg9[%dma_start3A_368, %dma_start3A_369] : memref<64x320xf32, #tpu.memory_space<vmem>> -> memref<64x128xf32, #tpu.memory_space<vmem>>
        %dma_start3A_371 = arith.constant 0 : i32
        %dma_start3A_372 = tpu.memref_slice %arg8[%dma_start3A_367, %dma_start3A_371] : memref<4x64xi32, #tpu.memory_space<vmem>> -> memref<1x64xi32, #tpu.memory_space<vmem>>
        %dma_start3A_373 = tpu.memref_squeeze %dma_start3A_372 : memref<1x64xi32, #tpu.memory_space<vmem>> -> memref<64xi32, #tpu.memory_space<vmem>>
        %dma_start3A_374 = arith.constant 0 : i32
        %dma_start3A_375 = arith.constant 0 : i32
        %dma_start3A_376 = tpu.memref_slice %arg7[%dma_start3A_374, %dma_start3A_375] : memref<1024x128xf32, #tpu.memory_space<hbm>> -> memref<1024x128xf32, #tpu.memory_space<hbm>>
        tpu.enqueue_indirect_dma source(%dma_start3A_376 : memref<1024x128xf32, #tpu.memory_space<hbm>>) target(%dma_start3A_370 : memref<64x128xf32, #tpu.memory_space<vmem>>) offsets(%dma_start3A_373 : memref<64xi32, #tpu.memory_space<vmem>>) semaphore(%arg13 : memref<!tpu.dma_semaphore, #tpu.memory_space<semaphore_mem>>)
        %dma_start3A_377 = arith.constant 3 : i32
        %dma_start3A_378 = arith.constant 0 : i32
        %dma_start3A_379 = tpu.memref_slice %arg8[%dma_start3A_377, %dma_start3A_378] : memref<4x64xi32, #tpu.memory_space<vmem>> -> memref<1x64xi32, #tpu.memory_space<vmem>>
        %dma_start3A_380 = tpu.memref_squeeze %dma_start3A_379 : memref<1x64xi32, #tpu.memory_space<vmem>> -> memref<64xi32, #tpu.memory_space<vmem>>
        %dma_start3A_381 = arith.constant 0 : i32
        %dma_start3A_382 = arith.constant 0 : i32
        %dma_start3A_383 = tpu.memref_slice %arg3[%dma_start3A_381, %dma_start3A_382] : memref<100001x128xf32, #tpu.memory_space<hbm>> -> memref<100001x128xf32, #tpu.memory_space<hbm>>
        tpu.enqueue_indirect_dma source(%dma_start3A_383 : memref<100001x128xf32, #tpu.memory_space<hbm>>) target(%arg11 : memref<64x128xf32, #tpu.memory_space<vmem>>) offsets(%dma_start3A_380 : memref<64xi32, #tpu.memory_space<vmem>>) semaphore(%arg13 : memref<!tpu.dma_semaphore, #tpu.memory_space<semaphore_mem>>)
      } else {
      }
      %dma_wait3A_287 = arith.constant 0 : i32
      %dma_wait3A_288 = arith.constant 0 : i32
      %dma_wait3A_289 = arith.constant 0 : i32
      %dma_wait3A_290 = tpu.memref_slice %arg16[%dma_wait3A_288, %dma_wait3A_289] : memref<64x320xf32, #tpu.memory_space<vmem>> -> memref<64x128xf32, #tpu.memory_space<vmem>>
      %dma_wait3A_291 = arith.constant 0 : i32
      %dma_wait3A_292 = tpu.memref_slice %arg15[%dma_wait3A_287, %dma_wait3A_291] : memref<4x64xi32, #tpu.memory_space<vmem>> -> memref<1x64xi32, #tpu.memory_space<vmem>>
      %dma_wait3A_293 = tpu.memref_squeeze %dma_wait3A_292 : memref<1x64xi32, #tpu.memory_space<vmem>> -> memref<64xi32, #tpu.memory_space<vmem>>
      %dma_wait3A_294 = arith.constant 0 : i32
      %dma_wait3A_295 = arith.constant 0 : i32
      %dma_wait3A_296 = tpu.memref_slice %arg3[%dma_wait3A_294, %dma_wait3A_295] : memref<100001x128xf32, #tpu.memory_space<hbm>> -> memref<100001x128xf32, #tpu.memory_space<hbm>>
      tpu.wait_indirect_dma semaphore(%arg20 : memref<!tpu.dma_semaphore, #tpu.memory_space<semaphore_mem>>) src(%dma_wait3A_296 : memref<100001x128xf32, #tpu.memory_space<hbm>>) dst(%dma_wait3A_290 : memref<64x128xf32, #tpu.memory_space<vmem>>)
      %dma_wait3A_297 = arith.constant 1 : i32
      %dma_wait3A_298 = arith.constant 0 : i32
      %dma_wait3A_299 = tpu.memref_slice %arg15[%dma_wait3A_297, %dma_wait3A_298] : memref<4x64xi32, #tpu.memory_space<vmem>> -> memref<1x64xi32, #tpu.memory_space<vmem>>
      %dma_wait3A_300 = tpu.memref_squeeze %dma_wait3A_299 : memref<1x64xi32, #tpu.memory_space<vmem>> -> memref<64xi32, #tpu.memory_space<vmem>>
      %dma_wait3A_301 = arith.constant 0 : i32
      %dma_wait3A_302 = arith.constant 0 : i32
      %dma_wait3A_303 = tpu.memref_slice %arg4[%dma_wait3A_301, %dma_wait3A_302] : memref<100001x128xf32, #tpu.memory_space<hbm>> -> memref<100001x128xf32, #tpu.memory_space<hbm>>
      tpu.wait_indirect_dma semaphore(%arg20 : memref<!tpu.dma_semaphore, #tpu.memory_space<semaphore_mem>>) src(%dma_wait3A_303 : memref<100001x128xf32, #tpu.memory_space<hbm>>) dst(%arg17 : memref<64x128xf32, #tpu.memory_space<vmem>>)
      %dma_wait3A_304 = arith.constant 2 : i32
      %dma_wait3A_305 = arith.constant 0 : i32
      %dma_wait3A_306 = arith.constant 128 : i32
      %dma_wait3A_307 = tpu.memref_slice %arg16[%dma_wait3A_305, %dma_wait3A_306] : memref<64x320xf32, #tpu.memory_space<vmem>> -> memref<64x128xf32, #tpu.memory_space<vmem>>
      %dma_wait3A_308 = arith.constant 0 : i32
      %dma_wait3A_309 = tpu.memref_slice %arg15[%dma_wait3A_304, %dma_wait3A_308] : memref<4x64xi32, #tpu.memory_space<vmem>> -> memref<1x64xi32, #tpu.memory_space<vmem>>
      %dma_wait3A_310 = tpu.memref_squeeze %dma_wait3A_309 : memref<1x64xi32, #tpu.memory_space<vmem>> -> memref<64xi32, #tpu.memory_space<vmem>>
      %dma_wait3A_311 = arith.constant 0 : i32
      %dma_wait3A_312 = arith.constant 0 : i32
      %dma_wait3A_313 = tpu.memref_slice %arg7[%dma_wait3A_311, %dma_wait3A_312] : memref<1024x128xf32, #tpu.memory_space<hbm>> -> memref<1024x128xf32, #tpu.memory_space<hbm>>
      tpu.wait_indirect_dma semaphore(%arg20 : memref<!tpu.dma_semaphore, #tpu.memory_space<semaphore_mem>>) src(%dma_wait3A_313 : memref<1024x128xf32, #tpu.memory_space<hbm>>) dst(%dma_wait3A_307 : memref<64x128xf32, #tpu.memory_space<vmem>>)
      %dma_wait3A_314 = arith.constant 3 : i32
      %dma_wait3A_315 = arith.constant 0 : i32
      %dma_wait3A_316 = tpu.memref_slice %arg15[%dma_wait3A_314, %dma_wait3A_315] : memref<4x64xi32, #tpu.memory_space<vmem>> -> memref<1x64xi32, #tpu.memory_space<vmem>>
      %dma_wait3A_317 = tpu.memref_squeeze %dma_wait3A_316 : memref<1x64xi32, #tpu.memory_space<vmem>> -> memref<64xi32, #tpu.memory_space<vmem>>
      %dma_wait3A_318 = arith.constant 0 : i32
      %dma_wait3A_319 = arith.constant 0 : i32
      %dma_wait3A_320 = tpu.memref_slice %arg3[%dma_wait3A_318, %dma_wait3A_319] : memref<100001x128xf32, #tpu.memory_space<hbm>> -> memref<100001x128xf32, #tpu.memory_space<hbm>>
      tpu.wait_indirect_dma semaphore(%arg20 : memref<!tpu.dma_semaphore, #tpu.memory_space<semaphore_mem>>) src(%dma_wait3A_320 : memref<100001x128xf32, #tpu.memory_space<hbm>>) dst(%arg18 : memref<64x128xf32, #tpu.memory_space<vmem>>)
      %lt3A_321 = arith.constant 49 : i32
      %lt3A_322 = arith.cmpi slt, %scan3A_167, %lt3A_321 : i32
      %convert_element_type3A_323 = arith.extui %lt3A_322 : i1 to i32
      %cond3A_324 = arith.constant 0 : i32
      %cond3A_325 = arith.cmpi ne, %convert_element_type3A_323, %cond3A_324 : i32
      scf.if %cond3A_325 {
        %add3A_339 = arith.constant 2 : i32
        %add3A_340 = arith.addi %add3A_273, %add3A_339 : i32
        %add3A_341 = arith.addi %mul3A_2, %add3A_340 : i32
        %dma_start3A_342 = arith.constant 0 : i32
        %dma_start3A_343 = arith.constant 0 : i32
        %dma_start3A_344 = tpu.memref_slice %arg2[%add3A_341, %dma_start3A_342, %dma_start3A_343] : memref<3200x4x64xi32, #tpu.memory_space<hbm>> -> memref<1x4x64xi32, #tpu.memory_space<hbm>>
        %dma_start3A_345 = tpu.memref_squeeze %dma_start3A_344 : memref<1x4x64xi32, #tpu.memory_space<hbm>> -> memref<4x64xi32, #tpu.memory_space<hbm>>
        %dma_start3A_346 = arith.constant 0 : i32
        %dma_start3A_347 = arith.constant 0 : i32
        %dma_start3A_348 = tpu.memref_slice %arg2[%add3A_341, %dma_start3A_346, %dma_start3A_347] : memref<3200x4x64xi32, #tpu.memory_space<hbm>> -> memref<1x4x64xi32, #tpu.memory_space<hbm>>
        %dma_start3A_349 = tpu.memref_squeeze %dma_start3A_348 : memref<1x4x64xi32, #tpu.memory_space<hbm>> -> memref<4x64xi32, #tpu.memory_space<hbm>>
        tpu.enqueue_dma source(%dma_start3A_349 : memref<4x64xi32, #tpu.memory_space<hbm>>) target(%arg15 : memref<4x64xi32, #tpu.memory_space<vmem>>) target_semaphore(%arg19 : memref<!tpu.dma_semaphore, #tpu.memory_space<semaphore_mem>>)
      } else {
      }
      %scan3A_326 = arith.constant 0 : i32
      %scan3A_327 = arith.constant 0 : i32
      %scan3A_328 = arith.constant 8 : i32
      %scan3A_329 = arith.addi %scan3A_327, %scan3A_328 : i32
      %scan3A_330 = arith.constant 1 : i32
      scf.for %scan3A_339 = %scan3A_327 to %scan3A_329 step %scan3A_330  : i32 {
        %mul3A_340 = arith.constant 8 : i32
        %mul3A_341 = arith.muli %scan3A_339, %mul3A_340 : i32
        %add3A_342 = arith.constant 0 : i32
        %add3A_343 = arith.addi %mul3A_341, %add3A_342 : i32
        %get3A = arith.index_cast %add3A_343 : i32 to index
        %get3A_344 = arith.constant 0 : index
        %get3A_345 = tpu.vector_load %arg16[%get3A, %get3A_344] {strides = array<i32>} : memref<64x320xf32, #tpu.memory_space<vmem>>, vector<16xf32>,
        %get3A_346 = arith.index_cast %add3A_343 : i32 to index
        %get3A_347 = arith.constant 0 : index
        %get3A_348 = tpu.vector_load %arg17[%get3A_346, %get3A_347] {strides = array<i32>} : memref<64x128xf32, #tpu.memory_space<vmem>>, vector<16xf32>,
        %add3A_349 = arith.addf %get3A_345, %get3A_348 : vector<16xf32>
        %swap3A = arith.index_cast %add3A_343 : i32 to index
        %swap3A_350 = arith.constant 0 : index
        %swap3A_351 = tpu.vector_load %arg16[%swap3A, %swap3A_350] {strides = array<i32>} : memref<64x320xf32, #tpu.memory_space<vmem>>, vector<16xf32>,
        tpu.vector_store %arg16[%swap3A, %swap3A_350], %add3A_349 {strides = array<i32>} : memref<64x320xf32, #tpu.memory_space<vmem>>, vector<16xf32>,
        %get3A_352 = arith.index_cast %add3A_343 : i32 to index
        %get3A_353 = arith.constant 16 : index
        %get3A_354 = tpu.vector_load %arg16[%get3A_352, %get3A_353] {strides = array<i32>} : memref<64x320xf32, #tpu.memory_space<vmem>>, vector<16xf32>,
        %get3A_355 = arith.index_cast %add3A_343 : i32 to index
        %get3A_356 = arith.constant 16 : index
        %get3A_357 = tpu.vector_load %arg17[%get3A_355, %get3A_356] {strides = array<i32>} : memref<64x128xf32, #tpu.memory_space<vmem>>, vector<16xf32>,
        %add3A_358 = arith.addf %get3A_354, %get3A_357 : vector<16xf32>
        %swap3A_359 = arith.index_cast %add3A_343 : i32 to index
        %swap3A_360 = arith.constant 16 : index
        %swap3A_361 = tpu.vector_load %arg16[%swap3A_359, %swap3A_360] {strides = array<i32>} : memref<64x320xf32, #tpu.memory_space<vmem>>, vector<16xf32>,
        tpu.vector_store %arg16[%swap3A_359, %swap3A_360], %add3A_358 {strides = array<i32>} : memref<64x320xf32, #tpu.memory_space<vmem>>, vector<16xf32>,
        %get3A_362 = arith.index_cast %add3A_343 : i32 to index
        %get3A_363 = arith.constant 32 : index
        %get3A_364 = tpu.vector_load %arg16[%get3A_362, %get3A_363] {strides = array<i32>} : memref<64x320xf32, #tpu.memory_space<vmem>>, vector<16xf32>,
        %get3A_365 = arith.index_cast %add3A_343 : i32 to index
        %get3A_366 = arith.constant 32 : index
        %get3A_367 = tpu.vector_load %arg17[%get3A_365, %get3A_366] {strides = array<i32>} : memref<64x128xf32, #tpu.memory_space<vmem>>, vector<16xf32>,
        %add3A_368 = arith.addf %get3A_364, %get3A_367 : vector<16xf32>
        %swap3A_369 = arith.index_cast %add3A_343 : i32 to index
        %swap3A_370 = arith.constant 32 : index
        %swap3A_371 = tpu.vector_load %arg16[%swap3A_369, %swap3A_370] {strides = array<i32>} : memref<64x320xf32, #tpu.memory_space<vmem>>, vector<16xf32>,
        tpu.vector_store %arg16[%swap3A_369, %swap3A_370], %add3A_368 {strides = array<i32>} : memref<64x320xf32, #tpu.memory_space<vmem>>, vector<16xf32>,
        %get3A_372 = arith.index_cast %add3A_343 : i32 to index
        %get3A_373 = arith.constant 48 : index
        %get3A_374 = tpu.vector_load %arg16[%get3A_372, %get3A_373] {strides = array<i32>} : memref<64x320xf32, #tpu.memory_space<vmem>>, vector<16xf32>,
        %get3A_375 = arith.index_cast %add3A_343 : i32 to index
        %get3A_376 = arith.constant 48 : index
        %get3A_377 = tpu.vector_load %arg17[%get3A_375, %get3A_376] {strides = array<i32>} : memref<64x128xf32, #tpu.memory_space<vmem>>, vector<16xf32>,
        %add3A_378 = arith.addf %get3A_374, %get3A_377 : vector<16xf32>
        %swap3A_379 = arith.index_cast %add3A_343 : i32 to index
        %swap3A_380 = arith.constant 48 : index
        %swap3A_381 = tpu.vector_load %arg16[%swap3A_379, %swap3A_380] {strides = array<i32>} : memref<64x320xf32, #tpu.memory_space<vmem>>, vector<16xf32>,
        tpu.vector_store %arg16[%swap3A_379, %swap3A_380], %add3A_378 {strides = array<i32>} : memref<64x320xf32, #tpu.memory_space<vmem>>, vector<16xf32>,
        %get3A_382 = arith.index_cast %add3A_343 : i32 to index
        %get3A_383 = arith.constant 64 : index
        %get3A_384 = tpu.vector_load %arg16[%get3A_382, %get3A_383] {strides = array<i32>} : memref<64x320xf32, #tpu.memory_space<vmem>>, vector<16xf32>,
        %get3A_385 = arith.index_cast %add3A_343 : i32 to index
        %get3A_386 = arith.constant 64 : index
        %get3A_387 = tpu.vector_load %arg17[%get3A_385, %get3A_386] {strides = array<i32>} : memref<64x128xf32, #tpu.memory_space<vmem>>, vector<16xf32>,
        %add3A_388 = arith.addf %get3A_384, %get3A_387 : vector<16xf32>
        %swap3A_389 = arith.index_cast %add3A_343 : i32 to index
        %swap3A_390 = arith.constant 64 : index
        %swap3A_391 = tpu.vector_load %arg16[%swap3A_389, %swap3A_390] {strides = array<i32>} : memref<64x320xf32, #tpu.memory_space<vmem>>, vector<16xf32>,
        tpu.vector_store %arg16[%swap3A_389, %swap3A_390], %add3A_388 {strides = array<i32>} : memref<64x320xf32, #tpu.memory_space<vmem>>, vector<16xf32>,
        %get3A_392 = arith.index_cast %add3A_343 : i32 to index
        %get3A_393 = arith.constant 80 : index
        %get3A_394 = tpu.vector_load %arg16[%get3A_392, %get3A_393] {strides = array<i32>} : memref<64x320xf32, #tpu.memory_space<vmem>>, vector<16xf32>,
        %get3A_395 = arith.index_cast %add3A_343 : i32 to index
        %get3A_396 = arith.constant 80 : index
        %get3A_397 = tpu.vector_load %arg17[%get3A_395, %get3A_396] {strides = array<i32>} : memref<64x128xf32, #tpu.memory_space<vmem>>, vector<16xf32>,
        %add3A_398 = arith.addf %get3A_394, %get3A_397 : vector<16xf32>
        %swap3A_399 = arith.index_cast %add3A_343 : i32 to index
        %swap3A_400 = arith.constant 80 : index
        %swap3A_401 = tpu.vector_load %arg16[%swap3A_399, %swap3A_400] {strides = array<i32>} : memref<64x320xf32, #tpu.memory_space<vmem>>, vector<16xf32>,
        tpu.vector_store %arg16[%swap3A_399, %swap3A_400], %add3A_398 {strides = array<i32>} : memref<64x320xf32, #tpu.memory_space<vmem>>, vector<16xf32>,
        %get3A_402 = arith.index_cast %add3A_343 : i32 to index
        %get3A_403 = arith.constant 96 : index
        %get3A_404 = tpu.vector_load %arg16[%get3A_402, %get3A_403] {strides = array<i32>} : memref<64x320xf32, #tpu.memory_space<vmem>>, vector<16xf32>,
        %get3A_405 = arith.index_cast %add3A_343 : i32 to index
        %get3A_406 = arith.constant 96 : index
        %get3A_407 = tpu.vector_load %arg17[%get3A_405, %get3A_406] {strides = array<i32>} : memref<64x128xf32, #tpu.memory_space<vmem>>, vector<16xf32>,
        %add3A_408 = arith.addf %get3A_404, %get3A_407 : vector<16xf32>
        %swap3A_409 = arith.index_cast %add3A_343 : i32 to index
        %swap3A_410 = arith.constant 96 : index
        %swap3A_411 = tpu.vector_load %arg16[%swap3A_409, %swap3A_410] {strides = array<i32>} : memref<64x320xf32, #tpu.memory_space<vmem>>, vector<16xf32>,
        tpu.vector_store %arg16[%swap3A_409, %swap3A_410], %add3A_408 {strides = array<i32>} : memref<64x320xf32, #tpu.memory_space<vmem>>, vector<16xf32>,
        %get3A_412 = arith.index_cast %add3A_343 : i32 to index
        %get3A_413 = arith.constant 112 : index
        %get3A_414 = tpu.vector_load %arg16[%get3A_412, %get3A_413] {strides = array<i32>} : memref<64x320xf32, #tpu.memory_space<vmem>>, vector<16xf32>,
        %get3A_415 = arith.index_cast %add3A_343 : i32 to index
        %get3A_416 = arith.constant 112 : index
        %get3A_417 = tpu.vector_load %arg17[%get3A_415, %get3A_416] {strides = array<i32>} : memref<64x128xf32, #tpu.memory_space<vmem>>, vector<16xf32>,
        %add3A_418 = arith.addf %get3A_414, %get3A_417 : vector<16xf32>
        %swap3A_419 = arith.index_cast %add3A_343 : i32 to index
        %swap3A_420 = arith.constant 112 : index
        %swap3A_421 = tpu.vector_load %arg16[%swap3A_419, %swap3A_420] {strides = array<i32>} : memref<64x320xf32, #tpu.memory_space<vmem>>, vector<16xf32>,
        tpu.vector_store %arg16[%swap3A_419, %swap3A_420], %add3A_418 {strides = array<i32>} : memref<64x320xf32, #tpu.memory_space<vmem>>, vector<16xf32>,
        %get3A_422 = arith.index_cast %add3A_343 : i32 to index
        %get3A_423 = arith.constant 0 : index
        %get3A_424 = tpu.vector_load %arg18[%get3A_422, %get3A_423] {strides = array<i32>} : memref<64x128xf32, #tpu.memory_space<vmem>>, vector<16xf32>,
        %swap3A_425 = arith.index_cast %add3A_343 : i32 to index
        %swap3A_426 = arith.constant 192 : index
        %swap3A_427 = tpu.vector_load %arg16[%swap3A_425, %swap3A_426] {strides = array<i32>} : memref<64x320xf32, #tpu.memory_space<vmem>>, vector<16xf32>,
        tpu.vector_store %arg16[%swap3A_425, %swap3A_426], %get3A_424 {strides = array<i32>} : memref<64x320xf32, #tpu.memory_space<vmem>>, vector<16xf32>,
        %get3A_428 = arith.index_cast %add3A_343 : i32 to index
        %get3A_429 = arith.constant 16 : index
        %get3A_430 = tpu.vector_load %arg18[%get3A_428, %get3A_429] {strides = array<i32>} : memref<64x128xf32, #tpu.memory_space<vmem>>, vector<16xf32>,
        %swap3A_431 = arith.index_cast %add3A_343 : i32 to index
        %swap3A_432 = arith.constant 208 : index
        %swap3A_433 = tpu.vector_load %arg16[%swap3A_431, %swap3A_432] {strides = array<i32>} : memref<64x320xf32, #tpu.memory_space<vmem>>, vector<16xf32>,
        tpu.vector_store %arg16[%swap3A_431, %swap3A_432], %get3A_430 {strides = array<i32>} : memref<64x320xf32, #tpu.memory_space<vmem>>, vector<16xf32>,
        %get3A_434 = arith.index_cast %add3A_343 : i32 to index
        %get3A_435 = arith.constant 32 : index
        %get3A_436 = tpu.vector_load %arg18[%get3A_434, %get3A_435] {strides = array<i32>} : memref<64x128xf32, #tpu.memory_space<vmem>>, vector<16xf32>,
        %swap3A_437 = arith.index_cast %add3A_343 : i32 to index
        %swap3A_438 = arith.constant 224 : index
        %swap3A_439 = tpu.vector_load %arg16[%swap3A_437, %swap3A_438] {strides = array<i32>} : memref<64x320xf32, #tpu.memory_space<vmem>>, vector<16xf32>,
        tpu.vector_store %arg16[%swap3A_437, %swap3A_438], %get3A_436 {strides = array<i32>} : memref<64x320xf32, #tpu.memory_space<vmem>>, vector<16xf32>,
        %get3A_440 = arith.index_cast %add3A_343 : i32 to index
        %get3A_441 = arith.constant 48 : index
        %get3A_442 = tpu.vector_load %arg18[%get3A_440, %get3A_441] {strides = array<i32>} : memref<64x128xf32, #tpu.memory_space<vmem>>, vector<16xf32>,
        %swap3A_443 = arith.index_cast %add3A_343 : i32 to index
        %swap3A_444 = arith.constant 240 : index
        %swap3A_445 = tpu.vector_load %arg16[%swap3A_443, %swap3A_444] {strides = array<i32>} : memref<64x320xf32, #tpu.memory_space<vmem>>, vector<16xf32>,
        tpu.vector_store %arg16[%swap3A_443, %swap3A_444], %get3A_442 {strides = array<i32>} : memref<64x320xf32, #tpu.memory_space<vmem>>, vector<16xf32>,
        %get3A_446 = arith.index_cast %add3A_343 : i32 to index
        %get3A_447 = arith.constant 64 : index
        %get3A_448 = tpu.vector_load %arg18[%get3A_446, %get3A_447] {strides = array<i32>} : memref<64x128xf32, #tpu.memory_space<vmem>>, vector<16xf32>,
        %swap3A_449 = arith.index_cast %add3A_343 : i32 to index
        %swap3A_450 = arith.constant 256 : index
        %swap3A_451 = tpu.vector_load %arg16[%swap3A_449, %swap3A_450] {strides = array<i32>} : memref<64x320xf32, #tpu.memory_space<vmem>>, vector<16xf32>,
        tpu.vector_store %arg16[%swap3A_449, %swap3A_450], %get3A_448 {strides = array<i32>} : memref<64x320xf32, #tpu.memory_space<vmem>>, vector<16xf32>,
        %get3A_452 = arith.index_cast %add3A_343 : i32 to index
        %get3A_453 = arith.constant 80 : index
        %get3A_454 = tpu.vector_load %arg18[%get3A_452, %get3A_453] {strides = array<i32>} : memref<64x128xf32, #tpu.memory_space<vmem>>, vector<16xf32>,
        %swap3A_455 = arith.index_cast %add3A_343 : i32 to index
        %swap3A_456 = arith.constant 272 : index
        %swap3A_457 = tpu.vector_load %arg16[%swap3A_455, %swap3A_456] {strides = array<i32>} : memref<64x320xf32, #tpu.memory_space<vmem>>, vector<16xf32>,
        tpu.vector_store %arg16[%swap3A_455, %swap3A_456], %get3A_454 {strides = array<i32>} : memref<64x320xf32, #tpu.memory_space<vmem>>, vector<16xf32>,
        %get3A_458 = arith.index_cast %add3A_343 : i32 to index
        %get3A_459 = arith.constant 96 : index
        %get3A_460 = tpu.vector_load %arg18[%get3A_458, %get3A_459] {strides = array<i32>} : memref<64x128xf32, #tpu.memory_space<vmem>>, vector<16xf32>,
        %swap3A_461 = arith.index_cast %add3A_343 : i32 to index
        %swap3A_462 = arith.constant 288 : index
        %swap3A_463 = tpu.vector_load %arg16[%swap3A_461, %swap3A_462] {strides = array<i32>} : memref<64x320xf32, #tpu.memory_space<vmem>>, vector<16xf32>,
        tpu.vector_store %arg16[%swap3A_461, %swap3A_462], %get3A_460 {strides = array<i32>} : memref<64x320xf32, #tpu.memory_space<vmem>>, vector<16xf32>,
        %get3A_464 = arith.index_cast %add3A_343 : i32 to index
        %get3A_465 = arith.constant 112 : index
        %get3A_466 = tpu.vector_load %arg18[%get3A_464, %get3A_465] {strides = array<i32>} : memref<64x128xf32, #tpu.memory_space<vmem>>, vector<16xf32>,
        %swap3A_467 = arith.index_cast %add3A_343 : i32 to index
        %swap3A_468 = arith.constant 304 : index
        %swap3A_469 = tpu.vector_load %arg16[%swap3A_467, %swap3A_468] {strides = array<i32>} : memref<64x320xf32, #tpu.memory_space<vmem>>, vector<16xf32>,
        tpu.vector_store %arg16[%swap3A_467, %swap3A_468], %get3A_466 {strides = array<i32>} : memref<64x320xf32, #tpu.memory_space<vmem>>, vector<16xf32>,
        %mul3A_470 = arith.constant 8 : i32
        %mul3A_471 = arith.muli %scan3A_339, %mul3A_470 : i32
        %add3A_472 = arith.constant 1 : i32
        %add3A_473 = arith.addi %mul3A_471, %add3A_472 : i32
        %get3A_474 = arith.index_cast %add3A_473 : i32 to index
        %get3A_475 = arith.constant 0 : index
        %get3A_476 = tpu.vector_load %arg16[%get3A_474, %get3A_475] {strides = array<i32>} : memref<64x320xf32, #tpu.memory_space<vmem>>, vector<16xf32>,
        %get3A_477 = arith.index_cast %add3A_473 : i32 to index
        %get3A_478 = arith.constant 0 : index
        %get3A_479 = tpu.vector_load %arg17[%get3A_477, %get3A_478] {strides = array<i32>} : memref<64x128xf32, #tpu.memory_space<vmem>>, vector<16xf32>,
        %add3A_480 = arith.addf %get3A_476, %get3A_479 : vector<16xf32>
        %swap3A_481 = arith.index_cast %add3A_473 : i32 to index
        %swap3A_482 = arith.constant 0 : index
        %swap3A_483 = tpu.vector_load %arg16[%swap3A_481, %swap3A_482] {strides = array<i32>} : memref<64x320xf32, #tpu.memory_space<vmem>>, vector<16xf32>,
        tpu.vector_store %arg16[%swap3A_481, %swap3A_482], %add3A_480 {strides = array<i32>} : memref<64x320xf32, #tpu.memory_space<vmem>>, vector<16xf32>,
        %get3A_484 = arith.index_cast %add3A_473 : i32 to index
        %get3A_485 = arith.constant 16 : index
        %get3A_486 = tpu.vector_load %arg16[%get3A_484, %get3A_485] {strides = array<i32>} : memref<64x320xf32, #tpu.memory_space<vmem>>, vector<16xf32>,
        %get3A_487 = arith.index_cast %add3A_473 : i32 to index
        %get3A_488 = arith.constant 16 : index
        %get3A_489 = tpu.vector_load %arg17[%get3A_487, %get3A_488] {strides = array<i32>} : memref<64x128xf32, #tpu.memory_space<vmem>>, vector<16xf32>,
        %add3A_490 = arith.addf %get3A_486, %get3A_489 : vector<16xf32>
        %swap3A_491 = arith.index_cast %add3A_473 : i32 to index
        %swap3A_492 = arith.constant 16 : index
        %swap3A_493 = tpu.vector_load %arg16[%swap3A_491, %swap3A_492] {strides = array<i32>} : memref<64x320xf32, #tpu.memory_space<vmem>>, vector<16xf32>,
        tpu.vector_store %arg16[%swap3A_491, %swap3A_492], %add3A_490 {strides = array<i32>} : memref<64x320xf32, #tpu.memory_space<vmem>>, vector<16xf32>,
        %get3A_494 = arith.index_cast %add3A_473 : i32 to index
        %get3A_495 = arith.constant 32 : index
        %get3A_496 = tpu.vector_load %arg16[%get3A_494, %get3A_495] {strides = array<i32>} : memref<64x320xf32, #tpu.memory_space<vmem>>, vector<16xf32>,
        %get3A_497 = arith.index_cast %add3A_473 : i32 to index
        %get3A_498 = arith.constant 32 : index
        %get3A_499 = tpu.vector_load %arg17[%get3A_497, %get3A_498] {strides = array<i32>} : memref<64x128xf32, #tpu.memory_space<vmem>>, vector<16xf32>,
        %add3A_500 = arith.addf %get3A_496, %get3A_499 : vector<16xf32>
        %swap3A_501 = arith.index_cast %add3A_473 : i32 to index
        %swap3A_502 = arith.constant 32 : index
        %swap3A_503 = tpu.vector_load %arg16[%swap3A_501, %swap3A_502] {strides = array<i32>} : memref<64x320xf32, #tpu.memory_space<vmem>>, vector<16xf32>,
        tpu.vector_store %arg16[%swap3A_501, %swap3A_502], %add3A_500 {strides = array<i32>} : memref<64x320xf32, #tpu.memory_space<vmem>>, vector<16xf32>,
        %get3A_504 = arith.index_cast %add3A_473 : i32 to index
        %get3A_505 = arith.constant 48 : index
        %get3A_506 = tpu.vector_load %arg16[%get3A_504, %get3A_505] {strides = array<i32>} : memref<64x320xf32, #tpu.memory_space<vmem>>, vector<16xf32>,
        %get3A_507 = arith.index_cast %add3A_473 : i32 to index
        %get3A_508 = arith.constant 48 : index
        %get3A_509 = tpu.vector_load %arg17[%get3A_507, %get3A_508] {strides = array<i32>} : memref<64x128xf32, #tpu.memory_space<vmem>>, vector<16xf32>,
        %add3A_510 = arith.addf %get3A_506, %get3A_509 : vector<16xf32>
        %swap3A_511 = arith.index_cast %add3A_473 : i32 to index
        %swap3A_512 = arith.constant 48 : index
        %swap3A_513 = tpu.vector_load %arg16[%swap3A_511, %swap3A_512] {strides = array<i32>} : memref<64x320xf32, #tpu.memory_space<vmem>>, vector<16xf32>,
        tpu.vector_store %arg16[%swap3A_511, %swap3A_512], %add3A_510 {strides = array<i32>} : memref<64x320xf32, #tpu.memory_space<vmem>>, vector<16xf32>,
        %get3A_514 = arith.index_cast %add3A_473 : i32 to index
        %get3A_515 = arith.constant 64 : index
        %get3A_516 = tpu.vector_load %arg16[%get3A_514, %get3A_515] {strides = array<i32>} : memref<64x320xf32, #tpu.memory_space<vmem>>, vector<16xf32>,
        %get3A_517 = arith.index_cast %add3A_473 : i32 to index
        %get3A_518 = arith.constant 64 : index
        %get3A_519 = tpu.vector_load %arg17[%get3A_517, %get3A_518] {strides = array<i32>} : memref<64x128xf32, #tpu.memory_space<vmem>>, vector<16xf32>,
        %add3A_520 = arith.addf %get3A_516, %get3A_519 : vector<16xf32>
        %swap3A_521 = arith.index_cast %add3A_473 : i32 to index
        %swap3A_522 = arith.constant 64 : index
        %swap3A_523 = tpu.vector_load %arg16[%swap3A_521, %swap3A_522] {strides = array<i32>} : memref<64x320xf32, #tpu.memory_space<vmem>>, vector<16xf32>,
        tpu.vector_store %arg16[%swap3A_521, %swap3A_522], %add3A_520 {strides = array<i32>} : memref<64x320xf32, #tpu.memory_space<vmem>>, vector<16xf32>,
        %get3A_524 = arith.index_cast %add3A_473 : i32 to index
        %get3A_525 = arith.constant 80 : index
        %get3A_526 = tpu.vector_load %arg16[%get3A_524, %get3A_525] {strides = array<i32>} : memref<64x320xf32, #tpu.memory_space<vmem>>, vector<16xf32>,
        %get3A_527 = arith.index_cast %add3A_473 : i32 to index
        %get3A_528 = arith.constant 80 : index
        %get3A_529 = tpu.vector_load %arg17[%get3A_527, %get3A_528] {strides = array<i32>} : memref<64x128xf32, #tpu.memory_space<vmem>>, vector<16xf32>,
        %add3A_530 = arith.addf %get3A_526, %get3A_529 : vector<16xf32>
        %swap3A_531 = arith.index_cast %add3A_473 : i32 to index
        %swap3A_532 = arith.constant 80 : index
        %swap3A_533 = tpu.vector_load %arg16[%swap3A_531, %swap3A_532] {strides = array<i32>} : memref<64x320xf32, #tpu.memory_space<vmem>>, vector<16xf32>,
        tpu.vector_store %arg16[%swap3A_531, %swap3A_532], %add3A_530 {strides = array<i32>} : memref<64x320xf32, #tpu.memory_space<vmem>>, vector<16xf32>,
        %get3A_534 = arith.index_cast %add3A_473 : i32 to index
        %get3A_535 = arith.constant 96 : index
        %get3A_536 = tpu.vector_load %arg16[%get3A_534, %get3A_535] {strides = array<i32>} : memref<64x320xf32, #tpu.memory_space<vmem>>, vector<16xf32>,
        %get3A_537 = arith.index_cast %add3A_473 : i32 to index
        %get3A_538 = arith.constant 96 : index
        %get3A_539 = tpu.vector_load %arg17[%get3A_537, %get3A_538] {strides = array<i32>} : memref<64x128xf32, #tpu.memory_space<vmem>>, vector<16xf32>,
        %add3A_540 = arith.addf %get3A_536, %get3A_539 : vector<16xf32>
        %swap3A_541 = arith.index_cast %add3A_473 : i32 to index
        %swap3A_542 = arith.constant 96 : index
        %swap3A_543 = tpu.vector_load %arg16[%swap3A_541, %swap3A_542] {strides = array<i32>} : memref<64x320xf32, #tpu.memory_space<vmem>>, vector<16xf32>,
        tpu.vector_store %arg16[%swap3A_541, %swap3A_542], %add3A_540 {strides = array<i32>} : memref<64x320xf32, #tpu.memory_space<vmem>>, vector<16xf32>,
        %get3A_544 = arith.index_cast %add3A_473 : i32 to index
        %get3A_545 = arith.constant 112 : index
        %get3A_546 = tpu.vector_load %arg16[%get3A_544, %get3A_545] {strides = array<i32>} : memref<64x320xf32, #tpu.memory_space<vmem>>, vector<16xf32>,
        %get3A_547 = arith.index_cast %add3A_473 : i32 to index
        %get3A_548 = arith.constant 112 : index
        %get3A_549 = tpu.vector_load %arg17[%get3A_547, %get3A_548] {strides = array<i32>} : memref<64x128xf32, #tpu.memory_space<vmem>>, vector<16xf32>,
        %add3A_550 = arith.addf %get3A_546, %get3A_549 : vector<16xf32>
        %swap3A_551 = arith.index_cast %add3A_473 : i32 to index
        %swap3A_552 = arith.constant 112 : index
        %swap3A_553 = tpu.vector_load %arg16[%swap3A_551, %swap3A_552] {strides = array<i32>} : memref<64x320xf32, #tpu.memory_space<vmem>>, vector<16xf32>,
        tpu.vector_store %arg16[%swap3A_551, %swap3A_552], %add3A_550 {strides = array<i32>} : memref<64x320xf32, #tpu.memory_space<vmem>>, vector<16xf32>,
        %get3A_554 = arith.index_cast %add3A_473 : i32 to index
        %get3A_555 = arith.constant 0 : index
        %get3A_556 = tpu.vector_load %arg18[%get3A_554, %get3A_555] {strides = array<i32>} : memref<64x128xf32, #tpu.memory_space<vmem>>, vector<16xf32>,
        %swap3A_557 = arith.index_cast %add3A_473 : i32 to index
        %swap3A_558 = arith.constant 192 : index
        %swap3A_559 = tpu.vector_load %arg16[%swap3A_557, %swap3A_558] {strides = array<i32>} : memref<64x320xf32, #tpu.memory_space<vmem>>, vector<16xf32>,
        tpu.vector_store %arg16[%swap3A_557, %swap3A_558], %get3A_556 {strides = array<i32>} : memref<64x320xf32, #tpu.memory_space<vmem>>, vector<16xf32>,
        %get3A_560 = arith.index_cast %add3A_473 : i32 to index
        %get3A_561 = arith.constant 16 : index
        %get3A_562 = tpu.vector_load %arg18[%get3A_560, %get3A_561] {strides = array<i32>} : memref<64x128xf32, #tpu.memory_space<vmem>>, vector<16xf32>,
        %swap3A_563 = arith.index_cast %add3A_473 : i32 to index
        %swap3A_564 = arith.constant 208 : index
        %swap3A_565 = tpu.vector_load %arg16[%swap3A_563, %swap3A_564] {strides = array<i32>} : memref<64x320xf32, #tpu.memory_space<vmem>>, vector<16xf32>,
        tpu.vector_store %arg16[%swap3A_563, %swap3A_564], %get3A_562 {strides = array<i32>} : memref<64x320xf32, #tpu.memory_space<vmem>>, vector<16xf32>,
        %get3A_566 = arith.index_cast %add3A_473 : i32 to index
        %get3A_567 = arith.constant 32 : index
        %get3A_568 = tpu.vector_load %arg18[%get3A_566, %get3A_567] {strides = array<i32>} : memref<64x128xf32, #tpu.memory_space<vmem>>, vector<16xf32>,
        %swap3A_569 = arith.index_cast %add3A_473 : i32 to index
        %swap3A_570 = arith.constant 224 : index
        %swap3A_571 = tpu.vector_load %arg16[%swap3A_569, %swap3A_570] {strides = array<i32>} : memref<64x320xf32, #tpu.memory_space<vmem>>, vector<16xf32>,
        tpu.vector_store %arg16[%swap3A_569, %swap3A_570], %get3A_568 {strides = array<i32>} : memref<64x320xf32, #tpu.memory_space<vmem>>, vector<16xf32>,
        %get3A_572 = arith.index_cast %add3A_473 : i32 to index
        %get3A_573 = arith.constant 48 : index
        %get3A_574 = tpu.vector_load %arg18[%get3A_572, %get3A_573] {strides = array<i32>} : memref<64x128xf32, #tpu.memory_space<vmem>>, vector<16xf32>,
        %swap3A_575 = arith.index_cast %add3A_473 : i32 to index
        %swap3A_576 = arith.constant 240 : index
        %swap3A_577 = tpu.vector_load %arg16[%swap3A_575, %swap3A_576] {strides = array<i32>} : memref<64x320xf32, #tpu.memory_space<vmem>>, vector<16xf32>,
        tpu.vector_store %arg16[%swap3A_575, %swap3A_576], %get3A_574 {strides = array<i32>} : memref<64x320xf32, #tpu.memory_space<vmem>>, vector<16xf32>,
        %get3A_578 = arith.index_cast %add3A_473 : i32 to index
        %get3A_579 = arith.constant 64 : index
        %get3A_580 = tpu.vector_load %arg18[%get3A_578, %get3A_579] {strides = array<i32>} : memref<64x128xf32, #tpu.memory_space<vmem>>, vector<16xf32>,
        %swap3A_581 = arith.index_cast %add3A_473 : i32 to index
        %swap3A_582 = arith.constant 256 : index
        %swap3A_583 = tpu.vector_load %arg16[%swap3A_581, %swap3A_582] {strides = array<i32>} : memref<64x320xf32, #tpu.memory_space<vmem>>, vector<16xf32>,
        tpu.vector_store %arg16[%swap3A_581, %swap3A_582], %get3A_580 {strides = array<i32>} : memref<64x320xf32, #tpu.memory_space<vmem>>, vector<16xf32>,
        %get3A_584 = arith.index_cast %add3A_473 : i32 to index
        %get3A_585 = arith.constant 80 : index
        %get3A_586 = tpu.vector_load %arg18[%get3A_584, %get3A_585] {strides = array<i32>} : memref<64x128xf32, #tpu.memory_space<vmem>>, vector<16xf32>,
        %swap3A_587 = arith.index_cast %add3A_473 : i32 to index
        %swap3A_588 = arith.constant 272 : index
        %swap3A_589 = tpu.vector_load %arg16[%swap3A_587, %swap3A_588] {strides = array<i32>} : memref<64x320xf32, #tpu.memory_space<vmem>>, vector<16xf32>,
        tpu.vector_store %arg16[%swap3A_587, %swap3A_588], %get3A_586 {strides = array<i32>} : memref<64x320xf32, #tpu.memory_space<vmem>>, vector<16xf32>,
        %get3A_590 = arith.index_cast %add3A_473 : i32 to index
        %get3A_591 = arith.constant 96 : index
        %get3A_592 = tpu.vector_load %arg18[%get3A_590, %get3A_591] {strides = array<i32>} : memref<64x128xf32, #tpu.memory_space<vmem>>, vector<16xf32>,
        %swap3A_593 = arith.index_cast %add3A_473 : i32 to index
        %swap3A_594 = arith.constant 288 : index
        %swap3A_595 = tpu.vector_load %arg16[%swap3A_593, %swap3A_594] {strides = array<i32>} : memref<64x320xf32, #tpu.memory_space<vmem>>, vector<16xf32>,
        tpu.vector_store %arg16[%swap3A_593, %swap3A_594], %get3A_592 {strides = array<i32>} : memref<64x320xf32, #tpu.memory_space<vmem>>, vector<16xf32>,
        %get3A_596 = arith.index_cast %add3A_473 : i32 to index
        %get3A_597 = arith.constant 112 : index
        %get3A_598 = tpu.vector_load %arg18[%get3A_596, %get3A_597] {strides = array<i32>} : memref<64x128xf32, #tpu.memory_space<vmem>>, vector<16xf32>,
        %swap3A_599 = arith.index_cast %add3A_473 : i32 to index
        %swap3A_600 = arith.constant 304 : index
        %swap3A_601 = tpu.vector_load %arg16[%swap3A_599, %swap3A_600] {strides = array<i32>} : memref<64x320xf32, #tpu.memory_space<vmem>>, vector<16xf32>,
        tpu.vector_store %arg16[%swap3A_599, %swap3A_600], %get3A_598 {strides = array<i32>} : memref<64x320xf32, #tpu.memory_space<vmem>>, vector<16xf32>,
        %mul3A_602 = arith.constant 8 : i32
        %mul3A_603 = arith.muli %scan3A_339, %mul3A_602 : i32
        %add3A_604 = arith.constant 2 : i32
        %add3A_605 = arith.addi %mul3A_603, %add3A_604 : i32
        %get3A_606 = arith.index_cast %add3A_605 : i32 to index
        %get3A_607 = arith.constant 0 : index
        %get3A_608 = tpu.vector_load %arg16[%get3A_606, %get3A_607] {strides = array<i32>} : memref<64x320xf32, #tpu.memory_space<vmem>>, vector<16xf32>,
        %get3A_609 = arith.index_cast %add3A_605 : i32 to index
        %get3A_610 = arith.constant 0 : index
        %get3A_611 = tpu.vector_load %arg17[%get3A_609, %get3A_610] {strides = array<i32>} : memref<64x128xf32, #tpu.memory_space<vmem>>, vector<16xf32>,
        %add3A_612 = arith.addf %get3A_608, %get3A_611 : vector<16xf32>
        %swap3A_613 = arith.index_cast %add3A_605 : i32 to index
        %swap3A_614 = arith.constant 0 : index
        %swap3A_615 = tpu.vector_load %arg16[%swap3A_613, %swap3A_614] {strides = array<i32>} : memref<64x320xf32, #tpu.memory_space<vmem>>, vector<16xf32>,
        tpu.vector_store %arg16[%swap3A_613, %swap3A_614], %add3A_612 {strides = array<i32>} : memref<64x320xf32, #tpu.memory_space<vmem>>, vector<16xf32>,
        %get3A_616 = arith.index_cast %add3A_605 : i32 to index
        %get3A_617 = arith.constant 16 : index
        %get3A_618 = tpu.vector_load %arg16[%get3A_616, %get3A_617] {strides = array<i32>} : memref<64x320xf32, #tpu.memory_space<vmem>>, vector<16xf32>,
        %get3A_619 = arith.index_cast %add3A_605 : i32 to index
        %get3A_620 = arith.constant 16 : index
        %get3A_621 = tpu.vector_load %arg17[%get3A_619, %get3A_620] {strides = array<i32>} : memref<64x128xf32, #tpu.memory_space<vmem>>, vector<16xf32>,
        %add3A_622 = arith.addf %get3A_618, %get3A_621 : vector<16xf32>
        %swap3A_623 = arith.index_cast %add3A_605 : i32 to index
        %swap3A_624 = arith.constant 16 : index
        %swap3A_625 = tpu.vector_load %arg16[%swap3A_623, %swap3A_624] {strides = array<i32>} : memref<64x320xf32, #tpu.memory_space<vmem>>, vector<16xf32>,
        tpu.vector_store %arg16[%swap3A_623, %swap3A_624], %add3A_622 {strides = array<i32>} : memref<64x320xf32, #tpu.memory_space<vmem>>, vector<16xf32>,
        %get3A_626 = arith.index_cast %add3A_605 : i32 to index
        %get3A_627 = arith.constant 32 : index
        %get3A_628 = tpu.vector_load %arg16[%get3A_626, %get3A_627] {strides = array<i32>} : memref<64x320xf32, #tpu.memory_space<vmem>>, vector<16xf32>,
        %get3A_629 = arith.index_cast %add3A_605 : i32 to index
        %get3A_630 = arith.constant 32 : index
        %get3A_631 = tpu.vector_load %arg17[%get3A_629, %get3A_630] {strides = array<i32>} : memref<64x128xf32, #tpu.memory_space<vmem>>, vector<16xf32>,
        %add3A_632 = arith.addf %get3A_628, %get3A_631 : vector<16xf32>
        %swap3A_633 = arith.index_cast %add3A_605 : i32 to index
        %swap3A_634 = arith.constant 32 : index
        %swap3A_635 = tpu.vector_load %arg16[%swap3A_633, %swap3A_634] {strides = array<i32>} : memref<64x320xf32, #tpu.memory_space<vmem>>, vector<16xf32>,
        tpu.vector_store %arg16[%swap3A_633, %swap3A_634], %add3A_632 {strides = array<i32>} : memref<64x320xf32, #tpu.memory_space<vmem>>, vector<16xf32>,
        %get3A_636 = arith.index_cast %add3A_605 : i32 to index
        %get3A_637 = arith.constant 48 : index
        %get3A_638 = tpu.vector_load %arg16[%get3A_636, %get3A_637] {strides = array<i32>} : memref<64x320xf32, #tpu.memory_space<vmem>>, vector<16xf32>,
        %get3A_639 = arith.index_cast %add3A_605 : i32 to index
        %get3A_640 = arith.constant 48 : index
        %get3A_641 = tpu.vector_load %arg17[%get3A_639, %get3A_640] {strides = array<i32>} : memref<64x128xf32, #tpu.memory_space<vmem>>, vector<16xf32>,
        %add3A_642 = arith.addf %get3A_638, %get3A_641 : vector<16xf32>
        %swap3A_643 = arith.index_cast %add3A_605 : i32 to index
        %swap3A_644 = arith.constant 48 : index
        %swap3A_645 = tpu.vector_load %arg16[%swap3A_643, %swap3A_644] {strides = array<i32>} : memref<64x320xf32, #tpu.memory_space<vmem>>, vector<16xf32>,
        tpu.vector_store %arg16[%swap3A_643, %swap3A_644], %add3A_642 {strides = array<i32>} : memref<64x320xf32, #tpu.memory_space<vmem>>, vector<16xf32>,
        %get3A_646 = arith.index_cast %add3A_605 : i32 to index
        %get3A_647 = arith.constant 64 : index
        %get3A_648 = tpu.vector_load %arg16[%get3A_646, %get3A_647] {strides = array<i32>} : memref<64x320xf32, #tpu.memory_space<vmem>>, vector<16xf32>,
        %get3A_649 = arith.index_cast %add3A_605 : i32 to index
        %get3A_650 = arith.constant 64 : index
        %get3A_651 = tpu.vector_load %arg17[%get3A_649, %get3A_650] {strides = array<i32>} : memref<64x128xf32, #tpu.memory_space<vmem>>, vector<16xf32>,
        %add3A_652 = arith.addf %get3A_648, %get3A_651 : vector<16xf32>
        %swap3A_653 = arith.index_cast %add3A_605 : i32 to index
        %swap3A_654 = arith.constant 64 : index
        %swap3A_655 = tpu.vector_load %arg16[%swap3A_653, %swap3A_654] {strides = array<i32>} : memref<64x320xf32, #tpu.memory_space<vmem>>, vector<16xf32>,
        tpu.vector_store %arg16[%swap3A_653, %swap3A_654], %add3A_652 {strides = array<i32>} : memref<64x320xf32, #tpu.memory_space<vmem>>, vector<16xf32>,
        %get3A_656 = arith.index_cast %add3A_605 : i32 to index
        %get3A_657 = arith.constant 80 : index
        %get3A_658 = tpu.vector_load %arg16[%get3A_656, %get3A_657] {strides = array<i32>} : memref<64x320xf32, #tpu.memory_space<vmem>>, vector<16xf32>,
        %get3A_659 = arith.index_cast %add3A_605 : i32 to index
        %get3A_660 = arith.constant 80 : index
        %get3A_661 = tpu.vector_load %arg17[%get3A_659, %get3A_660] {strides = array<i32>} : memref<64x128xf32, #tpu.memory_space<vmem>>, vector<16xf32>,
        %add3A_662 = arith.addf %get3A_658, %get3A_661 : vector<16xf32>
        %swap3A_663 = arith.index_cast %add3A_605 : i32 to index
        %swap3A_664 = arith.constant 80 : index
        %swap3A_665 = tpu.vector_load %arg16[%swap3A_663, %swap3A_664] {strides = array<i32>} : memref<64x320xf32, #tpu.memory_space<vmem>>, vector<16xf32>,
        tpu.vector_store %arg16[%swap3A_663, %swap3A_664], %add3A_662 {strides = array<i32>} : memref<64x320xf32, #tpu.memory_space<vmem>>, vector<16xf32>,
        %get3A_666 = arith.index_cast %add3A_605 : i32 to index
        %get3A_667 = arith.constant 96 : index
        %get3A_668 = tpu.vector_load %arg16[%get3A_666, %get3A_667] {strides = array<i32>} : memref<64x320xf32, #tpu.memory_space<vmem>>, vector<16xf32>,
        %get3A_669 = arith.index_cast %add3A_605 : i32 to index
        %get3A_670 = arith.constant 96 : index
        %get3A_671 = tpu.vector_load %arg17[%get3A_669, %get3A_670] {strides = array<i32>} : memref<64x128xf32, #tpu.memory_space<vmem>>, vector<16xf32>,
        %add3A_672 = arith.addf %get3A_668, %get3A_671 : vector<16xf32>
        %swap3A_673 = arith.index_cast %add3A_605 : i32 to index
        %swap3A_674 = arith.constant 96 : index
        %swap3A_675 = tpu.vector_load %arg16[%swap3A_673, %swap3A_674] {strides = array<i32>} : memref<64x320xf32, #tpu.memory_space<vmem>>, vector<16xf32>,
        tpu.vector_store %arg16[%swap3A_673, %swap3A_674], %add3A_672 {strides = array<i32>} : memref<64x320xf32, #tpu.memory_space<vmem>>, vector<16xf32>,
        %get3A_676 = arith.index_cast %add3A_605 : i32 to index
        %get3A_677 = arith.constant 112 : index
        %get3A_678 = tpu.vector_load %arg16[%get3A_676, %get3A_677] {strides = array<i32>} : memref<64x320xf32, #tpu.memory_space<vmem>>, vector<16xf32>,
        %get3A_679 = arith.index_cast %add3A_605 : i32 to index
        %get3A_680 = arith.constant 112 : index
        %get3A_681 = tpu.vector_load %arg17[%get3A_679, %get3A_680] {strides = array<i32>} : memref<64x128xf32, #tpu.memory_space<vmem>>, vector<16xf32>,
        %add3A_682 = arith.addf %get3A_678, %get3A_681 : vector<16xf32>
        %swap3A_683 = arith.index_cast %add3A_605 : i32 to index
        %swap3A_684 = arith.constant 112 : index
        %swap3A_685 = tpu.vector_load %arg16[%swap3A_683, %swap3A_684] {strides = array<i32>} : memref<64x320xf32, #tpu.memory_space<vmem>>, vector<16xf32>,
        tpu.vector_store %arg16[%swap3A_683, %swap3A_684], %add3A_682 {strides = array<i32>} : memref<64x320xf32, #tpu.memory_space<vmem>>, vector<16xf32>,
        %get3A_686 = arith.index_cast %add3A_605 : i32 to index
        %get3A_687 = arith.constant 0 : index
        %get3A_688 = tpu.vector_load %arg18[%get3A_686, %get3A_687] {strides = array<i32>} : memref<64x128xf32, #tpu.memory_space<vmem>>, vector<16xf32>,
        %swap3A_689 = arith.index_cast %add3A_605 : i32 to index
        %swap3A_690 = arith.constant 192 : index
        %swap3A_691 = tpu.vector_load %arg16[%swap3A_689, %swap3A_690] {strides = array<i32>} : memref<64x320xf32, #tpu.memory_space<vmem>>, vector<16xf32>,
        tpu.vector_store %arg16[%swap3A_689, %swap3A_690], %get3A_688 {strides = array<i32>} : memref<64x320xf32, #tpu.memory_space<vmem>>, vector<16xf32>,
        %get3A_692 = arith.index_cast %add3A_605 : i32 to index
        %get3A_693 = arith.constant 16 : index
        %get3A_694 = tpu.vector_load %arg18[%get3A_692, %get3A_693] {strides = array<i32>} : memref<64x128xf32, #tpu.memory_space<vmem>>, vector<16xf32>,
        %swap3A_695 = arith.index_cast %add3A_605 : i32 to index
        %swap3A_696 = arith.constant 208 : index
        %swap3A_697 = tpu.vector_load %arg16[%swap3A_695, %swap3A_696] {strides = array<i32>} : memref<64x320xf32, #tpu.memory_space<vmem>>, vector<16xf32>,
        tpu.vector_store %arg16[%swap3A_695, %swap3A_696], %get3A_694 {strides = array<i32>} : memref<64x320xf32, #tpu.memory_space<vmem>>, vector<16xf32>,
        %get3A_698 = arith.index_cast %add3A_605 : i32 to index
        %get3A_699 = arith.constant 32 : index
        %get3A_700 = tpu.vector_load %arg18[%get3A_698, %get3A_699] {strides = array<i32>} : memref<64x128xf32, #tpu.memory_space<vmem>>, vector<16xf32>,
        %swap3A_701 = arith.index_cast %add3A_605 : i32 to index
        %swap3A_702 = arith.constant 224 : index
        %swap3A_703 = tpu.vector_load %arg16[%swap3A_701, %swap3A_702] {strides = array<i32>} : memref<64x320xf32, #tpu.memory_space<vmem>>, vector<16xf32>,
        tpu.vector_store %arg16[%swap3A_701, %swap3A_702], %get3A_700 {strides = array<i32>} : memref<64x320xf32, #tpu.memory_space<vmem>>, vector<16xf32>,
        %get3A_704 = arith.index_cast %add3A_605 : i32 to index
        %get3A_705 = arith.constant 48 : index
        %get3A_706 = tpu.vector_load %arg18[%get3A_704, %get3A_705] {strides = array<i32>} : memref<64x128xf32, #tpu.memory_space<vmem>>, vector<16xf32>,
        %swap3A_707 = arith.index_cast %add3A_605 : i32 to index
        %swap3A_708 = arith.constant 240 : index
        %swap3A_709 = tpu.vector_load %arg16[%swap3A_707, %swap3A_708] {strides = array<i32>} : memref<64x320xf32, #tpu.memory_space<vmem>>, vector<16xf32>,
        tpu.vector_store %arg16[%swap3A_707, %swap3A_708], %get3A_706 {strides = array<i32>} : memref<64x320xf32, #tpu.memory_space<vmem>>, vector<16xf32>,
        %get3A_710 = arith.index_cast %add3A_605 : i32 to index
        %get3A_711 = arith.constant 64 : index
        %get3A_712 = tpu.vector_load %arg18[%get3A_710, %get3A_711] {strides = array<i32>} : memref<64x128xf32, #tpu.memory_space<vmem>>, vector<16xf32>,
        %swap3A_713 = arith.index_cast %add3A_605 : i32 to index
        %swap3A_714 = arith.constant 256 : index
        %swap3A_715 = tpu.vector_load %arg16[%swap3A_713, %swap3A_714] {strides = array<i32>} : memref<64x320xf32, #tpu.memory_space<vmem>>, vector<16xf32>,
        tpu.vector_store %arg16[%swap3A_713, %swap3A_714], %get3A_712 {strides = array<i32>} : memref<64x320xf32, #tpu.memory_space<vmem>>, vector<16xf32>,
        %get3A_716 = arith.index_cast %add3A_605 : i32 to index
        %get3A_717 = arith.constant 80 : index
        %get3A_718 = tpu.vector_load %arg18[%get3A_716, %get3A_717] {strides = array<i32>} : memref<64x128xf32, #tpu.memory_space<vmem>>, vector<16xf32>,
        %swap3A_719 = arith.index_cast %add3A_605 : i32 to index
        %swap3A_720 = arith.constant 272 : index
        %swap3A_721 = tpu.vector_load %arg16[%swap3A_719, %swap3A_720] {strides = array<i32>} : memref<64x320xf32, #tpu.memory_space<vmem>>, vector<16xf32>,
        tpu.vector_store %arg16[%swap3A_719, %swap3A_720], %get3A_718 {strides = array<i32>} : memref<64x320xf32, #tpu.memory_space<vmem>>, vector<16xf32>,
        %get3A_722 = arith.index_cast %add3A_605 : i32 to index
        %get3A_723 = arith.constant 96 : index
        %get3A_724 = tpu.vector_load %arg18[%get3A_722, %get3A_723] {strides = array<i32>} : memref<64x128xf32, #tpu.memory_space<vmem>>, vector<16xf32>,
        %swap3A_725 = arith.index_cast %add3A_605 : i32 to index
        %swap3A_726 = arith.constant 288 : index
        %swap3A_727 = tpu.vector_load %arg16[%swap3A_725, %swap3A_726] {strides = array<i32>} : memref<64x320xf32, #tpu.memory_space<vmem>>, vector<16xf32>,
        tpu.vector_store %arg16[%swap3A_725, %swap3A_726], %get3A_724 {strides = array<i32>} : memref<64x320xf32, #tpu.memory_space<vmem>>, vector<16xf32>,
        %get3A_728 = arith.index_cast %add3A_605 : i32 to index
        %get3A_729 = arith.constant 112 : index
        %get3A_730 = tpu.vector_load %arg18[%get3A_728, %get3A_729] {strides = array<i32>} : memref<64x128xf32, #tpu.memory_space<vmem>>, vector<16xf32>,
        %swap3A_731 = arith.index_cast %add3A_605 : i32 to index
        %swap3A_732 = arith.constant 304 : index
        %swap3A_733 = tpu.vector_load %arg16[%swap3A_731, %swap3A_732] {strides = array<i32>} : memref<64x320xf32, #tpu.memory_space<vmem>>, vector<16xf32>,
        tpu.vector_store %arg16[%swap3A_731, %swap3A_732], %get3A_730 {strides = array<i32>} : memref<64x320xf32, #tpu.memory_space<vmem>>, vector<16xf32>,
        %mul3A_734 = arith.constant 8 : i32
        %mul3A_735 = arith.muli %scan3A_339, %mul3A_734 : i32
        %add3A_736 = arith.constant 3 : i32
        %add3A_737 = arith.addi %mul3A_735, %add3A_736 : i32
        %get3A_738 = arith.index_cast %add3A_737 : i32 to index
        %get3A_739 = arith.constant 0 : index
        %get3A_740 = tpu.vector_load %arg16[%get3A_738, %get3A_739] {strides = array<i32>} : memref<64x320xf32, #tpu.memory_space<vmem>>, vector<16xf32>,
        %get3A_741 = arith.index_cast %add3A_737 : i32 to index
        %get3A_742 = arith.constant 0 : index
        %get3A_743 = tpu.vector_load %arg17[%get3A_741, %get3A_742] {strides = array<i32>} : memref<64x128xf32, #tpu.memory_space<vmem>>, vector<16xf32>,
        %add3A_744 = arith.addf %get3A_740, %get3A_743 : vector<16xf32>
        %swap3A_745 = arith.index_cast %add3A_737 : i32 to index
        %swap3A_746 = arith.constant 0 : index
        %swap3A_747 = tpu.vector_load %arg16[%swap3A_745, %swap3A_746] {strides = array<i32>} : memref<64x320xf32, #tpu.memory_space<vmem>>, vector<16xf32>,
        tpu.vector_store %arg16[%swap3A_745, %swap3A_746], %add3A_744 {strides = array<i32>} : memref<64x320xf32, #tpu.memory_space<vmem>>, vector<16xf32>,
        %get3A_748 = arith.index_cast %add3A_737 : i32 to index
        %get3A_749 = arith.constant 16 : index
        %get3A_750 = tpu.vector_load %arg16[%get3A_748, %get3A_749] {strides = array<i32>} : memref<64x320xf32, #tpu.memory_space<vmem>>, vector<16xf32>,
        %get3A_751 = arith.index_cast %add3A_737 : i32 to index
        %get3A_752 = arith.constant 16 : index
        %get3A_753 = tpu.vector_load %arg17[%get3A_751, %get3A_752] {strides = array<i32>} : memref<64x128xf32, #tpu.memory_space<vmem>>, vector<16xf32>,
        %add3A_754 = arith.addf %get3A_750, %get3A_753 : vector<16xf32>
        %swap3A_755 = arith.index_cast %add3A_737 : i32 to index
        %swap3A_756 = arith.constant 16 : index
        %swap3A_757 = tpu.vector_load %arg16[%swap3A_755, %swap3A_756] {strides = array<i32>} : memref<64x320xf32, #tpu.memory_space<vmem>>, vector<16xf32>,
        tpu.vector_store %arg16[%swap3A_755, %swap3A_756], %add3A_754 {strides = array<i32>} : memref<64x320xf32, #tpu.memory_space<vmem>>, vector<16xf32>,
        %get3A_758 = arith.index_cast %add3A_737 : i32 to index
        %get3A_759 = arith.constant 32 : index
        %get3A_760 = tpu.vector_load %arg16[%get3A_758, %get3A_759] {strides = array<i32>} : memref<64x320xf32, #tpu.memory_space<vmem>>, vector<16xf32>,
        %get3A_761 = arith.index_cast %add3A_737 : i32 to index
        %get3A_762 = arith.constant 32 : index
        %get3A_763 = tpu.vector_load %arg17[%get3A_761, %get3A_762] {strides = array<i32>} : memref<64x128xf32, #tpu.memory_space<vmem>>, vector<16xf32>,
        %add3A_764 = arith.addf %get3A_760, %get3A_763 : vector<16xf32>
        %swap3A_765 = arith.index_cast %add3A_737 : i32 to index
        %swap3A_766 = arith.constant 32 : index
        %swap3A_767 = tpu.vector_load %arg16[%swap3A_765, %swap3A_766] {strides = array<i32>} : memref<64x320xf32, #tpu.memory_space<vmem>>, vector<16xf32>,
        tpu.vector_store %arg16[%swap3A_765, %swap3A_766], %add3A_764 {strides = array<i32>} : memref<64x320xf32, #tpu.memory_space<vmem>>, vector<16xf32>,
        %get3A_768 = arith.index_cast %add3A_737 : i32 to index
        %get3A_769 = arith.constant 48 : index
        %get3A_770 = tpu.vector_load %arg16[%get3A_768, %get3A_769] {strides = array<i32>} : memref<64x320xf32, #tpu.memory_space<vmem>>, vector<16xf32>,
        %get3A_771 = arith.index_cast %add3A_737 : i32 to index
        %get3A_772 = arith.constant 48 : index
        %get3A_773 = tpu.vector_load %arg17[%get3A_771, %get3A_772] {strides = array<i32>} : memref<64x128xf32, #tpu.memory_space<vmem>>, vector<16xf32>,
        %add3A_774 = arith.addf %get3A_770, %get3A_773 : vector<16xf32>
        %swap3A_775 = arith.index_cast %add3A_737 : i32 to index
        %swap3A_776 = arith.constant 48 : index
        %swap3A_777 = tpu.vector_load %arg16[%swap3A_775, %swap3A_776] {strides = array<i32>} : memref<64x320xf32, #tpu.memory_space<vmem>>, vector<16xf32>,
        tpu.vector_store %arg16[%swap3A_775, %swap3A_776], %add3A_774 {strides = array<i32>} : memref<64x320xf32, #tpu.memory_space<vmem>>, vector<16xf32>,
        %get3A_778 = arith.index_cast %add3A_737 : i32 to index
        %get3A_779 = arith.constant 64 : index
        %get3A_780 = tpu.vector_load %arg16[%get3A_778, %get3A_779] {strides = array<i32>} : memref<64x320xf32, #tpu.memory_space<vmem>>, vector<16xf32>,
        %get3A_781 = arith.index_cast %add3A_737 : i32 to index
        %get3A_782 = arith.constant 64 : index
        %get3A_783 = tpu.vector_load %arg17[%get3A_781, %get3A_782] {strides = array<i32>} : memref<64x128xf32, #tpu.memory_space<vmem>>, vector<16xf32>,
        %add3A_784 = arith.addf %get3A_780, %get3A_783 : vector<16xf32>
        %swap3A_785 = arith.index_cast %add3A_737 : i32 to index
        %swap3A_786 = arith.constant 64 : index
        %swap3A_787 = tpu.vector_load %arg16[%swap3A_785, %swap3A_786] {strides = array<i32>} : memref<64x320xf32, #tpu.memory_space<vmem>>, vector<16xf32>,
        tpu.vector_store %arg16[%swap3A_785, %swap3A_786], %add3A_784 {strides = array<i32>} : memref<64x320xf32, #tpu.memory_space<vmem>>, vector<16xf32>,
        %get3A_788 = arith.index_cast %add3A_737 : i32 to index
        %get3A_789 = arith.constant 80 : index
        %get3A_790 = tpu.vector_load %arg16[%get3A_788, %get3A_789] {strides = array<i32>} : memref<64x320xf32, #tpu.memory_space<vmem>>, vector<16xf32>,
        %get3A_791 = arith.index_cast %add3A_737 : i32 to index
        %get3A_792 = arith.constant 80 : index
        %get3A_793 = tpu.vector_load %arg17[%get3A_791, %get3A_792] {strides = array<i32>} : memref<64x128xf32, #tpu.memory_space<vmem>>, vector<16xf32>,
        %add3A_794 = arith.addf %get3A_790, %get3A_793 : vector<16xf32>
        %swap3A_795 = arith.index_cast %add3A_737 : i32 to index
        %swap3A_796 = arith.constant 80 : index
        %swap3A_797 = tpu.vector_load %arg16[%swap3A_795, %swap3A_796] {strides = array<i32>} : memref<64x320xf32, #tpu.memory_space<vmem>>, vector<16xf32>,
        tpu.vector_store %arg16[%swap3A_795, %swap3A_796], %add3A_794 {strides = array<i32>} : memref<64x320xf32, #tpu.memory_space<vmem>>, vector<16xf32>,
        %get3A_798 = arith.index_cast %add3A_737 : i32 to index
        %get3A_799 = arith.constant 96 : index
        %get3A_800 = tpu.vector_load %arg16[%get3A_798, %get3A_799] {strides = array<i32>} : memref<64x320xf32, #tpu.memory_space<vmem>>, vector<16xf32>,
        %get3A_801 = arith.index_cast %add3A_737 : i32 to index
        %get3A_802 = arith.constant 96 : index
        %get3A_803 = tpu.vector_load %arg17[%get3A_801, %get3A_802] {strides = array<i32>} : memref<64x128xf32, #tpu.memory_space<vmem>>, vector<16xf32>,
        %add3A_804 = arith.addf %get3A_800, %get3A_803 : vector<16xf32>
        %swap3A_805 = arith.index_cast %add3A_737 : i32 to index
        %swap3A_806 = arith.constant 96 : index
        %swap3A_807 = tpu.vector_load %arg16[%swap3A_805, %swap3A_806] {strides = array<i32>} : memref<64x320xf32, #tpu.memory_space<vmem>>, vector<16xf32>,
        tpu.vector_store %arg16[%swap3A_805, %swap3A_806], %add3A_804 {strides = array<i32>} : memref<64x320xf32, #tpu.memory_space<vmem>>, vector<16xf32>,
        %get3A_808 = arith.index_cast %add3A_737 : i32 to index
        %get3A_809 = arith.constant 112 : index
        %get3A_810 = tpu.vector_load %arg16[%get3A_808, %get3A_809] {strides = array<i32>} : memref<64x320xf32, #tpu.memory_space<vmem>>, vector<16xf32>,
        %get3A_811 = arith.index_cast %add3A_737 : i32 to index
        %get3A_812 = arith.constant 112 : index
        %get3A_813 = tpu.vector_load %arg17[%get3A_811, %get3A_812] {strides = array<i32>} : memref<64x128xf32, #tpu.memory_space<vmem>>, vector<16xf32>,
        %add3A_814 = arith.addf %get3A_810, %get3A_813 : vector<16xf32>
        %swap3A_815 = arith.index_cast %add3A_737 : i32 to index
        %swap3A_816 = arith.constant 112 : index
        %swap3A_817 = tpu.vector_load %arg16[%swap3A_815, %swap3A_816] {strides = array<i32>} : memref<64x320xf32, #tpu.memory_space<vmem>>, vector<16xf32>,
        tpu.vector_store %arg16[%swap3A_815, %swap3A_816], %add3A_814 {strides = array<i32>} : memref<64x320xf32, #tpu.memory_space<vmem>>, vector<16xf32>,
        %get3A_818 = arith.index_cast %add3A_737 : i32 to index
        %get3A_819 = arith.constant 0 : index
        %get3A_820 = tpu.vector_load %arg18[%get3A_818, %get3A_819] {strides = array<i32>} : memref<64x128xf32, #tpu.memory_space<vmem>>, vector<16xf32>,
        %swap3A_821 = arith.index_cast %add3A_737 : i32 to index
        %swap3A_822 = arith.constant 192 : index
        %swap3A_823 = tpu.vector_load %arg16[%swap3A_821, %swap3A_822] {strides = array<i32>} : memref<64x320xf32, #tpu.memory_space<vmem>>, vector<16xf32>,
        tpu.vector_store %arg16[%swap3A_821, %swap3A_822], %get3A_820 {strides = array<i32>} : memref<64x320xf32, #tpu.memory_space<vmem>>, vector<16xf32>,
        %get3A_824 = arith.index_cast %add3A_737 : i32 to index
        %get3A_825 = arith.constant 16 : index
        %get3A_826 = tpu.vector_load %arg18[%get3A_824, %get3A_825] {strides = array<i32>} : memref<64x128xf32, #tpu.memory_space<vmem>>, vector<16xf32>,
        %swap3A_827 = arith.index_cast %add3A_737 : i32 to index
        %swap3A_828 = arith.constant 208 : index
        %swap3A_829 = tpu.vector_load %arg16[%swap3A_827, %swap3A_828] {strides = array<i32>} : memref<64x320xf32, #tpu.memory_space<vmem>>, vector<16xf32>,
        tpu.vector_store %arg16[%swap3A_827, %swap3A_828], %get3A_826 {strides = array<i32>} : memref<64x320xf32, #tpu.memory_space<vmem>>, vector<16xf32>,
        %get3A_830 = arith.index_cast %add3A_737 : i32 to index
        %get3A_831 = arith.constant 32 : index
        %get3A_832 = tpu.vector_load %arg18[%get3A_830, %get3A_831] {strides = array<i32>} : memref<64x128xf32, #tpu.memory_space<vmem>>, vector<16xf32>,
        %swap3A_833 = arith.index_cast %add3A_737 : i32 to index
        %swap3A_834 = arith.constant 224 : index
        %swap3A_835 = tpu.vector_load %arg16[%swap3A_833, %swap3A_834] {strides = array<i32>} : memref<64x320xf32, #tpu.memory_space<vmem>>, vector<16xf32>,
        tpu.vector_store %arg16[%swap3A_833, %swap3A_834], %get3A_832 {strides = array<i32>} : memref<64x320xf32, #tpu.memory_space<vmem>>, vector<16xf32>,
        %get3A_836 = arith.index_cast %add3A_737 : i32 to index
        %get3A_837 = arith.constant 48 : index
        %get3A_838 = tpu.vector_load %arg18[%get3A_836, %get3A_837] {strides = array<i32>} : memref<64x128xf32, #tpu.memory_space<vmem>>, vector<16xf32>,
        %swap3A_839 = arith.index_cast %add3A_737 : i32 to index
        %swap3A_840 = arith.constant 240 : index
        %swap3A_841 = tpu.vector_load %arg16[%swap3A_839, %swap3A_840] {strides = array<i32>} : memref<64x320xf32, #tpu.memory_space<vmem>>, vector<16xf32>,
        tpu.vector_store %arg16[%swap3A_839, %swap3A_840], %get3A_838 {strides = array<i32>} : memref<64x320xf32, #tpu.memory_space<vmem>>, vector<16xf32>,
        %get3A_842 = arith.index_cast %add3A_737 : i32 to index
        %get3A_843 = arith.constant 64 : index
        %get3A_844 = tpu.vector_load %arg18[%get3A_842, %get3A_843] {strides = array<i32>} : memref<64x128xf32, #tpu.memory_space<vmem>>, vector<16xf32>,
        %swap3A_845 = arith.index_cast %add3A_737 : i32 to index
        %swap3A_846 = arith.constant 256 : index
        %swap3A_847 = tpu.vector_load %arg16[%swap3A_845, %swap3A_846] {strides = array<i32>} : memref<64x320xf32, #tpu.memory_space<vmem>>, vector<16xf32>,
        tpu.vector_store %arg16[%swap3A_845, %swap3A_846], %get3A_844 {strides = array<i32>} : memref<64x320xf32, #tpu.memory_space<vmem>>, vector<16xf32>,
        %get3A_848 = arith.index_cast %add3A_737 : i32 to index
        %get3A_849 = arith.constant 80 : index
        %get3A_850 = tpu.vector_load %arg18[%get3A_848, %get3A_849] {strides = array<i32>} : memref<64x128xf32, #tpu.memory_space<vmem>>, vector<16xf32>,
        %swap3A_851 = arith.index_cast %add3A_737 : i32 to index
        %swap3A_852 = arith.constant 272 : index
        %swap3A_853 = tpu.vector_load %arg16[%swap3A_851, %swap3A_852] {strides = array<i32>} : memref<64x320xf32, #tpu.memory_space<vmem>>, vector<16xf32>,
        tpu.vector_store %arg16[%swap3A_851, %swap3A_852], %get3A_850 {strides = array<i32>} : memref<64x320xf32, #tpu.memory_space<vmem>>, vector<16xf32>,
        %get3A_854 = arith.index_cast %add3A_737 : i32 to index
        %get3A_855 = arith.constant 96 : index
        %get3A_856 = tpu.vector_load %arg18[%get3A_854, %get3A_855] {strides = array<i32>} : memref<64x128xf32, #tpu.memory_space<vmem>>, vector<16xf32>,
        %swap3A_857 = arith.index_cast %add3A_737 : i32 to index
        %swap3A_858 = arith.constant 288 : index
        %swap3A_859 = tpu.vector_load %arg16[%swap3A_857, %swap3A_858] {strides = array<i32>} : memref<64x320xf32, #tpu.memory_space<vmem>>, vector<16xf32>,
        tpu.vector_store %arg16[%swap3A_857, %swap3A_858], %get3A_856 {strides = array<i32>} : memref<64x320xf32, #tpu.memory_space<vmem>>, vector<16xf32>,
        %get3A_860 = arith.index_cast %add3A_737 : i32 to index
        %get3A_861 = arith.constant 112 : index
        %get3A_862 = tpu.vector_load %arg18[%get3A_860, %get3A_861] {strides = array<i32>} : memref<64x128xf32, #tpu.memory_space<vmem>>, vector<16xf32>,
        %swap3A_863 = arith.index_cast %add3A_737 : i32 to index
        %swap3A_864 = arith.constant 304 : index
        %swap3A_865 = tpu.vector_load %arg16[%swap3A_863, %swap3A_864] {strides = array<i32>} : memref<64x320xf32, #tpu.memory_space<vmem>>, vector<16xf32>,
        tpu.vector_store %arg16[%swap3A_863, %swap3A_864], %get3A_862 {strides = array<i32>} : memref<64x320xf32, #tpu.memory_space<vmem>>, vector<16xf32>,
        %mul3A_866 = arith.constant 8 : i32
        %mul3A_867 = arith.muli %scan3A_339, %mul3A_866 : i32
        %add3A_868 = arith.constant 4 : i32
        %add3A_869 = arith.addi %mul3A_867, %add3A_868 : i32
        %get3A_870 = arith.index_cast %add3A_869 : i32 to index
        %get3A_871 = arith.constant 0 : index
        %get3A_872 = tpu.vector_load %arg16[%get3A_870, %get3A_871] {strides = array<i32>} : memref<64x320xf32, #tpu.memory_space<vmem>>, vector<16xf32>,
        %get3A_873 = arith.index_cast %add3A_869 : i32 to index
        %get3A_874 = arith.constant 0 : index
        %get3A_875 = tpu.vector_load %arg17[%get3A_873, %get3A_874] {strides = array<i32>} : memref<64x128xf32, #tpu.memory_space<vmem>>, vector<16xf32>,
        %add3A_876 = arith.addf %get3A_872, %get3A_875 : vector<16xf32>
        %swap3A_877 = arith.index_cast %add3A_869 : i32 to index
        %swap3A_878 = arith.constant 0 : index
        %swap3A_879 = tpu.vector_load %arg16[%swap3A_877, %swap3A_878] {strides = array<i32>} : memref<64x320xf32, #tpu.memory_space<vmem>>, vector<16xf32>,
        tpu.vector_store %arg16[%swap3A_877, %swap3A_878], %add3A_876 {strides = array<i32>} : memref<64x320xf32, #tpu.memory_space<vmem>>, vector<16xf32>,
        %get3A_880 = arith.index_cast %add3A_869 : i32 to index
        %get3A_881 = arith.constant 16 : index
        %get3A_882 = tpu.vector_load %arg16[%get3A_880, %get3A_881] {strides = array<i32>} : memref<64x320xf32, #tpu.memory_space<vmem>>, vector<16xf32>,
        %get3A_883 = arith.index_cast %add3A_869 : i32 to index
        %get3A_884 = arith.constant 16 : index
        %get3A_885 = tpu.vector_load %arg17[%get3A_883, %get3A_884] {strides = array<i32>} : memref<64x128xf32, #tpu.memory_space<vmem>>, vector<16xf32>,
        %add3A_886 = arith.addf %get3A_882, %get3A_885 : vector<16xf32>
        %swap3A_887 = arith.index_cast %add3A_869 : i32 to index
        %swap3A_888 = arith.constant 16 : index
        %swap3A_889 = tpu.vector_load %arg16[%swap3A_887, %swap3A_888] {strides = array<i32>} : memref<64x320xf32, #tpu.memory_space<vmem>>, vector<16xf32>,
        tpu.vector_store %arg16[%swap3A_887, %swap3A_888], %add3A_886 {strides = array<i32>} : memref<64x320xf32, #tpu.memory_space<vmem>>, vector<16xf32>,
        %get3A_890 = arith.index_cast %add3A_869 : i32 to index
        %get3A_891 = arith.constant 32 : index
        %get3A_892 = tpu.vector_load %arg16[%get3A_890, %get3A_891] {strides = array<i32>} : memref<64x320xf32, #tpu.memory_space<vmem>>, vector<16xf32>,
        %get3A_893 = arith.index_cast %add3A_869 : i32 to index
        %get3A_894 = arith.constant 32 : index
        %get3A_895 = tpu.vector_load %arg17[%get3A_893, %get3A_894] {strides = array<i32>} : memref<64x128xf32, #tpu.memory_space<vmem>>, vector<16xf32>,
        %add3A_896 = arith.addf %get3A_892, %get3A_895 : vector<16xf32>
        %swap3A_897 = arith.index_cast %add3A_869 : i32 to index
        %swap3A_898 = arith.constant 32 : index
        %swap3A_899 = tpu.vector_load %arg16[%swap3A_897, %swap3A_898] {strides = array<i32>} : memref<64x320xf32, #tpu.memory_space<vmem>>, vector<16xf32>,
        tpu.vector_store %arg16[%swap3A_897, %swap3A_898], %add3A_896 {strides = array<i32>} : memref<64x320xf32, #tpu.memory_space<vmem>>, vector<16xf32>,
        %get3A_900 = arith.index_cast %add3A_869 : i32 to index
        %get3A_901 = arith.constant 48 : index
        %get3A_902 = tpu.vector_load %arg16[%get3A_900, %get3A_901] {strides = array<i32>} : memref<64x320xf32, #tpu.memory_space<vmem>>, vector<16xf32>,
        %get3A_903 = arith.index_cast %add3A_869 : i32 to index
        %get3A_904 = arith.constant 48 : index
        %get3A_905 = tpu.vector_load %arg17[%get3A_903, %get3A_904] {strides = array<i32>} : memref<64x128xf32, #tpu.memory_space<vmem>>, vector<16xf32>,
        %add3A_906 = arith.addf %get3A_902, %get3A_905 : vector<16xf32>
        %swap3A_907 = arith.index_cast %add3A_869 : i32 to index
        %swap3A_908 = arith.constant 48 : index
        %swap3A_909 = tpu.vector_load %arg16[%swap3A_907, %swap3A_908] {strides = array<i32>} : memref<64x320xf32, #tpu.memory_space<vmem>>, vector<16xf32>,
        tpu.vector_store %arg16[%swap3A_907, %swap3A_908], %add3A_906 {strides = array<i32>} : memref<64x320xf32, #tpu.memory_space<vmem>>, vector<16xf32>,
        %get3A_910 = arith.index_cast %add3A_869 : i32 to index
        %get3A_911 = arith.constant 64 : index
        %get3A_912 = tpu.vector_load %arg16[%get3A_910, %get3A_911] {strides = array<i32>} : memref<64x320xf32, #tpu.memory_space<vmem>>, vector<16xf32>,
        %get3A_913 = arith.index_cast %add3A_869 : i32 to index
        %get3A_914 = arith.constant 64 : index
        %get3A_915 = tpu.vector_load %arg17[%get3A_913, %get3A_914] {strides = array<i32>} : memref<64x128xf32, #tpu.memory_space<vmem>>, vector<16xf32>,
        %add3A_916 = arith.addf %get3A_912, %get3A_915 : vector<16xf32>
        %swap3A_917 = arith.index_cast %add3A_869 : i32 to index
        %swap3A_918 = arith.constant 64 : index
        %swap3A_919 = tpu.vector_load %arg16[%swap3A_917, %swap3A_918] {strides = array<i32>} : memref<64x320xf32, #tpu.memory_space<vmem>>, vector<16xf32>,
        tpu.vector_store %arg16[%swap3A_917, %swap3A_918], %add3A_916 {strides = array<i32>} : memref<64x320xf32, #tpu.memory_space<vmem>>, vector<16xf32>,
        %get3A_920 = arith.index_cast %add3A_869 : i32 to index
        %get3A_921 = arith.constant 80 : index
        %get3A_922 = tpu.vector_load %arg16[%get3A_920, %get3A_921] {strides = array<i32>} : memref<64x320xf32, #tpu.memory_space<vmem>>, vector<16xf32>,
        %get3A_923 = arith.index_cast %add3A_869 : i32 to index
        %get3A_924 = arith.constant 80 : index
        %get3A_925 = tpu.vector_load %arg17[%get3A_923, %get3A_924] {strides = array<i32>} : memref<64x128xf32, #tpu.memory_space<vmem>>, vector<16xf32>,
        %add3A_926 = arith.addf %get3A_922, %get3A_925 : vector<16xf32>
        %swap3A_927 = arith.index_cast %add3A_869 : i32 to index
        %swap3A_928 = arith.constant 80 : index
        %swap3A_929 = tpu.vector_load %arg16[%swap3A_927, %swap3A_928] {strides = array<i32>} : memref<64x320xf32, #tpu.memory_space<vmem>>, vector<16xf32>,
        tpu.vector_store %arg16[%swap3A_927, %swap3A_928], %add3A_926 {strides = array<i32>} : memref<64x320xf32, #tpu.memory_space<vmem>>, vector<16xf32>,
        %get3A_930 = arith.index_cast %add3A_869 : i32 to index
        %get3A_931 = arith.constant 96 : index
        %get3A_932 = tpu.vector_load %arg16[%get3A_930, %get3A_931] {strides = array<i32>} : memref<64x320xf32, #tpu.memory_space<vmem>>, vector<16xf32>,
        %get3A_933 = arith.index_cast %add3A_869 : i32 to index
        %get3A_934 = arith.constant 96 : index
        %get3A_935 = tpu.vector_load %arg17[%get3A_933, %get3A_934] {strides = array<i32>} : memref<64x128xf32, #tpu.memory_space<vmem>>, vector<16xf32>,
        %add3A_936 = arith.addf %get3A_932, %get3A_935 : vector<16xf32>
        %swap3A_937 = arith.index_cast %add3A_869 : i32 to index
        %swap3A_938 = arith.constant 96 : index
        %swap3A_939 = tpu.vector_load %arg16[%swap3A_937, %swap3A_938] {strides = array<i32>} : memref<64x320xf32, #tpu.memory_space<vmem>>, vector<16xf32>,
        tpu.vector_store %arg16[%swap3A_937, %swap3A_938], %add3A_936 {strides = array<i32>} : memref<64x320xf32, #tpu.memory_space<vmem>>, vector<16xf32>,
        %get3A_940 = arith.index_cast %add3A_869 : i32 to index
        %get3A_941 = arith.constant 112 : index
        %get3A_942 = tpu.vector_load %arg16[%get3A_940, %get3A_941] {strides = array<i32>} : memref<64x320xf32, #tpu.memory_space<vmem>>, vector<16xf32>,
        %get3A_943 = arith.index_cast %add3A_869 : i32 to index
        %get3A_944 = arith.constant 112 : index
        %get3A_945 = tpu.vector_load %arg17[%get3A_943, %get3A_944] {strides = array<i32>} : memref<64x128xf32, #tpu.memory_space<vmem>>, vector<16xf32>,
        %add3A_946 = arith.addf %get3A_942, %get3A_945 : vector<16xf32>
        %swap3A_947 = arith.index_cast %add3A_869 : i32 to index
        %swap3A_948 = arith.constant 112 : index
        %swap3A_949 = tpu.vector_load %arg16[%swap3A_947, %swap3A_948] {strides = array<i32>} : memref<64x320xf32, #tpu.memory_space<vmem>>, vector<16xf32>,
        tpu.vector_store %arg16[%swap3A_947, %swap3A_948], %add3A_946 {strides = array<i32>} : memref<64x320xf32, #tpu.memory_space<vmem>>, vector<16xf32>,
        %get3A_950 = arith.index_cast %add3A_869 : i32 to index
        %get3A_951 = arith.constant 0 : index
        %get3A_952 = tpu.vector_load %arg18[%get3A_950, %get3A_951] {strides = array<i32>} : memref<64x128xf32, #tpu.memory_space<vmem>>, vector<16xf32>,
        %swap3A_953 = arith.index_cast %add3A_869 : i32 to index
        %swap3A_954 = arith.constant 192 : index
        %swap3A_955 = tpu.vector_load %arg16[%swap3A_953, %swap3A_954] {strides = array<i32>} : memref<64x320xf32, #tpu.memory_space<vmem>>, vector<16xf32>,
        tpu.vector_store %arg16[%swap3A_953, %swap3A_954], %get3A_952 {strides = array<i32>} : memref<64x320xf32, #tpu.memory_space<vmem>>, vector<16xf32>,
        %get3A_956 = arith.index_cast %add3A_869 : i32 to index
        %get3A_957 = arith.constant 16 : index
        %get3A_958 = tpu.vector_load %arg18[%get3A_956, %get3A_957] {strides = array<i32>} : memref<64x128xf32, #tpu.memory_space<vmem>>, vector<16xf32>,
        %swap3A_959 = arith.index_cast %add3A_869 : i32 to index
        %swap3A_960 = arith.constant 208 : index
        %swap3A_961 = tpu.vector_load %arg16[%swap3A_959, %swap3A_960] {strides = array<i32>} : memref<64x320xf32, #tpu.memory_space<vmem>>, vector<16xf32>,
        tpu.vector_store %arg16[%swap3A_959, %swap3A_960], %get3A_958 {strides = array<i32>} : memref<64x320xf32, #tpu.memory_space<vmem>>, vector<16xf32>,
        %get3A_962 = arith.index_cast %add3A_869 : i32 to index
        %get3A_963 = arith.constant 32 : index
        %get3A_964 = tpu.vector_load %arg18[%get3A_962, %get3A_963] {strides = array<i32>} : memref<64x128xf32, #tpu.memory_space<vmem>>, vector<16xf32>,
        %swap3A_965 = arith.index_cast %add3A_869 : i32 to index
        %swap3A_966 = arith.constant 224 : index
        %swap3A_967 = tpu.vector_load %arg16[%swap3A_965, %swap3A_966] {strides = array<i32>} : memref<64x320xf32, #tpu.memory_space<vmem>>, vector<16xf32>,
        tpu.vector_store %arg16[%swap3A_965, %swap3A_966], %get3A_964 {strides = array<i32>} : memref<64x320xf32, #tpu.memory_space<vmem>>, vector<16xf32>,
        %get3A_968 = arith.index_cast %add3A_869 : i32 to index
        %get3A_969 = arith.constant 48 : index
        %get3A_970 = tpu.vector_load %arg18[%get3A_968, %get3A_969] {strides = array<i32>} : memref<64x128xf32, #tpu.memory_space<vmem>>, vector<16xf32>,
        %swap3A_971 = arith.index_cast %add3A_869 : i32 to index
        %swap3A_972 = arith.constant 240 : index
        %swap3A_973 = tpu.vector_load %arg16[%swap3A_971, %swap3A_972] {strides = array<i32>} : memref<64x320xf32, #tpu.memory_space<vmem>>, vector<16xf32>,
        tpu.vector_store %arg16[%swap3A_971, %swap3A_972], %get3A_970 {strides = array<i32>} : memref<64x320xf32, #tpu.memory_space<vmem>>, vector<16xf32>,
        %get3A_974 = arith.index_cast %add3A_869 : i32 to index
        %get3A_975 = arith.constant 64 : index
        %get3A_976 = tpu.vector_load %arg18[%get3A_974, %get3A_975] {strides = array<i32>} : memref<64x128xf32, #tpu.memory_space<vmem>>, vector<16xf32>,
        %swap3A_977 = arith.index_cast %add3A_869 : i32 to index
        %swap3A_978 = arith.constant 256 : index
        %swap3A_979 = tpu.vector_load %arg16[%swap3A_977, %swap3A_978] {strides = array<i32>} : memref<64x320xf32, #tpu.memory_space<vmem>>, vector<16xf32>,
        tpu.vector_store %arg16[%swap3A_977, %swap3A_978], %get3A_976 {strides = array<i32>} : memref<64x320xf32, #tpu.memory_space<vmem>>, vector<16xf32>,
        %get3A_980 = arith.index_cast %add3A_869 : i32 to index
        %get3A_981 = arith.constant 80 : index
        %get3A_982 = tpu.vector_load %arg18[%get3A_980, %get3A_981] {strides = array<i32>} : memref<64x128xf32, #tpu.memory_space<vmem>>, vector<16xf32>,
        %swap3A_983 = arith.index_cast %add3A_869 : i32 to index
        %swap3A_984 = arith.constant 272 : index
        %swap3A_985 = tpu.vector_load %arg16[%swap3A_983, %swap3A_984] {strides = array<i32>} : memref<64x320xf32, #tpu.memory_space<vmem>>, vector<16xf32>,
        tpu.vector_store %arg16[%swap3A_983, %swap3A_984], %get3A_982 {strides = array<i32>} : memref<64x320xf32, #tpu.memory_space<vmem>>, vector<16xf32>,
        %get3A_986 = arith.index_cast %add3A_869 : i32 to index
        %get3A_987 = arith.constant 96 : index
        %get3A_988 = tpu.vector_load %arg18[%get3A_986, %get3A_987] {strides = array<i32>} : memref<64x128xf32, #tpu.memory_space<vmem>>, vector<16xf32>,
        %swap3A_989 = arith.index_cast %add3A_869 : i32 to index
        %swap3A_990 = arith.constant 288 : index
        %swap3A_991 = tpu.vector_load %arg16[%swap3A_989, %swap3A_990] {strides = array<i32>} : memref<64x320xf32, #tpu.memory_space<vmem>>, vector<16xf32>,
        tpu.vector_store %arg16[%swap3A_989, %swap3A_990], %get3A_988 {strides = array<i32>} : memref<64x320xf32, #tpu.memory_space<vmem>>, vector<16xf32>,
        %get3A_992 = arith.index_cast %add3A_869 : i32 to index
        %get3A_993 = arith.constant 112 : index
        %get3A_994 = tpu.vector_load %arg18[%get3A_992, %get3A_993] {strides = array<i32>} : memref<64x128xf32, #tpu.memory_space<vmem>>, vector<16xf32>,
        %swap3A_995 = arith.index_cast %add3A_869 : i32 to index
        %swap3A_996 = arith.constant 304 : index
        %swap3A_997 = tpu.vector_load %arg16[%swap3A_995, %swap3A_996] {strides = array<i32>} : memref<64x320xf32, #tpu.memory_space<vmem>>, vector<16xf32>,
        tpu.vector_store %arg16[%swap3A_995, %swap3A_996], %get3A_994 {strides = array<i32>} : memref<64x320xf32, #tpu.memory_space<vmem>>, vector<16xf32>,
        %mul3A_998 = arith.constant 8 : i32
        %mul3A_999 = arith.muli %scan3A_339, %mul3A_998 : i32
        %add3A_1000 = arith.constant 5 : i32
        %add3A_1001 = arith.addi %mul3A_999, %add3A_1000 : i32
        %get3A_1002 = arith.index_cast %add3A_1001 : i32 to index
        %get3A_1003 = arith.constant 0 : index
        %get3A_1004 = tpu.vector_load %arg16[%get3A_1002, %get3A_1003] {strides = array<i32>} : memref<64x320xf32, #tpu.memory_space<vmem>>, vector<16xf32>,
        %get3A_1005 = arith.index_cast %add3A_1001 : i32 to index
        %get3A_1006 = arith.constant 0 : index
        %get3A_1007 = tpu.vector_load %arg17[%get3A_1005, %get3A_1006] {strides = array<i32>} : memref<64x128xf32, #tpu.memory_space<vmem>>, vector<16xf32>,
        %add3A_1008 = arith.addf %get3A_1004, %get3A_1007 : vector<16xf32>
        %swap3A_1009 = arith.index_cast %add3A_1001 : i32 to index
        %swap3A_1010 = arith.constant 0 : index
        %swap3A_1011 = tpu.vector_load %arg16[%swap3A_1009, %swap3A_1010] {strides = array<i32>} : memref<64x320xf32, #tpu.memory_space<vmem>>, vector<16xf32>,
        tpu.vector_store %arg16[%swap3A_1009, %swap3A_1010], %add3A_1008 {strides = array<i32>} : memref<64x320xf32, #tpu.memory_space<vmem>>, vector<16xf32>,
        %get3A_1012 = arith.index_cast %add3A_1001 : i32 to index
        %get3A_1013 = arith.constant 16 : index
        %get3A_1014 = tpu.vector_load %arg16[%get3A_1012, %get3A_1013] {strides = array<i32>} : memref<64x320xf32, #tpu.memory_space<vmem>>, vector<16xf32>,
        %get3A_1015 = arith.index_cast %add3A_1001 : i32 to index
        %get3A_1016 = arith.constant 16 : index
        %get3A_1017 = tpu.vector_load %arg17[%get3A_1015, %get3A_1016] {strides = array<i32>} : memref<64x128xf32, #tpu.memory_space<vmem>>, vector<16xf32>,
        %add3A_1018 = arith.addf %get3A_1014, %get3A_1017 : vector<16xf32>
        %swap3A_1019 = arith.index_cast %add3A_1001 : i32 to index
        %swap3A_1020 = arith.constant 16 : index
        %swap3A_1021 = tpu.vector_load %arg16[%swap3A_1019, %swap3A_1020] {strides = array<i32>} : memref<64x320xf32, #tpu.memory_space<vmem>>, vector<16xf32>,
        tpu.vector_store %arg16[%swap3A_1019, %swap3A_1020], %add3A_1018 {strides = array<i32>} : memref<64x320xf32, #tpu.memory_space<vmem>>, vector<16xf32>,
        %get3A_1022 = arith.index_cast %add3A_1001 : i32 to index
        %get3A_1023 = arith.constant 32 : index
        %get3A_1024 = tpu.vector_load %arg16[%get3A_1022, %get3A_1023] {strides = array<i32>} : memref<64x320xf32, #tpu.memory_space<vmem>>, vector<16xf32>,
        %get3A_1025 = arith.index_cast %add3A_1001 : i32 to index
        %get3A_1026 = arith.constant 32 : index
        %get3A_1027 = tpu.vector_load %arg17[%get3A_1025, %get3A_1026] {strides = array<i32>} : memref<64x128xf32, #tpu.memory_space<vmem>>, vector<16xf32>,
        %add3A_1028 = arith.addf %get3A_1024, %get3A_1027 : vector<16xf32>
        %swap3A_1029 = arith.index_cast %add3A_1001 : i32 to index
        %swap3A_1030 = arith.constant 32 : index
        %swap3A_1031 = tpu.vector_load %arg16[%swap3A_1029, %swap3A_1030] {strides = array<i32>} : memref<64x320xf32, #tpu.memory_space<vmem>>, vector<16xf32>,
        tpu.vector_store %arg16[%swap3A_1029, %swap3A_1030], %add3A_1028 {strides = array<i32>} : memref<64x320xf32, #tpu.memory_space<vmem>>, vector<16xf32>,
        %get3A_1032 = arith.index_cast %add3A_1001 : i32 to index
        %get3A_1033 = arith.constant 48 : index
        %get3A_1034 = tpu.vector_load %arg16[%get3A_1032, %get3A_1033] {strides = array<i32>} : memref<64x320xf32, #tpu.memory_space<vmem>>, vector<16xf32>,
        %get3A_1035 = arith.index_cast %add3A_1001 : i32 to index
        %get3A_1036 = arith.constant 48 : index
        %get3A_1037 = tpu.vector_load %arg17[%get3A_1035, %get3A_1036] {strides = array<i32>} : memref<64x128xf32, #tpu.memory_space<vmem>>, vector<16xf32>,
        %add3A_1038 = arith.addf %get3A_1034, %get3A_1037 : vector<16xf32>
        %swap3A_1039 = arith.index_cast %add3A_1001 : i32 to index
        %swap3A_1040 = arith.constant 48 : index
        %swap3A_1041 = tpu.vector_load %arg16[%swap3A_1039, %swap3A_1040] {strides = array<i32>} : memref<64x320xf32, #tpu.memory_space<vmem>>, vector<16xf32>,
        tpu.vector_store %arg16[%swap3A_1039, %swap3A_1040], %add3A_1038 {strides = array<i32>} : memref<64x320xf32, #tpu.memory_space<vmem>>, vector<16xf32>,
        %get3A_1042 = arith.index_cast %add3A_1001 : i32 to index
        %get3A_1043 = arith.constant 64 : index
        %get3A_1044 = tpu.vector_load %arg16[%get3A_1042, %get3A_1043] {strides = array<i32>} : memref<64x320xf32, #tpu.memory_space<vmem>>, vector<16xf32>,
        %get3A_1045 = arith.index_cast %add3A_1001 : i32 to index
        %get3A_1046 = arith.constant 64 : index
        %get3A_1047 = tpu.vector_load %arg17[%get3A_1045, %get3A_1046] {strides = array<i32>} : memref<64x128xf32, #tpu.memory_space<vmem>>, vector<16xf32>,
        %add3A_1048 = arith.addf %get3A_1044, %get3A_1047 : vector<16xf32>
        %swap3A_1049 = arith.index_cast %add3A_1001 : i32 to index
        %swap3A_1050 = arith.constant 64 : index
        %swap3A_1051 = tpu.vector_load %arg16[%swap3A_1049, %swap3A_1050] {strides = array<i32>} : memref<64x320xf32, #tpu.memory_space<vmem>>, vector<16xf32>,
        tpu.vector_store %arg16[%swap3A_1049, %swap3A_1050], %add3A_1048 {strides = array<i32>} : memref<64x320xf32, #tpu.memory_space<vmem>>, vector<16xf32>,
        %get3A_1052 = arith.index_cast %add3A_1001 : i32 to index
        %get3A_1053 = arith.constant 80 : index
        %get3A_1054 = tpu.vector_load %arg16[%get3A_1052, %get3A_1053] {strides = array<i32>} : memref<64x320xf32, #tpu.memory_space<vmem>>, vector<16xf32>,
        %get3A_1055 = arith.index_cast %add3A_1001 : i32 to index
        %get3A_1056 = arith.constant 80 : index
        %get3A_1057 = tpu.vector_load %arg17[%get3A_1055, %get3A_1056] {strides = array<i32>} : memref<64x128xf32, #tpu.memory_space<vmem>>, vector<16xf32>,
        %add3A_1058 = arith.addf %get3A_1054, %get3A_1057 : vector<16xf32>
        %swap3A_1059 = arith.index_cast %add3A_1001 : i32 to index
        %swap3A_1060 = arith.constant 80 : index
        %swap3A_1061 = tpu.vector_load %arg16[%swap3A_1059, %swap3A_1060] {strides = array<i32>} : memref<64x320xf32, #tpu.memory_space<vmem>>, vector<16xf32>,
        tpu.vector_store %arg16[%swap3A_1059, %swap3A_1060], %add3A_1058 {strides = array<i32>} : memref<64x320xf32, #tpu.memory_space<vmem>>, vector<16xf32>,
        %get3A_1062 = arith.index_cast %add3A_1001 : i32 to index
        %get3A_1063 = arith.constant 96 : index
        %get3A_1064 = tpu.vector_load %arg16[%get3A_1062, %get3A_1063] {strides = array<i32>} : memref<64x320xf32, #tpu.memory_space<vmem>>, vector<16xf32>,
        %get3A_1065 = arith.index_cast %add3A_1001 : i32 to index
        %get3A_1066 = arith.constant 96 : index
        %get3A_1067 = tpu.vector_load %arg17[%get3A_1065, %get3A_1066] {strides = array<i32>} : memref<64x128xf32, #tpu.memory_space<vmem>>, vector<16xf32>,
        %add3A_1068 = arith.addf %get3A_1064, %get3A_1067 : vector<16xf32>
        %swap3A_1069 = arith.index_cast %add3A_1001 : i32 to index
        %swap3A_1070 = arith.constant 96 : index
        %swap3A_1071 = tpu.vector_load %arg16[%swap3A_1069, %swap3A_1070] {strides = array<i32>} : memref<64x320xf32, #tpu.memory_space<vmem>>, vector<16xf32>,
        tpu.vector_store %arg16[%swap3A_1069, %swap3A_1070], %add3A_1068 {strides = array<i32>} : memref<64x320xf32, #tpu.memory_space<vmem>>, vector<16xf32>,
        %get3A_1072 = arith.index_cast %add3A_1001 : i32 to index
        %get3A_1073 = arith.constant 112 : index
        %get3A_1074 = tpu.vector_load %arg16[%get3A_1072, %get3A_1073] {strides = array<i32>} : memref<64x320xf32, #tpu.memory_space<vmem>>, vector<16xf32>,
        %get3A_1075 = arith.index_cast %add3A_1001 : i32 to index
        %get3A_1076 = arith.constant 112 : index
        %get3A_1077 = tpu.vector_load %arg17[%get3A_1075, %get3A_1076] {strides = array<i32>} : memref<64x128xf32, #tpu.memory_space<vmem>>, vector<16xf32>,
        %add3A_1078 = arith.addf %get3A_1074, %get3A_1077 : vector<16xf32>
        %swap3A_1079 = arith.index_cast %add3A_1001 : i32 to index
        %swap3A_1080 = arith.constant 112 : index
        %swap3A_1081 = tpu.vector_load %arg16[%swap3A_1079, %swap3A_1080] {strides = array<i32>} : memref<64x320xf32, #tpu.memory_space<vmem>>, vector<16xf32>,
        tpu.vector_store %arg16[%swap3A_1079, %swap3A_1080], %add3A_1078 {strides = array<i32>} : memref<64x320xf32, #tpu.memory_space<vmem>>, vector<16xf32>,
        %get3A_1082 = arith.index_cast %add3A_1001 : i32 to index
        %get3A_1083 = arith.constant 0 : index
        %get3A_1084 = tpu.vector_load %arg18[%get3A_1082, %get3A_1083] {strides = array<i32>} : memref<64x128xf32, #tpu.memory_space<vmem>>, vector<16xf32>,
        %swap3A_1085 = arith.index_cast %add3A_1001 : i32 to index
        %swap3A_1086 = arith.constant 192 : index
        %swap3A_1087 = tpu.vector_load %arg16[%swap3A_1085, %swap3A_1086] {strides = array<i32>} : memref<64x320xf32, #tpu.memory_space<vmem>>, vector<16xf32>,
        tpu.vector_store %arg16[%swap3A_1085, %swap3A_1086], %get3A_1084 {strides = array<i32>} : memref<64x320xf32, #tpu.memory_space<vmem>>, vector<16xf32>,
        %get3A_1088 = arith.index_cast %add3A_1001 : i32 to index
        %get3A_1089 = arith.constant 16 : index
        %get3A_1090 = tpu.vector_load %arg18[%get3A_1088, %get3A_1089] {strides = array<i32>} : memref<64x128xf32, #tpu.memory_space<vmem>>, vector<16xf32>,
        %swap3A_1091 = arith.index_cast %add3A_1001 : i32 to index
        %swap3A_1092 = arith.constant 208 : index
        %swap3A_1093 = tpu.vector_load %arg16[%swap3A_1091, %swap3A_1092] {strides = array<i32>} : memref<64x320xf32, #tpu.memory_space<vmem>>, vector<16xf32>,
        tpu.vector_store %arg16[%swap3A_1091, %swap3A_1092], %get3A_1090 {strides = array<i32>} : memref<64x320xf32, #tpu.memory_space<vmem>>, vector<16xf32>,
        %get3A_1094 = arith.index_cast %add3A_1001 : i32 to index
        %get3A_1095 = arith.constant 32 : index
        %get3A_1096 = tpu.vector_load %arg18[%get3A_1094, %get3A_1095] {strides = array<i32>} : memref<64x128xf32, #tpu.memory_space<vmem>>, vector<16xf32>,
        %swap3A_1097 = arith.index_cast %add3A_1001 : i32 to index
        %swap3A_1098 = arith.constant 224 : index
        %swap3A_1099 = tpu.vector_load %arg16[%swap3A_1097, %swap3A_1098] {strides = array<i32>} : memref<64x320xf32, #tpu.memory_space<vmem>>, vector<16xf32>,
        tpu.vector_store %arg16[%swap3A_1097, %swap3A_1098], %get3A_1096 {strides = array<i32>} : memref<64x320xf32, #tpu.memory_space<vmem>>, vector<16xf32>,
        %get3A_1100 = arith.index_cast %add3A_1001 : i32 to index
        %get3A_1101 = arith.constant 48 : index
        %get3A_1102 = tpu.vector_load %arg18[%get3A_1100, %get3A_1101] {strides = array<i32>} : memref<64x128xf32, #tpu.memory_space<vmem>>, vector<16xf32>,
        %swap3A_1103 = arith.index_cast %add3A_1001 : i32 to index
        %swap3A_1104 = arith.constant 240 : index
        %swap3A_1105 = tpu.vector_load %arg16[%swap3A_1103, %swap3A_1104] {strides = array<i32>} : memref<64x320xf32, #tpu.memory_space<vmem>>, vector<16xf32>,
        tpu.vector_store %arg16[%swap3A_1103, %swap3A_1104], %get3A_1102 {strides = array<i32>} : memref<64x320xf32, #tpu.memory_space<vmem>>, vector<16xf32>,
        %get3A_1106 = arith.index_cast %add3A_1001 : i32 to index
        %get3A_1107 = arith.constant 64 : index
        %get3A_1108 = tpu.vector_load %arg18[%get3A_1106, %get3A_1107] {strides = array<i32>} : memref<64x128xf32, #tpu.memory_space<vmem>>, vector<16xf32>,
        %swap3A_1109 = arith.index_cast %add3A_1001 : i32 to index
        %swap3A_1110 = arith.constant 256 : index
        %swap3A_1111 = tpu.vector_load %arg16[%swap3A_1109, %swap3A_1110] {strides = array<i32>} : memref<64x320xf32, #tpu.memory_space<vmem>>, vector<16xf32>,
        tpu.vector_store %arg16[%swap3A_1109, %swap3A_1110], %get3A_1108 {strides = array<i32>} : memref<64x320xf32, #tpu.memory_space<vmem>>, vector<16xf32>,
        %get3A_1112 = arith.index_cast %add3A_1001 : i32 to index
        %get3A_1113 = arith.constant 80 : index
        %get3A_1114 = tpu.vector_load %arg18[%get3A_1112, %get3A_1113] {strides = array<i32>} : memref<64x128xf32, #tpu.memory_space<vmem>>, vector<16xf32>,
        %swap3A_1115 = arith.index_cast %add3A_1001 : i32 to index
        %swap3A_1116 = arith.constant 272 : index
        %swap3A_1117 = tpu.vector_load %arg16[%swap3A_1115, %swap3A_1116] {strides = array<i32>} : memref<64x320xf32, #tpu.memory_space<vmem>>, vector<16xf32>,
        tpu.vector_store %arg16[%swap3A_1115, %swap3A_1116], %get3A_1114 {strides = array<i32>} : memref<64x320xf32, #tpu.memory_space<vmem>>, vector<16xf32>,
        %get3A_1118 = arith.index_cast %add3A_1001 : i32 to index
        %get3A_1119 = arith.constant 96 : index
        %get3A_1120 = tpu.vector_load %arg18[%get3A_1118, %get3A_1119] {strides = array<i32>} : memref<64x128xf32, #tpu.memory_space<vmem>>, vector<16xf32>,
        %swap3A_1121 = arith.index_cast %add3A_1001 : i32 to index
        %swap3A_1122 = arith.constant 288 : index
        %swap3A_1123 = tpu.vector_load %arg16[%swap3A_1121, %swap3A_1122] {strides = array<i32>} : memref<64x320xf32, #tpu.memory_space<vmem>>, vector<16xf32>,
        tpu.vector_store %arg16[%swap3A_1121, %swap3A_1122], %get3A_1120 {strides = array<i32>} : memref<64x320xf32, #tpu.memory_space<vmem>>, vector<16xf32>,
        %get3A_1124 = arith.index_cast %add3A_1001 : i32 to index
        %get3A_1125 = arith.constant 112 : index
        %get3A_1126 = tpu.vector_load %arg18[%get3A_1124, %get3A_1125] {strides = array<i32>} : memref<64x128xf32, #tpu.memory_space<vmem>>, vector<16xf32>,
        %swap3A_1127 = arith.index_cast %add3A_1001 : i32 to index
        %swap3A_1128 = arith.constant 304 : index
        %swap3A_1129 = tpu.vector_load %arg16[%swap3A_1127, %swap3A_1128] {strides = array<i32>} : memref<64x320xf32, #tpu.memory_space<vmem>>, vector<16xf32>,
        tpu.vector_store %arg16[%swap3A_1127, %swap3A_1128], %get3A_1126 {strides = array<i32>} : memref<64x320xf32, #tpu.memory_space<vmem>>, vector<16xf32>,
        %mul3A_1130 = arith.constant 8 : i32
        %mul3A_1131 = arith.muli %scan3A_339, %mul3A_1130 : i32
        %add3A_1132 = arith.constant 6 : i32
        %add3A_1133 = arith.addi %mul3A_1131, %add3A_1132 : i32
        %get3A_1134 = arith.index_cast %add3A_1133 : i32 to index
        %get3A_1135 = arith.constant 0 : index
        %get3A_1136 = tpu.vector_load %arg16[%get3A_1134, %get3A_1135] {strides = array<i32>} : memref<64x320xf32, #tpu.memory_space<vmem>>, vector<16xf32>,
        %get3A_1137 = arith.index_cast %add3A_1133 : i32 to index
        %get3A_1138 = arith.constant 0 : index
        %get3A_1139 = tpu.vector_load %arg17[%get3A_1137, %get3A_1138] {strides = array<i32>} : memref<64x128xf32, #tpu.memory_space<vmem>>, vector<16xf32>,
        %add3A_1140 = arith.addf %get3A_1136, %get3A_1139 : vector<16xf32>
        %swap3A_1141 = arith.index_cast %add3A_1133 : i32 to index
        %swap3A_1142 = arith.constant 0 : index
        %swap3A_1143 = tpu.vector_load %arg16[%swap3A_1141, %swap3A_1142] {strides = array<i32>} : memref<64x320xf32, #tpu.memory_space<vmem>>, vector<16xf32>,
        tpu.vector_store %arg16[%swap3A_1141, %swap3A_1142], %add3A_1140 {strides = array<i32>} : memref<64x320xf32, #tpu.memory_space<vmem>>, vector<16xf32>,
        %get3A_1144 = arith.index_cast %add3A_1133 : i32 to index
        %get3A_1145 = arith.constant 16 : index
        %get3A_1146 = tpu.vector_load %arg16[%get3A_1144, %get3A_1145] {strides = array<i32>} : memref<64x320xf32, #tpu.memory_space<vmem>>, vector<16xf32>,
        %get3A_1147 = arith.index_cast %add3A_1133 : i32 to index
        %get3A_1148 = arith.constant 16 : index
        %get3A_1149 = tpu.vector_load %arg17[%get3A_1147, %get3A_1148] {strides = array<i32>} : memref<64x128xf32, #tpu.memory_space<vmem>>, vector<16xf32>,
        %add3A_1150 = arith.addf %get3A_1146, %get3A_1149 : vector<16xf32>
        %swap3A_1151 = arith.index_cast %add3A_1133 : i32 to index
        %swap3A_1152 = arith.constant 16 : index
        %swap3A_1153 = tpu.vector_load %arg16[%swap3A_1151, %swap3A_1152] {strides = array<i32>} : memref<64x320xf32, #tpu.memory_space<vmem>>, vector<16xf32>,
        tpu.vector_store %arg16[%swap3A_1151, %swap3A_1152], %add3A_1150 {strides = array<i32>} : memref<64x320xf32, #tpu.memory_space<vmem>>, vector<16xf32>,
        %get3A_1154 = arith.index_cast %add3A_1133 : i32 to index
        %get3A_1155 = arith.constant 32 : index
        %get3A_1156 = tpu.vector_load %arg16[%get3A_1154, %get3A_1155] {strides = array<i32>} : memref<64x320xf32, #tpu.memory_space<vmem>>, vector<16xf32>,
        %get3A_1157 = arith.index_cast %add3A_1133 : i32 to index
        %get3A_1158 = arith.constant 32 : index
        %get3A_1159 = tpu.vector_load %arg17[%get3A_1157, %get3A_1158] {strides = array<i32>} : memref<64x128xf32, #tpu.memory_space<vmem>>, vector<16xf32>,
        %add3A_1160 = arith.addf %get3A_1156, %get3A_1159 : vector<16xf32>
        %swap3A_1161 = arith.index_cast %add3A_1133 : i32 to index
        %swap3A_1162 = arith.constant 32 : index
        %swap3A_1163 = tpu.vector_load %arg16[%swap3A_1161, %swap3A_1162] {strides = array<i32>} : memref<64x320xf32, #tpu.memory_space<vmem>>, vector<16xf32>,
        tpu.vector_store %arg16[%swap3A_1161, %swap3A_1162], %add3A_1160 {strides = array<i32>} : memref<64x320xf32, #tpu.memory_space<vmem>>, vector<16xf32>,
        %get3A_1164 = arith.index_cast %add3A_1133 : i32 to index
        %get3A_1165 = arith.constant 48 : index
        %get3A_1166 = tpu.vector_load %arg16[%get3A_1164, %get3A_1165] {strides = array<i32>} : memref<64x320xf32, #tpu.memory_space<vmem>>, vector<16xf32>,
        %get3A_1167 = arith.index_cast %add3A_1133 : i32 to index
        %get3A_1168 = arith.constant 48 : index
        %get3A_1169 = tpu.vector_load %arg17[%get3A_1167, %get3A_1168] {strides = array<i32>} : memref<64x128xf32, #tpu.memory_space<vmem>>, vector<16xf32>,
        %add3A_1170 = arith.addf %get3A_1166, %get3A_1169 : vector<16xf32>
        %swap3A_1171 = arith.index_cast %add3A_1133 : i32 to index
        %swap3A_1172 = arith.constant 48 : index
        %swap3A_1173 = tpu.vector_load %arg16[%swap3A_1171, %swap3A_1172] {strides = array<i32>} : memref<64x320xf32, #tpu.memory_space<vmem>>, vector<16xf32>,
        tpu.vector_store %arg16[%swap3A_1171, %swap3A_1172], %add3A_1170 {strides = array<i32>} : memref<64x320xf32, #tpu.memory_space<vmem>>, vector<16xf32>,
        %get3A_1174 = arith.index_cast %add3A_1133 : i32 to index
        %get3A_1175 = arith.constant 64 : index
        %get3A_1176 = tpu.vector_load %arg16[%get3A_1174, %get3A_1175] {strides = array<i32>} : memref<64x320xf32, #tpu.memory_space<vmem>>, vector<16xf32>,
        %get3A_1177 = arith.index_cast %add3A_1133 : i32 to index
        %get3A_1178 = arith.constant 64 : index
        %get3A_1179 = tpu.vector_load %arg17[%get3A_1177, %get3A_1178] {strides = array<i32>} : memref<64x128xf32, #tpu.memory_space<vmem>>, vector<16xf32>,
        %add3A_1180 = arith.addf %get3A_1176, %get3A_1179 : vector<16xf32>
        %swap3A_1181 = arith.index_cast %add3A_1133 : i32 to index
        %swap3A_1182 = arith.constant 64 : index
        %swap3A_1183 = tpu.vector_load %arg16[%swap3A_1181, %swap3A_1182] {strides = array<i32>} : memref<64x320xf32, #tpu.memory_space<vmem>>, vector<16xf32>,
        tpu.vector_store %arg16[%swap3A_1181, %swap3A_1182], %add3A_1180 {strides = array<i32>} : memref<64x320xf32, #tpu.memory_space<vmem>>, vector<16xf32>,
        %get3A_1184 = arith.index_cast %add3A_1133 : i32 to index
        %get3A_1185 = arith.constant 80 : index
        %get3A_1186 = tpu.vector_load %arg16[%get3A_1184, %get3A_1185] {strides = array<i32>} : memref<64x320xf32, #tpu.memory_space<vmem>>, vector<16xf32>,
        %get3A_1187 = arith.index_cast %add3A_1133 : i32 to index
        %get3A_1188 = arith.constant 80 : index
        %get3A_1189 = tpu.vector_load %arg17[%get3A_1187, %get3A_1188] {strides = array<i32>} : memref<64x128xf32, #tpu.memory_space<vmem>>, vector<16xf32>,
        %add3A_1190 = arith.addf %get3A_1186, %get3A_1189 : vector<16xf32>
        %swap3A_1191 = arith.index_cast %add3A_1133 : i32 to index
        %swap3A_1192 = arith.constant 80 : index
        %swap3A_1193 = tpu.vector_load %arg16[%swap3A_1191, %swap3A_1192] {strides = array<i32>} : memref<64x320xf32, #tpu.memory_space<vmem>>, vector<16xf32>,
        tpu.vector_store %arg16[%swap3A_1191, %swap3A_1192], %add3A_1190 {strides = array<i32>} : memref<64x320xf32, #tpu.memory_space<vmem>>, vector<16xf32>,
        %get3A_1194 = arith.index_cast %add3A_1133 : i32 to index
        %get3A_1195 = arith.constant 96 : index
        %get3A_1196 = tpu.vector_load %arg16[%get3A_1194, %get3A_1195] {strides = array<i32>} : memref<64x320xf32, #tpu.memory_space<vmem>>, vector<16xf32>,
        %get3A_1197 = arith.index_cast %add3A_1133 : i32 to index
        %get3A_1198 = arith.constant 96 : index
        %get3A_1199 = tpu.vector_load %arg17[%get3A_1197, %get3A_1198] {strides = array<i32>} : memref<64x128xf32, #tpu.memory_space<vmem>>, vector<16xf32>,
        %add3A_1200 = arith.addf %get3A_1196, %get3A_1199 : vector<16xf32>
        %swap3A_1201 = arith.index_cast %add3A_1133 : i32 to index
        %swap3A_1202 = arith.constant 96 : index
        %swap3A_1203 = tpu.vector_load %arg16[%swap3A_1201, %swap3A_1202] {strides = array<i32>} : memref<64x320xf32, #tpu.memory_space<vmem>>, vector<16xf32>,
        tpu.vector_store %arg16[%swap3A_1201, %swap3A_1202], %add3A_1200 {strides = array<i32>} : memref<64x320xf32, #tpu.memory_space<vmem>>, vector<16xf32>,
        %get3A_1204 = arith.index_cast %add3A_1133 : i32 to index
        %get3A_1205 = arith.constant 112 : index
        %get3A_1206 = tpu.vector_load %arg16[%get3A_1204, %get3A_1205] {strides = array<i32>} : memref<64x320xf32, #tpu.memory_space<vmem>>, vector<16xf32>,
        %get3A_1207 = arith.index_cast %add3A_1133 : i32 to index
        %get3A_1208 = arith.constant 112 : index
        %get3A_1209 = tpu.vector_load %arg17[%get3A_1207, %get3A_1208] {strides = array<i32>} : memref<64x128xf32, #tpu.memory_space<vmem>>, vector<16xf32>,
        %add3A_1210 = arith.addf %get3A_1206, %get3A_1209 : vector<16xf32>
        %swap3A_1211 = arith.index_cast %add3A_1133 : i32 to index
        %swap3A_1212 = arith.constant 112 : index
        %swap3A_1213 = tpu.vector_load %arg16[%swap3A_1211, %swap3A_1212] {strides = array<i32>} : memref<64x320xf32, #tpu.memory_space<vmem>>, vector<16xf32>,
        tpu.vector_store %arg16[%swap3A_1211, %swap3A_1212], %add3A_1210 {strides = array<i32>} : memref<64x320xf32, #tpu.memory_space<vmem>>, vector<16xf32>,
        %get3A_1214 = arith.index_cast %add3A_1133 : i32 to index
        %get3A_1215 = arith.constant 0 : index
        %get3A_1216 = tpu.vector_load %arg18[%get3A_1214, %get3A_1215] {strides = array<i32>} : memref<64x128xf32, #tpu.memory_space<vmem>>, vector<16xf32>,
        %swap3A_1217 = arith.index_cast %add3A_1133 : i32 to index
        %swap3A_1218 = arith.constant 192 : index
        %swap3A_1219 = tpu.vector_load %arg16[%swap3A_1217, %swap3A_1218] {strides = array<i32>} : memref<64x320xf32, #tpu.memory_space<vmem>>, vector<16xf32>,
        tpu.vector_store %arg16[%swap3A_1217, %swap3A_1218], %get3A_1216 {strides = array<i32>} : memref<64x320xf32, #tpu.memory_space<vmem>>, vector<16xf32>,
        %get3A_1220 = arith.index_cast %add3A_1133 : i32 to index
        %get3A_1221 = arith.constant 16 : index
        %get3A_1222 = tpu.vector_load %arg18[%get3A_1220, %get3A_1221] {strides = array<i32>} : memref<64x128xf32, #tpu.memory_space<vmem>>, vector<16xf32>,
        %swap3A_1223 = arith.index_cast %add3A_1133 : i32 to index
        %swap3A_1224 = arith.constant 208 : index
        %swap3A_1225 = tpu.vector_load %arg16[%swap3A_1223, %swap3A_1224] {strides = array<i32>} : memref<64x320xf32, #tpu.memory_space<vmem>>, vector<16xf32>,
        tpu.vector_store %arg16[%swap3A_1223, %swap3A_1224], %get3A_1222 {strides = array<i32>} : memref<64x320xf32, #tpu.memory_space<vmem>>, vector<16xf32>,
        %get3A_1226 = arith.index_cast %add3A_1133 : i32 to index
        %get3A_1227 = arith.constant 32 : index
        %get3A_1228 = tpu.vector_load %arg18[%get3A_1226, %get3A_1227] {strides = array<i32>} : memref<64x128xf32, #tpu.memory_space<vmem>>, vector<16xf32>,
        %swap3A_1229 = arith.index_cast %add3A_1133 : i32 to index
        %swap3A_1230 = arith.constant 224 : index
        %swap3A_1231 = tpu.vector_load %arg16[%swap3A_1229, %swap3A_1230] {strides = array<i32>} : memref<64x320xf32, #tpu.memory_space<vmem>>, vector<16xf32>,
        tpu.vector_store %arg16[%swap3A_1229, %swap3A_1230], %get3A_1228 {strides = array<i32>} : memref<64x320xf32, #tpu.memory_space<vmem>>, vector<16xf32>,
        %get3A_1232 = arith.index_cast %add3A_1133 : i32 to index
        %get3A_1233 = arith.constant 48 : index
        %get3A_1234 = tpu.vector_load %arg18[%get3A_1232, %get3A_1233] {strides = array<i32>} : memref<64x128xf32, #tpu.memory_space<vmem>>, vector<16xf32>,
        %swap3A_1235 = arith.index_cast %add3A_1133 : i32 to index
        %swap3A_1236 = arith.constant 240 : index
        %swap3A_1237 = tpu.vector_load %arg16[%swap3A_1235, %swap3A_1236] {strides = array<i32>} : memref<64x320xf32, #tpu.memory_space<vmem>>, vector<16xf32>,
        tpu.vector_store %arg16[%swap3A_1235, %swap3A_1236], %get3A_1234 {strides = array<i32>} : memref<64x320xf32, #tpu.memory_space<vmem>>, vector<16xf32>,
        %get3A_1238 = arith.index_cast %add3A_1133 : i32 to index
        %get3A_1239 = arith.constant 64 : index
        %get3A_1240 = tpu.vector_load %arg18[%get3A_1238, %get3A_1239] {strides = array<i32>} : memref<64x128xf32, #tpu.memory_space<vmem>>, vector<16xf32>,
        %swap3A_1241 = arith.index_cast %add3A_1133 : i32 to index
        %swap3A_1242 = arith.constant 256 : index
        %swap3A_1243 = tpu.vector_load %arg16[%swap3A_1241, %swap3A_1242] {strides = array<i32>} : memref<64x320xf32, #tpu.memory_space<vmem>>, vector<16xf32>,
        tpu.vector_store %arg16[%swap3A_1241, %swap3A_1242], %get3A_1240 {strides = array<i32>} : memref<64x320xf32, #tpu.memory_space<vmem>>, vector<16xf32>,
        %get3A_1244 = arith.index_cast %add3A_1133 : i32 to index
        %get3A_1245 = arith.constant 80 : index
        %get3A_1246 = tpu.vector_load %arg18[%get3A_1244, %get3A_1245] {strides = array<i32>} : memref<64x128xf32, #tpu.memory_space<vmem>>, vector<16xf32>,
        %swap3A_1247 = arith.index_cast %add3A_1133 : i32 to index
        %swap3A_1248 = arith.constant 272 : index
        %swap3A_1249 = tpu.vector_load %arg16[%swap3A_1247, %swap3A_1248] {strides = array<i32>} : memref<64x320xf32, #tpu.memory_space<vmem>>, vector<16xf32>,
        tpu.vector_store %arg16[%swap3A_1247, %swap3A_1248], %get3A_1246 {strides = array<i32>} : memref<64x320xf32, #tpu.memory_space<vmem>>, vector<16xf32>,
        %get3A_1250 = arith.index_cast %add3A_1133 : i32 to index
        %get3A_1251 = arith.constant 96 : index
        %get3A_1252 = tpu.vector_load %arg18[%get3A_1250, %get3A_1251] {strides = array<i32>} : memref<64x128xf32, #tpu.memory_space<vmem>>, vector<16xf32>,
        %swap3A_1253 = arith.index_cast %add3A_1133 : i32 to index
        %swap3A_1254 = arith.constant 288 : index
        %swap3A_1255 = tpu.vector_load %arg16[%swap3A_1253, %swap3A_1254] {strides = array<i32>} : memref<64x320xf32, #tpu.memory_space<vmem>>, vector<16xf32>,
        tpu.vector_store %arg16[%swap3A_1253, %swap3A_1254], %get3A_1252 {strides = array<i32>} : memref<64x320xf32, #tpu.memory_space<vmem>>, vector<16xf32>,
        %get3A_1256 = arith.index_cast %add3A_1133 : i32 to index
        %get3A_1257 = arith.constant 112 : index
        %get3A_1258 = tpu.vector_load %arg18[%get3A_1256, %get3A_1257] {strides = array<i32>} : memref<64x128xf32, #tpu.memory_space<vmem>>, vector<16xf32>,
        %swap3A_1259 = arith.index_cast %add3A_1133 : i32 to index
        %swap3A_1260 = arith.constant 304 : index
        %swap3A_1261 = tpu.vector_load %arg16[%swap3A_1259, %swap3A_1260] {strides = array<i32>} : memref<64x320xf32, #tpu.memory_space<vmem>>, vector<16xf32>,
        tpu.vector_store %arg16[%swap3A_1259, %swap3A_1260], %get3A_1258 {strides = array<i32>} : memref<64x320xf32, #tpu.memory_space<vmem>>, vector<16xf32>,
        %mul3A_1262 = arith.constant 8 : i32
        %mul3A_1263 = arith.muli %scan3A_339, %mul3A_1262 : i32
        %add3A_1264 = arith.constant 7 : i32
        %add3A_1265 = arith.addi %mul3A_1263, %add3A_1264 : i32
        %get3A_1266 = arith.index_cast %add3A_1265 : i32 to index
        %get3A_1267 = arith.constant 0 : index
        %get3A_1268 = tpu.vector_load %arg16[%get3A_1266, %get3A_1267] {strides = array<i32>} : memref<64x320xf32, #tpu.memory_space<vmem>>, vector<16xf32>,
        %get3A_1269 = arith.index_cast %add3A_1265 : i32 to index
        %get3A_1270 = arith.constant 0 : index
        %get3A_1271 = tpu.vector_load %arg17[%get3A_1269, %get3A_1270] {strides = array<i32>} : memref<64x128xf32, #tpu.memory_space<vmem>>, vector<16xf32>,
        %add3A_1272 = arith.addf %get3A_1268, %get3A_1271 : vector<16xf32>
        %swap3A_1273 = arith.index_cast %add3A_1265 : i32 to index
        %swap3A_1274 = arith.constant 0 : index
        %swap3A_1275 = tpu.vector_load %arg16[%swap3A_1273, %swap3A_1274] {strides = array<i32>} : memref<64x320xf32, #tpu.memory_space<vmem>>, vector<16xf32>,
        tpu.vector_store %arg16[%swap3A_1273, %swap3A_1274], %add3A_1272 {strides = array<i32>} : memref<64x320xf32, #tpu.memory_space<vmem>>, vector<16xf32>,
        %get3A_1276 = arith.index_cast %add3A_1265 : i32 to index
        %get3A_1277 = arith.constant 16 : index
        %get3A_1278 = tpu.vector_load %arg16[%get3A_1276, %get3A_1277] {strides = array<i32>} : memref<64x320xf32, #tpu.memory_space<vmem>>, vector<16xf32>,
        %get3A_1279 = arith.index_cast %add3A_1265 : i32 to index
        %get3A_1280 = arith.constant 16 : index
        %get3A_1281 = tpu.vector_load %arg17[%get3A_1279, %get3A_1280] {strides = array<i32>} : memref<64x128xf32, #tpu.memory_space<vmem>>, vector<16xf32>,
        %add3A_1282 = arith.addf %get3A_1278, %get3A_1281 : vector<16xf32>
        %swap3A_1283 = arith.index_cast %add3A_1265 : i32 to index
        %swap3A_1284 = arith.constant 16 : index
        %swap3A_1285 = tpu.vector_load %arg16[%swap3A_1283, %swap3A_1284] {strides = array<i32>} : memref<64x320xf32, #tpu.memory_space<vmem>>, vector<16xf32>,
        tpu.vector_store %arg16[%swap3A_1283, %swap3A_1284], %add3A_1282 {strides = array<i32>} : memref<64x320xf32, #tpu.memory_space<vmem>>, vector<16xf32>,
        %get3A_1286 = arith.index_cast %add3A_1265 : i32 to index
        %get3A_1287 = arith.constant 32 : index
        %get3A_1288 = tpu.vector_load %arg16[%get3A_1286, %get3A_1287] {strides = array<i32>} : memref<64x320xf32, #tpu.memory_space<vmem>>, vector<16xf32>,
        %get3A_1289 = arith.index_cast %add3A_1265 : i32 to index
        %get3A_1290 = arith.constant 32 : index
        %get3A_1291 = tpu.vector_load %arg17[%get3A_1289, %get3A_1290] {strides = array<i32>} : memref<64x128xf32, #tpu.memory_space<vmem>>, vector<16xf32>,
        %add3A_1292 = arith.addf %get3A_1288, %get3A_1291 : vector<16xf32>
        %swap3A_1293 = arith.index_cast %add3A_1265 : i32 to index
        %swap3A_1294 = arith.constant 32 : index
        %swap3A_1295 = tpu.vector_load %arg16[%swap3A_1293, %swap3A_1294] {strides = array<i32>} : memref<64x320xf32, #tpu.memory_space<vmem>>, vector<16xf32>,
        tpu.vector_store %arg16[%swap3A_1293, %swap3A_1294], %add3A_1292 {strides = array<i32>} : memref<64x320xf32, #tpu.memory_space<vmem>>, vector<16xf32>,
        %get3A_1296 = arith.index_cast %add3A_1265 : i32 to index
        %get3A_1297 = arith.constant 48 : index
        %get3A_1298 = tpu.vector_load %arg16[%get3A_1296, %get3A_1297] {strides = array<i32>} : memref<64x320xf32, #tpu.memory_space<vmem>>, vector<16xf32>,
        %get3A_1299 = arith.index_cast %add3A_1265 : i32 to index
        %get3A_1300 = arith.constant 48 : index
        %get3A_1301 = tpu.vector_load %arg17[%get3A_1299, %get3A_1300] {strides = array<i32>} : memref<64x128xf32, #tpu.memory_space<vmem>>, vector<16xf32>,
        %add3A_1302 = arith.addf %get3A_1298, %get3A_1301 : vector<16xf32>
        %swap3A_1303 = arith.index_cast %add3A_1265 : i32 to index
        %swap3A_1304 = arith.constant 48 : index
        %swap3A_1305 = tpu.vector_load %arg16[%swap3A_1303, %swap3A_1304] {strides = array<i32>} : memref<64x320xf32, #tpu.memory_space<vmem>>, vector<16xf32>,
        tpu.vector_store %arg16[%swap3A_1303, %swap3A_1304], %add3A_1302 {strides = array<i32>} : memref<64x320xf32, #tpu.memory_space<vmem>>, vector<16xf32>,
        %get3A_1306 = arith.index_cast %add3A_1265 : i32 to index
        %get3A_1307 = arith.constant 64 : index
        %get3A_1308 = tpu.vector_load %arg16[%get3A_1306, %get3A_1307] {strides = array<i32>} : memref<64x320xf32, #tpu.memory_space<vmem>>, vector<16xf32>,
        %get3A_1309 = arith.index_cast %add3A_1265 : i32 to index
        %get3A_1310 = arith.constant 64 : index
        %get3A_1311 = tpu.vector_load %arg17[%get3A_1309, %get3A_1310] {strides = array<i32>} : memref<64x128xf32, #tpu.memory_space<vmem>>, vector<16xf32>,
        %add3A_1312 = arith.addf %get3A_1308, %get3A_1311 : vector<16xf32>
        %swap3A_1313 = arith.index_cast %add3A_1265 : i32 to index
        %swap3A_1314 = arith.constant 64 : index
        %swap3A_1315 = tpu.vector_load %arg16[%swap3A_1313, %swap3A_1314] {strides = array<i32>} : memref<64x320xf32, #tpu.memory_space<vmem>>, vector<16xf32>,
        tpu.vector_store %arg16[%swap3A_1313, %swap3A_1314], %add3A_1312 {strides = array<i32>} : memref<64x320xf32, #tpu.memory_space<vmem>>, vector<16xf32>,
        %get3A_1316 = arith.index_cast %add3A_1265 : i32 to index
        %get3A_1317 = arith.constant 80 : index
        %get3A_1318 = tpu.vector_load %arg16[%get3A_1316, %get3A_1317] {strides = array<i32>} : memref<64x320xf32, #tpu.memory_space<vmem>>, vector<16xf32>,
        %get3A_1319 = arith.index_cast %add3A_1265 : i32 to index
        %get3A_1320 = arith.constant 80 : index
        %get3A_1321 = tpu.vector_load %arg17[%get3A_1319, %get3A_1320] {strides = array<i32>} : memref<64x128xf32, #tpu.memory_space<vmem>>, vector<16xf32>,
        %add3A_1322 = arith.addf %get3A_1318, %get3A_1321 : vector<16xf32>
        %swap3A_1323 = arith.index_cast %add3A_1265 : i32 to index
        %swap3A_1324 = arith.constant 80 : index
        %swap3A_1325 = tpu.vector_load %arg16[%swap3A_1323, %swap3A_1324] {strides = array<i32>} : memref<64x320xf32, #tpu.memory_space<vmem>>, vector<16xf32>,
        tpu.vector_store %arg16[%swap3A_1323, %swap3A_1324], %add3A_1322 {strides = array<i32>} : memref<64x320xf32, #tpu.memory_space<vmem>>, vector<16xf32>,
        %get3A_1326 = arith.index_cast %add3A_1265 : i32 to index
        %get3A_1327 = arith.constant 96 : index
        %get3A_1328 = tpu.vector_load %arg16[%get3A_1326, %get3A_1327] {strides = array<i32>} : memref<64x320xf32, #tpu.memory_space<vmem>>, vector<16xf32>,
        %get3A_1329 = arith.index_cast %add3A_1265 : i32 to index
        %get3A_1330 = arith.constant 96 : index
        %get3A_1331 = tpu.vector_load %arg17[%get3A_1329, %get3A_1330] {strides = array<i32>} : memref<64x128xf32, #tpu.memory_space<vmem>>, vector<16xf32>,
        %add3A_1332 = arith.addf %get3A_1328, %get3A_1331 : vector<16xf32>
        %swap3A_1333 = arith.index_cast %add3A_1265 : i32 to index
        %swap3A_1334 = arith.constant 96 : index
        %swap3A_1335 = tpu.vector_load %arg16[%swap3A_1333, %swap3A_1334] {strides = array<i32>} : memref<64x320xf32, #tpu.memory_space<vmem>>, vector<16xf32>,
        tpu.vector_store %arg16[%swap3A_1333, %swap3A_1334], %add3A_1332 {strides = array<i32>} : memref<64x320xf32, #tpu.memory_space<vmem>>, vector<16xf32>,
        %get3A_1336 = arith.index_cast %add3A_1265 : i32 to index
        %get3A_1337 = arith.constant 112 : index
        %get3A_1338 = tpu.vector_load %arg16[%get3A_1336, %get3A_1337] {strides = array<i32>} : memref<64x320xf32, #tpu.memory_space<vmem>>, vector<16xf32>,
        %get3A_1339 = arith.index_cast %add3A_1265 : i32 to index
        %get3A_1340 = arith.constant 112 : index
        %get3A_1341 = tpu.vector_load %arg17[%get3A_1339, %get3A_1340] {strides = array<i32>} : memref<64x128xf32, #tpu.memory_space<vmem>>, vector<16xf32>,
        %add3A_1342 = arith.addf %get3A_1338, %get3A_1341 : vector<16xf32>
        %swap3A_1343 = arith.index_cast %add3A_1265 : i32 to index
        %swap3A_1344 = arith.constant 112 : index
        %swap3A_1345 = tpu.vector_load %arg16[%swap3A_1343, %swap3A_1344] {strides = array<i32>} : memref<64x320xf32, #tpu.memory_space<vmem>>, vector<16xf32>,
        tpu.vector_store %arg16[%swap3A_1343, %swap3A_1344], %add3A_1342 {strides = array<i32>} : memref<64x320xf32, #tpu.memory_space<vmem>>, vector<16xf32>,
        %get3A_1346 = arith.index_cast %add3A_1265 : i32 to index
        %get3A_1347 = arith.constant 0 : index
        %get3A_1348 = tpu.vector_load %arg18[%get3A_1346, %get3A_1347] {strides = array<i32>} : memref<64x128xf32, #tpu.memory_space<vmem>>, vector<16xf32>,
        %swap3A_1349 = arith.index_cast %add3A_1265 : i32 to index
        %swap3A_1350 = arith.constant 192 : index
        %swap3A_1351 = tpu.vector_load %arg16[%swap3A_1349, %swap3A_1350] {strides = array<i32>} : memref<64x320xf32, #tpu.memory_space<vmem>>, vector<16xf32>,
        tpu.vector_store %arg16[%swap3A_1349, %swap3A_1350], %get3A_1348 {strides = array<i32>} : memref<64x320xf32, #tpu.memory_space<vmem>>, vector<16xf32>,
        %get3A_1352 = arith.index_cast %add3A_1265 : i32 to index
        %get3A_1353 = arith.constant 16 : index
        %get3A_1354 = tpu.vector_load %arg18[%get3A_1352, %get3A_1353] {strides = array<i32>} : memref<64x128xf32, #tpu.memory_space<vmem>>, vector<16xf32>,
        %swap3A_1355 = arith.index_cast %add3A_1265 : i32 to index
        %swap3A_1356 = arith.constant 208 : index
        %swap3A_1357 = tpu.vector_load %arg16[%swap3A_1355, %swap3A_1356] {strides = array<i32>} : memref<64x320xf32, #tpu.memory_space<vmem>>, vector<16xf32>,
        tpu.vector_store %arg16[%swap3A_1355, %swap3A_1356], %get3A_1354 {strides = array<i32>} : memref<64x320xf32, #tpu.memory_space<vmem>>, vector<16xf32>,
        %get3A_1358 = arith.index_cast %add3A_1265 : i32 to index
        %get3A_1359 = arith.constant 32 : index
        %get3A_1360 = tpu.vector_load %arg18[%get3A_1358, %get3A_1359] {strides = array<i32>} : memref<64x128xf32, #tpu.memory_space<vmem>>, vector<16xf32>,
        %swap3A_1361 = arith.index_cast %add3A_1265 : i32 to index
        %swap3A_1362 = arith.constant 224 : index
        %swap3A_1363 = tpu.vector_load %arg16[%swap3A_1361, %swap3A_1362] {strides = array<i32>} : memref<64x320xf32, #tpu.memory_space<vmem>>, vector<16xf32>,
        tpu.vector_store %arg16[%swap3A_1361, %swap3A_1362], %get3A_1360 {strides = array<i32>} : memref<64x320xf32, #tpu.memory_space<vmem>>, vector<16xf32>,
        %get3A_1364 = arith.index_cast %add3A_1265 : i32 to index
        %get3A_1365 = arith.constant 48 : index
        %get3A_1366 = tpu.vector_load %arg18[%get3A_1364, %get3A_1365] {strides = array<i32>} : memref<64x128xf32, #tpu.memory_space<vmem>>, vector<16xf32>,
        %swap3A_1367 = arith.index_cast %add3A_1265 : i32 to index
        %swap3A_1368 = arith.constant 240 : index
        %swap3A_1369 = tpu.vector_load %arg16[%swap3A_1367, %swap3A_1368] {strides = array<i32>} : memref<64x320xf32, #tpu.memory_space<vmem>>, vector<16xf32>,
        tpu.vector_store %arg16[%swap3A_1367, %swap3A_1368], %get3A_1366 {strides = array<i32>} : memref<64x320xf32, #tpu.memory_space<vmem>>, vector<16xf32>,
        %get3A_1370 = arith.index_cast %add3A_1265 : i32 to index
        %get3A_1371 = arith.constant 64 : index
        %get3A_1372 = tpu.vector_load %arg18[%get3A_1370, %get3A_1371] {strides = array<i32>} : memref<64x128xf32, #tpu.memory_space<vmem>>, vector<16xf32>,
        %swap3A_1373 = arith.index_cast %add3A_1265 : i32 to index
        %swap3A_1374 = arith.constant 256 : index
        %swap3A_1375 = tpu.vector_load %arg16[%swap3A_1373, %swap3A_1374] {strides = array<i32>} : memref<64x320xf32, #tpu.memory_space<vmem>>, vector<16xf32>,
        tpu.vector_store %arg16[%swap3A_1373, %swap3A_1374], %get3A_1372 {strides = array<i32>} : memref<64x320xf32, #tpu.memory_space<vmem>>, vector<16xf32>,
        %get3A_1376 = arith.index_cast %add3A_1265 : i32 to index
        %get3A_1377 = arith.constant 80 : index
        %get3A_1378 = tpu.vector_load %arg18[%get3A_1376, %get3A_1377] {strides = array<i32>} : memref<64x128xf32, #tpu.memory_space<vmem>>, vector<16xf32>,
        %swap3A_1379 = arith.index_cast %add3A_1265 : i32 to index
        %swap3A_1380 = arith.constant 272 : index
        %swap3A_1381 = tpu.vector_load %arg16[%swap3A_1379, %swap3A_1380] {strides = array<i32>} : memref<64x320xf32, #tpu.memory_space<vmem>>, vector<16xf32>,
        tpu.vector_store %arg16[%swap3A_1379, %swap3A_1380], %get3A_1378 {strides = array<i32>} : memref<64x320xf32, #tpu.memory_space<vmem>>, vector<16xf32>,
        %get3A_1382 = arith.index_cast %add3A_1265 : i32 to index
        %get3A_1383 = arith.constant 96 : index
        %get3A_1384 = tpu.vector_load %arg18[%get3A_1382, %get3A_1383] {strides = array<i32>} : memref<64x128xf32, #tpu.memory_space<vmem>>, vector<16xf32>,
        %swap3A_1385 = arith.index_cast %add3A_1265 : i32 to index
        %swap3A_1386 = arith.constant 288 : index
        %swap3A_1387 = tpu.vector_load %arg16[%swap3A_1385, %swap3A_1386] {strides = array<i32>} : memref<64x320xf32, #tpu.memory_space<vmem>>, vector<16xf32>,
        tpu.vector_store %arg16[%swap3A_1385, %swap3A_1386], %get3A_1384 {strides = array<i32>} : memref<64x320xf32, #tpu.memory_space<vmem>>, vector<16xf32>,
        %get3A_1388 = arith.index_cast %add3A_1265 : i32 to index
        %get3A_1389 = arith.constant 112 : index
        %get3A_1390 = tpu.vector_load %arg18[%get3A_1388, %get3A_1389] {strides = array<i32>} : memref<64x128xf32, #tpu.memory_space<vmem>>, vector<16xf32>,
        %swap3A_1391 = arith.index_cast %add3A_1265 : i32 to index
        %swap3A_1392 = arith.constant 304 : index
        %swap3A_1393 = tpu.vector_load %arg16[%swap3A_1391, %swap3A_1392] {strides = array<i32>} : memref<64x320xf32, #tpu.memory_space<vmem>>, vector<16xf32>,
        tpu.vector_store %arg16[%swap3A_1391, %swap3A_1392], %get3A_1390 {strides = array<i32>} : memref<64x320xf32, #tpu.memory_space<vmem>>, vector<16xf32>,
      }
      %scan3A_331 = arith.constant 8 : i32
      %add3A_332 = arith.addi %mul3A_2, %add3A_273 : i32
      %mul3A_333 = arith.constant 64 : i32
      %mul3A_334 = arith.muli %add3A_332, %mul3A_333 : i32
      %dma_start3A_335 = arith.constant 0 : i32
      %dma_start3A_336 = tpu.memref_slice %arg6[%mul3A_334, %dma_start3A_335] : memref<204800x320xf32, #tpu.memory_space<hbm>> -> memref<64x320xf32, #tpu.memory_space<hbm>>
      %dma_start3A_337 = arith.constant 0 : i32
      %dma_start3A_338 = tpu.memref_slice %arg6[%mul3A_334, %dma_start3A_337] : memref<204800x320xf32, #tpu.memory_space<hbm>> -> memref<64x320xf32, #tpu.memory_space<hbm>>
      tpu.enqueue_dma source(%arg16 : memref<64x320xf32, #tpu.memory_space<vmem>>) target(%dma_start3A_338 : memref<64x320xf32, #tpu.memory_space<hbm>>) target_semaphore(%arg21 : memref<!tpu.dma_semaphore, #tpu.memory_space<semaphore_mem>>)
    }
    %scan3A_158 = arith.constant 50 : i32
    %add3A_159 = arith.constant 99 : i32
    %add3A_160 = arith.addi %mul3A_2, %add3A_159 : i32
    %mul3A_161 = arith.constant 64 : i32
    %mul3A_162 = arith.muli %add3A_160, %mul3A_161 : i32
    %dma_wait3A_163 = arith.constant 0 : i32
    %dma_wait3A_164 = tpu.memref_slice %arg6[%mul3A_162, %dma_wait3A_163] : memref<204800x320xf32, #tpu.memory_space<hbm>> -> memref<64x320xf32, #tpu.memory_space<hbm>>
    %dma_wait3A_165 = arith.constant 0 : i32
    %dma_wait3A_166 = tpu.memref_slice %arg6[%mul3A_162, %dma_wait3A_165] : memref<204800x320xf32, #tpu.memory_space<hbm>> -> memref<64x320xf32, #tpu.memory_space<hbm>>
    tpu.wait_dma2 semaphore(%arg21 : memref<!tpu.dma_semaphore, #tpu.memory_space<semaphore_mem>>) src(%arg16 : memref<64x320xf32, #tpu.memory_space<vmem>>) dst(%dma_wait3A_166 : memref<64x320xf32, #tpu.memory_space<hbm>>)
    return
  }
}

</mosaic_0001>

<sc_bundles>
// kernel: kernel.3.cloned.1.call-start
scs
__scs_entry_jumppad:
0x0: {  	(pc) =	sbr.rel $0x88, $3  }
0x1: {  	(tag) =	ssettag $0x0;
	lr =	simm.s32 $0x1  }
0x2: {  	[smem:$0x3F9C] =	sst lr;
	_ =	strace $0xD0000000  }
0x3: {  	_ = 	snop  }
0x4: {  	_ = 	snop  }
0x5: {  	_ = 	snop  }
0x6: {  	_ = 	snop  }
0x7: {  	_ = 	snop  }
__scs_overlays_trampoline_lowered:
0x8: {  	[smem:$0x3FAB] =	sst s0  }
0x9: {  	[smem:$0x3FAC] =	sst s1  }
0xa: {  	[smem:$0x3FAD] =	sst s2  }
0xb: {  	[smem:$0x3FAE] =	sst s3  }
0xc: {  	[smem:$0x3FAF] =	sst s4  }
0xd: {  	[smem:$0x3FB0] =	sst s5  }
0xe: {  	[smem:$0x3FB1] =	sst s6  }
0xf: {  	[smem:$0x3FB2] =	sst s7  }
0x10: {  	[smem:$0x3FB3] =	sst s8  }
0x11: {  	[smem:$0x3FB4] =	sst s9;
	s0 =	simm.s32 @!p0 $0x0  }
0x12: {  	s1 =	sld [smem:$0x3F9A];
	s0 =	simm.s32 @p0 $0x1  }
0x13: {  	[smem:$0x3FB5] =	sst s0;
	s0 =	simm.s32 @!p1 $0x0  }
0x14: {  	s2 =	sld [smem:$0x3F99];
	s0 =	simm.s32 @p1 $0x1  }
0x15: {  	[smem:$0x3FB6] =	sst s0;
	s0 =	simm.s32 @!p2 $0x0  }
0x16: {  	s3 =	sld [smem:$0x3FDB];
	s0 =	simm.s32 @p2 $0x1  }
0x17: {  	s4 =	simm.s32 $0x1BF5;
	[smem:$0x3FB8] =	sst s0  }
0x18: {  	s0 =	sld [smem:$0x3F9B];
	_ =	swait.ge [sflag:s4], $0x0  }
0x19: {  	s7 =	sld [smem:$0x3F9C]  }
0x1a: {  	s8 =	sadd.s32 $0xFFFFE003, lr  }
0x1b: {  	s9 =	sadd.s32 $0xFFFFFEF7, lr;
	s5 =	simm.s32 $0xFFFFFFFF;
	p2 =	slt.u32 s8, $0xFFFFF086  }
0x1c: {  	p1 =	slt.u32 s9, $0xF7A;
	s5 =	simm.s32 @!p2 $0x0  }
0x1d: {  	s5 =	simm.s32 @p1 $0x1;
	p0 =	seq.s32 s7, s2  }
0x1e: {  	s7 =	smul.u32 @!p0 $0xF7A, s2;
	p2 =	seq.s32 @!p0 s5, $0x0  }
0x1f: {  	s9 =	smul.u32 $0xF7A, s1;
	s8 =	simm.s32 @!p0 $0x1BF5;
	p2 =	por !p2, p0  }
0x20: {  	[sflag:s8] =	ssyncset.s32 @!p0 $0xFFFFF086;
	s6 =	sadd.s32 @!p0 s3, s7;
	s7 =	simm.s32 @!p0 $0x108  }
0x21: {  	s3 =	sadd.s32 s3, s9;
	s6 =	sadd.s32 @!p0 $0x88, s6;
	s7 =	simm.s32 @p2 $0x1082  }
0x22: {  	[simem:s7], [sflag:s8] =	dma.local @!p0 [hbm:s6], $0xF7A  }
0x23: {  	s9 =	sor.u32 $0xD0000000, s2;
	s6 =	simm.s32 $0x108;
	_ =	swait.ge @!p0 [sflag:s8], $0x0  }
0x24: {  	s3 =	sadd.s32 $0x88, s3;
	s6 =	simm.s32 @!p1 $0x1082;
	[sflag:s4] =	ssyncset.s32 $0xFFFFF086  }
0x25: {  	[simem:s6], [sflag:s4] =	dma.local [hbm:s3], $0xF7A  }
0x26: {  	[smem:$0x3F9C] =	sst s1;
	(tag) =	ssettag s2;
	_ =	strace s9  }
0x27: {  	s1 =	sld [smem:$0x3FAC]  }
0x28: {  	s2 =	sld [smem:$0x3FAD]  }
0x29: {  	s4 =	sld [smem:$0x3FAF]  }
0x2a: {  	p0 =	seq.s32 s5, $0x0;
	s5 =	sld [smem:$0x3FB0]  }
0x2b: {  	s6 =	sld [smem:$0x3FB1]  }
0x2c: {  	s7 =	sld [smem:$0x3FB2]  }
0x2d: {  	s3 =	simm.s32 $0x108;
	s8 =	sld [smem:$0x3FB3]  }
0x2e: {  	s3 =	simm.s32 @!p0 $0x1082;
	s9 =	sld [smem:$0x3FB4]  }
0x2f: {  	lr =	sadd.s32 s0, s3;
	s0 =	sld [smem:$0x3FAB]  }
0x30: {  	s3 =	sld [smem:$0x3FAE]  }
0x31: {  	[smem:$0x3FB7] =	sst s10  }
0x32: {  	s10 =	sld [smem:$0x3FB5];
	_ =	sdelay $0x3  }
0x33: {  	p0 =	seq.s32 s10, $0x1;
	s10 =	sld [smem:$0x3FB7];
	_ =	sdelay $0x3  }
0x34: {  	[smem:$0x3FB7] =	sst s10  }
0x35: {  	s10 =	sld [smem:$0x3FB6];
	_ =	sdelay $0x3  }
0x36: {  	p1 =	seq.s32 s10, $0x1;
	s10 =	sld [smem:$0x3FB7];
	_ =	sdelay $0x3  }
0x37: {  	[smem:$0x3FB7] =	sst s10  }
0x38: {  	s10 =	sld [smem:$0x3FB8]  }
0x39: {  	_ = 	snop;
	(pc) =	sbr.ind lr, $3  }
0x3a: {  	_ = 	snop  }
0x3b: {  	_ = 	snop  }
0x3c: {  	p2 =	seq.s32 s10, $0x1;
	s10 =	sld [smem:$0x3FB7]  }
0x3d: {  	_ =	shalt  }
0x3e: {  	_ =	shalt  }
0x3f: {  	_ =	shalt  }
0x40: {  	_ =	shalt  }
0x41: {  	_ =	shalt  }
0x42: {  	_ =	shalt  }
0x43: {  	_ =	shalt  }
0x44: {  	_ =	shalt  }
0x45: {  	_ =	shalt  }
0x46: {  	_ =	shalt  }
0x47: {  	_ =	shalt  }
0x48: {  	_ =	shalt  }
0x49: {  	_ =	shalt  }
0x4a: {  	_ =	shalt  }
0x4b: {  	_ =	shalt  }
0x4c: {  	_ =	shalt  }
0x4d: {  	_ =	shalt  }
0x4e: {  	_ =	shalt  }
0x4f: {  	_ =	shalt  }
0x50: {  	_ =	shalt  }
0x51: {  	_ =	shalt  }
0x52: {  	_ =	shalt  }
0x53: {  	_ =	shalt  }
0x54: {  	_ =	shalt  }
0x55: {  	_ =	shalt  }
0x56: {  	_ =	shalt  }
0x57: {  	_ =	shalt  }
0x58: {  	_ =	shalt  }
0x59: {  	_ =	shalt  }
0x5a: {  	_ =	shalt  }
0x5b: {  	_ =	shalt  }
0x5c: {  	_ =	shalt  }
0x5d: {  	_ =	shalt  }
0x5e: {  	_ =	shalt  }
0x5f: {  	_ =	shalt  }
0x60: {  	_ =	shalt  }
0x61: {  	_ =	shalt  }
0x62: {  	_ =	shalt  }
0x63: {  	_ =	shalt  }
0x64: {  	_ =	shalt  }
0x65: {  	_ =	shalt  }
0x66: {  	_ =	shalt  }
0x67: {  	_ =	shalt  }
0x68: {  	_ =	shalt  }
0x69: {  	_ =	shalt  }
0x6a: {  	_ =	shalt  }
0x6b: {  	_ =	shalt  }
0x6c: {  	_ =	shalt  }
0x6d: {  	_ =	shalt  }
0x6e: {  	_ =	shalt  }
0x6f: {  	_ =	shalt  }
0x70: {  	_ =	shalt  }
0x71: {  	_ =	shalt  }
0x72: {  	_ =	shalt  }
0x73: {  	_ =	shalt  }
0x74: {  	_ =	shalt  }
0x75: {  	_ =	shalt  }
0x76: {  	_ =	shalt  }
0x77: {  	_ =	shalt  }
0x78: {  	_ =	shalt  }
0x79: {  	_ =	shalt  }
0x7a: {  	_ =	shalt  }
0x7b: {  	_ =	shalt  }
0x7c: {  	_ =	shalt  }
0x7d: {  	_ =	shalt  }
0x7e: {  	_ =	shalt  }
0x7f: {  	_ =	shalt  }
0x80: {  	_ =	shalt  }
0x81: {  	_ =	shalt  }
0x82: {  	_ =	shalt  }
0x83: {  	_ =	shalt  }
0x84: {  	_ =	shalt  }
0x85: {  	_ =	shalt  }
0x86: {  	_ =	shalt  }
0x87: {  	_ =	shalt  }
.Lfunc_end0:
.L_simem_size_0:
called_computation.1_lowered:
.L_overlay_start_0:
0x88: {  	s2 =	sld [smem:$0x3FD9]  }
0x89: {  	s3 =	sld [smem:$0x3FFE];
	_ =	sdelay $0x1  }
0x8a: {  	s1 =	srdreg.scid  }
0x8b: {  	s0 =	sand.u32 $0x1, s1  }
0x8c: {  	s14 =	sshll.u32 s0, $0xA;
	s2 =	sadd.s32 s3, s2  }
0x8d: {  	s2 =	sadd.s32 s2, s14  }
0x8e: {  	[smem:$0x3FC3] =	sst s2  }
0x8f: {  	_ = 	snop  }
0x90: {  	s2 =	sld [smem:$0x3FD0];
	_ =	sdelay $0x1  }
0x91: {  	s15 =	sld [smem:$0x3FC7]  }
0x92: {  	s5 =	simm.s32 $0xA;
	s6 =	simm.s32 $0x10;
	s4 =	sld [smem:$0x3FC6]  }
0x93: {  	[smem:s6], [sflag:s5] =	dma.local [hbm:s2], $0x1  }
0x94: {  	_ =	swait.eq [sflag:s5], $0x1  }
0x95: {  	[sflag:s5] =	ssyncset.done $0x0  }
0x96: {  	s16 =	sld [smem:$0x10];
	[sflag:s5] =	ssyncadd.s32 $0xFFFFFFFF  }
0x97: {  	s17 =	sld [smem:$0x11];
	(tm) =	ssettm $0x1  }
0x98: {  	s18 =	sld [smem:$0x3FFB];
	_ =	sdelay $0x3  }
0x99: {  	_ =	strace s18  }
0x9a: {  	s6 =	sld [smem:$0x3FFC];
	_ =	sdelay $0x3  }
0x9b: {  	_ =	strace s6  }
0x9c: {  	s6 =	sld [smem:$0x3FFD];
	_ =	sdelay $0x3  }
0x9d: {  	_ =	strace s6  }
0x9e: {  	_ =	strace $0x8FFFFFFF  }
0x9f: {  	s19 =	sld [smem:$0x3FDB];
	_ =	sdelay $0x1  }
0xa0: {  	s7 =	simm.s32 $_scs_section_size  }
0xa1: {  	s8 =	simm.s32 $_size__tile_overlayer_lowered;
	s9 =	simm.s32 $_tile_overlayer_lowered  }
0xa2: {  	s22 =	simm.s32 $0x1BFF;
	s21 =	sshll.u32 s9, $0x1;
	s6 =	sadd.s32 s7, s19  }
0xa3: {  	s10 =	simm.s32 $0x0;
	s20 =	sshll.u32 s8, $0x1;
	s8 =	sadd.s32 s21, s6  }
0xa4: {  	[timem:s10], [sflag:s22] =	dma.local [hbm:s8], s20  }
0xa5: {  	_ =	swait.ge [sflag:s22], s20  }
0xa6: {  	s7 =	ssub.s32 $0x0, s20;
	[sflag:s22] =	ssyncset.done $0x0  }
0xa7: {  	[sflag:s22] =	ssyncadd.s32 s7;
	_ =	sdelay $0x1  }
0xa8: {  	s23 =	simm.s32 $0x1B8B  }
0xa9: {  	_ =	swait.ge [sflag:s23], $0x1  }
0xaa: {  	[sflag:s23] =	ssyncset.done $0x0  }
0xab: {  	s25 =	simm.s32 $0x1B8E;
	s24 =	sld [smem:$0x3FFE];
	[sflag:s23] =	ssyncadd.s32 $0xFFFFFFFF  }
0xac: {  	s26 =	simm.s32 $execute0_lowered;
	[smem:$0x3FD2] =	sst s25  }
0xad: {  	s8 =	sshll.u32 s26, $0x1;
	_ =	strace $0x80000046;
	[dreg:$0x1] =	wrdreg $0xFFFFFFFF  }
0xae: {  	s28 =	simm.s32 $_size_execute0_lowered;
	s6 =	sadd.s32 s6, s8;
	[dreg:$0x0] =	wrdreg $0x0  }
0xaf: {  	s8 =	sshll.u32 s28, $0x1;
	[dreg:$0x2] =	wrdreg s6  }
0xb0: {  	[dreg:$0x3] =	wrdreg s8  }
0xb1: {  	[dreg:$0x4] =	wrdreg $0xC0  }
0xb2: {  	_ =	task [dreg:s10], $0x5FFFF  }
0xb3: {  	[dreg:$0x1] =	wrdreg $0xFFFFFFFF  }
0xb4: {  	[dreg:$0x0] =	wrdreg $0x60  }
0xb5: {  	[dreg:$0x2] =	wrdreg s16  }
0xb6: {  	[dreg:$0x3] =	wrdreg s15  }
0xb7: {  	[dreg:$0x4] =	wrdreg s4  }
0xb8: {  	[dreg:$0x5] =	wrdreg s24  }
0xb9: {  	[dreg:$0x6] =	wrdreg s17  }
0xba: {  	[dreg:$0x7] =	wrdreg $0x9  }
0xbb: {  	_ =	task.clear_ibuf [dreg:s10], $0x8FFFF;
	_ =	strace $0x90000046  }
0xbc: {  	s29 =	simm.s32 $0x9;
	_ =	strace $0x80000048  }
0xbd: {  	_ =	swait.ge [sflag:s29], $0x1  }
0xbe: {  	[sflag:s29] =	ssyncadd.s32 $0xFFFFFFFF  }
0xbf: {  	_ =	strace $0x90000048  }
0xc0: {  	_ =	sfence  }
0xc1: {  	s30 =	sld [smem:$0x0];
	_ =	sdelay $0x2  }
0xc2: {  	s31 =	sshll.u32 s1, $0xD;
	s1 =	sshrl.u32 s1, $0x2  }
0xc3: {  	s3 =	sand.u32 $0x4000, s31;
	s1 =	sadd.s32 s1, s30  }
0xc4: {  	s0 =	sor.u32 s3, s0;
	s1 =	sshll.u32 s1, $0x11  }
0xc5: {  	s0 =	sor.u32 s1, s0  }
0xc6: {  	s0 =	sadd.s32 $0x8F2B, s0  }
0xc7: {  	[sflag:s0] =	ssyncadd.remote.s32 $0x1  }
0xc8: {  	_ =	sfence.sel $0xFFFF  }
0xc9: {  	[dreg:$0x0] =	wrdreg $0xFFFFFFFF;
	(pc) =	sbr.abs _section_cstart, $3  }
0xca: {  	[dreg:$0x1] =	wrdreg $0xFFFFFFFF  }
0xcb: {  	_ =	task.clear_ibuf [dreg:s10], $0x2FFFF;
	_ =	strace $0x9FFFFFFF  }
0xcc: {  	(tm) =	ssettm $0x7FFFFFFF  }
0xcd: {  	_ =	shalt  }
tec
execute0_lowered:
.L_overlay_start_1:
0x0: {  	(tag) =	ssettag $0x1  }
0x1: {  	s1 =	rddreg [dreg:$0x0]  }
0x2: {  	s2 =	rddreg [dreg:$0x1]  }
0x3: {  	s3 =	rddreg [dreg:$0x2]  }
0x4: {  	s0 =	rddreg [dreg:$0x3]  }
0x5: {  	s5 =	rddreg [dreg:$0x4]  }
0x6: {  	s4 =	srdreg.scid;
	s11 =	stileid.u32;
	s6 =	simm.s32 $0x0  }
0x7: {  	s28 =	simm.s32 $0xE00;
	s29 =	simm.s32 $0x4;
	s30 =	simm.s32 $0xA400  }
0x8: {  	s31 =	simm.s32 $0xFC00;
	s19 =	simm.s32 $0x12400;
	s20 =	simm.s32 $0x2  }
0x9: {  	s13 =	simm.s32 $0x0;
	s4 =	sand.u32 $0x1, s4;
	s7 =	sshll.u32 s11, $0x1  }
0xa: {  	[smem:$0x7FF] =	sst s6;
	s11 =	sshll.u32 s11, $0x3;
	s8 =	sor.u32 s4, s7  }
0xb: {  	_ =	strace $0x80000047;
	s4 =	ssub.s32 $0x2, s4;
	s21 =	smin.u32 s11, $0x75  }
0xc: {  	s7 =	sadd.s32 $0x4000, s0;
	s10 =	sshrl.u32 s4, $0x1;
	s23 =	sshll.u32 s21, $0x7  }
0xd: {  	s9 =	smul.u32 $0x1900, s8;
	s4 =	ssub.s32 s4, s10;
	s10 =	sadd.s32 s0, s23  }
0xe: {  	s11 =	simm.s32 $0x5;
	s24 =	sadd.s32 s5, s23;
	[dreg:$0x8] =	wrdreg s10  }
0xf: {  	s12 =	sadd.s32 s1, s9;
	s9 =	smul.u32 $0x64, s8;
	[dreg:$0x9] =	wrdreg s24  }
0x10: {  	s8 =	sadd.s32 $0x200, s23;
	s26 =	smax.u32 s4, $0x1;
	[dreg:$0x6] =	wrdreg s12  }
0x11: {  	s23 =	simm.s32 $0x1A00;
	s22 =	sadd.s32 $0x40, s12;
	[dreg:$0xc] =	wrdreg s26  }
0x12: {  	s24 =	simm.s32 $0x2600;
	s0 =	sadd.s32 s0, s8;
	[dreg:$0x7] =	wrdreg s22  }
0x13: {  	s4 =	simm.s32 $0xA380;
	s25 =	sadd.s32 s5, s8;
	[dreg:$0xa] =	wrdreg s0  }
0x14: {  	v2 =	vlaneseq.u32;
	s10 =	simm.s32 $0x3;
	s26 =	simm.s32 $0x1;
	[dreg:$0xb] =	wrdreg s25  }
0x15: {  	vm0 =	vmmov $0xff;
	v1 =	vshrl.u32 v2, $0x3;
	s15 =	sor.u32 $0x1, s9;
	s16 =	sor.u32 $0x2, s9;
	s17 =	sor.u32 $0x3, s9  }
0x16: {  	v0 =	vand.u32 $0x7, v2;
	v2 =	vor.u32 $0x8, v2;
	v1 =	vmul.u32 $0x8, v1;
	s22 =	simm.s32 $0x200;
	s0 =	simm.s32 $0x40;
	s25 =	simm.s32 $0xF000  }
.LBB2_1:
0x17: {  	[dreg:$0xd] =	wrdreg s13  }
0x18: {  	s8 =	rddreg [dreg:$0x6]  }
0x19: {  	[tilespmem:s6], [sflag:$0x1] =	stream.linear.gather [hbm4b:s8+s6], $0x200, $0x38;
	[tilespmem:$0x15400] =	vst v63  }
0x1a: {  	s14 =	rddreg [dreg:$0x7];
	s12 =	simm.s32 $0xA200  }
0x1b: {  	[tilespmem:s12], [sflag:$0x4] =	stream.linear.gather [hbm4b:s14+s6], $0x200, $0x38;
	[tilespmem:$0x15400] =	vst v63  }
0x1c: {  	s18 =	rddreg [dreg:$0x8];
	s21 =	simm.s32 $0x14400;
	s13 =	simm.s32 $0x7  }
0x1d: {  	[tilespmem:s21], [sflag:$0x7] =	stream.linear.gather [hbm4b:s18+s6], $0x1000, $0x38;
	[tilespmem:$0x15400] =	vst v63  }
0x1e: {  	_ =	swait.ge [sflag:s13], $0x1000  }
0x1f: {  	[sflag:s13] =	ssyncset.done $0x0  }
0x20: {  	s14 =	simm.s32 $0x14420;
	[sflag:s13] =	ssyncadd.s32 $0xFFFFF000  }
0x21: {  	s18 =	simm.s32 $0x0;
	v3 =	vld [tilespmem:s14+$0xFFFFFFE0]  }
0x22: {  	s12 =	smul.u32 $0x3000, s18;
	_ =	sdelay $0x1  }
0x23: {  	s21 =	sand.u32 $0x380, s6;
	s12 =	sshra.s32 s12, $0x2  }
0x24: {  	s12 =	sor.u32 s21, s12  }
0x25: {  	[tilespmem:s12+$0x200] =	vst v3  }
0x26: {  	v3 =	vld [tilespmem:s14+$0xFFFFFFF0];
	_ =	sdelay $0x4  }
0x27: {  	[tilespmem:s12+$0x210] =	vst v3  }
0x28: {  	v3 =	vld [tilespmem:s14+$0x0];
	_ =	sdelay $0x4  }
0x29: {  	[tilespmem:s12+$0x220] =	vst v3  }
0x2a: {  	v3 =	vld [tilespmem:s14+$0x10];
	_ =	sdelay $0x4  }
0x2b: {  	s8 =	simm.s32 $0x144A0;
	[tilespmem:s12+$0x230] =	vst v3  }
0x2c: {  	s13 =	simm.s32 $0x2;
	s14 =	simm.s32 $0x0;
	s12 =	simm.s32 $0x0;
	v3 =	vld [tilespmem:s8+$0xFFFFFFE0]  }
.LBB2_2:
0x2d: {  	p0 =	sne.s32 s13, $0x1F;
	s14 =	smul.u32 $0x3000, s14  }
0x2e: {  	s12 =	sadd.s32 $0x80, s12  }
0x2f: {  	s18 =	sand.u32 $0x380, s12;
	s14 =	sshra.s32 s14, $0x2  }
0x30: {  	s14 =	sor.u32 s18, s14  }
0x31: {  	[tilespmem:s14+$0x200] =	vst v3  }
0x32: {  	v3 =	vld [tilespmem:s8+$0xFFFFFFF0];
	_ =	sdelay $0x4  }
0x33: {  	[tilespmem:s14+$0x210] =	vst v3  }
0x34: {  	v3 =	vld [tilespmem:s8+$0x0];
	_ =	sdelay $0x4  }
0x35: {  	[tilespmem:s14+$0x220] =	vst v3  }
0x36: {  	v3 =	vld [tilespmem:s8+$0x10];
	_ =	sdelay $0x1  }
.Ltmp0:
0x37: {  	(pc) =	sbr.rel @p0 .LBB2_2-.Ltmp0, $3  }
0x38: {  	_ =	sdelay $0x1  }
0x39: {  	s8 =	sadd.s32 $0x80, s8;
	[tilespmem:s14+$0x230] =	vst v3  }
0x3a: {  	s14 =	sshrl.u32 s13, $0x3;
	s13 =	sadd.s32 $0x1, s13;
	v3 =	vld [tilespmem:s8+$0xFFFFFFE0]  }
0x3b: {  	s13 =	smul.u32 $0x3000, s14  }
0x3c: {  	s12 =	sadd.s32 $0x80, s12  }
0x3d: {  	s12 =	sand.u32 $0x380, s12;
	s13 =	sshra.s32 s13, $0x2  }
0x3e: {  	s12 =	sor.u32 s12, s13  }
0x3f: {  	[tilespmem:s12+$0x200] =	vst v3  }
0x40: {  	v3 =	vld [tilespmem:s8+$0xFFFFFFF0];
	_ =	sdelay $0x4  }
0x41: {  	[tilespmem:s12+$0x210] =	vst v3  }
0x42: {  	v3 =	vld [tilespmem:s8+$0x0];
	_ =	sdelay $0x4  }
0x43: {  	[tilespmem:s12+$0x220] =	vst v3  }
0x44: {  	v3 =	vld [tilespmem:s8+$0x10];
	_ =	sdelay $0x4  }
0x45: {  	s14 =	rddreg [dreg:$0x9];
	s8 =	simm.s32 $0x0;
	[tilespmem:s12+$0x230] =	vst v3  }
0x46: {  	[hbm4b:s14+s8] =	stream.linear.scatter [tilespmem:s22], [sflag:$0x7], $0x400, $0x38;
	[tilespmem:$0x15400] =	vst v63  }
0x47: {  	s18 =	sadd.s32 $0x80, s14  }
0x48: {  	[hbm4b:s18+s8] =	stream.linear.scatter [tilespmem:s28], [sflag:$0x7], $0x400, $0x38;
	[tilespmem:$0x15400] =	vst v63  }
0x49: {  	s21 =	sadd.s32 $0x100, s14  }
0x4a: {  	[hbm4b:s21+s8] =	stream.linear.scatter [tilespmem:s23], [sflag:$0x7], $0x400, $0x38;
	[tilespmem:$0x15400] =	vst v63  }
0x4b: {  	s28 =	simm.s32 $0x7;
	s23 =	sadd.s32 $0x180, s14  }
0x4c: {  	[hbm4b:s23+s8] =	stream.linear.scatter [tilespmem:s24], [sflag:$0x7], $0x400, $0x38;
	[tilespmem:$0x15400] =	vst v63  }
0x4d: {  	_ =	swait.ge [sflag:s28], $0x1000  }
0x4e: {  	[sflag:s28] =	ssyncset.done $0x0  }
0x4f: {  	s21 =	simm.s32 $0x14400;
	s18 =	rddreg [dreg:$0xa];
	[sflag:s28] =	ssyncadd.s32 $0xFFFFF000  }
0x50: {  	[tilespmem:s21], [sflag:$0x7] =	stream.linear.gather [hbm4b:s18+s8], $0x1000, $0x38;
	[tilespmem:$0x15400] =	vst v63  }
0x51: {  	_ =	swait.ge [sflag:s28], $0x1000  }
0x52: {  	[sflag:s28] =	ssyncset.done $0x0  }
0x53: {  	s23 =	simm.s32 $0x14420;
	[sflag:s28] =	ssyncadd.s32 $0xFFFFF000  }
0x54: {  	s24 =	simm.s32 $0x0;
	v3 =	vld [tilespmem:s23+$0xFFFFFFE0]  }
0x55: {  	s13 =	smul.u32 $0x3000, s24;
	_ =	sdelay $0x1  }
0x56: {  	s13 =	sshra.s32 s13, $0x2;
	s28 =	sand.u32 $0x380, s8  }
0x57: {  	s13 =	sor.u32 s28, s13  }
0x58: {  	[tilespmem:s13+$0x200] =	vst v3  }
0x59: {  	v3 =	vld [tilespmem:s23+$0xFFFFFFF0];
	_ =	sdelay $0x4  }
0x5a: {  	[tilespmem:s13+$0x210] =	vst v3  }
0x5b: {  	v3 =	vld [tilespmem:s23+$0x0];
	_ =	sdelay $0x4  }
0x5c: {  	[tilespmem:s13+$0x220] =	vst v3  }
0x5d: {  	v3 =	vld [tilespmem:s23+$0x10];
	_ =	sdelay $0x4  }
0x5e: {  	s12 =	simm.s32 $0x144A0;
	[tilespmem:s13+$0x230] =	vst v3  }
0x5f: {  	s14 =	simm.s32 $0x0;
	s13 =	simm.s32 $0x2;
	v3 =	vld [tilespmem:s12+$0xFFFFFFE0]  }
.LBB2_4:
0x60: {  	p0 =	sne.s32 s13, $0x1F;
	s14 =	smul.u32 $0x3000, s14  }
0x61: {  	s8 =	sadd.s32 $0x80, s8  }
0x62: {  	s18 =	sand.u32 $0x380, s8;
	s14 =	sshra.s32 s14, $0x2  }
0x63: {  	s14 =	sor.u32 s18, s14  }
0x64: {  	[tilespmem:s14+$0x200] =	vst v3  }
0x65: {  	v3 =	vld [tilespmem:s12+$0xFFFFFFF0];
	_ =	sdelay $0x4  }
0x66: {  	[tilespmem:s14+$0x210] =	vst v3  }
0x67: {  	v3 =	vld [tilespmem:s12+$0x0];
	_ =	sdelay $0x4  }
0x68: {  	[tilespmem:s14+$0x220] =	vst v3  }
0x69: {  	v3 =	vld [tilespmem:s12+$0x10];
	_ =	sdelay $0x1  }
.Ltmp1:
0x6a: {  	(pc) =	sbr.rel @p0 .LBB2_4-.Ltmp1, $3  }
0x6b: {  	_ =	sdelay $0x1  }
0x6c: {  	s12 =	sadd.s32 $0x80, s12;
	[tilespmem:s14+$0x230] =	vst v3  }
0x6d: {  	s14 =	sshrl.u32 s13, $0x3;
	s13 =	sadd.s32 $0x1, s13;
	v3 =	vld [tilespmem:s12+$0xFFFFFFE0]  }
0x6e: {  	s13 =	smul.u32 $0x3000, s14  }
0x6f: {  	s8 =	sadd.s32 $0x80, s8  }
0x70: {  	s8 =	sand.u32 $0x380, s8;
	s13 =	sshra.s32 s13, $0x2  }
0x71: {  	s8 =	sor.u32 s8, s13  }
0x72: {  	[tilespmem:s8+$0x200] =	vst v3  }
0x73: {  	v3 =	vld [tilespmem:s12+$0xFFFFFFF0];
	_ =	sdelay $0x4  }
0x74: {  	[tilespmem:s8+$0x210] =	vst v3  }
0x75: {  	v3 =	vld [tilespmem:s12+$0x0];
	_ =	sdelay $0x4  }
0x76: {  	[tilespmem:s8+$0x220] =	vst v3  }
0x77: {  	v3 =	vld [tilespmem:s12+$0x10];
	_ =	sdelay $0x4  }
0x78: {  	s14 =	rddreg [dreg:$0xb];
	s13 =	simm.s32 $0x0;
	[tilespmem:s8+$0x230] =	vst v3  }
0x79: {  	[hbm4b:s14+s13] =	stream.linear.scatter [tilespmem:s22], [sflag:$0x7], $0x400, $0x38;
	[tilespmem:$0x15400] =	vst v63  }
0x7a: {  	s23 =	simm.s32 $0xE00;
	s21 =	sadd.s32 $0x80, s14  }
0x7b: {  	[hbm4b:s21+s13] =	stream.linear.scatter [tilespmem:s23], [sflag:$0x7], $0x400, $0x38;
	[tilespmem:$0x15400] =	vst v63  }
0x7c: {  	s18 =	simm.s32 $0x1A00;
	s24 =	sadd.s32 $0x100, s14  }
0x7d: {  	[hbm4b:s24+s13] =	stream.linear.scatter [tilespmem:s18], [sflag:$0x7], $0x400, $0x38;
	[tilespmem:$0x15400] =	vst v63  }
0x7e: {  	s12 =	sadd.s32 $0x180, s14;
	s21 =	simm.s32 $0x2600;
	s24 =	simm.s32 $0x7  }
0x7f: {  	[hbm4b:s12+s13] =	stream.linear.scatter [tilespmem:s21], [sflag:$0x7], $0x400, $0x38;
	[tilespmem:$0x15400] =	vst v63  }
0x80: {  	_ =	swait.ge [sflag:s24], $0x1000  }
0x81: {  	[sflag:s24] =	ssyncset.done $0x0  }
0x82: {  	[sflag:s24] =	ssyncadd.s32 $0xFFFFF000  }
0x83: {  	[bflag:$0x0] =	sbarrier.arrive $0xFFFF  }
0x84: {  	_ =	swait.ge [sflag:s26], $0x200  }
0x85: {  	[sflag:s26] =	ssyncset.done $0x0  }
0x86: {  	[sflag:s26] =	ssyncadd.s32 $0xFFFFFE00  }
0x87: {  	v3 =	vld [tilespmem:$0x0];
	_ =	sdelay $0x4  }
0x88: {  	v4 =	vperm.xlane v3, v0;
	_ =	sdelay $0x1  }
0x89: {  	v3 =	vperm.xlane v3, v2;
	v4 =	vadd.s32 v1, v4;
	_ =	sdelay $0x1  }
0x8a: {  	v3 =	vadd.s32 v1, v3;
	_ =	sdelay $0x2  }
0x8b: {  	[tilespmem:s22], [sflag:$0x2] =	stream.indirect_vreg.gather [hbm4b:s2+s13], $0x80, v4, vm0, $0xb8;
	[tilespmem:$0x15400] =	vst v63  }
0x8c: {  	_ = 	snop  }
0x8d: {  	[tilespmem:s23], [sflag:$0x2] =	stream.indirect_vreg.gather [hbm4b:s2+s13], $0x80, v3, vm0, $0xb8;
	[tilespmem:$0x15400] =	vst v63  }
0x8e: {  	v3 =	vld [tilespmem:$0x10];
	_ =	sdelay $0x4  }
0x8f: {  	v57 =	vperm.xlane v3, v0;
	_ =	sdelay $0x1  }
0x90: {  	v3 =	vperm.xlane v3, v2;
	v4 =	vadd.s32 v1, v57;
	_ =	sdelay $0x1  }
0x91: {  	v3 =	vadd.s32 v1, v3;
	_ =	sdelay $0x2  }
0x92: {  	[tilespmem:s18], [sflag:$0x2] =	stream.indirect_vreg.gather [hbm4b:s2+s13], $0x80, v4, vm0, $0xb8;
	[tilespmem:$0x15400] =	vst v63  }
0x93: {  	_ = 	snop  }
0x94: {  	[tilespmem:s21], [sflag:$0x2] =	stream.indirect_vreg.gather [hbm4b:s2+s13], $0x80, v3, vm0, $0xb8;
	[tilespmem:$0x15400] =	vst v63  }
0x95: {  	v3 =	vld [tilespmem:$0x20];
	_ =	sdelay $0x4  }
0x96: {  	v58 =	vperm.xlane v3, v0;
	_ =	sdelay $0x1  }
0x97: {  	v3 =	vperm.xlane v3, v2;
	v4 =	vadd.s32 v1, v58;
	_ =	sdelay $0x1  }
0x98: {  	v3 =	vadd.s32 v1, v3;
	_ =	sdelay $0x1  }
0x99: {  	s12 =	simm.s32 $0x3200  }
0x9a: {  	[tilespmem:s12], [sflag:$0x2] =	stream.indirect_vreg.gather [hbm4b:s2+s13], $0x80, v4, vm0, $0xb8;
	[tilespmem:$0x15400] =	vst v63  }
0x9b: {  	s14 =	simm.s32 $0x3E00  }
0x9c: {  	[tilespmem:s14], [sflag:$0x2] =	stream.indirect_vreg.gather [hbm4b:s2+s13], $0x80, v3, vm0, $0xb8;
	[tilespmem:$0x15400] =	vst v63  }
0x9d: {  	v3 =	vld [tilespmem:$0x30];
	_ =	sdelay $0x4  }
0x9e: {  	v59 =	vperm.xlane v3, v0;
	_ =	sdelay $0x1  }
0x9f: {  	v3 =	vperm.xlane v3, v2;
	v4 =	vadd.s32 v1, v59;
	_ =	sdelay $0x1  }
0xa0: {  	v3 =	vadd.s32 v1, v3;
	_ =	sdelay $0x1  }
0xa1: {  	s18 =	simm.s32 $0x4A00  }
0xa2: {  	[tilespmem:s18], [sflag:$0x2] =	stream.indirect_vreg.gather [hbm4b:s2+s13], $0x80, v4, vm0, $0xb8;
	[tilespmem:$0x15400] =	vst v63  }
0xa3: {  	s21 =	simm.s32 $0x5600  }
0xa4: {  	[tilespmem:s21], [sflag:$0x2] =	stream.indirect_vreg.gather [hbm4b:s2+s13], $0x80, v3, vm0, $0xb8;
	[tilespmem:$0x15400] =	vst v63  }
0xa5: {  	s12 =	simm.s32 $0x80;
	s14 =	simm.s32 $0x6200  }
0xa6: {  	[tilespmem:s14], [sflag:$0x2] =	stream.indirect.gather [hbm4b:s3+s0], $0x80, s12, s0, $0xb8;
	[tilespmem:$0x15400] =	vst v63  }
0xa7: {  	v3 =	vld [tilespmem:$0x100];
	_ =	sdelay $0x4  }
0xa8: {  	v60 =	vperm.xlane v3, v0;
	_ =	sdelay $0x1  }
0xa9: {  	v3 =	vperm.xlane v3, v2;
	v4 =	vadd.s32 v1, v60;
	_ =	sdelay $0x1  }
0xaa: {  	v3 =	vadd.s32 v1, v3;
	_ =	sdelay $0x1  }
0xab: {  	s18 =	simm.s32 $0x600  }
0xac: {  	[tilespmem:s18], [sflag:$0x2] =	stream.indirect_vreg.gather [hbm4b:s5+s13], $0x80, v4, vm0, $0xb8;
	[tilespmem:$0x15400] =	vst v63  }
0xad: {  	s21 =	simm.s32 $0x1200  }
0xae: {  	[tilespmem:s21], [sflag:$0x2] =	stream.indirect_vreg.gather [hbm4b:s5+s13], $0x80, v3, vm0, $0xb8;
	[tilespmem:$0x15400] =	vst v63  }
0xaf: {  	v3 =	vld [tilespmem:$0x110];
	_ =	sdelay $0x4  }
0xb0: {  	v61 =	vperm.xlane v3, v0;
	_ =	sdelay $0x1  }
0xb1: {  	v3 =	vperm.xlane v3, v2;
	v4 =	vadd.s32 v1, v61;
	_ =	sdelay $0x1  }
0xb2: {  	v3 =	vadd.s32 v1, v3;
	_ =	sdelay $0x1  }
0xb3: {  	s12 =	simm.s32 $0x1E00  }
0xb4: {  	[tilespmem:s12], [sflag:$0x2] =	stream.indirect_vreg.gather [hbm4b:s5+s13], $0x80, v4, vm0, $0xb8;
	[tilespmem:$0x15400] =	vst v63  }
0xb5: {  	s14 =	simm.s32 $0x2A00  }
0xb6: {  	[tilespmem:s14], [sflag:$0x2] =	stream.indirect_vreg.gather [hbm4b:s5+s13], $0x80, v3, vm0, $0xb8;
	[tilespmem:$0x15400] =	vst v63  }
0xb7: {  	v3 =	vld [tilespmem:$0x120];
	_ =	sdelay $0x4  }
0xb8: {  	v62 =	vperm.xlane v3, v0;
	_ =	sdelay $0x1  }
0xb9: {  	v3 =	vperm.xlane v3, v2;
	v4 =	vadd.s32 v1, v62;
	_ =	sdelay $0x1  }
0xba: {  	v3 =	vadd.s32 v1, v3;
	_ =	sdelay $0x1  }
0xbb: {  	s18 =	simm.s32 $0x3600  }
0xbc: {  	[tilespmem:s18], [sflag:$0x2] =	stream.indirect_vreg.gather [hbm4b:s5+s13], $0x80, v4, vm0, $0xb8;
	[tilespmem:$0x15400] =	vst v63  }
0xbd: {  	s21 =	simm.s32 $0x4200  }
0xbe: {  	[tilespmem:s21], [sflag:$0x2] =	stream.indirect_vreg.gather [hbm4b:s5+s13], $0x80, v3, vm0, $0xb8;
	[tilespmem:$0x15400] =	vst v63  }
0xbf: {  	v3 =	vld [tilespmem:$0x130];
	_ =	sdelay $0x4  }
0xc0: {  	v63 =	vperm.xlane v3, v0;
	_ =	sdelay $0x1  }
0xc1: {  	v3 =	vperm.xlane v3, v2;
	v4 =	vadd.s32 v1, v63;
	_ =	sdelay $0x1  }
0xc2: {  	v3 =	vadd.s32 v1, v3;
	_ =	sdelay $0x1  }
0xc3: {  	s12 =	simm.s32 $0x4E00  }
0xc4: {  	[tilespmem:s12], [sflag:$0x2] =	stream.indirect_vreg.gather [hbm4b:s5+s13], $0x80, v4, vm0, $0xb8;
	[tilespmem:$0x15400] =	vst v63  }
0xc5: {  	s28 =	simm.s32 $0xE00;
	s24 =	simm.s32 $0x2600;
	s14 =	simm.s32 $0x5A00  }
0xc6: {  	[tilespmem:s14], [sflag:$0x2] =	stream.indirect_vreg.gather [hbm4b:s5+s13], $0x80, v3, vm0, $0xb8;
	[tilespmem:$0x15400] =	vst v63  }
0xc7: {  	s23 =	simm.s32 $0x1A00;
	s18 =	simm.s32 $0x180;
	s21 =	simm.s32 $0x8200  }
0xc8: {  	[tilespmem:s21], [sflag:$0x2] =	stream.indirect.gather [hbm4b:s2+s0], $0x80, s18, s0, $0xb8;
	[tilespmem:$0x15400] =	vst v63  }
.LBB2_6:
0xc9: {  	p0 =	seq.s32 s13, $0x0  }
0xca: {  	s8 =	simm.s32 @!p0 $0x6  }
0xcb: {  	_ =	swait.ge @!p0 [sflag:s8], $0x6000  }
0xcc: {  	[sflag:s8] =	ssyncset.done @!p0 $0x0  }
0xcd: {  	[sflag:s8] =	ssyncadd.s32 @!p0 $0xFFFFA000  }
0xce: {  	_ =	swait.ge [sflag:s29], $0x200  }
0xcf: {  	[sflag:s29] =	ssyncset.done $0x0  }
0xd0: {  	[sflag:s29] =	ssyncadd.s32 $0xFFFFFE00  }
0xd1: {  	v3 =	vld [tilespmem:$0xA200];
	_ =	sdelay $0x4  }
0xd2: {  	v4 =	vperm.xlane v3, v0;
	_ =	sdelay $0x1  }
0xd3: {  	v3 =	vperm.xlane v3, v2;
	v4 =	vadd.s32 v1, v4;
	_ =	sdelay $0x1  }
0xd4: {  	v3 =	vadd.s32 v1, v3;
	_ =	sdelay $0x2  }
0xd5: {  	[tilespmem:s30], [sflag:$0x5] =	stream.indirect_vreg.gather [hbm4b:s2+s6], $0x80, v4, vm0, $0xb8;
	[tilespmem:$0x15400] =	vst v63  }
0xd6: {  	s18 =	simm.s32 $0xB000  }
0xd7: {  	[tilespmem:s18], [sflag:$0x5] =	stream.indirect_vreg.gather [hbm4b:s2+s6], $0x80, v3, vm0, $0xb8;
	[tilespmem:$0x15400] =	vst v63  }
0xd8: {  	v3 =	vld [tilespmem:$0xA210];
	_ =	sdelay $0x4  }
0xd9: {  	v57 =	vperm.xlane v3, v0;
	_ =	sdelay $0x1  }
0xda: {  	v3 =	vperm.xlane v3, v2;
	v4 =	vadd.s32 v1, v57;
	_ =	sdelay $0x1  }
0xdb: {  	v3 =	vadd.s32 v1, v3;
	_ =	sdelay $0x1  }
0xdc: {  	s21 =	simm.s32 $0xBC00  }
0xdd: {  	[tilespmem:s21], [sflag:$0x5] =	stream.indirect_vreg.gather [hbm4b:s2+s6], $0x80, v4, vm0, $0xb8;
	[tilespmem:$0x15400] =	vst v63  }
0xde: {  	s12 =	simm.s32 $0xC800  }
0xdf: {  	[tilespmem:s12], [sflag:$0x5] =	stream.indirect_vreg.gather [hbm4b:s2+s6], $0x80, v3, vm0, $0xb8;
	[tilespmem:$0x15400] =	vst v63  }
0xe0: {  	v3 =	vld [tilespmem:$0xA220];
	_ =	sdelay $0x4  }
0xe1: {  	v58 =	vperm.xlane v3, v0;
	_ =	sdelay $0x1  }
0xe2: {  	v3 =	vperm.xlane v3, v2;
	v4 =	vadd.s32 v1, v58;
	_ =	sdelay $0x1  }
0xe3: {  	v3 =	vadd.s32 v1, v3;
	_ =	sdelay $0x1  }
0xe4: {  	s14 =	simm.s32 $0xD400  }
0xe5: {  	[tilespmem:s14], [sflag:$0x5] =	stream.indirect_vreg.gather [hbm4b:s2+s6], $0x80, v4, vm0, $0xb8;
	[tilespmem:$0x15400] =	vst v63  }
0xe6: {  	s18 =	simm.s32 $0xE000  }
0xe7: {  	[tilespmem:s18], [sflag:$0x5] =	stream.indirect_vreg.gather [hbm4b:s2+s6], $0x80, v3, vm0, $0xb8;
	[tilespmem:$0x15400] =	vst v63  }
0xe8: {  	v3 =	vld [tilespmem:$0xA230];
	_ =	sdelay $0x4  }
0xe9: {  	v59 =	vperm.xlane v3, v0;
	_ =	sdelay $0x1  }
0xea: {  	v3 =	vperm.xlane v3, v2;
	v4 =	vadd.s32 v1, v59;
	_ =	sdelay $0x1  }
0xeb: {  	v3 =	vadd.s32 v1, v3;
	_ =	sdelay $0x1  }
0xec: {  	s21 =	simm.s32 $0xEC00  }
0xed: {  	[tilespmem:s21], [sflag:$0x5] =	stream.indirect_vreg.gather [hbm4b:s2+s6], $0x80, v4, vm0, $0xb8;
	[tilespmem:$0x15400] =	vst v63  }
0xee: {  	s12 =	simm.s32 $0xF800  }
0xef: {  	[tilespmem:s12], [sflag:$0x5] =	stream.indirect_vreg.gather [hbm4b:s2+s6], $0x80, v3, vm0, $0xb8;
	[tilespmem:$0x15400] =	vst v63  }
0xf0: {  	s14 =	simm.s32 $0xA280;
	s12 =	simm.s32 $0x10400  }
0xf1: {  	[tilespmem:s12], [sflag:$0x5] =	stream.indirect.gather [hbm4b:s3+s0], $0x80, s14, s0, $0xb8;
	[tilespmem:$0x15400] =	vst v63  }
0xf2: {  	v3 =	vld [tilespmem:$0xA300];
	_ =	sdelay $0x4  }
0xf3: {  	v60 =	vperm.xlane v3, v0;
	_ =	sdelay $0x1  }
0xf4: {  	v3 =	vperm.xlane v3, v2;
	v4 =	vadd.s32 v1, v60;
	_ =	sdelay $0x1  }
0xf5: {  	v3 =	vadd.s32 v1, v3;
	_ =	sdelay $0x1  }
0xf6: {  	s18 =	simm.s32 $0xA800  }
0xf7: {  	[tilespmem:s18], [sflag:$0x5] =	stream.indirect_vreg.gather [hbm4b:s5+s6], $0x80, v4, vm0, $0xb8;
	[tilespmem:$0x15400] =	vst v63  }
0xf8: {  	s21 =	simm.s32 $0xB400  }
0xf9: {  	[tilespmem:s21], [sflag:$0x5] =	stream.indirect_vreg.gather [hbm4b:s5+s6], $0x80, v3, vm0, $0xb8;
	[tilespmem:$0x15400] =	vst v63  }
0xfa: {  	v3 =	vld [tilespmem:$0xA310];
	_ =	sdelay $0x4  }
0xfb: {  	v61 =	vperm.xlane v3, v0;
	_ =	sdelay $0x1  }
0xfc: {  	v3 =	vperm.xlane v3, v2;
	v4 =	vadd.s32 v1, v61;
	_ =	sdelay $0x1  }
0xfd: {  	v3 =	vadd.s32 v1, v3;
	_ =	sdelay $0x1  }
0xfe: {  	s12 =	simm.s32 $0xC000  }
0xff: {  	[tilespmem:s12], [sflag:$0x5] =	stream.indirect_vreg.gather [hbm4b:s5+s6], $0x80, v4, vm0, $0xb8;
	[tilespmem:$0x15400] =	vst v63  }
0x100: {  	s14 =	simm.s32 $0xCC00  }
0x101: {  	[tilespmem:s14], [sflag:$0x5] =	stream.indirect_vreg.gather [hbm4b:s5+s6], $0x80, v3, vm0, $0xb8;
	[tilespmem:$0x15400] =	vst v63  }
0x102: {  	v3 =	vld [tilespmem:$0xA320];
	_ =	sdelay $0x4  }
0x103: {  	v62 =	vperm.xlane v3, v0;
	_ =	sdelay $0x1  }
0x104: {  	v3 =	vperm.xlane v3, v2;
	v4 =	vadd.s32 v1, v62;
	_ =	sdelay $0x1  }
0x105: {  	v3 =	vadd.s32 v1, v3;
	_ =	sdelay $0x1  }
0x106: {  	s18 =	simm.s32 $0xD800  }
0x107: {  	[tilespmem:s18], [sflag:$0x5] =	stream.indirect_vreg.gather [hbm4b:s5+s6], $0x80, v4, vm0, $0xb8;
	[tilespmem:$0x15400] =	vst v63  }
0x108: {  	s21 =	simm.s32 $0xE400  }
0x109: {  	[tilespmem:s21], [sflag:$0x5] =	stream.indirect_vreg.gather [hbm4b:s5+s6], $0x80, v3, vm0, $0xb8;
	[tilespmem:$0x15400] =	vst v63  }
0x10a: {  	v3 =	vld [tilespmem:$0xA330];
	_ =	sdelay $0x4  }
0x10b: {  	v63 =	vperm.xlane v3, v0;
	_ =	sdelay $0x1  }
0x10c: {  	v3 =	vperm.xlane v3, v2;
	v4 =	vadd.s32 v1, v63;
	_ =	sdelay $0x1  }
0x10d: {  	v3 =	vadd.s32 v1, v3;
	_ =	sdelay $0x2  }
0x10e: {  	[tilespmem:s25], [sflag:$0x5] =	stream.indirect_vreg.gather [hbm4b:s5+s6], $0x80, v4, vm0, $0xb8;
	[tilespmem:$0x15400] =	vst v63  }
0x10f: {  	_ = 	snop  }
0x110: {  	[tilespmem:s31], [sflag:$0x5] =	stream.indirect_vreg.gather [hbm4b:s5+s6], $0x80, v3, vm0, $0xb8;
	[tilespmem:$0x15400] =	vst v63  }
0x111: {  	_ = 	snop  }
0x112: {  	[tilespmem:s19], [sflag:$0x5] =	stream.indirect.gather [hbm4b:s2+s0], $0x80, s4, s0, $0xb8;
	[tilespmem:$0x15400] =	vst v63  }
0x113: {  	_ =	swait.ge [sflag:s20], $0x2000  }
0x114: {  	[sflag:s20] =	ssyncset.done $0x0  }
0x115: {  	[sflag:s20] =	ssyncadd.s32 $0xFFFFE000  }
0x116: {  	_ =	swait.ge [sflag:s20], $0x2000  }
0x117: {  	[sflag:s20] =	ssyncset.done $0x0  }
0x118: {  	[sflag:s20] =	ssyncadd.s32 $0xFFFFE000  }
0x119: {  	_ =	swait.ge [sflag:s20], $0x2000  }
0x11a: {  	s8 =	sshll.u32 s13, $0x1;
	p0 =	seq.s32 s13, $0x31;
	[sflag:s20] =	ssyncset.done $0x0  }
0x11b: {  	s12 =	sadd.s32 @!p0 s8, s16;
	[sflag:s20] =	ssyncadd.s32 $0xFFFFE000  }
0x11c: {  	s12 =	sshll.u32 @!p0 s12, $0x6;
	_ =	swait.ge [sflag:s20], $0x2000  }
0x11d: {  	s12 =	sand.u32 @!p0 $0x1FFFFF80, s12;
	[sflag:s20] =	ssyncset.done $0x0  }
0x11e: {  	s14 =	simm.s32 @!p0 $0x0;
	s12 =	sadd.s32 @!p0 s1, s12;
	[sflag:s20] =	ssyncadd.s32 $0xFFFFE000  }
0x11f: {  	[tilespmem:s14], [sflag:$0x1] =	stream.linear.gather @!p0 [hbm4b:s12+s14], $0x200, $0x38;
	[tilespmem:$0x15400] =	vst v63  }
0x120: {  	s18 =	sadd.s32 s8, s15;
	s12 =	simm.s32 $0x0  }
.LBB2_7:
0x121: {  	s14 =	smul.u32 $0x3000, s12  }
0x122: {  	s21 =	sshll.u32 s12, $0xA  }
0x123: {  	v4 =	vld [tilespmem:s21+$0x6200];
	s14 =	sshra.s32 s14, $0x2  }
0x124: {  	v3 =	vld [tilespmem:s14+$0x200];
	_ =	sdelay $0x4  }
0x125: {  	v3 =	vadd.f32 v4, v3;
	_ =	sdelay $0x1  }
0x126: {  	[tilespmem:s14+$0x200] =	vst v3;
	v3 =	vld [tilespmem:s14+$0x210]  }
0x127: {  	v57 =	vld [tilespmem:s21+$0x6210];
	_ =	sdelay $0x4  }
0x128: {  	v3 =	vadd.f32 v57, v3;
	_ =	sdelay $0x1  }
0x129: {  	[tilespmem:s14+$0x210] =	vst v3;
	v3 =	vld [tilespmem:s14+$0x220]  }
0x12a: {  	v58 =	vld [tilespmem:s21+$0x6220];
	_ =	sdelay $0x4  }
0x12b: {  	v3 =	vadd.f32 v58, v3;
	_ =	sdelay $0x1  }
0x12c: {  	[tilespmem:s14+$0x220] =	vst v3;
	v3 =	vld [tilespmem:s14+$0x230]  }
0x12d: {  	v59 =	vld [tilespmem:s21+$0x6230];
	_ =	sdelay $0x4  }
0x12e: {  	v3 =	vadd.f32 v59, v3;
	_ =	sdelay $0x1  }
0x12f: {  	[tilespmem:s14+$0x230] =	vst v3;
	v3 =	vld [tilespmem:s14+$0x240]  }
0x130: {  	v60 =	vld [tilespmem:s21+$0x6240];
	_ =	sdelay $0x4  }
0x131: {  	v3 =	vadd.f32 v60, v3;
	_ =	sdelay $0x1  }
0x132: {  	[tilespmem:s14+$0x240] =	vst v3;
	v3 =	vld [tilespmem:s14+$0x250]  }
0x133: {  	v61 =	vld [tilespmem:s21+$0x6250];
	_ =	sdelay $0x4  }
0x134: {  	v3 =	vadd.f32 v61, v3;
	_ =	sdelay $0x1  }
0x135: {  	[tilespmem:s14+$0x250] =	vst v3;
	v3 =	vld [tilespmem:s14+$0x260]  }
0x136: {  	v62 =	vld [tilespmem:s21+$0x6260];
	_ =	sdelay $0x4  }
0x137: {  	v3 =	vadd.f32 v62, v3;
	_ =	sdelay $0x1  }
0x138: {  	[tilespmem:s14+$0x260] =	vst v3;
	v3 =	vld [tilespmem:s14+$0x270]  }
0x139: {  	v63 =	vld [tilespmem:s21+$0x6270];
	_ =	sdelay $0x4  }
0x13a: {  	v3 =	vadd.f32 v63, v3;
	_ =	sdelay $0x1  }
0x13b: {  	[tilespmem:s14+$0x270] =	vst v3  }
0x13c: {  	v3 =	vld [tilespmem:s21+$0x8200];
	_ =	sdelay $0x4  }
0x13d: {  	[tilespmem:s14+$0x640] =	vst v3  }
0x13e: {  	v3 =	vld [tilespmem:s21+$0x8210];
	_ =	sdelay $0x4  }
0x13f: {  	[tilespmem:s14+$0x650] =	vst v3  }
0x140: {  	v3 =	vld [tilespmem:s21+$0x8220];
	_ =	sdelay $0x4  }
0x141: {  	[tilespmem:s14+$0x660] =	vst v3  }
0x142: {  	v3 =	vld [tilespmem:s21+$0x8230];
	_ =	sdelay $0x4  }
0x143: {  	[tilespmem:s14+$0x670] =	vst v3  }
0x144: {  	v3 =	vld [tilespmem:s21+$0x8240];
	_ =	sdelay $0x4  }
0x145: {  	[tilespmem:s14+$0xA00] =	vst v3  }
0x146: {  	v3 =	vld [tilespmem:s21+$0x8250];
	_ =	sdelay $0x4  }
0x147: {  	[tilespmem:s14+$0xA10] =	vst v3  }
0x148: {  	v3 =	vld [tilespmem:s21+$0x8260];
	_ =	sdelay $0x4  }
0x149: {  	[tilespmem:s14+$0xA20] =	vst v3  }
0x14a: {  	v3 =	vld [tilespmem:s21+$0x8270];
	_ =	sdelay $0x4  }
0x14b: {  	[tilespmem:s14+$0xA30] =	vst v3;
	v3 =	vld [tilespmem:s14+$0x280]  }
0x14c: {  	v8 =	vld [tilespmem:s21+$0x6280];
	_ =	sdelay $0x4  }
0x14d: {  	v3 =	vadd.f32 v8, v3;
	_ =	sdelay $0x1  }
0x14e: {  	[tilespmem:s14+$0x280] =	vst v3;
	v3 =	vld [tilespmem:s14+$0x290]  }
0x14f: {  	v9 =	vld [tilespmem:s21+$0x6290];
	_ =	sdelay $0x4  }
0x150: {  	v3 =	vadd.f32 v9, v3;
	_ =	sdelay $0x1  }
0x151: {  	[tilespmem:s14+$0x290] =	vst v3;
	v3 =	vld [tilespmem:s14+$0x2A0]  }
0x152: {  	v10 =	vld [tilespmem:s21+$0x62A0];
	_ =	sdelay $0x4  }
0x153: {  	v3 =	vadd.f32 v10, v3;
	_ =	sdelay $0x1  }
0x154: {  	[tilespmem:s14+$0x2A0] =	vst v3;
	v3 =	vld [tilespmem:s14+$0x2B0]  }
0x155: {  	v11 =	vld [tilespmem:s21+$0x62B0];
	_ =	sdelay $0x4  }
0x156: {  	v3 =	vadd.f32 v11, v3;
	_ =	sdelay $0x1  }
0x157: {  	[tilespmem:s14+$0x2B0] =	vst v3;
	v3 =	vld [tilespmem:s14+$0x2C0]  }
0x158: {  	v12 =	vld [tilespmem:s21+$0x62C0];
	_ =	sdelay $0x4  }
0x159: {  	v3 =	vadd.f32 v12, v3;
	_ =	sdelay $0x1  }
0x15a: {  	[tilespmem:s14+$0x2C0] =	vst v3;
	v3 =	vld [tilespmem:s14+$0x2D0]  }
0x15b: {  	v13 =	vld [tilespmem:s21+$0x62D0];
	_ =	sdelay $0x4  }
0x15c: {  	v3 =	vadd.f32 v13, v3;
	_ =	sdelay $0x1  }
0x15d: {  	[tilespmem:s14+$0x2D0] =	vst v3;
	v3 =	vld [tilespmem:s14+$0x2E0]  }
0x15e: {  	v14 =	vld [tilespmem:s21+$0x62E0];
	_ =	sdelay $0x4  }
0x15f: {  	v3 =	vadd.f32 v14, v3;
	_ =	sdelay $0x1  }
0x160: {  	[tilespmem:s14+$0x2E0] =	vst v3;
	v3 =	vld [tilespmem:s14+$0x2F0]  }
0x161: {  	v15 =	vld [tilespmem:s21+$0x62F0];
	_ =	sdelay $0x4  }
0x162: {  	v3 =	vadd.f32 v15, v3;
	_ =	sdelay $0x1  }
0x163: {  	[tilespmem:s14+$0x2F0] =	vst v3  }
0x164: {  	v3 =	vld [tilespmem:s21+$0x8280];
	_ =	sdelay $0x4  }
0x165: {  	[tilespmem:s14+$0x6C0] =	vst v3  }
0x166: {  	v3 =	vld [tilespmem:s21+$0x8290];
	_ =	sdelay $0x4  }
0x167: {  	[tilespmem:s14+$0x6D0] =	vst v3  }
0x168: {  	v3 =	vld [tilespmem:s21+$0x82A0];
	_ =	sdelay $0x4  }
0x169: {  	[tilespmem:s14+$0x6E0] =	vst v3  }
0x16a: {  	v3 =	vld [tilespmem:s21+$0x82B0];
	_ =	sdelay $0x4  }
0x16b: {  	[tilespmem:s14+$0x6F0] =	vst v3  }
0x16c: {  	v3 =	vld [tilespmem:s21+$0x82C0];
	_ =	sdelay $0x4  }
0x16d: {  	[tilespmem:s14+$0xA80] =	vst v3  }
0x16e: {  	v3 =	vld [tilespmem:s21+$0x82D0];
	_ =	sdelay $0x4  }
0x16f: {  	[tilespmem:s14+$0xA90] =	vst v3  }
0x170: {  	v3 =	vld [tilespmem:s21+$0x82E0];
	_ =	sdelay $0x4  }
0x171: {  	[tilespmem:s14+$0xAA0] =	vst v3  }
0x172: {  	v3 =	vld [tilespmem:s21+$0x82F0];
	_ =	sdelay $0x4  }
0x173: {  	[tilespmem:s14+$0xAB0] =	vst v3;
	v3 =	vld [tilespmem:s14+$0x300]  }
0x174: {  	v16 =	vld [tilespmem:s21+$0x6300];
	_ =	sdelay $0x4  }
0x175: {  	v3 =	vadd.f32 v16, v3;
	_ =	sdelay $0x1  }
0x176: {  	[tilespmem:s14+$0x300] =	vst v3;
	v3 =	vld [tilespmem:s14+$0x310]  }
0x177: {  	v17 =	vld [tilespmem:s21+$0x6310];
	_ =	sdelay $0x4  }
0x178: {  	v3 =	vadd.f32 v17, v3;
	_ =	sdelay $0x1  }
0x179: {  	[tilespmem:s14+$0x310] =	vst v3;
	v3 =	vld [tilespmem:s14+$0x320]  }
0x17a: {  	v18 =	vld [tilespmem:s21+$0x6320];
	_ =	sdelay $0x4  }
0x17b: {  	v3 =	vadd.f32 v18, v3;
	_ =	sdelay $0x1  }
0x17c: {  	[tilespmem:s14+$0x320] =	vst v3;
	v3 =	vld [tilespmem:s14+$0x330]  }
0x17d: {  	v19 =	vld [tilespmem:s21+$0x6330];
	_ =	sdelay $0x4  }
0x17e: {  	v3 =	vadd.f32 v19, v3;
	_ =	sdelay $0x1  }
0x17f: {  	[tilespmem:s14+$0x330] =	vst v3;
	v3 =	vld [tilespmem:s14+$0x340]  }
0x180: {  	v20 =	vld [tilespmem:s21+$0x6340];
	_ =	sdelay $0x4  }
0x181: {  	v3 =	vadd.f32 v20, v3;
	_ =	sdelay $0x1  }
0x182: {  	[tilespmem:s14+$0x340] =	vst v3;
	v3 =	vld [tilespmem:s14+$0x350]  }
0x183: {  	v21 =	vld [tilespmem:s21+$0x6350];
	_ =	sdelay $0x4  }
0x184: {  	v3 =	vadd.f32 v21, v3;
	_ =	sdelay $0x1  }
0x185: {  	[tilespmem:s14+$0x350] =	vst v3;
	v3 =	vld [tilespmem:s14+$0x360]  }
0x186: {  	v22 =	vld [tilespmem:s21+$0x6360];
	_ =	sdelay $0x4  }
0x187: {  	v3 =	vadd.f32 v22, v3;
	_ =	sdelay $0x1  }
0x188: {  	[tilespmem:s14+$0x360] =	vst v3;
	v3 =	vld [tilespmem:s14+$0x370]  }
0x189: {  	v23 =	vld [tilespmem:s21+$0x6370];
	_ =	sdelay $0x4  }
0x18a: {  	v3 =	vadd.f32 v23, v3;
	_ =	sdelay $0x1  }
0x18b: {  	[tilespmem:s14+$0x370] =	vst v3  }
0x18c: {  	v3 =	vld [tilespmem:s21+$0x8300];
	_ =	sdelay $0x4  }
0x18d: {  	[tilespmem:s14+$0x740] =	vst v3  }
0x18e: {  	v3 =	vld [tilespmem:s21+$0x8310];
	_ =	sdelay $0x4  }
0x18f: {  	[tilespmem:s14+$0x750] =	vst v3  }
0x190: {  	v3 =	vld [tilespmem:s21+$0x8320];
	_ =	sdelay $0x4  }
0x191: {  	[tilespmem:s14+$0x760] =	vst v3  }
0x192: {  	v3 =	vld [tilespmem:s21+$0x8330];
	_ =	sdelay $0x4  }
0x193: {  	[tilespmem:s14+$0x770] =	vst v3  }
0x194: {  	v3 =	vld [tilespmem:s21+$0x8340];
	_ =	sdelay $0x4  }
0x195: {  	[tilespmem:s14+$0xB00] =	vst v3  }
0x196: {  	v3 =	vld [tilespmem:s21+$0x8350];
	_ =	sdelay $0x4  }
0x197: {  	[tilespmem:s14+$0xB10] =	vst v3  }
0x198: {  	v3 =	vld [tilespmem:s21+$0x8360];
	_ =	sdelay $0x4  }
0x199: {  	[tilespmem:s14+$0xB20] =	vst v3  }
0x19a: {  	v3 =	vld [tilespmem:s21+$0x8370];
	_ =	sdelay $0x4  }
0x19b: {  	[tilespmem:s14+$0xB30] =	vst v3;
	v3 =	vld [tilespmem:s14+$0x380]  }
0x19c: {  	v24 =	vld [tilespmem:s21+$0x6380];
	_ =	sdelay $0x4  }
0x19d: {  	v3 =	vadd.f32 v24, v3;
	_ =	sdelay $0x1  }
0x19e: {  	[tilespmem:s14+$0x380] =	vst v3;
	v3 =	vld [tilespmem:s14+$0x390]  }
0x19f: {  	v25 =	vld [tilespmem:s21+$0x6390];
	_ =	sdelay $0x4  }
0x1a0: {  	v3 =	vadd.f32 v25, v3;
	_ =	sdelay $0x1  }
0x1a1: {  	[tilespmem:s14+$0x390] =	vst v3;
	v3 =	vld [tilespmem:s14+$0x3A0]  }
0x1a2: {  	v26 =	vld [tilespmem:s21+$0x63A0];
	_ =	sdelay $0x4  }
0x1a3: {  	v3 =	vadd.f32 v26, v3;
	_ =	sdelay $0x1  }
0x1a4: {  	[tilespmem:s14+$0x3A0] =	vst v3;
	v3 =	vld [tilespmem:s14+$0x3B0]  }
0x1a5: {  	v27 =	vld [tilespmem:s21+$0x63B0];
	_ =	sdelay $0x4  }
0x1a6: {  	v3 =	vadd.f32 v27, v3;
	_ =	sdelay $0x1  }
0x1a7: {  	[tilespmem:s14+$0x3B0] =	vst v3;
	v3 =	vld [tilespmem:s14+$0x3C0]  }
0x1a8: {  	v28 =	vld [tilespmem:s21+$0x63C0];
	_ =	sdelay $0x4  }
0x1a9: {  	v3 =	vadd.f32 v28, v3;
	_ =	sdelay $0x1  }
0x1aa: {  	[tilespmem:s14+$0x3C0] =	vst v3;
	v3 =	vld [tilespmem:s14+$0x3D0]  }
0x1ab: {  	v29 =	vld [tilespmem:s21+$0x63D0];
	_ =	sdelay $0x4  }
0x1ac: {  	v3 =	vadd.f32 v29, v3;
	_ =	sdelay $0x1  }
0x1ad: {  	[tilespmem:s14+$0x3D0] =	vst v3;
	v3 =	vld [tilespmem:s14+$0x3E0]  }
0x1ae: {  	v30 =	vld [tilespmem:s21+$0x63E0];
	_ =	sdelay $0x4  }
0x1af: {  	v3 =	vadd.f32 v30, v3;
	_ =	sdelay $0x1  }
0x1b0: {  	[tilespmem:s14+$0x3E0] =	vst v3;
	v3 =	vld [tilespmem:s14+$0x3F0]  }
0x1b1: {  	v31 =	vld [tilespmem:s21+$0x63F0];
	_ =	sdelay $0x4  }
0x1b2: {  	v3 =	vadd.f32 v31, v3;
	_ =	sdelay $0x1  }
0x1b3: {  	[tilespmem:s14+$0x3F0] =	vst v3  }
0x1b4: {  	v3 =	vld [tilespmem:s21+$0x8380];
	_ =	sdelay $0x4  }
0x1b5: {  	[tilespmem:s14+$0x7C0] =	vst v3  }
0x1b6: {  	v3 =	vld [tilespmem:s21+$0x8390];
	_ =	sdelay $0x4  }
0x1b7: {  	[tilespmem:s14+$0x7D0] =	vst v3  }
0x1b8: {  	v3 =	vld [tilespmem:s21+$0x83A0];
	_ =	sdelay $0x4  }
0x1b9: {  	[tilespmem:s14+$0x7E0] =	vst v3  }
0x1ba: {  	v3 =	vld [tilespmem:s21+$0x83B0];
	_ =	sdelay $0x4  }
0x1bb: {  	[tilespmem:s14+$0x7F0] =	vst v3  }
0x1bc: {  	v3 =	vld [tilespmem:s21+$0x83C0];
	_ =	sdelay $0x4  }
0x1bd: {  	[tilespmem:s14+$0xB80] =	vst v3  }
0x1be: {  	v3 =	vld [tilespmem:s21+$0x83D0];
	_ =	sdelay $0x4  }
0x1bf: {  	[tilespmem:s14+$0xB90] =	vst v3  }
0x1c0: {  	v3 =	vld [tilespmem:s21+$0x83E0];
	_ =	sdelay $0x4  }
0x1c1: {  	[tilespmem:s14+$0xBA0] =	vst v3  }
0x1c2: {  	v3 =	vld [tilespmem:s21+$0x83F0];
	_ =	sdelay $0x4  }
0x1c3: {  	[tilespmem:s14+$0xBB0] =	vst v3;
	v3 =	vld [tilespmem:s14+$0x400]  }
0x1c4: {  	v32 =	vld [tilespmem:s21+$0x6400];
	_ =	sdelay $0x4  }
0x1c5: {  	v3 =	vadd.f32 v32, v3;
	_ =	sdelay $0x1  }
0x1c6: {  	[tilespmem:s14+$0x400] =	vst v3;
	v3 =	vld [tilespmem:s14+$0x410]  }
0x1c7: {  	v33 =	vld [tilespmem:s21+$0x6410];
	_ =	sdelay $0x4  }
0x1c8: {  	v3 =	vadd.f32 v33, v3;
	_ =	sdelay $0x1  }
0x1c9: {  	[tilespmem:s14+$0x410] =	vst v3;
	v3 =	vld [tilespmem:s14+$0x420]  }
0x1ca: {  	v34 =	vld [tilespmem:s21+$0x6420];
	_ =	sdelay $0x4  }
0x1cb: {  	v3 =	vadd.f32 v34, v3;
	_ =	sdelay $0x1  }
0x1cc: {  	[tilespmem:s14+$0x420] =	vst v3;
	v3 =	vld [tilespmem:s14+$0x430]  }
0x1cd: {  	v35 =	vld [tilespmem:s21+$0x6430];
	_ =	sdelay $0x4  }
0x1ce: {  	v3 =	vadd.f32 v35, v3;
	_ =	sdelay $0x1  }
0x1cf: {  	[tilespmem:s14+$0x430] =	vst v3;
	v3 =	vld [tilespmem:s14+$0x440]  }
0x1d0: {  	v36 =	vld [tilespmem:s21+$0x6440];
	_ =	sdelay $0x4  }
0x1d1: {  	v3 =	vadd.f32 v36, v3;
	_ =	sdelay $0x1  }
0x1d2: {  	[tilespmem:s14+$0x440] =	vst v3;
	v3 =	vld [tilespmem:s14+$0x450]  }
0x1d3: {  	v37 =	vld [tilespmem:s21+$0x6450];
	_ =	sdelay $0x4  }
0x1d4: {  	v3 =	vadd.f32 v37, v3;
	_ =	sdelay $0x1  }
0x1d5: {  	[tilespmem:s14+$0x450] =	vst v3;
	v3 =	vld [tilespmem:s14+$0x460]  }
0x1d6: {  	v38 =	vld [tilespmem:s21+$0x6460];
	_ =	sdelay $0x4  }
0x1d7: {  	v3 =	vadd.f32 v38, v3;
	_ =	sdelay $0x1  }
0x1d8: {  	[tilespmem:s14+$0x460] =	vst v3;
	v3 =	vld [tilespmem:s14+$0x470]  }
0x1d9: {  	v39 =	vld [tilespmem:s21+$0x6470];
	_ =	sdelay $0x4  }
0x1da: {  	v3 =	vadd.f32 v39, v3;
	_ =	sdelay $0x1  }
0x1db: {  	[tilespmem:s14+$0x470] =	vst v3  }
0x1dc: {  	v3 =	vld [tilespmem:s21+$0x8400];
	_ =	sdelay $0x4  }
0x1dd: {  	[tilespmem:s14+$0x840] =	vst v3  }
0x1de: {  	v3 =	vld [tilespmem:s21+$0x8410];
	_ =	sdelay $0x4  }
0x1df: {  	[tilespmem:s14+$0x850] =	vst v3  }
0x1e0: {  	v3 =	vld [tilespmem:s21+$0x8420];
	_ =	sdelay $0x4  }
0x1e1: {  	[tilespmem:s14+$0x860] =	vst v3  }
0x1e2: {  	v3 =	vld [tilespmem:s21+$0x8430];
	_ =	sdelay $0x4  }
0x1e3: {  	[tilespmem:s14+$0x870] =	vst v3  }
0x1e4: {  	v3 =	vld [tilespmem:s21+$0x8440];
	_ =	sdelay $0x4  }
0x1e5: {  	[tilespmem:s14+$0xC00] =	vst v3  }
0x1e6: {  	v3 =	vld [tilespmem:s21+$0x8450];
	_ =	sdelay $0x4  }
0x1e7: {  	[tilespmem:s14+$0xC10] =	vst v3  }
0x1e8: {  	v3 =	vld [tilespmem:s21+$0x8460];
	_ =	sdelay $0x4  }
0x1e9: {  	[tilespmem:s14+$0xC20] =	vst v3  }
0x1ea: {  	v3 =	vld [tilespmem:s21+$0x8470];
	_ =	sdelay $0x4  }
0x1eb: {  	[tilespmem:s14+$0xC30] =	vst v3;
	v3 =	vld [tilespmem:s14+$0x480]  }
0x1ec: {  	v40 =	vld [tilespmem:s21+$0x6480];
	_ =	sdelay $0x4  }
0x1ed: {  	v3 =	vadd.f32 v40, v3;
	_ =	sdelay $0x1  }
0x1ee: {  	[tilespmem:s14+$0x480] =	vst v3;
	v3 =	vld [tilespmem:s14+$0x490]  }
0x1ef: {  	v41 =	vld [tilespmem:s21+$0x6490];
	_ =	sdelay $0x4  }
0x1f0: {  	v3 =	vadd.f32 v41, v3;
	_ =	sdelay $0x1  }
0x1f1: {  	[tilespmem:s14+$0x490] =	vst v3;
	v3 =	vld [tilespmem:s14+$0x4A0]  }
0x1f2: {  	v42 =	vld [tilespmem:s21+$0x64A0];
	_ =	sdelay $0x4  }
0x1f3: {  	v3 =	vadd.f32 v42, v3;
	_ =	sdelay $0x1  }
0x1f4: {  	[tilespmem:s14+$0x4A0] =	vst v3;
	v3 =	vld [tilespmem:s14+$0x4B0]  }
0x1f5: {  	v43 =	vld [tilespmem:s21+$0x64B0];
	_ =	sdelay $0x4  }
0x1f6: {  	v3 =	vadd.f32 v43, v3;
	_ =	sdelay $0x1  }
0x1f7: {  	[tilespmem:s14+$0x4B0] =	vst v3;
	v3 =	vld [tilespmem:s14+$0x4C0]  }
0x1f8: {  	v44 =	vld [tilespmem:s21+$0x64C0];
	_ =	sdelay $0x4  }
0x1f9: {  	v3 =	vadd.f32 v44, v3;
	_ =	sdelay $0x1  }
0x1fa: {  	[tilespmem:s14+$0x4C0] =	vst v3;
	v3 =	vld [tilespmem:s14+$0x4D0]  }
0x1fb: {  	v45 =	vld [tilespmem:s21+$0x64D0];
	_ =	sdelay $0x4  }
0x1fc: {  	v3 =	vadd.f32 v45, v3;
	_ =	sdelay $0x1  }
0x1fd: {  	[tilespmem:s14+$0x4D0] =	vst v3;
	v3 =	vld [tilespmem:s14+$0x4E0]  }
0x1fe: {  	v46 =	vld [tilespmem:s21+$0x64E0];
	_ =	sdelay $0x4  }
0x1ff: {  	v3 =	vadd.f32 v46, v3;
	_ =	sdelay $0x1  }
0x200: {  	[tilespmem:s14+$0x4E0] =	vst v3;
	v3 =	vld [tilespmem:s14+$0x4F0]  }
0x201: {  	v47 =	vld [tilespmem:s21+$0x64F0];
	_ =	sdelay $0x4  }
0x202: {  	v3 =	vadd.f32 v47, v3;
	_ =	sdelay $0x1  }
0x203: {  	[tilespmem:s14+$0x4F0] =	vst v3  }
0x204: {  	v3 =	vld [tilespmem:s21+$0x8480];
	_ =	sdelay $0x4  }
0x205: {  	[tilespmem:s14+$0x8C0] =	vst v3  }
0x206: {  	v3 =	vld [tilespmem:s21+$0x8490];
	_ =	sdelay $0x4  }
0x207: {  	[tilespmem:s14+$0x8D0] =	vst v3  }
0x208: {  	v3 =	vld [tilespmem:s21+$0x84A0];
	_ =	sdelay $0x4  }
0x209: {  	[tilespmem:s14+$0x8E0] =	vst v3  }
0x20a: {  	v3 =	vld [tilespmem:s21+$0x84B0];
	_ =	sdelay $0x4  }
0x20b: {  	[tilespmem:s14+$0x8F0] =	vst v3  }
0x20c: {  	v3 =	vld [tilespmem:s21+$0x84C0];
	_ =	sdelay $0x4  }
0x20d: {  	[tilespmem:s14+$0xC80] =	vst v3  }
0x20e: {  	v3 =	vld [tilespmem:s21+$0x84D0];
	_ =	sdelay $0x4  }
0x20f: {  	[tilespmem:s14+$0xC90] =	vst v3  }
0x210: {  	v3 =	vld [tilespmem:s21+$0x84E0];
	_ =	sdelay $0x4  }
0x211: {  	[tilespmem:s14+$0xCA0] =	vst v3  }
0x212: {  	v3 =	vld [tilespmem:s21+$0x84F0];
	_ =	sdelay $0x4  }
0x213: {  	[tilespmem:s14+$0xCB0] =	vst v3;
	v3 =	vld [tilespmem:s14+$0x500]  }
0x214: {  	v48 =	vld [tilespmem:s21+$0x6500];
	_ =	sdelay $0x4  }
0x215: {  	v3 =	vadd.f32 v48, v3;
	_ =	sdelay $0x1  }
0x216: {  	[tilespmem:s14+$0x500] =	vst v3;
	v3 =	vld [tilespmem:s14+$0x510]  }
0x217: {  	v49 =	vld [tilespmem:s21+$0x6510];
	_ =	sdelay $0x4  }
0x218: {  	v3 =	vadd.f32 v49, v3;
	_ =	sdelay $0x1  }
0x219: {  	[tilespmem:s14+$0x510] =	vst v3;
	v3 =	vld [tilespmem:s14+$0x520]  }
0x21a: {  	v50 =	vld [tilespmem:s21+$0x6520];
	_ =	sdelay $0x4  }
0x21b: {  	v3 =	vadd.f32 v50, v3;
	_ =	sdelay $0x1  }
0x21c: {  	[tilespmem:s14+$0x520] =	vst v3;
	v3 =	vld [tilespmem:s14+$0x530]  }
0x21d: {  	v51 =	vld [tilespmem:s21+$0x6530];
	_ =	sdelay $0x4  }
0x21e: {  	v3 =	vadd.f32 v51, v3;
	_ =	sdelay $0x1  }
0x21f: {  	[tilespmem:s14+$0x530] =	vst v3;
	v3 =	vld [tilespmem:s14+$0x540]  }
0x220: {  	v52 =	vld [tilespmem:s21+$0x6540];
	_ =	sdelay $0x4  }
0x221: {  	v3 =	vadd.f32 v52, v3;
	_ =	sdelay $0x1  }
0x222: {  	[tilespmem:s14+$0x540] =	vst v3;
	v3 =	vld [tilespmem:s14+$0x550]  }
0x223: {  	v53 =	vld [tilespmem:s21+$0x6550];
	_ =	sdelay $0x4  }
0x224: {  	v3 =	vadd.f32 v53, v3;
	_ =	sdelay $0x1  }
0x225: {  	[tilespmem:s14+$0x550] =	vst v3;
	v3 =	vld [tilespmem:s14+$0x560]  }
0x226: {  	v54 =	vld [tilespmem:s21+$0x6560];
	_ =	sdelay $0x4  }
0x227: {  	v3 =	vadd.f32 v54, v3;
	_ =	sdelay $0x1  }
0x228: {  	[tilespmem:s14+$0x560] =	vst v3;
	v3 =	vld [tilespmem:s14+$0x570]  }
0x229: {  	v55 =	vld [tilespmem:s21+$0x6570];
	_ =	sdelay $0x4  }
0x22a: {  	v3 =	vadd.f32 v55, v3;
	_ =	sdelay $0x1  }
0x22b: {  	[tilespmem:s14+$0x570] =	vst v3  }
0x22c: {  	v3 =	vld [tilespmem:s21+$0x8500];
	_ =	sdelay $0x4  }
0x22d: {  	[tilespmem:s14+$0x940] =	vst v3  }
0x22e: {  	v3 =	vld [tilespmem:s21+$0x8510];
	_ =	sdelay $0x4  }
0x22f: {  	[tilespmem:s14+$0x950] =	vst v3  }
0x230: {  	v3 =	vld [tilespmem:s21+$0x8520];
	_ =	sdelay $0x4  }
0x231: {  	[tilespmem:s14+$0x960] =	vst v3  }
0x232: {  	v3 =	vld [tilespmem:s21+$0x8530];
	_ =	sdelay $0x4  }
0x233: {  	[tilespmem:s14+$0x970] =	vst v3  }
0x234: {  	v3 =	vld [tilespmem:s21+$0x8540];
	_ =	sdelay $0x4  }
0x235: {  	[tilespmem:s14+$0xD00] =	vst v3  }
0x236: {  	v3 =	vld [tilespmem:s21+$0x8550];
	_ =	sdelay $0x4  }
0x237: {  	[tilespmem:s14+$0xD10] =	vst v3  }
0x238: {  	v3 =	vld [tilespmem:s21+$0x8560];
	_ =	sdelay $0x4  }
0x239: {  	[tilespmem:s14+$0xD20] =	vst v3  }
0x23a: {  	v3 =	vld [tilespmem:s21+$0x8570];
	_ =	sdelay $0x4  }
0x23b: {  	[tilespmem:s14+$0xD30] =	vst v3;
	v3 =	vld [tilespmem:s14+$0x580]  }
0x23c: {  	v56 =	vld [tilespmem:s21+$0x6580];
	_ =	sdelay $0x4  }
0x23d: {  	v3 =	vadd.f32 v56, v3;
	_ =	sdelay $0x1  }
0x23e: {  	[tilespmem:s14+$0x580] =	vst v3;
	v3 =	vld [tilespmem:s14+$0x590]  }
0x23f: {  	v57 =	vld [tilespmem:s21+$0x6590];
	_ =	sdelay $0x4  }
0x240: {  	v3 =	vadd.f32 v57, v3;
	_ =	sdelay $0x1  }
0x241: {  	[tilespmem:s14+$0x590] =	vst v3;
	v3 =	vld [tilespmem:s14+$0x5A0]  }
0x242: {  	v58 =	vld [tilespmem:s21+$0x65A0];
	_ =	sdelay $0x4  }
0x243: {  	v3 =	vadd.f32 v58, v3;
	_ =	sdelay $0x1  }
0x244: {  	[tilespmem:s14+$0x5A0] =	vst v3;
	v3 =	vld [tilespmem:s14+$0x5B0]  }
0x245: {  	v59 =	vld [tilespmem:s21+$0x65B0];
	_ =	sdelay $0x4  }
0x246: {  	v3 =	vadd.f32 v59, v3;
	_ =	sdelay $0x1  }
0x247: {  	[tilespmem:s14+$0x5B0] =	vst v3;
	v3 =	vld [tilespmem:s14+$0x5C0]  }
0x248: {  	v60 =	vld [tilespmem:s21+$0x65C0];
	_ =	sdelay $0x4  }
0x249: {  	v3 =	vadd.f32 v60, v3;
	_ =	sdelay $0x1  }
0x24a: {  	[tilespmem:s14+$0x5C0] =	vst v3;
	v3 =	vld [tilespmem:s14+$0x5D0]  }
0x24b: {  	v61 =	vld [tilespmem:s21+$0x65D0];
	_ =	sdelay $0x4  }
0x24c: {  	v3 =	vadd.f32 v61, v3;
	_ =	sdelay $0x1  }
0x24d: {  	[tilespmem:s14+$0x5D0] =	vst v3;
	v3 =	vld [tilespmem:s14+$0x5E0]  }
0x24e: {  	v62 =	vld [tilespmem:s21+$0x65E0];
	_ =	sdelay $0x4  }
0x24f: {  	v3 =	vadd.f32 v62, v3;
	_ =	sdelay $0x1  }
0x250: {  	[tilespmem:s14+$0x5E0] =	vst v3;
	v3 =	vld [tilespmem:s14+$0x5F0]  }
0x251: {  	v63 =	vld [tilespmem:s21+$0x65F0];
	_ =	sdelay $0x4  }
0x252: {  	v3 =	vadd.f32 v63, v3;
	_ =	sdelay $0x1  }
0x253: {  	[tilespmem:s14+$0x5F0] =	vst v3  }
0x254: {  	v3 =	vld [tilespmem:s21+$0x8580];
	_ =	sdelay $0x4  }
0x255: {  	[tilespmem:s14+$0x9C0] =	vst v3  }
0x256: {  	v3 =	vld [tilespmem:s21+$0x8590];
	_ =	sdelay $0x4  }
0x257: {  	[tilespmem:s14+$0x9D0] =	vst v3  }
0x258: {  	v3 =	vld [tilespmem:s21+$0x85A0];
	_ =	sdelay $0x4  }
0x259: {  	[tilespmem:s14+$0x9E0] =	vst v3  }
0x25a: {  	v3 =	vld [tilespmem:s21+$0x85B0];
	_ =	sdelay $0x4  }
0x25b: {  	[tilespmem:s14+$0x9F0] =	vst v3  }
0x25c: {  	v3 =	vld [tilespmem:s21+$0x85C0];
	_ =	sdelay $0x4  }
0x25d: {  	[tilespmem:s14+$0xD80] =	vst v3  }
0x25e: {  	v3 =	vld [tilespmem:s21+$0x85D0];
	_ =	sdelay $0x4  }
0x25f: {  	[tilespmem:s14+$0xD90] =	vst v3  }
0x260: {  	v3 =	vld [tilespmem:s21+$0x85E0];
	_ =	sdelay $0x4  }
0x261: {  	[tilespmem:s14+$0xDA0] =	vst v3  }
0x262: {  	p1 =	sne.s32 s12, $0x7;
	v3 =	vld [tilespmem:s21+$0x85F0]  }
.Ltmp2:
0x263: {  	_ = 	snop;
	(pc) =	sbr.rel @p1 .LBB2_7-.Ltmp2, $2  }
0x264: {  	_ =	sdelay $0x2  }
0x265: {  	s12 =	sadd.s32 $0x1, s12;
	[tilespmem:s14+$0xDB0] =	vst v3  }
0x266: {  	s12 =	sadd.s32 s9, s8  }
0x267: {  	s12 =	smul.u32 $0xC00, s12;
	_ =	sdelay $0x1  }
.Ltmp3:
0x268: {  	s12 =	sadd.s32 s7, s12;
	(pc) =	sbr.rel @p0 .LBB2_10-.Ltmp3, $4  }
0x269: {  	[hbm4b:s12+s6] =	stream.linear.scatter [tilespmem:s22], [sflag:$0x3], $0x6000, $0x38;
	[tilespmem:$0x15400] =	vst v63  }
0x26a: {  	_ =	swait.ge [sflag:s10], $0x6000  }
0x26b: {  	[sflag:s10] =	ssyncset.done $0x0  }
0x26c: {  	[sflag:s10] =	ssyncadd.s32 $0xFFFFA000  }
0x26d: {  	_ =	swait.ge [sflag:s26], $0x200  }
0x26e: {  	[sflag:s26] =	ssyncset.done $0x0  }
0x26f: {  	[sflag:s26] =	ssyncadd.s32 $0xFFFFFE00  }
0x270: {  	v3 =	vld [tilespmem:$0x0];
	_ =	sdelay $0x4  }
0x271: {  	v4 =	vperm.xlane v3, v0;
	_ =	sdelay $0x1  }
0x272: {  	v3 =	vperm.xlane v3, v2;
	v4 =	vadd.s32 v1, v4;
	_ =	sdelay $0x1  }
0x273: {  	v3 =	vadd.s32 v1, v3;
	_ =	sdelay $0x2  }
0x274: {  	[tilespmem:s22], [sflag:$0x2] =	stream.indirect_vreg.gather [hbm4b:s2+s6], $0x80, v4, vm0, $0xb8;
	[tilespmem:$0x15400] =	vst v63  }
0x275: {  	_ = 	snop  }
0x276: {  	[tilespmem:s28], [sflag:$0x2] =	stream.indirect_vreg.gather [hbm4b:s2+s6], $0x80, v3, vm0, $0xb8;
	[tilespmem:$0x15400] =	vst v63  }
0x277: {  	v3 =	vld [tilespmem:$0x10];
	_ =	sdelay $0x4  }
0x278: {  	v57 =	vperm.xlane v3, v0;
	_ =	sdelay $0x1  }
0x279: {  	v3 =	vperm.xlane v3, v2;
	v4 =	vadd.s32 v1, v57;
	_ =	sdelay $0x1  }
0x27a: {  	v3 =	vadd.s32 v1, v3;
	_ =	sdelay $0x2  }
0x27b: {  	[tilespmem:s23], [sflag:$0x2] =	stream.indirect_vreg.gather [hbm4b:s2+s6], $0x80, v4, vm0, $0xb8;
	[tilespmem:$0x15400] =	vst v63  }
0x27c: {  	_ = 	snop  }
0x27d: {  	[tilespmem:s24], [sflag:$0x2] =	stream.indirect_vreg.gather [hbm4b:s2+s6], $0x80, v3, vm0, $0xb8;
	[tilespmem:$0x15400] =	vst v63  }
0x27e: {  	v3 =	vld [tilespmem:$0x20];
	_ =	sdelay $0x4  }
0x27f: {  	v58 =	vperm.xlane v3, v0;
	_ =	sdelay $0x1  }
0x280: {  	v3 =	vperm.xlane v3, v2;
	v4 =	vadd.s32 v1, v58;
	_ =	sdelay $0x1  }
0x281: {  	v3 =	vadd.s32 v1, v3;
	_ =	sdelay $0x1  }
0x282: {  	s12 =	simm.s32 $0x3200  }
0x283: {  	[tilespmem:s12], [sflag:$0x2] =	stream.indirect_vreg.gather [hbm4b:s2+s6], $0x80, v4, vm0, $0xb8;
	[tilespmem:$0x15400] =	vst v63  }
0x284: {  	s14 =	simm.s32 $0x3E00  }
0x285: {  	[tilespmem:s14], [sflag:$0x2] =	stream.indirect_vreg.gather [hbm4b:s2+s6], $0x80, v3, vm0, $0xb8;
	[tilespmem:$0x15400] =	vst v63  }
0x286: {  	v3 =	vld [tilespmem:$0x30];
	_ =	sdelay $0x4  }
0x287: {  	v59 =	vperm.xlane v3, v0;
	_ =	sdelay $0x1  }
0x288: {  	v3 =	vperm.xlane v3, v2;
	v4 =	vadd.s32 v1, v59;
	_ =	sdelay $0x1  }
0x289: {  	v3 =	vadd.s32 v1, v3;
	_ =	sdelay $0x1  }
0x28a: {  	s21 =	simm.s32 $0x4A00  }
0x28b: {  	[tilespmem:s21], [sflag:$0x2] =	stream.indirect_vreg.gather [hbm4b:s2+s6], $0x80, v4, vm0, $0xb8;
	[tilespmem:$0x15400] =	vst v63  }
0x28c: {  	s14 =	simm.s32 $0x5600  }
0x28d: {  	[tilespmem:s14], [sflag:$0x2] =	stream.indirect_vreg.gather [hbm4b:s2+s6], $0x80, v3, vm0, $0xb8;
	[tilespmem:$0x15400] =	vst v63  }
0x28e: {  	s21 =	simm.s32 $0x80;
	s14 =	simm.s32 $0x6200  }
0x28f: {  	[tilespmem:s14], [sflag:$0x2] =	stream.indirect.gather [hbm4b:s3+s0], $0x80, s21, s0, $0xb8;
	[tilespmem:$0x15400] =	vst v63  }
0x290: {  	v3 =	vld [tilespmem:$0x100];
	_ =	sdelay $0x4  }
0x291: {  	v60 =	vperm.xlane v3, v0;
	_ =	sdelay $0x1  }
0x292: {  	v3 =	vperm.xlane v3, v2;
	v4 =	vadd.s32 v1, v60;
	_ =	sdelay $0x1  }
0x293: {  	v3 =	vadd.s32 v1, v3;
	_ =	sdelay $0x1  }
0x294: {  	s14 =	simm.s32 $0x600  }
0x295: {  	[tilespmem:s14], [sflag:$0x2] =	stream.indirect_vreg.gather [hbm4b:s5+s6], $0x80, v4, vm0, $0xb8;
	[tilespmem:$0x15400] =	vst v63  }
0x296: {  	s21 =	simm.s32 $0x1200  }
0x297: {  	[tilespmem:s21], [sflag:$0x2] =	stream.indirect_vreg.gather [hbm4b:s5+s6], $0x80, v3, vm0, $0xb8;
	[tilespmem:$0x15400] =	vst v63  }
0x298: {  	v3 =	vld [tilespmem:$0x110];
	_ =	sdelay $0x4  }
0x299: {  	v61 =	vperm.xlane v3, v0;
	_ =	sdelay $0x1  }
0x29a: {  	v3 =	vperm.xlane v3, v2;
	v4 =	vadd.s32 v1, v61;
	_ =	sdelay $0x1  }
0x29b: {  	v3 =	vadd.s32 v1, v3;
	_ =	sdelay $0x1  }
0x29c: {  	s14 =	simm.s32 $0x1E00  }
0x29d: {  	[tilespmem:s14], [sflag:$0x2] =	stream.indirect_vreg.gather [hbm4b:s5+s6], $0x80, v4, vm0, $0xb8;
	[tilespmem:$0x15400] =	vst v63  }
0x29e: {  	s21 =	simm.s32 $0x2A00  }
0x29f: {  	[tilespmem:s21], [sflag:$0x2] =	stream.indirect_vreg.gather [hbm4b:s5+s6], $0x80, v3, vm0, $0xb8;
	[tilespmem:$0x15400] =	vst v63  }
0x2a0: {  	v3 =	vld [tilespmem:$0x120];
	_ =	sdelay $0x4  }
0x2a1: {  	v62 =	vperm.xlane v3, v0;
	_ =	sdelay $0x1  }
0x2a2: {  	v3 =	vperm.xlane v3, v2;
	v4 =	vadd.s32 v1, v62;
	_ =	sdelay $0x1  }
0x2a3: {  	v3 =	vadd.s32 v1, v3;
	_ =	sdelay $0x1  }
0x2a4: {  	s14 =	simm.s32 $0x3600  }
0x2a5: {  	[tilespmem:s14], [sflag:$0x2] =	stream.indirect_vreg.gather [hbm4b:s5+s6], $0x80, v4, vm0, $0xb8;
	[tilespmem:$0x15400] =	vst v63  }
0x2a6: {  	s21 =	simm.s32 $0x4200  }
0x2a7: {  	[tilespmem:s21], [sflag:$0x2] =	stream.indirect_vreg.gather [hbm4b:s5+s6], $0x80, v3, vm0, $0xb8;
	[tilespmem:$0x15400] =	vst v63  }
0x2a8: {  	v3 =	vld [tilespmem:$0x130];
	_ =	sdelay $0x4  }
0x2a9: {  	v63 =	vperm.xlane v3, v0;
	_ =	sdelay $0x1  }
0x2aa: {  	v3 =	vperm.xlane v3, v2;
	v4 =	vadd.s32 v1, v63;
	_ =	sdelay $0x1  }
0x2ab: {  	v3 =	vadd.s32 v1, v3;
	_ =	sdelay $0x1  }
0x2ac: {  	s14 =	simm.s32 $0x4E00  }
0x2ad: {  	[tilespmem:s14], [sflag:$0x2] =	stream.indirect_vreg.gather [hbm4b:s5+s6], $0x80, v4, vm0, $0xb8;
	[tilespmem:$0x15400] =	vst v63  }
0x2ae: {  	s21 =	simm.s32 $0x5A00  }
0x2af: {  	[tilespmem:s21], [sflag:$0x2] =	stream.indirect_vreg.gather [hbm4b:s5+s6], $0x80, v3, vm0, $0xb8;
	[tilespmem:$0x15400] =	vst v63  }
0x2b0: {  	s14 =	simm.s32 $0x180;
	s21 =	simm.s32 $0x8200  }
0x2b1: {  	[tilespmem:s21], [sflag:$0x2] =	stream.indirect.gather [hbm4b:s2+s0], $0x80, s14, s0, $0xb8;
	[tilespmem:$0x15400] =	vst v63  }
.LBB2_10:
0x2b2: {  	_ =	swait.ge [sflag:s11], $0x2000  }
0x2b3: {  	[sflag:s11] =	ssyncset.done $0x0  }
0x2b4: {  	[sflag:s11] =	ssyncadd.s32 $0xFFFFE000  }
0x2b5: {  	_ =	swait.ge [sflag:s11], $0x2000  }
0x2b6: {  	[sflag:s11] =	ssyncset.done $0x0  }
0x2b7: {  	[sflag:s11] =	ssyncadd.s32 $0xFFFFE000  }
0x2b8: {  	_ =	swait.ge [sflag:s11], $0x2000  }
0x2b9: {  	[sflag:s11] =	ssyncset.done $0x0  }
0x2ba: {  	s8 =	sadd.s32 @!p0 s8, s17;
	[sflag:s11] =	ssyncadd.s32 $0xFFFFE000  }
0x2bb: {  	s8 =	sshll.u32 @!p0 s8, $0x6;
	_ =	swait.ge [sflag:s11], $0x2000  }
0x2bc: {  	s12 =	simm.s32 @!p0 $0x0;
	s8 =	sand.u32 @!p0 $0x1FFFFFC0, s8;
	[sflag:s11] =	ssyncset.done $0x0  }
0x2bd: {  	s14 =	simm.s32 @!p0 $0xA200;
	s8 =	sadd.s32 @!p0 s1, s8;
	[sflag:s11] =	ssyncadd.s32 $0xFFFFE000  }
0x2be: {  	[tilespmem:s14], [sflag:$0x4] =	stream.linear.gather @!p0 [hbm4b:s8+s12], $0x200, $0x38;
	[tilespmem:$0x15400] =	vst v63  }
0x2bf: {  	s8 =	simm.s32 $0x0  }
.LBB2_11:
0x2c0: {  	s12 =	smul.u32 $0x3000, s8  }
0x2c1: {  	s14 =	sshll.u32 s8, $0xA  }
0x2c2: {  	v4 =	vld [tilespmem:s14+$0x10400];
	s12 =	sshra.s32 s12, $0x2  }
0x2c3: {  	v3 =	vld [tilespmem:s12+$0xA400];
	_ =	sdelay $0x4  }
0x2c4: {  	v3 =	vadd.f32 v4, v3;
	_ =	sdelay $0x1  }
0x2c5: {  	[tilespmem:s12+$0xA400] =	vst v3;
	v3 =	vld [tilespmem:s12+$0xA410]  }
0x2c6: {  	v57 =	vld [tilespmem:s14+$0x10410];
	_ =	sdelay $0x4  }
0x2c7: {  	v3 =	vadd.f32 v57, v3;
	_ =	sdelay $0x1  }
0x2c8: {  	[tilespmem:s12+$0xA410] =	vst v3;
	v3 =	vld [tilespmem:s12+$0xA420]  }
0x2c9: {  	v58 =	vld [tilespmem:s14+$0x10420];
	_ =	sdelay $0x4  }
0x2ca: {  	v3 =	vadd.f32 v58, v3;
	_ =	sdelay $0x1  }
0x2cb: {  	[tilespmem:s12+$0xA420] =	vst v3;
	v3 =	vld [tilespmem:s12+$0xA430]  }
0x2cc: {  	v59 =	vld [tilespmem:s14+$0x10430];
	_ =	sdelay $0x4  }
0x2cd: {  	v3 =	vadd.f32 v59, v3;
	_ =	sdelay $0x1  }
0x2ce: {  	[tilespmem:s12+$0xA430] =	vst v3;
	v3 =	vld [tilespmem:s12+$0xA440]  }
0x2cf: {  	v60 =	vld [tilespmem:s14+$0x10440];
	_ =	sdelay $0x4  }
0x2d0: {  	v3 =	vadd.f32 v60, v3;
	_ =	sdelay $0x1  }
0x2d1: {  	[tilespmem:s12+$0xA440] =	vst v3;
	v3 =	vld [tilespmem:s12+$0xA450]  }
0x2d2: {  	v61 =	vld [tilespmem:s14+$0x10450];
	_ =	sdelay $0x4  }
0x2d3: {  	v3 =	vadd.f32 v61, v3;
	_ =	sdelay $0x1  }
0x2d4: {  	[tilespmem:s12+$0xA450] =	vst v3;
	v3 =	vld [tilespmem:s12+$0xA460]  }
0x2d5: {  	v62 =	vld [tilespmem:s14+$0x10460];
	_ =	sdelay $0x4  }
0x2d6: {  	v3 =	vadd.f32 v62, v3;
	_ =	sdelay $0x1  }
0x2d7: {  	[tilespmem:s12+$0xA460] =	vst v3;
	v3 =	vld [tilespmem:s12+$0xA470]  }
0x2d8: {  	v63 =	vld [tilespmem:s14+$0x10470];
	_ =	sdelay $0x4  }
0x2d9: {  	v3 =	vadd.f32 v63, v3;
	_ =	sdelay $0x1  }
0x2da: {  	[tilespmem:s12+$0xA470] =	vst v3  }
0x2db: {  	v3 =	vld [tilespmem:s14+$0x12400];
	_ =	sdelay $0x4  }
0x2dc: {  	[tilespmem:s12+$0xA840] =	vst v3  }
0x2dd: {  	v3 =	vld [tilespmem:s14+$0x12410];
	_ =	sdelay $0x4  }
0x2de: {  	[tilespmem:s12+$0xA850] =	vst v3  }
0x2df: {  	v3 =	vld [tilespmem:s14+$0x12420];
	_ =	sdelay $0x4  }
0x2e0: {  	[tilespmem:s12+$0xA860] =	vst v3  }
0x2e1: {  	v3 =	vld [tilespmem:s14+$0x12430];
	_ =	sdelay $0x4  }
0x2e2: {  	[tilespmem:s12+$0xA870] =	vst v3  }
0x2e3: {  	v3 =	vld [tilespmem:s14+$0x12440];
	_ =	sdelay $0x4  }
0x2e4: {  	[tilespmem:s12+$0xAC00] =	vst v3  }
0x2e5: {  	v3 =	vld [tilespmem:s14+$0x12450];
	_ =	sdelay $0x4  }
0x2e6: {  	[tilespmem:s12+$0xAC10] =	vst v3  }
0x2e7: {  	v3 =	vld [tilespmem:s14+$0x12460];
	_ =	sdelay $0x4  }
0x2e8: {  	[tilespmem:s12+$0xAC20] =	vst v3  }
0x2e9: {  	v3 =	vld [tilespmem:s14+$0x12470];
	_ =	sdelay $0x4  }
0x2ea: {  	[tilespmem:s12+$0xAC30] =	vst v3;
	v3 =	vld [tilespmem:s12+$0xA480]  }
0x2eb: {  	v8 =	vld [tilespmem:s14+$0x10480];
	_ =	sdelay $0x4  }
0x2ec: {  	v3 =	vadd.f32 v8, v3;
	_ =	sdelay $0x1  }
0x2ed: {  	[tilespmem:s12+$0xA480] =	vst v3;
	v3 =	vld [tilespmem:s12+$0xA490]  }
0x2ee: {  	v9 =	vld [tilespmem:s14+$0x10490];
	_ =	sdelay $0x4  }
0x2ef: {  	v3 =	vadd.f32 v9, v3;
	_ =	sdelay $0x1  }
0x2f0: {  	[tilespmem:s12+$0xA490] =	vst v3;
	v3 =	vld [tilespmem:s12+$0xA4A0]  }
0x2f1: {  	v10 =	vld [tilespmem:s14+$0x104A0];
	_ =	sdelay $0x4  }
0x2f2: {  	v3 =	vadd.f32 v10, v3;
	_ =	sdelay $0x1  }
0x2f3: {  	[tilespmem:s12+$0xA4A0] =	vst v3;
	v3 =	vld [tilespmem:s12+$0xA4B0]  }
0x2f4: {  	v11 =	vld [tilespmem:s14+$0x104B0];
	_ =	sdelay $0x4  }
0x2f5: {  	v3 =	vadd.f32 v11, v3;
	_ =	sdelay $0x1  }
0x2f6: {  	[tilespmem:s12+$0xA4B0] =	vst v3;
	v3 =	vld [tilespmem:s12+$0xA4C0]  }
0x2f7: {  	v12 =	vld [tilespmem:s14+$0x104C0];
	_ =	sdelay $0x4  }
0x2f8: {  	v3 =	vadd.f32 v12, v3;
	_ =	sdelay $0x1  }
0x2f9: {  	[tilespmem:s12+$0xA4C0] =	vst v3;
	v3 =	vld [tilespmem:s12+$0xA4D0]  }
0x2fa: {  	v13 =	vld [tilespmem:s14+$0x104D0];
	_ =	sdelay $0x4  }
0x2fb: {  	v3 =	vadd.f32 v13, v3;
	_ =	sdelay $0x1  }
0x2fc: {  	[tilespmem:s12+$0xA4D0] =	vst v3;
	v3 =	vld [tilespmem:s12+$0xA4E0]  }
0x2fd: {  	v14 =	vld [tilespmem:s14+$0x104E0];
	_ =	sdelay $0x4  }
0x2fe: {  	v3 =	vadd.f32 v14, v3;
	_ =	sdelay $0x1  }
0x2ff: {  	[tilespmem:s12+$0xA4E0] =	vst v3;
	v3 =	vld [tilespmem:s12+$0xA4F0]  }
0x300: {  	v15 =	vld [tilespmem:s14+$0x104F0];
	_ =	sdelay $0x4  }
0x301: {  	v3 =	vadd.f32 v15, v3;
	_ =	sdelay $0x1  }
0x302: {  	[tilespmem:s12+$0xA4F0] =	vst v3  }
0x303: {  	v3 =	vld [tilespmem:s14+$0x12480];
	_ =	sdelay $0x4  }
0x304: {  	[tilespmem:s12+$0xA8C0] =	vst v3  }
0x305: {  	v3 =	vld [tilespmem:s14+$0x12490];
	_ =	sdelay $0x4  }
0x306: {  	[tilespmem:s12+$0xA8D0] =	vst v3  }
0x307: {  	v3 =	vld [tilespmem:s14+$0x124A0];
	_ =	sdelay $0x4  }
0x308: {  	[tilespmem:s12+$0xA8E0] =	vst v3  }
0x309: {  	v3 =	vld [tilespmem:s14+$0x124B0];
	_ =	sdelay $0x4  }
0x30a: {  	[tilespmem:s12+$0xA8F0] =	vst v3  }
0x30b: {  	v3 =	vld [tilespmem:s14+$0x124C0];
	_ =	sdelay $0x4  }
0x30c: {  	[tilespmem:s12+$0xAC80] =	vst v3  }
0x30d: {  	v3 =	vld [tilespmem:s14+$0x124D0];
	_ =	sdelay $0x4  }
0x30e: {  	[tilespmem:s12+$0xAC90] =	vst v3  }
0x30f: {  	v3 =	vld [tilespmem:s14+$0x124E0];
	_ =	sdelay $0x4  }
0x310: {  	[tilespmem:s12+$0xACA0] =	vst v3  }
0x311: {  	v3 =	vld [tilespmem:s14+$0x124F0];
	_ =	sdelay $0x4  }
0x312: {  	[tilespmem:s12+$0xACB0] =	vst v3;
	v3 =	vld [tilespmem:s12+$0xA500]  }
0x313: {  	v16 =	vld [tilespmem:s14+$0x10500];
	_ =	sdelay $0x4  }
0x314: {  	v3 =	vadd.f32 v16, v3;
	_ =	sdelay $0x1  }
0x315: {  	[tilespmem:s12+$0xA500] =	vst v3;
	v3 =	vld [tilespmem:s12+$0xA510]  }
0x316: {  	v17 =	vld [tilespmem:s14+$0x10510];
	_ =	sdelay $0x4  }
0x317: {  	v3 =	vadd.f32 v17, v3;
	_ =	sdelay $0x1  }
0x318: {  	[tilespmem:s12+$0xA510] =	vst v3;
	v3 =	vld [tilespmem:s12+$0xA520]  }
0x319: {  	v18 =	vld [tilespmem:s14+$0x10520];
	_ =	sdelay $0x4  }
0x31a: {  	v3 =	vadd.f32 v18, v3;
	_ =	sdelay $0x1  }
0x31b: {  	[tilespmem:s12+$0xA520] =	vst v3;
	v3 =	vld [tilespmem:s12+$0xA530]  }
0x31c: {  	v19 =	vld [tilespmem:s14+$0x10530];
	_ =	sdelay $0x4  }
0x31d: {  	v3 =	vadd.f32 v19, v3;
	_ =	sdelay $0x1  }
0x31e: {  	[tilespmem:s12+$0xA530] =	vst v3;
	v3 =	vld [tilespmem:s12+$0xA540]  }
0x31f: {  	v20 =	vld [tilespmem:s14+$0x10540];
	_ =	sdelay $0x4  }
0x320: {  	v3 =	vadd.f32 v20, v3;
	_ =	sdelay $0x1  }
0x321: {  	[tilespmem:s12+$0xA540] =	vst v3;
	v3 =	vld [tilespmem:s12+$0xA550]  }
0x322: {  	v21 =	vld [tilespmem:s14+$0x10550];
	_ =	sdelay $0x4  }
0x323: {  	v3 =	vadd.f32 v21, v3;
	_ =	sdelay $0x1  }
0x324: {  	[tilespmem:s12+$0xA550] =	vst v3;
	v3 =	vld [tilespmem:s12+$0xA560]  }
0x325: {  	v22 =	vld [tilespmem:s14+$0x10560];
	_ =	sdelay $0x4  }
0x326: {  	v3 =	vadd.f32 v22, v3;
	_ =	sdelay $0x1  }
0x327: {  	[tilespmem:s12+$0xA560] =	vst v3;
	v3 =	vld [tilespmem:s12+$0xA570]  }
0x328: {  	v23 =	vld [tilespmem:s14+$0x10570];
	_ =	sdelay $0x4  }
0x329: {  	v3 =	vadd.f32 v23, v3;
	_ =	sdelay $0x1  }
0x32a: {  	[tilespmem:s12+$0xA570] =	vst v3  }
0x32b: {  	v3 =	vld [tilespmem:s14+$0x12500];
	_ =	sdelay $0x4  }
0x32c: {  	[tilespmem:s12+$0xA940] =	vst v3  }
0x32d: {  	v3 =	vld [tilespmem:s14+$0x12510];
	_ =	sdelay $0x4  }
0x32e: {  	[tilespmem:s12+$0xA950] =	vst v3  }
0x32f: {  	v3 =	vld [tilespmem:s14+$0x12520];
	_ =	sdelay $0x4  }
0x330: {  	[tilespmem:s12+$0xA960] =	vst v3  }
0x331: {  	v3 =	vld [tilespmem:s14+$0x12530];
	_ =	sdelay $0x4  }
0x332: {  	[tilespmem:s12+$0xA970] =	vst v3  }
0x333: {  	v3 =	vld [tilespmem:s14+$0x12540];
	_ =	sdelay $0x4  }
0x334: {  	[tilespmem:s12+$0xAD00] =	vst v3  }
0x335: {  	v3 =	vld [tilespmem:s14+$0x12550];
	_ =	sdelay $0x4  }
0x336: {  	[tilespmem:s12+$0xAD10] =	vst v3  }
0x337: {  	v3 =	vld [tilespmem:s14+$0x12560];
	_ =	sdelay $0x4  }
0x338: {  	[tilespmem:s12+$0xAD20] =	vst v3  }
0x339: {  	v3 =	vld [tilespmem:s14+$0x12570];
	_ =	sdelay $0x4  }
0x33a: {  	[tilespmem:s12+$0xAD30] =	vst v3;
	v3 =	vld [tilespmem:s12+$0xA580]  }
0x33b: {  	v24 =	vld [tilespmem:s14+$0x10580];
	_ =	sdelay $0x4  }
0x33c: {  	v3 =	vadd.f32 v24, v3;
	_ =	sdelay $0x1  }
0x33d: {  	[tilespmem:s12+$0xA580] =	vst v3;
	v3 =	vld [tilespmem:s12+$0xA590]  }
0x33e: {  	v25 =	vld [tilespmem:s14+$0x10590];
	_ =	sdelay $0x4  }
0x33f: {  	v3 =	vadd.f32 v25, v3;
	_ =	sdelay $0x1  }
0x340: {  	[tilespmem:s12+$0xA590] =	vst v3;
	v3 =	vld [tilespmem:s12+$0xA5A0]  }
0x341: {  	v26 =	vld [tilespmem:s14+$0x105A0];
	_ =	sdelay $0x4  }
0x342: {  	v3 =	vadd.f32 v26, v3;
	_ =	sdelay $0x1  }
0x343: {  	[tilespmem:s12+$0xA5A0] =	vst v3;
	v3 =	vld [tilespmem:s12+$0xA5B0]  }
0x344: {  	v27 =	vld [tilespmem:s14+$0x105B0];
	_ =	sdelay $0x4  }
0x345: {  	v3 =	vadd.f32 v27, v3;
	_ =	sdelay $0x1  }
0x346: {  	[tilespmem:s12+$0xA5B0] =	vst v3;
	v3 =	vld [tilespmem:s12+$0xA5C0]  }
0x347: {  	v28 =	vld [tilespmem:s14+$0x105C0];
	_ =	sdelay $0x4  }
0x348: {  	v3 =	vadd.f32 v28, v3;
	_ =	sdelay $0x1  }
0x349: {  	[tilespmem:s12+$0xA5C0] =	vst v3;
	v3 =	vld [tilespmem:s12+$0xA5D0]  }
0x34a: {  	v29 =	vld [tilespmem:s14+$0x105D0];
	_ =	sdelay $0x4  }
0x34b: {  	v3 =	vadd.f32 v29, v3;
	_ =	sdelay $0x1  }
0x34c: {  	[tilespmem:s12+$0xA5D0] =	vst v3;
	v3 =	vld [tilespmem:s12+$0xA5E0]  }
0x34d: {  	v30 =	vld [tilespmem:s14+$0x105E0];
	_ =	sdelay $0x4  }
0x34e: {  	v3 =	vadd.f32 v30, v3;
	_ =	sdelay $0x1  }
0x34f: {  	[tilespmem:s12+$0xA5E0] =	vst v3;
	v3 =	vld [tilespmem:s12+$0xA5F0]  }
0x350: {  	v31 =	vld [tilespmem:s14+$0x105F0];
	_ =	sdelay $0x4  }
0x351: {  	v3 =	vadd.f32 v31, v3;
	_ =	sdelay $0x1  }
0x352: {  	[tilespmem:s12+$0xA5F0] =	vst v3  }
0x353: {  	v3 =	vld [tilespmem:s14+$0x12580];
	_ =	sdelay $0x4  }
0x354: {  	[tilespmem:s12+$0xA9C0] =	vst v3  }
0x355: {  	v3 =	vld [tilespmem:s14+$0x12590];
	_ =	sdelay $0x4  }
0x356: {  	[tilespmem:s12+$0xA9D0] =	vst v3  }
0x357: {  	v3 =	vld [tilespmem:s14+$0x125A0];
	_ =	sdelay $0x4  }
0x358: {  	[tilespmem:s12+$0xA9E0] =	vst v3  }
0x359: {  	v3 =	vld [tilespmem:s14+$0x125B0];
	_ =	sdelay $0x4  }
0x35a: {  	[tilespmem:s12+$0xA9F0] =	vst v3  }
0x35b: {  	v3 =	vld [tilespmem:s14+$0x125C0];
	_ =	sdelay $0x4  }
0x35c: {  	[tilespmem:s12+$0xAD80] =	vst v3  }
0x35d: {  	v3 =	vld [tilespmem:s14+$0x125D0];
	_ =	sdelay $0x4  }
0x35e: {  	[tilespmem:s12+$0xAD90] =	vst v3  }
0x35f: {  	v3 =	vld [tilespmem:s14+$0x125E0];
	_ =	sdelay $0x4  }
0x360: {  	[tilespmem:s12+$0xADA0] =	vst v3  }
0x361: {  	v3 =	vld [tilespmem:s14+$0x125F0];
	_ =	sdelay $0x4  }
0x362: {  	[tilespmem:s12+$0xADB0] =	vst v3;
	v3 =	vld [tilespmem:s12+$0xA600]  }
0x363: {  	v32 =	vld [tilespmem:s14+$0x10600];
	_ =	sdelay $0x4  }
0x364: {  	v3 =	vadd.f32 v32, v3;
	_ =	sdelay $0x1  }
0x365: {  	[tilespmem:s12+$0xA600] =	vst v3;
	v3 =	vld [tilespmem:s12+$0xA610]  }
0x366: {  	v33 =	vld [tilespmem:s14+$0x10610];
	_ =	sdelay $0x4  }
0x367: {  	v3 =	vadd.f32 v33, v3;
	_ =	sdelay $0x1  }
0x368: {  	[tilespmem:s12+$0xA610] =	vst v3;
	v3 =	vld [tilespmem:s12+$0xA620]  }
0x369: {  	v34 =	vld [tilespmem:s14+$0x10620];
	_ =	sdelay $0x4  }
0x36a: {  	v3 =	vadd.f32 v34, v3;
	_ =	sdelay $0x1  }
0x36b: {  	[tilespmem:s12+$0xA620] =	vst v3;
	v3 =	vld [tilespmem:s12+$0xA630]  }
0x36c: {  	v35 =	vld [tilespmem:s14+$0x10630];
	_ =	sdelay $0x4  }
0x36d: {  	v3 =	vadd.f32 v35, v3;
	_ =	sdelay $0x1  }
0x36e: {  	[tilespmem:s12+$0xA630] =	vst v3;
	v3 =	vld [tilespmem:s12+$0xA640]  }
0x36f: {  	v36 =	vld [tilespmem:s14+$0x10640];
	_ =	sdelay $0x4  }
0x370: {  	v3 =	vadd.f32 v36, v3;
	_ =	sdelay $0x1  }
0x371: {  	[tilespmem:s12+$0xA640] =	vst v3;
	v3 =	vld [tilespmem:s12+$0xA650]  }
0x372: {  	v37 =	vld [tilespmem:s14+$0x10650];
	_ =	sdelay $0x4  }
0x373: {  	v3 =	vadd.f32 v37, v3;
	_ =	sdelay $0x1  }
0x374: {  	[tilespmem:s12+$0xA650] =	vst v3;
	v3 =	vld [tilespmem:s12+$0xA660]  }
0x375: {  	v38 =	vld [tilespmem:s14+$0x10660];
	_ =	sdelay $0x4  }
0x376: {  	v3 =	vadd.f32 v38, v3;
	_ =	sdelay $0x1  }
0x377: {  	[tilespmem:s12+$0xA660] =	vst v3;
	v3 =	vld [tilespmem:s12+$0xA670]  }
0x378: {  	v39 =	vld [tilespmem:s14+$0x10670];
	_ =	sdelay $0x4  }
0x379: {  	v3 =	vadd.f32 v39, v3;
	_ =	sdelay $0x1  }
0x37a: {  	[tilespmem:s12+$0xA670] =	vst v3  }
0x37b: {  	v3 =	vld [tilespmem:s14+$0x12600];
	_ =	sdelay $0x4  }
0x37c: {  	[tilespmem:s12+$0xAA40] =	vst v3  }
0x37d: {  	v3 =	vld [tilespmem:s14+$0x12610];
	_ =	sdelay $0x4  }
0x37e: {  	[tilespmem:s12+$0xAA50] =	vst v3  }
0x37f: {  	v3 =	vld [tilespmem:s14+$0x12620];
	_ =	sdelay $0x4  }
0x380: {  	[tilespmem:s12+$0xAA60] =	vst v3  }
0x381: {  	v3 =	vld [tilespmem:s14+$0x12630];
	_ =	sdelay $0x4  }
0x382: {  	[tilespmem:s12+$0xAA70] =	vst v3  }
0x383: {  	v3 =	vld [tilespmem:s14+$0x12640];
	_ =	sdelay $0x4  }
0x384: {  	[tilespmem:s12+$0xAE00] =	vst v3  }
0x385: {  	v3 =	vld [tilespmem:s14+$0x12650];
	_ =	sdelay $0x4  }
0x386: {  	[tilespmem:s12+$0xAE10] =	vst v3  }
0x387: {  	v3 =	vld [tilespmem:s14+$0x12660];
	_ =	sdelay $0x4  }
0x388: {  	[tilespmem:s12+$0xAE20] =	vst v3  }
0x389: {  	v3 =	vld [tilespmem:s14+$0x12670];
	_ =	sdelay $0x4  }
0x38a: {  	[tilespmem:s12+$0xAE30] =	vst v3;
	v3 =	vld [tilespmem:s12+$0xA680]  }
0x38b: {  	v40 =	vld [tilespmem:s14+$0x10680];
	_ =	sdelay $0x4  }
0x38c: {  	v3 =	vadd.f32 v40, v3;
	_ =	sdelay $0x1  }
0x38d: {  	[tilespmem:s12+$0xA680] =	vst v3;
	v3 =	vld [tilespmem:s12+$0xA690]  }
0x38e: {  	v41 =	vld [tilespmem:s14+$0x10690];
	_ =	sdelay $0x4  }
0x38f: {  	v3 =	vadd.f32 v41, v3;
	_ =	sdelay $0x1  }
0x390: {  	[tilespmem:s12+$0xA690] =	vst v3;
	v3 =	vld [tilespmem:s12+$0xA6A0]  }
0x391: {  	v42 =	vld [tilespmem:s14+$0x106A0];
	_ =	sdelay $0x4  }
0x392: {  	v3 =	vadd.f32 v42, v3;
	_ =	sdelay $0x1  }
0x393: {  	[tilespmem:s12+$0xA6A0] =	vst v3;
	v3 =	vld [tilespmem:s12+$0xA6B0]  }
0x394: {  	v43 =	vld [tilespmem:s14+$0x106B0];
	_ =	sdelay $0x4  }
0x395: {  	v3 =	vadd.f32 v43, v3;
	_ =	sdelay $0x1  }
0x396: {  	[tilespmem:s12+$0xA6B0] =	vst v3;
	v3 =	vld [tilespmem:s12+$0xA6C0]  }
0x397: {  	v44 =	vld [tilespmem:s14+$0x106C0];
	_ =	sdelay $0x4  }
0x398: {  	v3 =	vadd.f32 v44, v3;
	_ =	sdelay $0x1  }
0x399: {  	[tilespmem:s12+$0xA6C0] =	vst v3;
	v3 =	vld [tilespmem:s12+$0xA6D0]  }
0x39a: {  	v45 =	vld [tilespmem:s14+$0x106D0];
	_ =	sdelay $0x4  }
0x39b: {  	v3 =	vadd.f32 v45, v3;
	_ =	sdelay $0x1  }
0x39c: {  	[tilespmem:s12+$0xA6D0] =	vst v3;
	v3 =	vld [tilespmem:s12+$0xA6E0]  }
0x39d: {  	v46 =	vld [tilespmem:s14+$0x106E0];
	_ =	sdelay $0x4  }
0x39e: {  	v3 =	vadd.f32 v46, v3;
	_ =	sdelay $0x1  }
0x39f: {  	[tilespmem:s12+$0xA6E0] =	vst v3;
	v3 =	vld [tilespmem:s12+$0xA6F0]  }
0x3a0: {  	v47 =	vld [tilespmem:s14+$0x106F0];
	_ =	sdelay $0x4  }
0x3a1: {  	v3 =	vadd.f32 v47, v3;
	_ =	sdelay $0x1  }
0x3a2: {  	[tilespmem:s12+$0xA6F0] =	vst v3  }
0x3a3: {  	v3 =	vld [tilespmem:s14+$0x12680];
	_ =	sdelay $0x4  }
0x3a4: {  	[tilespmem:s12+$0xAAC0] =	vst v3  }
0x3a5: {  	v3 =	vld [tilespmem:s14+$0x12690];
	_ =	sdelay $0x4  }
0x3a6: {  	[tilespmem:s12+$0xAAD0] =	vst v3  }
0x3a7: {  	v3 =	vld [tilespmem:s14+$0x126A0];
	_ =	sdelay $0x4  }
0x3a8: {  	[tilespmem:s12+$0xAAE0] =	vst v3  }
0x3a9: {  	v3 =	vld [tilespmem:s14+$0x126B0];
	_ =	sdelay $0x4  }
0x3aa: {  	[tilespmem:s12+$0xAAF0] =	vst v3  }
0x3ab: {  	v3 =	vld [tilespmem:s14+$0x126C0];
	_ =	sdelay $0x4  }
0x3ac: {  	[tilespmem:s12+$0xAE80] =	vst v3  }
0x3ad: {  	v3 =	vld [tilespmem:s14+$0x126D0];
	_ =	sdelay $0x4  }
0x3ae: {  	[tilespmem:s12+$0xAE90] =	vst v3  }
0x3af: {  	v3 =	vld [tilespmem:s14+$0x126E0];
	_ =	sdelay $0x4  }
0x3b0: {  	[tilespmem:s12+$0xAEA0] =	vst v3  }
0x3b1: {  	v3 =	vld [tilespmem:s14+$0x126F0];
	_ =	sdelay $0x4  }
0x3b2: {  	[tilespmem:s12+$0xAEB0] =	vst v3;
	v3 =	vld [tilespmem:s12+$0xA700]  }
0x3b3: {  	v48 =	vld [tilespmem:s14+$0x10700];
	_ =	sdelay $0x4  }
0x3b4: {  	v3 =	vadd.f32 v48, v3;
	_ =	sdelay $0x1  }
0x3b5: {  	[tilespmem:s12+$0xA700] =	vst v3;
	v3 =	vld [tilespmem:s12+$0xA710]  }
0x3b6: {  	v49 =	vld [tilespmem:s14+$0x10710];
	_ =	sdelay $0x4  }
0x3b7: {  	v3 =	vadd.f32 v49, v3;
	_ =	sdelay $0x1  }
0x3b8: {  	[tilespmem:s12+$0xA710] =	vst v3;
	v3 =	vld [tilespmem:s12+$0xA720]  }
0x3b9: {  	v50 =	vld [tilespmem:s14+$0x10720];
	_ =	sdelay $0x4  }
0x3ba: {  	v3 =	vadd.f32 v50, v3;
	_ =	sdelay $0x1  }
0x3bb: {  	[tilespmem:s12+$0xA720] =	vst v3;
	v3 =	vld [tilespmem:s12+$0xA730]  }
0x3bc: {  	v51 =	vld [tilespmem:s14+$0x10730];
	_ =	sdelay $0x4  }
0x3bd: {  	v3 =	vadd.f32 v51, v3;
	_ =	sdelay $0x1  }
0x3be: {  	[tilespmem:s12+$0xA730] =	vst v3;
	v3 =	vld [tilespmem:s12+$0xA740]  }
0x3bf: {  	v52 =	vld [tilespmem:s14+$0x10740];
	_ =	sdelay $0x4  }
0x3c0: {  	v3 =	vadd.f32 v52, v3;
	_ =	sdelay $0x1  }
0x3c1: {  	[tilespmem:s12+$0xA740] =	vst v3;
	v3 =	vld [tilespmem:s12+$0xA750]  }
0x3c2: {  	v53 =	vld [tilespmem:s14+$0x10750];
	_ =	sdelay $0x4  }
0x3c3: {  	v3 =	vadd.f32 v53, v3;
	_ =	sdelay $0x1  }
0x3c4: {  	[tilespmem:s12+$0xA750] =	vst v3;
	v3 =	vld [tilespmem:s12+$0xA760]  }
0x3c5: {  	v54 =	vld [tilespmem:s14+$0x10760];
	_ =	sdelay $0x4  }
0x3c6: {  	v3 =	vadd.f32 v54, v3;
	_ =	sdelay $0x1  }
0x3c7: {  	[tilespmem:s12+$0xA760] =	vst v3;
	v3 =	vld [tilespmem:s12+$0xA770]  }
0x3c8: {  	v55 =	vld [tilespmem:s14+$0x10770];
	_ =	sdelay $0x4  }
0x3c9: {  	v3 =	vadd.f32 v55, v3;
	_ =	sdelay $0x1  }
0x3ca: {  	[tilespmem:s12+$0xA770] =	vst v3  }
0x3cb: {  	v3 =	vld [tilespmem:s14+$0x12700];
	_ =	sdelay $0x4  }
0x3cc: {  	[tilespmem:s12+$0xAB40] =	vst v3  }
0x3cd: {  	v3 =	vld [tilespmem:s14+$0x12710];
	_ =	sdelay $0x4  }
0x3ce: {  	[tilespmem:s12+$0xAB50] =	vst v3  }
0x3cf: {  	v3 =	vld [tilespmem:s14+$0x12720];
	_ =	sdelay $0x4  }
0x3d0: {  	[tilespmem:s12+$0xAB60] =	vst v3  }
0x3d1: {  	v3 =	vld [tilespmem:s14+$0x12730];
	_ =	sdelay $0x4  }
0x3d2: {  	[tilespmem:s12+$0xAB70] =	vst v3  }
0x3d3: {  	v3 =	vld [tilespmem:s14+$0x12740];
	_ =	sdelay $0x4  }
0x3d4: {  	[tilespmem:s12+$0xAF00] =	vst v3  }
0x3d5: {  	v3 =	vld [tilespmem:s14+$0x12750];
	_ =	sdelay $0x4  }
0x3d6: {  	[tilespmem:s12+$0xAF10] =	vst v3  }
0x3d7: {  	v3 =	vld [tilespmem:s14+$0x12760];
	_ =	sdelay $0x4  }
0x3d8: {  	[tilespmem:s12+$0xAF20] =	vst v3  }
0x3d9: {  	v3 =	vld [tilespmem:s14+$0x12770];
	_ =	sdelay $0x4  }
0x3da: {  	[tilespmem:s12+$0xAF30] =	vst v3;
	v3 =	vld [tilespmem:s12+$0xA780]  }
0x3db: {  	v56 =	vld [tilespmem:s14+$0x10780];
	_ =	sdelay $0x4  }
0x3dc: {  	v3 =	vadd.f32 v56, v3;
	_ =	sdelay $0x1  }
0x3dd: {  	[tilespmem:s12+$0xA780] =	vst v3;
	v3 =	vld [tilespmem:s12+$0xA790]  }
0x3de: {  	v57 =	vld [tilespmem:s14+$0x10790];
	_ =	sdelay $0x4  }
0x3df: {  	v3 =	vadd.f32 v57, v3;
	_ =	sdelay $0x1  }
0x3e0: {  	[tilespmem:s12+$0xA790] =	vst v3;
	v3 =	vld [tilespmem:s12+$0xA7A0]  }
0x3e1: {  	v58 =	vld [tilespmem:s14+$0x107A0];
	_ =	sdelay $0x4  }
0x3e2: {  	v3 =	vadd.f32 v58, v3;
	_ =	sdelay $0x1  }
0x3e3: {  	[tilespmem:s12+$0xA7A0] =	vst v3;
	v3 =	vld [tilespmem:s12+$0xA7B0]  }
0x3e4: {  	v59 =	vld [tilespmem:s14+$0x107B0];
	_ =	sdelay $0x4  }
0x3e5: {  	v3 =	vadd.f32 v59, v3;
	_ =	sdelay $0x1  }
0x3e6: {  	[tilespmem:s12+$0xA7B0] =	vst v3;
	v3 =	vld [tilespmem:s12+$0xA7C0]  }
0x3e7: {  	v60 =	vld [tilespmem:s14+$0x107C0];
	_ =	sdelay $0x4  }
0x3e8: {  	v3 =	vadd.f32 v60, v3;
	_ =	sdelay $0x1  }
0x3e9: {  	[tilespmem:s12+$0xA7C0] =	vst v3;
	v3 =	vld [tilespmem:s12+$0xA7D0]  }
0x3ea: {  	v61 =	vld [tilespmem:s14+$0x107D0];
	_ =	sdelay $0x4  }
0x3eb: {  	v3 =	vadd.f32 v61, v3;
	_ =	sdelay $0x1  }
0x3ec: {  	[tilespmem:s12+$0xA7D0] =	vst v3;
	v3 =	vld [tilespmem:s12+$0xA7E0]  }
0x3ed: {  	v62 =	vld [tilespmem:s14+$0x107E0];
	_ =	sdelay $0x4  }
0x3ee: {  	v3 =	vadd.f32 v62, v3;
	_ =	sdelay $0x1  }
0x3ef: {  	[tilespmem:s12+$0xA7E0] =	vst v3;
	v3 =	vld [tilespmem:s12+$0xA7F0]  }
0x3f0: {  	v63 =	vld [tilespmem:s14+$0x107F0];
	_ =	sdelay $0x4  }
0x3f1: {  	v3 =	vadd.f32 v63, v3;
	_ =	sdelay $0x1  }
0x3f2: {  	[tilespmem:s12+$0xA7F0] =	vst v3  }
0x3f3: {  	v3 =	vld [tilespmem:s14+$0x12780];
	_ =	sdelay $0x4  }
0x3f4: {  	[tilespmem:s12+$0xABC0] =	vst v3  }
0x3f5: {  	v3 =	vld [tilespmem:s14+$0x12790];
	_ =	sdelay $0x4  }
0x3f6: {  	[tilespmem:s12+$0xABD0] =	vst v3  }
0x3f7: {  	v3 =	vld [tilespmem:s14+$0x127A0];
	_ =	sdelay $0x4  }
0x3f8: {  	[tilespmem:s12+$0xABE0] =	vst v3  }
0x3f9: {  	v3 =	vld [tilespmem:s14+$0x127B0];
	_ =	sdelay $0x4  }
0x3fa: {  	[tilespmem:s12+$0xABF0] =	vst v3  }
0x3fb: {  	v3 =	vld [tilespmem:s14+$0x127C0];
	_ =	sdelay $0x4  }
0x3fc: {  	[tilespmem:s12+$0xAF80] =	vst v3  }
0x3fd: {  	v3 =	vld [tilespmem:s14+$0x127D0];
	_ =	sdelay $0x4  }
0x3fe: {  	[tilespmem:s12+$0xAF90] =	vst v3  }
0x3ff: {  	v3 =	vld [tilespmem:s14+$0x127E0];
	_ =	sdelay $0x4  }
0x400: {  	[tilespmem:s12+$0xAFA0] =	vst v3  }
0x401: {  	p0 =	sne.s32 s8, $0x7;
	v3 =	vld [tilespmem:s14+$0x127F0]  }
.Ltmp4:
0x402: {  	_ = 	snop;
	(pc) =	sbr.rel @p0 .LBB2_11-.Ltmp4, $2  }
0x403: {  	_ =	sdelay $0x2  }
0x404: {  	s8 =	sadd.s32 $0x1, s8;
	[tilespmem:s12+$0xAFB0] =	vst v3  }
0x405: {  	s13 =	sadd.s32 $0x1, s13  }
0x406: {  	p0 =	sne.s32 s13, $0x32  }
.Ltmp5:
0x407: {  	_ = 	snop;
	(pc) =	sbr.rel @p0 .LBB2_6-.Ltmp5, $3  }
0x408: {  	s8 =	smul.u32 $0xC00, s18;
	_ =	sdelay $0x1  }
0x409: {  	s8 =	sadd.s32 s7, s8  }
0x40a: {  	[hbm4b:s8+s6] =	stream.linear.scatter [tilespmem:s30], [sflag:$0x6], $0x6000, $0x38;
	[tilespmem:$0x15400] =	vst v63  }
0x40b: {  	s12 =	simm.s32 $0x6  }
0x40c: {  	_ =	swait.ge [sflag:s12], $0x6000  }
0x40d: {  	s13 =	rddreg [dreg:$0xd]  }
0x40e: {  	s8 =	rddreg [dreg:$0xc];
	s13 =	sadd.s32 $0x1, s13  }
0x40f: {  	p0 =	sne.s32 s13, s8  }
.Ltmp6:
0x410: {  	_ = 	snop;
	(pc) =	sbr.rel @p0 .LBB2_1-.Ltmp6, $3  }
0x411: {  	_ =	sdelay $0x1  }
0x412: {  	[sflag:s12] =	ssyncset.done $0x0  }
0x413: {  	[sflag:s12] =	ssyncadd.s32 $0xFFFFA000  }
0x414: {  	_ =	sfence.sel $0x180000  }
0x415: {  	[bflag:$0x0] =	sbarrier.arrive $0xFFFF  }
0x416: {  	_ =	strace $0x90000047  }
0x417: {  	s0 =	stileid.u32;
	[bflag:$0x2] =	sbarrier.arrive $0xFFFF  }
0x418: {  	p0 =	sne.s32 s0, $0x0;
	s0 =	rddreg [dreg:$0x5]  }
0x419: {  	s0 =	sadd.s32 @!p0 $0x100000, s0  }
0x41a: {  	[sflag:s0] =	ssyncadd.tile.s32 @!p0 $0x1;
	_ =	shalt  }
.Lfunc_end2:
_tile_overlayer_lowered:
.L_overlay_start_2:
0x41b: {  	(tag) =	ssettag $0x2  }
0x41c: {  	s0 =	rddreg [dreg:$0x0];
	s2 =	stileid.u32  }
0x41d: {  	s1 =	rddreg [dreg:$0x1];
	p0 =	sne.s32 s2, $0x0  }
0x41e: {  	s3 =	rddreg [dreg:$0x2];
	[bflag:$0x3] =	sbarrier.arrive $0xFFFF;
	s2 =	simm.s32 @!p0 $0x1C08  }
0x41f: {  	[timem:s3], [sflag:s2] =	dma.local @!p0 [hbm:s0], s1  }
0x420: {  	s0 =	simm.s32 @!p0 $0x8  }
0x421: {  	_ =	swait.ge @!p0 [sflag:s0], s1  }
0x422: {  	s1 =	ssub.s32 @!p0 $0x0, s1;
	[sflag:s0] =	ssyncset.done @!p0 $0x0  }
0x423: {  	[sflag:s0] =	ssyncadd.s32 @!p0 s1  }
0x424: {  	[bflag:$0x3] =	sbarrier.arrive $0xFFFF  }
0x425: {  	_ =	shalt  }

// kernel: sparse-core-data-format-call.cloned.1.call-start
scs
called_computation_lowered:
.L_overlay_start_0:
0x0: {  	s2 =	sld [smem:$0x3FD9]  }
0x1: {  	s3 =	sld [smem:$0x3FFE];
	_ =	sdelay $0x1  }
0x2: {  	s1 =	srdreg.scid  }
0x3: {  	s0 =	sand.u32 $0x1, s1  }
0x4: {  	s15 =	sshll.u32 s0, $0xA;
	s2 =	sadd.s32 s3, s2  }
0x5: {  	s2 =	sadd.s32 s2, s15  }
0x6: {  	[smem:$0x3FC3] =	sst s2  }
0x7: {  	_ = 	snop  }
0x8: {  	s2 =	sld [smem:$0x3FD0];
	_ =	sdelay $0x2  }
0x9: {  	s16 =	simm.s32 $0xA;
	s4 =	simm.s32 $0x10  }
0xa: {  	[smem:s4], [sflag:s16] =	dma.local [hbm:s2], $0x1  }
0xb: {  	_ =	swait.eq [sflag:s16], $0x1  }
0xc: {  	[sflag:s16] =	ssyncset.done $0x0  }
0xd: {  	[sflag:s16] =	ssyncadd.s32 $0xFFFFFFFF  }
0xe: {  	s17 =	sld [smem:$0x10];
	(tm) =	ssettm $0x1  }
0xf: {  	s18 =	sld [smem:$0x3FFB];
	_ =	sdelay $0x3  }
0x10: {  	_ =	strace s18  }
0x11: {  	s3 =	sld [smem:$0x3FFC];
	_ =	sdelay $0x3  }
0x12: {  	_ =	strace s3  }
0x13: {  	s3 =	sld [smem:$0x3FFD];
	_ =	sdelay $0x3  }
0x14: {  	_ =	strace s3  }
0x15: {  	_ =	strace $0x8FFFFFFF  }
0x16: {  	s19 =	sld [smem:$0x3FDB];
	_ =	sdelay $0x1  }
0x17: {  	s20 =	simm.s32 $_scs_section_size  }
0x18: {  	s5 =	simm.s32 $_size__tile_overlayer_lowered;
	s6 =	simm.s32 $_tile_overlayer_lowered  }
0x19: {  	s23 =	simm.s32 $0x1BFF;
	s22 =	sshll.u32 s6, $0x1;
	s3 =	sadd.s32 s20, s19  }
0x1a: {  	s7 =	simm.s32 $0x0;
	s21 =	sshll.u32 s5, $0x1;
	s5 =	sadd.s32 s22, s3  }
0x1b: {  	[timem:s7], [sflag:s23] =	dma.local [hbm:s5], s21  }
0x1c: {  	_ =	swait.ge [sflag:s23], s21  }
0x1d: {  	s4 =	ssub.s32 $0x0, s21;
	[sflag:s23] =	ssyncset.done $0x0  }
0x1e: {  	[sflag:s23] =	ssyncadd.s32 s4;
	_ =	sdelay $0x1  }
0x1f: {  	s24 =	simm.s32 $0x1B8B  }
0x20: {  	_ =	swait.ge [sflag:s24], $0x1  }
0x21: {  	[sflag:s24] =	ssyncset.done $0x0  }
0x22: {  	s26 =	simm.s32 $0x1B8E;
	s25 =	sld [smem:$0x3FFE];
	[sflag:s24] =	ssyncadd.s32 $0xFFFFFFFF  }
0x23: {  	s27 =	simm.s32 $execute0_lowered;
	[smem:$0x3FD2] =	sst s26  }
0x24: {  	s5 =	sshll.u32 s27, $0x1;
	_ =	strace $0x80000049;
	[dreg:$0x1] =	wrdreg $0xFFFFFFFF  }
0x25: {  	s28 =	simm.s32 $_size_execute0_lowered;
	s3 =	sadd.s32 s3, s5;
	[dreg:$0x0] =	wrdreg $0x0  }
0x26: {  	s5 =	sshll.u32 s28, $0x1;
	[dreg:$0x2] =	wrdreg s3  }
0x27: {  	[dreg:$0x3] =	wrdreg s5  }
0x28: {  	[dreg:$0x4] =	wrdreg $0xC0  }
0x29: {  	_ =	task [dreg:s7], $0x5FFFF  }
0x2a: {  	[dreg:$0x1] =	wrdreg $0xFFFFFFFF  }
0x2b: {  	[dreg:$0x0] =	wrdreg $0x60  }
0x2c: {  	[dreg:$0x2] =	wrdreg s25  }
0x2d: {  	[dreg:$0x3] =	wrdreg s17  }
0x2e: {  	[dreg:$0x4] =	wrdreg $0x9  }
0x2f: {  	_ =	task.clear_ibuf [dreg:s7], $0x5FFFF;
	_ =	strace $0x90000049  }
0x30: {  	s29 =	simm.s32 $0x9;
	_ =	strace $0x8000004B  }
0x31: {  	_ =	swait.ge [sflag:s29], $0x1  }
0x32: {  	[sflag:s29] =	ssyncadd.s32 $0xFFFFFFFF  }
0x33: {  	_ =	strace $0x9000004B  }
0x34: {  	_ =	sfence  }
0x35: {  	s30 =	sld [smem:$0x0];
	_ =	sdelay $0x2  }
0x36: {  	s31 =	sshll.u32 s1, $0xD;
	s1 =	sshrl.u32 s1, $0x2  }
0x37: {  	s3 =	sand.u32 $0x4000, s31;
	s1 =	sadd.s32 s1, s30  }
0x38: {  	s0 =	sor.u32 s3, s0;
	s1 =	sshll.u32 s1, $0x11  }
0x39: {  	s0 =	sor.u32 s1, s0  }
0x3a: {  	s0 =	sadd.s32 $0x8F2B, s0  }
0x3b: {  	[sflag:s0] =	ssyncadd.remote.s32 $0x1  }
0x3c: {  	_ =	sfence.sel $0xFFFF  }
0x3d: {  	[dreg:$0x0] =	wrdreg $0xFFFFFFFF;
	(pc) =	sbr.abs _section_cstart, $3  }
0x3e: {  	[dreg:$0x1] =	wrdreg $0xFFFFFFFF  }
0x3f: {  	_ =	task.clear_ibuf [dreg:s7], $0x2FFFF;
	_ =	strace $0x9FFFFFFF  }
0x40: {  	(tm) =	ssettm $0x7FFFFFFF  }
0x41: {  	_ =	shalt  }
tec
execute0_lowered:
.L_overlay_start_1:
0x0: {  	(tag) =	ssettag $0x1  }
0x1: {  	s0 =	stileid.u32;
	s5 =	rddreg [dreg:$0x0]  }
0x2: {  	s1 =	srdreg.scid;
	s3 =	rddreg [dreg:$0x1];
	s6 =	simm.s32 $0x1  }
0x3: {  	s8 =	simm.s32 $0x2;
	s2 =	sshll.u32 s0, $0x5;
	s1 =	sshll.u32 s1, $0x9  }
0x4: {  	s17 =	simm.s32 $0x0;
	s9 =	simm.s32 $0x2000;
	s1 =	sor.u32 s2, s1  }
0x5: {  	s18 =	simm.s32 $0x0;
	s19 =	simm.s32 $0x0;
	s2 =	sand.u32 $0x380, s1  }
0x6: {  	s10 =	simm.s32 $0x0;
	s11 =	simm.s32 $0x0;
	s4 =	ssub.s32 $0x400, s2  }
0x7: {  	s12 =	simm.s32 $0x0;
	s13 =	simm.s32 $0x0;
	s31 =	sand.u32 $0x380, s4  }
0x8: {  	s16 =	simm.s32 $0x0;
	s7 =	sand.u32 $0x3, s0;
	p0 =	sne.s32 s31, $0x0  }
.Ltmp0:
0x9: {  	s4 =	sshrl.u32 s4, $0xA;
	s6 =	simm.s32 @!p0 $0x0;
	(pc) =	sbr.rel .LBB1_1-.Ltmp0, $4  }
0xa: {  	s1 =	rddreg [dreg:$0x2];
	_ =	strace $0x8000004A;
	s6 =	sadd.s32 s6, s4  }
0xb: {  	s4 =	sadd.s32 $0x4000, s5;
	s5 =	simm.s32 $0x1;
	s6 =	smul.u32 $0x96, s6  }
0xc: {  	s15 =	smov.u32 s7;
	s14 =	smov.u32 s2;
	[sflag:s5] =	ssyncpa.u1 $0x0  }
0xd: {  	p0 =	por $0x0, $0x0;
	[sflag:s8] =	ssyncpa.u1 $0x0;
	s8 =	sor.u32 $0x1, s6  }
.LBB1_4:
0xe: {  	s25 =	sshll.u32 s10, $0xA;
	s24 =	sshra.s32 s24, $0x2;
	s26 =	sshll.u32 s11, $0x3  }
0xf: {  	p1 =	sgt.s32 s12, $0xC7;
	s27 =	smov.u32 s12;
	s28 =	sshra.s32 s12, $0x1F  }
0x10: {  	p2 =	sgt.s32 s11, $0x380;
	s31 =	sshra.s32 s11, $0x1F;
	s25 =	sand.u32 $0xFFFFE000, s25  }
0x11: {  	s26 =	sand.u32 $0xFFFFFC00, s26;
	s27 =	simm.s32 @!p1 $0xC7;
	s28 =	sand.u32 s28, s12  }
0x12: {  	[tilespmem:s22+$0x2040 ss:$0x81] =	vst.msk $0xffff, v4;
	s23 =	sadd.s32 s24, s23;
	s29 =	sadd.s32 s26, s25;
	s25 =	ssub.s32 s27, s28  }
0x13: {  	[tilespmem:s22+$0x2850 ss:$0x81] =	vst.msk $0xffff, v3;
	s27 =	smov.u32 s11;
	s28 =	smov.u32 s10;
	s26 =	sand.u32 s31, s11  }
0x14: {  	[tilespmem:s22+$0x3060 ss:$0x81] =	vst.msk $0xffff, v2;
	s24 =	sshrl.u32 s29, $0xA;
	s30 =	sadd.s32 $0xFFFFFF39, s25;
	s27 =	simm.s32 @!p2 $0x380  }
0x15: {  	v5 =	vld [tilespmem:s21+$0xFFFFFFD0];
	[tilespmem:s22+$0x0 ss:$0x81] =	vst.msk $0xffff, v1;
	p2 =	sgt.s32 s10, $0xC0;
	s29 =	sshra.s32 s10, $0x1F;
	s22 =	ssub.s32 $0xC8, s25  }
0x16: {  	v58 =	vld [tilespmem:s21+$0xFFFFFFE0];
	p1 =	sgt.s32 s30, $0x0;
	s28 =	simm.s32 @!p2 $0xC0;
	s29 =	sand.u32 s29, s10  }
0x17: {  	v59 =	vld [tilespmem:s21+$0xFFFFFFF0];
	s26 =	ssub.s32 s27, s26;
	s27 =	smulhi.u32 $0xCCCCCD, s24;
	s28 =	ssub.s32 s28, s29  }
0x18: {  	v60 =	vld [tilespmem:s21+$0x0];
	s30 =	sadd.s32 $0xFFFFFC80, s26;
	s25 =	ssub.s32 $0x400, s26;
	s22 =	simm.s32 @p1 $0x0  }
0x19: {  	v61 =	vld [tilespmem:s21+$0x10];
	[tilespmem:s23+$0x3870 ss:$0x81] =	vst.msk $0xffff, v0;
	s29 =	sand.u32 $0x78, s11;
	p2 =	sgt.s32 s30, $0x7F;
	s31 =	sadd.s32 $0xFFFFFF40, s28  }
0x1a: {  	v62 =	vld [tilespmem:s21+$0x20];
	[tilespmem:s23+$0x810 ss:$0x81] =	vst.msk $0xffff, v5;
	s27 =	smul.u32 $0x140, s27;
	s30 =	sshll.u32 s10, $0x7;
	s28 =	ssub.s32 $0x140, s28  }
0x1b: {  	v63 =	vld [tilespmem:s21+$0xFFFFFFC0];
	[tilespmem:s23+$0x1020 ss:$0x81] =	vst.msk $0xffff, v58;
	s25 =	simm.s32 @p2 $0x0;
	p1 =	sgt.s32 s31, $0x7F;
	s31 =	smul.u32 $0xA000, s12  }
0x1c: {  	[tilespmem:s23+$0x1830 ss:$0x81] =	vst.msk $0xffff, v59;
	s21 =	sand.u32 $0x380, s30;
	s22 =	smul.u32 s22, s25;
	s28 =	simm.s32 @p1 $0x0  }
0x1d: {  	[tilespmem:s23+$0x2040 ss:$0x81] =	vst.msk $0xffff, v60;
	s21 =	sor.u32 s29, s21;
	s24 =	ssub.s32 s24, s27;
	s29 =	sand.u32 $0x7, s11  }
0x1e: {  	[tilespmem:s23+$0x2850 ss:$0x81] =	vst.msk $0xffff, v61;
	s21 =	sshrl.u32 s21, $0x3;
	s25 =	sadd.s32 s3, s31;
	s22 =	smul.u32 s28, s22  }
0x1f: {  	[tilespmem:s23+$0x3060 ss:$0x81] =	vst.msk $0xffff, v62;
	s24 =	sshll.u32 s24, $0x7;
	s30 =	sshll.u32 s29, $0x12;
	s21 =	sadd.s32 s21, s25  }
0x20: {  	[tilespmem:s23+$0x0 ss:$0x81] =	vst.msk $0xffff, v63;
	s31 =	sor.u32 $0x400, s30;
	s21 =	sadd.s32 s24, s21;
	s22 =	sand.u32 $0x3FFFFFFF, s22  }
0x21: {  	[hbm4b:s21+s31] =	stream.strided.scatter [tilespmem:s20], [sflag:$0x2], s22, s9, s31, $0x20;
	[tilespmem:$0x10100] =	vst v63  }
.LBB1_5:
0x22: {  	p1 =	slt.u32 s16, $0x2  }
0x23: {  	p2 =	sgt.s32 @!p1 s19, $0xC7  }
0x24: {  	s20 =	smov.u32 s19;
	s21 =	sshra.s32 @!p1 s19, $0x1F;
	p2 =	por !p2, p1  }
0x25: {  	s19 =	sand.u32 @!p1 s21, s19;
	s20 =	simm.s32 @p2 $0xC7  }
0x26: {  	p3 =	sgt.s32 @!p1 s18, $0x380;
	s19 =	ssub.s32 @!p1 s20, s19  }
0x27: {  	p3 =	por !p3, p1;
	s21 =	sshra.s32 @!p1 s18, $0x1F;
	s20 =	sadd.s32 @!p1 $0xFFFFFF39, s19  }
0x28: {  	s19 =	ssub.s32 @!p1 $0xC8, s19;
	p2 =	sgt.s32 @!p1 s20, $0x0;
	s20 =	smov.u32 s18  }
0x29: {  	s18 =	sand.u32 @!p1 s21, s18;
	s20 =	simm.s32 @p3 $0x380;
	p3 =	sgt.s32 @!p1 s17, $0xC0  }
0x2a: {  	s21 =	smov.u32 s17;
	p2 =	por !p2, p1;
	p3 =	por !p3, p1  }
0x2b: {  	s18 =	ssub.s32 @!p1 s20, s18;
	s20 =	sshra.s32 @!p1 s17, $0x1F;
	s19 =	simm.s32 @!p2 $0x0  }
0x2c: {  	s21 =	simm.s32 @p3 $0xC0;
	s17 =	sand.u32 @!p1 s20, s17;
	s20 =	sadd.s32 @!p1 $0xFFFFFC80, s18  }
0x2d: {  	s18 =	ssub.s32 @!p1 $0x400, s18;
	s17 =	ssub.s32 @!p1 s21, s17;
	p2 =	sgt.s32 @!p1 s20, $0x7F  }
0x2e: {  	s21 =	smov.u32 s14;
	s20 =	sadd.s32 @!p1 $0xFFFFFF40, s17;
	p2 =	por !p2, p1  }
0x2f: {  	s17 =	ssub.s32 @!p1 $0x140, s17;
	p3 =	sgt.s32 @!p1 s20, $0x7F;
	s18 =	simm.s32 @!p2 $0x0  }
0x30: {  	s20 =	sadd.s32 $0x80, s13;
	p2 =	por !p3, p1;
	s18 =	smul.u32 @!p1 s19, s18  }
0x31: {  	s19 =	sadd.s32 $0x400, s14;
	s17 =	simm.s32 @!p2 $0x0;
	p2 =	sgt.s32 s20, $0x13F  }
0x32: {  	s22 =	smov.u32 s15;
	s21 =	smov.u32 @p2 s19  }
0x33: {  	s17 =	smul.u32 @!p1 s17, s18;
	s18 =	sadd.s32 $0x4, s15;
	p3 =	sgt.s32 s21, $0x3FF  }
0x34: {  	p0 =	por !p0, !p0;
	s23 =	simm.s32 @!p1 $0x2;
	s22 =	smov.u32 @p3 s18  }
0x35: {  	s20 =	simm.s32 @p2 $0x0;
	s19 =	smov.u32 s12;
	p2 =	sgt.s32 s22, $0xC7  }
0x36: {  	s12 =	smov.u32 s15;
	s22 =	smov.u32 @p2 s7;
	p2 =	sne.s32 s16, s8  }
.Ltmp1:
0x37: {  	s17 =	sand.u32 @!p1 $0x3FFFFFFF, s17;
	s21 =	smov.u32 @p3 s2;
	(pc) =	sbr.rel @!p2 .LBB1_6-.Ltmp1, $4  }
0x38: {  	s18 =	smov.u32 s11;
	s11 =	smov.u32 s14;
	_ =	swait.ge @!p1 [sflag:s23], s17  }
0x39: {  	s24 =	ssub.s32 @!p1 $0x0, s17;
	s17 =	smov.u32 s10;
	s10 =	smov.u32 s13  }
0x3a: {  	s13 =	smov.u32 s20;
	s14 =	smov.u32 s21;
	[sflag:s23] =	ssyncset.done @!p1 $0x0  }
0x3b: {  	s16 =	sadd.s32 $0x1, s16;
	[sflag:s23] =	ssyncadd.s32 @!p1 s24;
	s15 =	smov.u32 s22  }
.LBB1_1:
0x3c: {  	p1 =	sge.u32 s16, s6  }
0x3d: {  	s20 =	sshrl.u32 @!p1 s14, $0x3  }
0x3e: {  	s21 =	sshll.u32 @!p1 s13, $0x3;
	s20 =	smul.u32 @!p1 $0xC00, s20  }
0x3f: {  	s22 =	sshll.u32 @!p1 s14, $0x7;
	s21 =	sand.u32 @!p1 $0xFFFFFC00, s21  }
0x40: {  	s20 =	sadd.s32 @!p1 s20, s21;
	s21 =	sand.u32 @!p1 $0x380, s22  }
0x41: {  	s22 =	sand.u32 @!p1 $0x7F, s13;
	s20 =	sor.u32 @!p1 s21, s20  }
0x42: {  	s21 =	sor.u32 @!p1 s22, s20  }
0x43: {  	s22 =	smulhi.u32 @!p1 $0xAAAAAAAB, s21  }
0x44: {  	s20 =	smulhi.u32 @!p1 $0xAAAAAAAB, s20  }
0x45: {  	s22 =	sshrl.u32 @!p1 s22, $0x8  }
0x46: {  	s31 =	sadd.s32 $0xFFFFFFFF, s16;
	s20 =	sshrl.u32 @!p1 s20, $0x8;
	s22 =	smul.u32 @!p1 $0x180, s22  }
0x47: {  	s23 =	sxor.u32 @!p1 $0xFFFFFFFF, s16;
	s24 =	smul.u32 @!p1 $0xC000, s15;
	s20 =	sand.u32 @!p1 $0x3FF, s20  }
0x48: {  	s23 =	sshll.u32 @!p1 s23, $0xE;
	s20 =	smul.u32 @!p1 $0x30, s20;
	s21 =	ssub.s32 @!p1 s21, s22  }
0x49: {  	s22 =	sand.u32 @!p1 $0x4000, s23;
	s23 =	sadd.s32 @!p1 s4, s24;
	s24 =	sand.u32 @!p1 $0x7, s21  }
0x4a: {  	s21 =	sshrl.u32 @!p1 s21, $0x3;
	s20 =	sadd.s32 @!p1 s20, s23;
	s23 =	sshll.u32 @!p1 s24, $0x12  }
0x4b: {  	s20 =	sadd.s32 @!p1 s21, s20;
	s21 =	sor.u32 @!p1 $0x400, s23;
	s23 =	simm.s32 @!p1 $0xC00  }
0x4c: {  	[tilespmem:s22], [sflag:$0x1] =	stream.strided.gather @!p1 [hbm4b:s20+s21], $0x4000, s23, s21, $0x38;
	[tilespmem:$0x10100] =	vst v63  }
0x4d: {  	p1 =	sge.u32 s31, s6  }
.Ltmp2:
0x4e: {  	_ = 	snop;
	(pc) =	sbr.rel @p1 .LBB1_5-.Ltmp2, $1  }
0x4f: {  	_ =	sdelay $0x3  }
0x50: {  	s20 =	simm.s32 $0x1  }
0x51: {  	_ =	swait.ge [sflag:s5], $0x4000;
	s20 =	simm.s32 @!p0 $0x0  }
0x52: {  	[sflag:s5] =	ssyncset.done $0x0;
	s21 =	sshll.u32 s20, $0xE  }
0x53: {  	[sflag:s5] =	ssyncadd.s32 $0xFFFFC000;
	s21 =	sor.u32 $0x40, s21  }
0x54: {  	s20 =	smul.u32 $0x10200, s20;
	v0 =	vld [tilespmem:s21+$0x30]  }
0x55: {  	v1 =	vld [tilespmem:s21+$0xFFFFFFD0]  }
0x56: {  	s20 =	sshrl.u32 s20, $0x2;
	v5 =	vld [tilespmem:s21+$0xFFFFFFE0]  }
0x57: {  	v6 =	vld [tilespmem:s21+$0xFFFFFFF0];
	s23 =	sor.u32 $0x8000, s20  }
0x58: {  	s31 =	sand.u32 $0x1, s16;
	v4 =	vld [tilespmem:s21+$0x0];
	s22 =	sadd.s32 $0x0, s23  }
0x59: {  	v3 =	vld [tilespmem:s21+$0x10];
	s20 =	smul.u32 $0x10200, s31;
	[tilespmem:s22+$0x3870 ss:$0x81] =	vst.msk $0xffff, v0  }
0x5a: {  	v2 =	vld [tilespmem:s21+$0x20];
	[tilespmem:s22+$0x810 ss:$0x81] =	vst.msk $0xffff, v1  }
0x5b: {  	s20 =	sshrl.u32 s20, $0x2;
	v1 =	vld [tilespmem:s21+$0xFFFFFFC0];
	[tilespmem:s22+$0x1020 ss:$0x81] =	vst.msk $0xffff, v5;
	s21 =	sadd.s32 $0x80, s21  }
0x5c: {  	s24 =	simm.s32 $0x4;
	s25 =	simm.s32 $0x8;
	s20 =	sor.u32 $0x8000, s20;
	[tilespmem:s22+$0x1830 ss:$0x81] =	vst.msk $0xffff, v6;
	v0 =	vld [tilespmem:s21+$0x30]  }
.LBB1_3:
0x5d: {  	p1 =	sne.s32 s25, $0x1FC;
	v5 =	vld [tilespmem:s21+$0xFFFFFFD0];
	[tilespmem:s22+$0x2040 ss:$0x81] =	vst.msk $0xffff, v4  }
0x5e: {  	v6 =	vld [tilespmem:s21+$0xFFFFFFE0];
	[tilespmem:s22+$0x2850 ss:$0x81] =	vst.msk $0xffff, v3  }
0x5f: {  	s26 =	sshra.s32 s24, $0x2;
	s24 =	smov.u32 s25;
	v7 =	vld [tilespmem:s21+$0xFFFFFFF0];
	[tilespmem:s22+$0x3060 ss:$0x81] =	vst.msk $0xffff, v2  }
.Ltmp3:
0x60: {  	v4 =	vld [tilespmem:s21+$0x0];
	[tilespmem:s22+$0x0 ss:$0x81] =	vst.msk $0xffff, v1;
	s22 =	sadd.s32 s26, s23;
	(pc) =	sbr.rel @p1 .LBB1_3-.Ltmp3, $4  }
0x61: {  	v3 =	vld [tilespmem:s21+$0x10];
	[tilespmem:s22+$0x3870 ss:$0x81] =	vst.msk $0xffff, v0  }
0x62: {  	[tilespmem:s22+$0x810 ss:$0x81] =	vst.msk $0xffff, v5;
	v2 =	vld [tilespmem:s21+$0x20]  }
0x63: {  	v1 =	vld [tilespmem:s21+$0xFFFFFFC0];
	[tilespmem:s22+$0x1020 ss:$0x81] =	vst.msk $0xffff, v6;
	s21 =	sadd.s32 $0x80, s21  }
0x64: {  	s25 =	sadd.s32 $0x4, s25;
	v0 =	vld [tilespmem:s21+$0x30];
	[tilespmem:s22+$0x1830 ss:$0x81] =	vst.msk $0xffff, v7  }
.Ltmp4:
0x65: {  	_ = 	snop;
	(pc) =	sbr.rel .LBB1_4-.Ltmp4, $1  }
0x66: {  	_ =	sdelay $0x3  }
.LBB1_6:
0x67: {  	_ =	sfence.sel $0x180000  }
0x68: {  	s2 =	simm.s32 $0x1;
	[bflag:$0x0] =	sbarrier.arrive $0xFFFF  }
0x69: {  	s31 =	simm.s32 $0x2;
	[sflag:s2] =	ssyncpa.u1 $0x1  }
0x6a: {  	[sflag:s31] =	ssyncpa.u1 $0x1  }
0x6b: {  	p0 =	sne.s32 s0, $0x0;
	_ =	strace $0x9000004A  }
0x6c: {  	s0 =	sadd.s32 @!p0 $0x100000, s1;
	[bflag:$0x2] =	sbarrier.arrive $0xFFFF  }
0x6d: {  	[sflag:s0] =	ssyncadd.tile.s32 @!p0 $0x1;
	_ =	shalt  }
.Lfunc_end1:
_tile_overlayer_lowered:
.L_overlay_start_2:
0x6e: {  	(tag) =	ssettag $0x2  }
0x6f: {  	s0 =	rddreg [dreg:$0x0];
	s2 =	stileid.u32  }
0x70: {  	s1 =	rddreg [dreg:$0x1];
	p0 =	sne.s32 s2, $0x0  }
0x71: {  	s3 =	rddreg [dreg:$0x2];
	[bflag:$0x3] =	sbarrier.arrive $0xFFFF;
	s2 =	simm.s32 @!p0 $0x1C01  }
0x72: {  	[timem:s3], [sflag:s2] =	dma.local @!p0 [hbm:s0], s1  }
0x73: {  	s0 =	simm.s32 @!p0 $0x1  }
0x74: {  	_ =	swait.ge @!p0 [sflag:s0], s1  }
0x75: {  	s1 =	ssub.s32 @!p0 $0x0, s1;
	[sflag:s0] =	ssyncset.done @!p0 $0x0  }
0x76: {  	[sflag:s0] =	ssyncadd.s32 @!p0 s1  }
0x77: {  	[bflag:$0x3] =	sbarrier.arrive $0xFFFF  }
0x78: {  	_ =	shalt  }

</sc_bundles>
